<compile_context>
chip_gen: v7x
topology: tpu7x:2x2x1
jax: 0.10.2.dev20260603
libtpu: 0.0.44.dev20260713+nightly
codegen_flags: <defaults>
</compile_context>

<pallas_src>
import jax
import jax.numpy as jnp
from jax import lax
from jax.experimental import pallas as pl
from jax.experimental.pallas import tpu as pltpu
from jax.experimental.pallas import tpu_sc as plsc

_T = 26
_E = 100000
_D = 32
_B = 4096
_L = 20
_N = _T * _B * _L

_NC = 2
_NS = 16
_NW = _NC * _NS

_BAGS_PER_W = (_T * _B) // _NW
_CHUNK_BAGS = 64
_NCHUNK = _BAGS_PER_W // _CHUNK_BAGS
_IDX_PER_CHUNK = _CHUNK_BAGS * _L
_GSUB = 1280
_NGATHER = _IDX_PER_CHUNK // _GSUB
_POOL_UNROLL = 4


def _body(w_hbm, idx_hbm, out_hbm,
          idx0, idx1, rows0, rows1, g0, g1, o0, o1,
          gsem0, gsem1):
    cid = lax.axis_index("c")
    sid = lax.axis_index("s")
    wid = sid * _NC + cid
    bag0 = wid * _BAGS_PER_W

    def prep(c, idxbuf, rowsbuf, gbuf, gsem):
        g_start = bag0 + c * _CHUNK_BAGS
        tid = g_start >> 12
        row_base = tid * _E
        i0 = g_start * _L
        pltpu.sync_copy(idx_hbm.at[pl.ds(i0, _IDX_PER_CHUNK)], idxbuf)
        for v in range(_IDX_PER_CHUNK // 16):
            sl = pl.ds(v * 16, 16)
            rowsbuf[sl] = idxbuf[sl] + row_base
        for s in range(_NGATHER):
            pltpu.async_copy(
                w_hbm.at[rowsbuf.at[pl.ds(s * _GSUB, _GSUB)]] if _NGATHER > 1
                else w_hbm.at[rowsbuf],
                gbuf.at[pl.ds(s * _GSUB, _GSUB)] if _NGATHER > 1 else gbuf,
                gsem,
            )

    def finish(c, gbuf, obuf, gsem):
        pltpu.make_async_copy(
            w_hbm.at[pl.ds(0, _IDX_PER_CHUNK)], gbuf, gsem).wait()

        def bag_body(i, carry):
            lb = i * _POOL_UNROLL
            accs = []
            for u in range(_POOL_UNROLL):
                r = (lb + u) * _L
                accs.append([gbuf[r, pl.ds(0, 16)], gbuf[r, pl.ds(16, 16)]])
            for k in range(1, _L):
                for u in range(_POOL_UNROLL):
                    r = (lb + u) * _L + k
                    accs[u][0] = accs[u][0] + gbuf[r, pl.ds(0, 16)]
                    accs[u][1] = accs[u][1] + gbuf[r, pl.ds(16, 16)]
            for u in range(_POOL_UNROLL):
                obuf[lb + u, pl.ds(0, 16)] = accs[u][0]
                obuf[lb + u, pl.ds(16, 16)] = accs[u][1]
            return carry

        lax.fori_loop(0, _CHUNK_BAGS // _POOL_UNROLL, bag_body, 0)

        g_start = bag0 + c * _CHUNK_BAGS
        pltpu.sync_copy(obuf, out_hbm.at[pl.ds(g_start, _CHUNK_BAGS)])

    prep(0, idx0, rows0, g0, gsem0)

    def pair_body(j, carry):
        c = j * 2
        prep(c + 1, idx1, rows1, g1, gsem1)
        finish(c, g0, o0, gsem0)

        @pl.when(j < _NCHUNK // 2 - 1)
        def _():
            prep(c + 2, idx0, rows0, g0, gsem0)

        finish(c + 1, g1, o1, gsem1)
        return carry

    lax.fori_loop(0, _NCHUNK // 2, pair_body, 0)


def kernel(weights, table_offsets, sharded_sparse_features, sharded_offsets):
    idx32 = sharded_sparse_features.astype(jnp.int32)
    mesh = plsc.VectorSubcoreMesh(core_axis_name="c", subcore_axis_name="s")
    run = pl.kernel(
        _body,
        out_type=jax.ShapeDtypeStruct((_T * _B, _D), jnp.float32),
        mesh=mesh,
        scratch_types=[
            pltpu.VMEM((_IDX_PER_CHUNK,), jnp.int32),
            pltpu.VMEM((_IDX_PER_CHUNK,), jnp.int32),
            pltpu.VMEM((_IDX_PER_CHUNK,), jnp.int32),
            pltpu.VMEM((_IDX_PER_CHUNK,), jnp.int32),
            pltpu.VMEM((_IDX_PER_CHUNK, _D), jnp.float32),
            pltpu.VMEM((_IDX_PER_CHUNK, _D), jnp.float32),
            pltpu.VMEM((_CHUNK_BAGS, _D), jnp.float32),
            pltpu.VMEM((_CHUNK_BAGS, _D), jnp.float32),
            pltpu.SemaphoreType.DMA,
            pltpu.SemaphoreType.DMA,
        ],
        compiler_params=pltpu.CompilerParams(use_tc_tiling_on_sc=False),
    )
    pooled = run(weights, idx32)
    return pooled.reshape(_T, _B, _D).transpose(1, 0, 2)

# --- scband reference (transcript-rebuilt; emitter-appended) ---
"""Pipeline reference for scband-table-batched-embedding-bags-23751169147036 (READ-ONLY COPY).

The authoritative reference and input builder live on the scoring server;
editing this copy changes nothing except your own understanding.
"""

import jax, jax.numpy as jnp
import numpy as np

T = 26        # num_tables
E = 100000    # num_embeddings per table
D = 32        # embedding_dim
B = 4096      # batch size (bags per table)
L = 20        # indices per bag (hist_len)
N = T * B * L # total indices


def setup_inputs(seed: int = 0) -> dict:
    key = jax.random.key(seed)
    k1, k2 = jax.random.split(key)
    weights = jax.random.normal(k1, (T * E, D), dtype=jnp.float32)
    table_offsets = jnp.asarray(np.concatenate([[0], np.cumsum([E] * (T - 1))]), dtype=jnp.int32)
    sharded_sparse_features = jax.random.randint(k2, (N,), 0, E, dtype=jnp.int64)
    # offsets delimit bags: bag (t, b) spans offsets[t*B + b] : offsets[t*B + b + 1]
    sharded_offsets = jnp.arange(T * B + 1, dtype=jnp.int64) * L
    return {
        "weights": weights,
        "table_offsets": table_offsets,
        "sharded_sparse_features": sharded_sparse_features,
        "sharded_offsets": sharded_offsets,
    }


def reference(weights, table_offsets, sharded_sparse_features, sharded_offsets):
    # Faithful table-batched embedding-bag forward (sum pooling), matching
    # table_batched_embeddings.forward semantics:
    #   output[b, t, :] = sum_{i in bag(t,b)} weights[table_offsets[t] + indices[i], :]
    indices = sharded_sparse_features
    offsets = sharded_offsets
    n = indices.shape[0]
    num_bags = offsets.shape[0] - 1
    bags_per_table = num_bags // T
    # map each index position to its bag id via the CSR-style offsets
    bag_ids = jnp.searchsorted(offsets, jnp.arange(n, dtype=offsets.dtype), side='right') - 1
    table_ids = bag_ids // bags_per_table
    rows = table_offsets[table_ids].astype(indices.dtype) + indices
    gathered = jnp.take(weights, rows, axis=0)              # [N, D] gather
    pooled = jax.ops.segment_sum(gathered, bag_ids, num_segments=num_bags)  # [T*B, D]
    out = pooled.reshape(T, bags_per_table, weights.shape[1]).transpose(1, 0, 2)  # [B, T, D]
    return out

if __name__ == "__main__":
    import jax
    _d = setup_inputs()
    print(jax.jit(kernel)(*tuple(_d.values())))

</pallas_src>

<mosaic_0001>
#map = affine_map<(d0, d1) -> (0, 0)>
#map1 = affine_map<(d0, d1) -> (0)>
module attributes {stable_mosaic.version = 14 : i64} {
  func.func @_body(%arg0: i32, %arg1: i32, %arg2: memref<2600000x32xf32, #tpu.memory_space<hbm>>, %arg3: memref<2129920xi32, #tpu.memory_space<hbm>>, %arg4: memref<106496x32xf32, #tpu.memory_space<hbm>>, %arg5: memref<1280xi32, #tpu.memory_space<vmem>>, %arg6: memref<1280xi32, #tpu.memory_space<vmem>>, %arg7: memref<1280xi32, #tpu.memory_space<vmem>>, %arg8: memref<1280xi32, #tpu.memory_space<vmem>>, %arg9: memref<1280x32xf32, #tpu.memory_space<vmem>>, %arg10: memref<1280x32xf32, #tpu.memory_space<vmem>>, %arg11: memref<64x32xf32, #tpu.memory_space<vmem>>, %arg12: memref<64x32xf32, #tpu.memory_space<vmem>>, %arg13: memref<!tpu.dma_semaphore, #tpu.memory_space<semaphore_mem>>, %arg14: memref<!tpu.dma_semaphore, #tpu.memory_space<semaphore_mem>>) attributes {dimension_semantics = [#tpu.dimension_semantics<core_parallel>, #tpu.dimension_semantics<subcore_parallel>], iteration_bounds = array<i64: 2, 16>, scalar_prefetch = 0 : i64, scratch_operands = 10 : i64, tpu.core_type = #tpu.core_type<sc_vector_subcore>, window_params = [{transform_indices = #map}, {transform_indices = #map1}, {transform_indices = #map}]} {
    %mul3A = arith.constant 2 : i32
    %mul3A_0 = arith.muli %arg1, %mul3A : i32
    %add3A = arith.addi %mul3A_0, %arg0 : i32
    %mul3A_1 = arith.constant 3328 : i32
    %mul3A_2 = arith.muli %add3A, %mul3A_1 : i32
    %add3A_3 = arith.constant 0 : i32
    %add3A_4 = arith.addi %mul3A_2, %add3A_3 : i32
    %shift_right_arithmetic3A = arith.constant 12 : i32
    %shift_right_arithmetic3A_5 = arith.shrsi %add3A_4, %shift_right_arithmetic3A : i32
    %mul3A_6 = arith.constant 100000 : i32
    %mul3A_7 = arith.muli %shift_right_arithmetic3A_5, %mul3A_6 : i32
    %mul3A_8 = arith.constant 20 : i32
    %mul3A_9 = arith.muli %add3A_4, %mul3A_8 : i32
    "tpu.region"() ({
      %run_scoped3A = tpu.sem_alloc : memref<!tpu.dma_semaphore, #tpu.memory_space<semaphore_mem>>
      %dma_start3A_735 = tpu.memref_slice %arg3[%mul3A_9] : memref<2129920xi32, #tpu.memory_space<hbm>> -> memref<1280xi32, #tpu.memory_space<hbm>>
      %dma_start3A_736 = tpu.memref_slice %arg3[%mul3A_9] : memref<2129920xi32, #tpu.memory_space<hbm>> -> memref<1280xi32, #tpu.memory_space<hbm>>
      tpu.enqueue_dma source(%dma_start3A_736 : memref<1280xi32, #tpu.memory_space<hbm>>) target(%arg5 : memref<1280xi32, #tpu.memory_space<vmem>>) target_semaphore(%run_scoped3A : memref<!tpu.dma_semaphore, #tpu.memory_space<semaphore_mem>>)
      %dma_wait3A = tpu.memref_slice %arg3[%mul3A_9] : memref<2129920xi32, #tpu.memory_space<hbm>> -> memref<1280xi32, #tpu.memory_space<hbm>>
      %dma_wait3A_737 = tpu.memref_slice %arg3[%mul3A_9] : memref<2129920xi32, #tpu.memory_space<hbm>> -> memref<1280xi32, #tpu.memory_space<hbm>>
      tpu.wait_dma2 semaphore(%run_scoped3A : memref<!tpu.dma_semaphore, #tpu.memory_space<semaphore_mem>>) src(%dma_wait3A_737 : memref<1280xi32, #tpu.memory_space<hbm>>) dst(%arg5 : memref<1280xi32, #tpu.memory_space<vmem>>)
      tpu.yield
    }) : () -> ()
    %get3A = arith.constant 0 : index
    %get3A_10 = tpu.vector_load %arg5[%get3A] {strides = array<i32>} : memref<1280xi32, #tpu.memory_space<vmem>>, vector<16xi32>,
    %get3A_11 = vector.shape_cast %get3A_10 : vector<16xi32> to vector<16xi32>
    %add3A_12 = vector.broadcast %mul3A_7 : i32 to vector<16xi32>
    %add3A_13 = arith.addi %get3A_11, %add3A_12 : vector<16xi32>
    %swap3A = arith.constant 0 : index
    %swap3A_14 = tpu.vector_load %arg7[%swap3A] {strides = array<i32>} : memref<1280xi32, #tpu.memory_space<vmem>>, vector<16xi32>,
    %swap3A_15 = vector.shape_cast %swap3A_14 : vector<16xi32> to vector<16xi32>
    %swap3A_16 = vector.shape_cast %add3A_13 : vector<16xi32> to vector<16xi32>
    tpu.vector_store %arg7[%swap3A], %swap3A_16 {strides = array<i32>} : memref<1280xi32, #tpu.memory_space<vmem>>, vector<16xi32>,
    %get3A_17 = arith.constant 16 : index
    %get3A_18 = tpu.vector_load %arg5[%get3A_17] {strides = array<i32>} : memref<1280xi32, #tpu.memory_space<vmem>>, vector<16xi32>,
    %get3A_19 = vector.shape_cast %get3A_18 : vector<16xi32> to vector<16xi32>
    %add3A_20 = vector.broadcast %mul3A_7 : i32 to vector<16xi32>
    %add3A_21 = arith.addi %get3A_19, %add3A_20 : vector<16xi32>
    %swap3A_22 = arith.constant 16 : index
    %swap3A_23 = tpu.vector_load %arg7[%swap3A_22] {strides = array<i32>} : memref<1280xi32, #tpu.memory_space<vmem>>, vector<16xi32>,
    %swap3A_24 = vector.shape_cast %swap3A_23 : vector<16xi32> to vector<16xi32>
    %swap3A_25 = vector.shape_cast %add3A_21 : vector<16xi32> to vector<16xi32>
    tpu.vector_store %arg7[%swap3A_22], %swap3A_25 {strides = array<i32>} : memref<1280xi32, #tpu.memory_space<vmem>>, vector<16xi32>,
    %get3A_26 = arith.constant 32 : index
    %get3A_27 = tpu.vector_load %arg5[%get3A_26] {strides = array<i32>} : memref<1280xi32, #tpu.memory_space<vmem>>, vector<16xi32>,
    %get3A_28 = vector.shape_cast %get3A_27 : vector<16xi32> to vector<16xi32>
    %add3A_29 = vector.broadcast %mul3A_7 : i32 to vector<16xi32>
    %add3A_30 = arith.addi %get3A_28, %add3A_29 : vector<16xi32>
    %swap3A_31 = arith.constant 32 : index
    %swap3A_32 = tpu.vector_load %arg7[%swap3A_31] {strides = array<i32>} : memref<1280xi32, #tpu.memory_space<vmem>>, vector<16xi32>,
    %swap3A_33 = vector.shape_cast %swap3A_32 : vector<16xi32> to vector<16xi32>
    %swap3A_34 = vector.shape_cast %add3A_30 : vector<16xi32> to vector<16xi32>
    tpu.vector_store %arg7[%swap3A_31], %swap3A_34 {strides = array<i32>} : memref<1280xi32, #tpu.memory_space<vmem>>, vector<16xi32>,
    %get3A_35 = arith.constant 48 : index
    %get3A_36 = tpu.vector_load %arg5[%get3A_35] {strides = array<i32>} : memref<1280xi32, #tpu.memory_space<vmem>>, vector<16xi32>,
    %get3A_37 = vector.shape_cast %get3A_36 : vector<16xi32> to vector<16xi32>
    %add3A_38 = vector.broadcast %mul3A_7 : i32 to vector<16xi32>
    %add3A_39 = arith.addi %get3A_37, %add3A_38 : vector<16xi32>
    %swap3A_40 = arith.constant 48 : index
    %swap3A_41 = tpu.vector_load %arg7[%swap3A_40] {strides = array<i32>} : memref<1280xi32, #tpu.memory_space<vmem>>, vector<16xi32>,
    %swap3A_42 = vector.shape_cast %swap3A_41 : vector<16xi32> to vector<16xi32>
    %swap3A_43 = vector.shape_cast %add3A_39 : vector<16xi32> to vector<16xi32>
    tpu.vector_store %arg7[%swap3A_40], %swap3A_43 {strides = array<i32>} : memref<1280xi32, #tpu.memory_space<vmem>>, vector<16xi32>,
    %get3A_44 = arith.constant 64 : index
    %get3A_45 = tpu.vector_load %arg5[%get3A_44] {strides = array<i32>} : memref<1280xi32, #tpu.memory_space<vmem>>, vector<16xi32>,
    %get3A_46 = vector.shape_cast %get3A_45 : vector<16xi32> to vector<16xi32>
    %add3A_47 = vector.broadcast %mul3A_7 : i32 to vector<16xi32>
    %add3A_48 = arith.addi %get3A_46, %add3A_47 : vector<16xi32>
    %swap3A_49 = arith.constant 64 : index
    %swap3A_50 = tpu.vector_load %arg7[%swap3A_49] {strides = array<i32>} : memref<1280xi32, #tpu.memory_space<vmem>>, vector<16xi32>,
    %swap3A_51 = vector.shape_cast %swap3A_50 : vector<16xi32> to vector<16xi32>
    %swap3A_52 = vector.shape_cast %add3A_48 : vector<16xi32> to vector<16xi32>
    tpu.vector_store %arg7[%swap3A_49], %swap3A_52 {strides = array<i32>} : memref<1280xi32, #tpu.memory_space<vmem>>, vector<16xi32>,
    %get3A_53 = arith.constant 80 : index
    %get3A_54 = tpu.vector_load %arg5[%get3A_53] {strides = array<i32>} : memref<1280xi32, #tpu.memory_space<vmem>>, vector<16xi32>,
    %get3A_55 = vector.shape_cast %get3A_54 : vector<16xi32> to vector<16xi32>
    %add3A_56 = vector.broadcast %mul3A_7 : i32 to vector<16xi32>
    %add3A_57 = arith.addi %get3A_55, %add3A_56 : vector<16xi32>
    %swap3A_58 = arith.constant 80 : index
    %swap3A_59 = tpu.vector_load %arg7[%swap3A_58] {strides = array<i32>} : memref<1280xi32, #tpu.memory_space<vmem>>, vector<16xi32>,
    %swap3A_60 = vector.shape_cast %swap3A_59 : vector<16xi32> to vector<16xi32>
    %swap3A_61 = vector.shape_cast %add3A_57 : vector<16xi32> to vector<16xi32>
    tpu.vector_store %arg7[%swap3A_58], %swap3A_61 {strides = array<i32>} : memref<1280xi32, #tpu.memory_space<vmem>>, vector<16xi32>,
    %get3A_62 = arith.constant 96 : index
    %get3A_63 = tpu.vector_load %arg5[%get3A_62] {strides = array<i32>} : memref<1280xi32, #tpu.memory_space<vmem>>, vector<16xi32>,
    %get3A_64 = vector.shape_cast %get3A_63 : vector<16xi32> to vector<16xi32>
    %add3A_65 = vector.broadcast %mul3A_7 : i32 to vector<16xi32>
    %add3A_66 = arith.addi %get3A_64, %add3A_65 : vector<16xi32>
    %swap3A_67 = arith.constant 96 : index
    %swap3A_68 = tpu.vector_load %arg7[%swap3A_67] {strides = array<i32>} : memref<1280xi32, #tpu.memory_space<vmem>>, vector<16xi32>,
    %swap3A_69 = vector.shape_cast %swap3A_68 : vector<16xi32> to vector<16xi32>
    %swap3A_70 = vector.shape_cast %add3A_66 : vector<16xi32> to vector<16xi32>
    tpu.vector_store %arg7[%swap3A_67], %swap3A_70 {strides = array<i32>} : memref<1280xi32, #tpu.memory_space<vmem>>, vector<16xi32>,
    %get3A_71 = arith.constant 112 : index
    %get3A_72 = tpu.vector_load %arg5[%get3A_71] {strides = array<i32>} : memref<1280xi32, #tpu.memory_space<vmem>>, vector<16xi32>,
    %get3A_73 = vector.shape_cast %get3A_72 : vector<16xi32> to vector<16xi32>
    %add3A_74 = vector.broadcast %mul3A_7 : i32 to vector<16xi32>
    %add3A_75 = arith.addi %get3A_73, %add3A_74 : vector<16xi32>
    %swap3A_76 = arith.constant 112 : index
    %swap3A_77 = tpu.vector_load %arg7[%swap3A_76] {strides = array<i32>} : memref<1280xi32, #tpu.memory_space<vmem>>, vector<16xi32>,
    %swap3A_78 = vector.shape_cast %swap3A_77 : vector<16xi32> to vector<16xi32>
    %swap3A_79 = vector.shape_cast %add3A_75 : vector<16xi32> to vector<16xi32>
    tpu.vector_store %arg7[%swap3A_76], %swap3A_79 {strides = array<i32>} : memref<1280xi32, #tpu.memory_space<vmem>>, vector<16xi32>,
    %get3A_80 = arith.constant 128 : index
    %get3A_81 = tpu.vector_load %arg5[%get3A_80] {strides = array<i32>} : memref<1280xi32, #tpu.memory_space<vmem>>, vector<16xi32>,
    %get3A_82 = vector.shape_cast %get3A_81 : vector<16xi32> to vector<16xi32>
    %add3A_83 = vector.broadcast %mul3A_7 : i32 to vector<16xi32>
    %add3A_84 = arith.addi %get3A_82, %add3A_83 : vector<16xi32>
    %swap3A_85 = arith.constant 128 : index
    %swap3A_86 = tpu.vector_load %arg7[%swap3A_85] {strides = array<i32>} : memref<1280xi32, #tpu.memory_space<vmem>>, vector<16xi32>,
    %swap3A_87 = vector.shape_cast %swap3A_86 : vector<16xi32> to vector<16xi32>
    %swap3A_88 = vector.shape_cast %add3A_84 : vector<16xi32> to vector<16xi32>
    tpu.vector_store %arg7[%swap3A_85], %swap3A_88 {strides = array<i32>} : memref<1280xi32, #tpu.memory_space<vmem>>, vector<16xi32>,
    %get3A_89 = arith.constant 144 : index
    %get3A_90 = tpu.vector_load %arg5[%get3A_89] {strides = array<i32>} : memref<1280xi32, #tpu.memory_space<vmem>>, vector<16xi32>,
    %get3A_91 = vector.shape_cast %get3A_90 : vector<16xi32> to vector<16xi32>
    %add3A_92 = vector.broadcast %mul3A_7 : i32 to vector<16xi32>
    %add3A_93 = arith.addi %get3A_91, %add3A_92 : vector<16xi32>
    %swap3A_94 = arith.constant 144 : index
    %swap3A_95 = tpu.vector_load %arg7[%swap3A_94] {strides = array<i32>} : memref<1280xi32, #tpu.memory_space<vmem>>, vector<16xi32>,
    %swap3A_96 = vector.shape_cast %swap3A_95 : vector<16xi32> to vector<16xi32>
    %swap3A_97 = vector.shape_cast %add3A_93 : vector<16xi32> to vector<16xi32>
    tpu.vector_store %arg7[%swap3A_94], %swap3A_97 {strides = array<i32>} : memref<1280xi32, #tpu.memory_space<vmem>>, vector<16xi32>,
    %get3A_98 = arith.constant 160 : index
    %get3A_99 = tpu.vector_load %arg5[%get3A_98] {strides = array<i32>} : memref<1280xi32, #tpu.memory_space<vmem>>, vector<16xi32>,
    %get3A_100 = vector.shape_cast %get3A_99 : vector<16xi32> to vector<16xi32>
    %add3A_101 = vector.broadcast %mul3A_7 : i32 to vector<16xi32>
    %add3A_102 = arith.addi %get3A_100, %add3A_101 : vector<16xi32>
    %swap3A_103 = arith.constant 160 : index
    %swap3A_104 = tpu.vector_load %arg7[%swap3A_103] {strides = array<i32>} : memref<1280xi32, #tpu.memory_space<vmem>>, vector<16xi32>,
    %swap3A_105 = vector.shape_cast %swap3A_104 : vector<16xi32> to vector<16xi32>
    %swap3A_106 = vector.shape_cast %add3A_102 : vector<16xi32> to vector<16xi32>
    tpu.vector_store %arg7[%swap3A_103], %swap3A_106 {strides = array<i32>} : memref<1280xi32, #tpu.memory_space<vmem>>, vector<16xi32>,
    %get3A_107 = arith.constant 176 : index
    %get3A_108 = tpu.vector_load %arg5[%get3A_107] {strides = array<i32>} : memref<1280xi32, #tpu.memory_space<vmem>>, vector<16xi32>,
    %get3A_109 = vector.shape_cast %get3A_108 : vector<16xi32> to vector<16xi32>
    %add3A_110 = vector.broadcast %mul3A_7 : i32 to vector<16xi32>
    %add3A_111 = arith.addi %get3A_109, %add3A_110 : vector<16xi32>
    %swap3A_112 = arith.constant 176 : index
    %swap3A_113 = tpu.vector_load %arg7[%swap3A_112] {strides = array<i32>} : memref<1280xi32, #tpu.memory_space<vmem>>, vector<16xi32>,
    %swap3A_114 = vector.shape_cast %swap3A_113 : vector<16xi32> to vector<16xi32>
    %swap3A_115 = vector.shape_cast %add3A_111 : vector<16xi32> to vector<16xi32>
    tpu.vector_store %arg7[%swap3A_112], %swap3A_115 {strides = array<i32>} : memref<1280xi32, #tpu.memory_space<vmem>>, vector<16xi32>,
    %get3A_116 = arith.constant 192 : index
    %get3A_117 = tpu.vector_load %arg5[%get3A_116] {strides = array<i32>} : memref<1280xi32, #tpu.memory_space<vmem>>, vector<16xi32>,
    %get3A_118 = vector.shape_cast %get3A_117 : vector<16xi32> to vector<16xi32>
    %add3A_119 = vector.broadcast %mul3A_7 : i32 to vector<16xi32>
    %add3A_120 = arith.addi %get3A_118, %add3A_119 : vector<16xi32>
    %swap3A_121 = arith.constant 192 : index
    %swap3A_122 = tpu.vector_load %arg7[%swap3A_121] {strides = array<i32>} : memref<1280xi32, #tpu.memory_space<vmem>>, vector<16xi32>,
    %swap3A_123 = vector.shape_cast %swap3A_122 : vector<16xi32> to vector<16xi32>
    %swap3A_124 = vector.shape_cast %add3A_120 : vector<16xi32> to vector<16xi32>
    tpu.vector_store %arg7[%swap3A_121], %swap3A_124 {strides = array<i32>} : memref<1280xi32, #tpu.memory_space<vmem>>, vector<16xi32>,
    %get3A_125 = arith.constant 208 : index
    %get3A_126 = tpu.vector_load %arg5[%get3A_125] {strides = array<i32>} : memref<1280xi32, #tpu.memory_space<vmem>>, vector<16xi32>,
    %get3A_127 = vector.shape_cast %get3A_126 : vector<16xi32> to vector<16xi32>
    %add3A_128 = vector.broadcast %mul3A_7 : i32 to vector<16xi32>
    %add3A_129 = arith.addi %get3A_127, %add3A_128 : vector<16xi32>
    %swap3A_130 = arith.constant 208 : index
    %swap3A_131 = tpu.vector_load %arg7[%swap3A_130] {strides = array<i32>} : memref<1280xi32, #tpu.memory_space<vmem>>, vector<16xi32>,
    %swap3A_132 = vector.shape_cast %swap3A_131 : vector<16xi32> to vector<16xi32>
    %swap3A_133 = vector.shape_cast %add3A_129 : vector<16xi32> to vector<16xi32>
    tpu.vector_store %arg7[%swap3A_130], %swap3A_133 {strides = array<i32>} : memref<1280xi32, #tpu.memory_space<vmem>>, vector<16xi32>,
    %get3A_134 = arith.constant 224 : index
    %get3A_135 = tpu.vector_load %arg5[%get3A_134] {strides = array<i32>} : memref<1280xi32, #tpu.memory_space<vmem>>, vector<16xi32>,
    %get3A_136 = vector.shape_cast %get3A_135 : vector<16xi32> to vector<16xi32>
    %add3A_137 = vector.broadcast %mul3A_7 : i32 to vector<16xi32>
    %add3A_138 = arith.addi %get3A_136, %add3A_137 : vector<16xi32>
    %swap3A_139 = arith.constant 224 : index
    %swap3A_140 = tpu.vector_load %arg7[%swap3A_139] {strides = array<i32>} : memref<1280xi32, #tpu.memory_space<vmem>>, vector<16xi32>,
    %swap3A_141 = vector.shape_cast %swap3A_140 : vector<16xi32> to vector<16xi32>
    %swap3A_142 = vector.shape_cast %add3A_138 : vector<16xi32> to vector<16xi32>
    tpu.vector_store %arg7[%swap3A_139], %swap3A_142 {strides = array<i32>} : memref<1280xi32, #tpu.memory_space<vmem>>, vector<16xi32>,
    %get3A_143 = arith.constant 240 : index
    %get3A_144 = tpu.vector_load %arg5[%get3A_143] {strides = array<i32>} : memref<1280xi32, #tpu.memory_space<vmem>>, vector<16xi32>,
    %get3A_145 = vector.shape_cast %get3A_144 : vector<16xi32> to vector<16xi32>
    %add3A_146 = vector.broadcast %mul3A_7 : i32 to vector<16xi32>
    %add3A_147 = arith.addi %get3A_145, %add3A_146 : vector<16xi32>
    %swap3A_148 = arith.constant 240 : index
    %swap3A_149 = tpu.vector_load %arg7[%swap3A_148] {strides = array<i32>} : memref<1280xi32, #tpu.memory_space<vmem>>, vector<16xi32>,
    %swap3A_150 = vector.shape_cast %swap3A_149 : vector<16xi32> to vector<16xi32>
    %swap3A_151 = vector.shape_cast %add3A_147 : vector<16xi32> to vector<16xi32>
    tpu.vector_store %arg7[%swap3A_148], %swap3A_151 {strides = array<i32>} : memref<1280xi32, #tpu.memory_space<vmem>>, vector<16xi32>,
    %get3A_152 = arith.constant 256 : index
    %get3A_153 = tpu.vector_load %arg5[%get3A_152] {strides = array<i32>} : memref<1280xi32, #tpu.memory_space<vmem>>, vector<16xi32>,
    %get3A_154 = vector.shape_cast %get3A_153 : vector<16xi32> to vector<16xi32>
    %add3A_155 = vector.broadcast %mul3A_7 : i32 to vector<16xi32>
    %add3A_156 = arith.addi %get3A_154, %add3A_155 : vector<16xi32>
    %swap3A_157 = arith.constant 256 : index
    %swap3A_158 = tpu.vector_load %arg7[%swap3A_157] {strides = array<i32>} : memref<1280xi32, #tpu.memory_space<vmem>>, vector<16xi32>,
    %swap3A_159 = vector.shape_cast %swap3A_158 : vector<16xi32> to vector<16xi32>
    %swap3A_160 = vector.shape_cast %add3A_156 : vector<16xi32> to vector<16xi32>
    tpu.vector_store %arg7[%swap3A_157], %swap3A_160 {strides = array<i32>} : memref<1280xi32, #tpu.memory_space<vmem>>, vector<16xi32>,
    %get3A_161 = arith.constant 272 : index
    %get3A_162 = tpu.vector_load %arg5[%get3A_161] {strides = array<i32>} : memref<1280xi32, #tpu.memory_space<vmem>>, vector<16xi32>,
    %get3A_163 = vector.shape_cast %get3A_162 : vector<16xi32> to vector<16xi32>
    %add3A_164 = vector.broadcast %mul3A_7 : i32 to vector<16xi32>
    %add3A_165 = arith.addi %get3A_163, %add3A_164 : vector<16xi32>
    %swap3A_166 = arith.constant 272 : index
    %swap3A_167 = tpu.vector_load %arg7[%swap3A_166] {strides = array<i32>} : memref<1280xi32, #tpu.memory_space<vmem>>, vector<16xi32>,
    %swap3A_168 = vector.shape_cast %swap3A_167 : vector<16xi32> to vector<16xi32>
    %swap3A_169 = vector.shape_cast %add3A_165 : vector<16xi32> to vector<16xi32>
    tpu.vector_store %arg7[%swap3A_166], %swap3A_169 {strides = array<i32>} : memref<1280xi32, #tpu.memory_space<vmem>>, vector<16xi32>,
    %get3A_170 = arith.constant 288 : index
    %get3A_171 = tpu.vector_load %arg5[%get3A_170] {strides = array<i32>} : memref<1280xi32, #tpu.memory_space<vmem>>, vector<16xi32>,
    %get3A_172 = vector.shape_cast %get3A_171 : vector<16xi32> to vector<16xi32>
    %add3A_173 = vector.broadcast %mul3A_7 : i32 to vector<16xi32>
    %add3A_174 = arith.addi %get3A_172, %add3A_173 : vector<16xi32>
    %swap3A_175 = arith.constant 288 : index
    %swap3A_176 = tpu.vector_load %arg7[%swap3A_175] {strides = array<i32>} : memref<1280xi32, #tpu.memory_space<vmem>>, vector<16xi32>,
    %swap3A_177 = vector.shape_cast %swap3A_176 : vector<16xi32> to vector<16xi32>
    %swap3A_178 = vector.shape_cast %add3A_174 : vector<16xi32> to vector<16xi32>
    tpu.vector_store %arg7[%swap3A_175], %swap3A_178 {strides = array<i32>} : memref<1280xi32, #tpu.memory_space<vmem>>, vector<16xi32>,
    %get3A_179 = arith.constant 304 : index
    %get3A_180 = tpu.vector_load %arg5[%get3A_179] {strides = array<i32>} : memref<1280xi32, #tpu.memory_space<vmem>>, vector<16xi32>,
    %get3A_181 = vector.shape_cast %get3A_180 : vector<16xi32> to vector<16xi32>
    %add3A_182 = vector.broadcast %mul3A_7 : i32 to vector<16xi32>
    %add3A_183 = arith.addi %get3A_181, %add3A_182 : vector<16xi32>
    %swap3A_184 = arith.constant 304 : index
    %swap3A_185 = tpu.vector_load %arg7[%swap3A_184] {strides = array<i32>} : memref<1280xi32, #tpu.memory_space<vmem>>, vector<16xi32>,
    %swap3A_186 = vector.shape_cast %swap3A_185 : vector<16xi32> to vector<16xi32>
    %swap3A_187 = vector.shape_cast %add3A_183 : vector<16xi32> to vector<16xi32>
    tpu.vector_store %arg7[%swap3A_184], %swap3A_187 {strides = array<i32>} : memref<1280xi32, #tpu.memory_space<vmem>>, vector<16xi32>,
    %get3A_188 = arith.constant 320 : index
    %get3A_189 = tpu.vector_load %arg5[%get3A_188] {strides = array<i32>} : memref<1280xi32, #tpu.memory_space<vmem>>, vector<16xi32>,
    %get3A_190 = vector.shape_cast %get3A_189 : vector<16xi32> to vector<16xi32>
    %add3A_191 = vector.broadcast %mul3A_7 : i32 to vector<16xi32>
    %add3A_192 = arith.addi %get3A_190, %add3A_191 : vector<16xi32>
    %swap3A_193 = arith.constant 320 : index
    %swap3A_194 = tpu.vector_load %arg7[%swap3A_193] {strides = array<i32>} : memref<1280xi32, #tpu.memory_space<vmem>>, vector<16xi32>,
    %swap3A_195 = vector.shape_cast %swap3A_194 : vector<16xi32> to vector<16xi32>
    %swap3A_196 = vector.shape_cast %add3A_192 : vector<16xi32> to vector<16xi32>
    tpu.vector_store %arg7[%swap3A_193], %swap3A_196 {strides = array<i32>} : memref<1280xi32, #tpu.memory_space<vmem>>, vector<16xi32>,
    %get3A_197 = arith.constant 336 : index
    %get3A_198 = tpu.vector_load %arg5[%get3A_197] {strides = array<i32>} : memref<1280xi32, #tpu.memory_space<vmem>>, vector<16xi32>,
    %get3A_199 = vector.shape_cast %get3A_198 : vector<16xi32> to vector<16xi32>
    %add3A_200 = vector.broadcast %mul3A_7 : i32 to vector<16xi32>
    %add3A_201 = arith.addi %get3A_199, %add3A_200 : vector<16xi32>
    %swap3A_202 = arith.constant 336 : index
    %swap3A_203 = tpu.vector_load %arg7[%swap3A_202] {strides = array<i32>} : memref<1280xi32, #tpu.memory_space<vmem>>, vector<16xi32>,
    %swap3A_204 = vector.shape_cast %swap3A_203 : vector<16xi32> to vector<16xi32>
    %swap3A_205 = vector.shape_cast %add3A_201 : vector<16xi32> to vector<16xi32>
    tpu.vector_store %arg7[%swap3A_202], %swap3A_205 {strides = array<i32>} : memref<1280xi32, #tpu.memory_space<vmem>>, vector<16xi32>,
    %get3A_206 = arith.constant 352 : index
    %get3A_207 = tpu.vector_load %arg5[%get3A_206] {strides = array<i32>} : memref<1280xi32, #tpu.memory_space<vmem>>, vector<16xi32>,
    %get3A_208 = vector.shape_cast %get3A_207 : vector<16xi32> to vector<16xi32>
    %add3A_209 = vector.broadcast %mul3A_7 : i32 to vector<16xi32>
    %add3A_210 = arith.addi %get3A_208, %add3A_209 : vector<16xi32>
    %swap3A_211 = arith.constant 352 : index
    %swap3A_212 = tpu.vector_load %arg7[%swap3A_211] {strides = array<i32>} : memref<1280xi32, #tpu.memory_space<vmem>>, vector<16xi32>,
    %swap3A_213 = vector.shape_cast %swap3A_212 : vector<16xi32> to vector<16xi32>
    %swap3A_214 = vector.shape_cast %add3A_210 : vector<16xi32> to vector<16xi32>
    tpu.vector_store %arg7[%swap3A_211], %swap3A_214 {strides = array<i32>} : memref<1280xi32, #tpu.memory_space<vmem>>, vector<16xi32>,
    %get3A_215 = arith.constant 368 : index
    %get3A_216 = tpu.vector_load %arg5[%get3A_215] {strides = array<i32>} : memref<1280xi32, #tpu.memory_space<vmem>>, vector<16xi32>,
    %get3A_217 = vector.shape_cast %get3A_216 : vector<16xi32> to vector<16xi32>
    %add3A_218 = vector.broadcast %mul3A_7 : i32 to vector<16xi32>
    %add3A_219 = arith.addi %get3A_217, %add3A_218 : vector<16xi32>
    %swap3A_220 = arith.constant 368 : index
    %swap3A_221 = tpu.vector_load %arg7[%swap3A_220] {strides = array<i32>} : memref<1280xi32, #tpu.memory_space<vmem>>, vector<16xi32>,
    %swap3A_222 = vector.shape_cast %swap3A_221 : vector<16xi32> to vector<16xi32>
    %swap3A_223 = vector.shape_cast %add3A_219 : vector<16xi32> to vector<16xi32>
    tpu.vector_store %arg7[%swap3A_220], %swap3A_223 {strides = array<i32>} : memref<1280xi32, #tpu.memory_space<vmem>>, vector<16xi32>,
    %get3A_224 = arith.constant 384 : index
    %get3A_225 = tpu.vector_load %arg5[%get3A_224] {strides = array<i32>} : memref<1280xi32, #tpu.memory_space<vmem>>, vector<16xi32>,
    %get3A_226 = vector.shape_cast %get3A_225 : vector<16xi32> to vector<16xi32>
    %add3A_227 = vector.broadcast %mul3A_7 : i32 to vector<16xi32>
    %add3A_228 = arith.addi %get3A_226, %add3A_227 : vector<16xi32>
    %swap3A_229 = arith.constant 384 : index
    %swap3A_230 = tpu.vector_load %arg7[%swap3A_229] {strides = array<i32>} : memref<1280xi32, #tpu.memory_space<vmem>>, vector<16xi32>,
    %swap3A_231 = vector.shape_cast %swap3A_230 : vector<16xi32> to vector<16xi32>
    %swap3A_232 = vector.shape_cast %add3A_228 : vector<16xi32> to vector<16xi32>
    tpu.vector_store %arg7[%swap3A_229], %swap3A_232 {strides = array<i32>} : memref<1280xi32, #tpu.memory_space<vmem>>, vector<16xi32>,
    %get3A_233 = arith.constant 400 : index
    %get3A_234 = tpu.vector_load %arg5[%get3A_233] {strides = array<i32>} : memref<1280xi32, #tpu.memory_space<vmem>>, vector<16xi32>,
    %get3A_235 = vector.shape_cast %get3A_234 : vector<16xi32> to vector<16xi32>
    %add3A_236 = vector.broadcast %mul3A_7 : i32 to vector<16xi32>
    %add3A_237 = arith.addi %get3A_235, %add3A_236 : vector<16xi32>
    %swap3A_238 = arith.constant 400 : index
    %swap3A_239 = tpu.vector_load %arg7[%swap3A_238] {strides = array<i32>} : memref<1280xi32, #tpu.memory_space<vmem>>, vector<16xi32>,
    %swap3A_240 = vector.shape_cast %swap3A_239 : vector<16xi32> to vector<16xi32>
    %swap3A_241 = vector.shape_cast %add3A_237 : vector<16xi32> to vector<16xi32>
    tpu.vector_store %arg7[%swap3A_238], %swap3A_241 {strides = array<i32>} : memref<1280xi32, #tpu.memory_space<vmem>>, vector<16xi32>,
    %get3A_242 = arith.constant 416 : index
    %get3A_243 = tpu.vector_load %arg5[%get3A_242] {strides = array<i32>} : memref<1280xi32, #tpu.memory_space<vmem>>, vector<16xi32>,
    %get3A_244 = vector.shape_cast %get3A_243 : vector<16xi32> to vector<16xi32>
    %add3A_245 = vector.broadcast %mul3A_7 : i32 to vector<16xi32>
    %add3A_246 = arith.addi %get3A_244, %add3A_245 : vector<16xi32>
    %swap3A_247 = arith.constant 416 : index
    %swap3A_248 = tpu.vector_load %arg7[%swap3A_247] {strides = array<i32>} : memref<1280xi32, #tpu.memory_space<vmem>>, vector<16xi32>,
    %swap3A_249 = vector.shape_cast %swap3A_248 : vector<16xi32> to vector<16xi32>
    %swap3A_250 = vector.shape_cast %add3A_246 : vector<16xi32> to vector<16xi32>
    tpu.vector_store %arg7[%swap3A_247], %swap3A_250 {strides = array<i32>} : memref<1280xi32, #tpu.memory_space<vmem>>, vector<16xi32>,
    %get3A_251 = arith.constant 432 : index
    %get3A_252 = tpu.vector_load %arg5[%get3A_251] {strides = array<i32>} : memref<1280xi32, #tpu.memory_space<vmem>>, vector<16xi32>,
    %get3A_253 = vector.shape_cast %get3A_252 : vector<16xi32> to vector<16xi32>
    %add3A_254 = vector.broadcast %mul3A_7 : i32 to vector<16xi32>
    %add3A_255 = arith.addi %get3A_253, %add3A_254 : vector<16xi32>
    %swap3A_256 = arith.constant 432 : index
    %swap3A_257 = tpu.vector_load %arg7[%swap3A_256] {strides = array<i32>} : memref<1280xi32, #tpu.memory_space<vmem>>, vector<16xi32>,
    %swap3A_258 = vector.shape_cast %swap3A_257 : vector<16xi32> to vector<16xi32>
    %swap3A_259 = vector.shape_cast %add3A_255 : vector<16xi32> to vector<16xi32>
    tpu.vector_store %arg7[%swap3A_256], %swap3A_259 {strides = array<i32>} : memref<1280xi32, #tpu.memory_space<vmem>>, vector<16xi32>,
    %get3A_260 = arith.constant 448 : index
    %get3A_261 = tpu.vector_load %arg5[%get3A_260] {strides = array<i32>} : memref<1280xi32, #tpu.memory_space<vmem>>, vector<16xi32>,
    %get3A_262 = vector.shape_cast %get3A_261 : vector<16xi32> to vector<16xi32>
    %add3A_263 = vector.broadcast %mul3A_7 : i32 to vector<16xi32>
    %add3A_264 = arith.addi %get3A_262, %add3A_263 : vector<16xi32>
    %swap3A_265 = arith.constant 448 : index
    %swap3A_266 = tpu.vector_load %arg7[%swap3A_265] {strides = array<i32>} : memref<1280xi32, #tpu.memory_space<vmem>>, vector<16xi32>,
    %swap3A_267 = vector.shape_cast %swap3A_266 : vector<16xi32> to vector<16xi32>
    %swap3A_268 = vector.shape_cast %add3A_264 : vector<16xi32> to vector<16xi32>
    tpu.vector_store %arg7[%swap3A_265], %swap3A_268 {strides = array<i32>} : memref<1280xi32, #tpu.memory_space<vmem>>, vector<16xi32>,
    %get3A_269 = arith.constant 464 : index
    %get3A_270 = tpu.vector_load %arg5[%get3A_269] {strides = array<i32>} : memref<1280xi32, #tpu.memory_space<vmem>>, vector<16xi32>,
    %get3A_271 = vector.shape_cast %get3A_270 : vector<16xi32> to vector<16xi32>
    %add3A_272 = vector.broadcast %mul3A_7 : i32 to vector<16xi32>
    %add3A_273 = arith.addi %get3A_271, %add3A_272 : vector<16xi32>
    %swap3A_274 = arith.constant 464 : index
    %swap3A_275 = tpu.vector_load %arg7[%swap3A_274] {strides = array<i32>} : memref<1280xi32, #tpu.memory_space<vmem>>, vector<16xi32>,
    %swap3A_276 = vector.shape_cast %swap3A_275 : vector<16xi32> to vector<16xi32>
    %swap3A_277 = vector.shape_cast %add3A_273 : vector<16xi32> to vector<16xi32>
    tpu.vector_store %arg7[%swap3A_274], %swap3A_277 {strides = array<i32>} : memref<1280xi32, #tpu.memory_space<vmem>>, vector<16xi32>,
    %get3A_278 = arith.constant 480 : index
    %get3A_279 = tpu.vector_load %arg5[%get3A_278] {strides = array<i32>} : memref<1280xi32, #tpu.memory_space<vmem>>, vector<16xi32>,
    %get3A_280 = vector.shape_cast %get3A_279 : vector<16xi32> to vector<16xi32>
    %add3A_281 = vector.broadcast %mul3A_7 : i32 to vector<16xi32>
    %add3A_282 = arith.addi %get3A_280, %add3A_281 : vector<16xi32>
    %swap3A_283 = arith.constant 480 : index
    %swap3A_284 = tpu.vector_load %arg7[%swap3A_283] {strides = array<i32>} : memref<1280xi32, #tpu.memory_space<vmem>>, vector<16xi32>,
    %swap3A_285 = vector.shape_cast %swap3A_284 : vector<16xi32> to vector<16xi32>
    %swap3A_286 = vector.shape_cast %add3A_282 : vector<16xi32> to vector<16xi32>
    tpu.vector_store %arg7[%swap3A_283], %swap3A_286 {strides = array<i32>} : memref<1280xi32, #tpu.memory_space<vmem>>, vector<16xi32>,
    %get3A_287 = arith.constant 496 : index
    %get3A_288 = tpu.vector_load %arg5[%get3A_287] {strides = array<i32>} : memref<1280xi32, #tpu.memory_space<vmem>>, vector<16xi32>,
    %get3A_289 = vector.shape_cast %get3A_288 : vector<16xi32> to vector<16xi32>
    %add3A_290 = vector.broadcast %mul3A_7 : i32 to vector<16xi32>
    %add3A_291 = arith.addi %get3A_289, %add3A_290 : vector<16xi32>
    %swap3A_292 = arith.constant 496 : index
    %swap3A_293 = tpu.vector_load %arg7[%swap3A_292] {strides = array<i32>} : memref<1280xi32, #tpu.memory_space<vmem>>, vector<16xi32>,
    %swap3A_294 = vector.shape_cast %swap3A_293 : vector<16xi32> to vector<16xi32>
    %swap3A_295 = vector.shape_cast %add3A_291 : vector<16xi32> to vector<16xi32>
    tpu.vector_store %arg7[%swap3A_292], %swap3A_295 {strides = array<i32>} : memref<1280xi32, #tpu.memory_space<vmem>>, vector<16xi32>,
    %get3A_296 = arith.constant 512 : index
    %get3A_297 = tpu.vector_load %arg5[%get3A_296] {strides = array<i32>} : memref<1280xi32, #tpu.memory_space<vmem>>, vector<16xi32>,
    %get3A_298 = vector.shape_cast %get3A_297 : vector<16xi32> to vector<16xi32>
    %add3A_299 = vector.broadcast %mul3A_7 : i32 to vector<16xi32>
    %add3A_300 = arith.addi %get3A_298, %add3A_299 : vector<16xi32>
    %swap3A_301 = arith.constant 512 : index
    %swap3A_302 = tpu.vector_load %arg7[%swap3A_301] {strides = array<i32>} : memref<1280xi32, #tpu.memory_space<vmem>>, vector<16xi32>,
    %swap3A_303 = vector.shape_cast %swap3A_302 : vector<16xi32> to vector<16xi32>
    %swap3A_304 = vector.shape_cast %add3A_300 : vector<16xi32> to vector<16xi32>
    tpu.vector_store %arg7[%swap3A_301], %swap3A_304 {strides = array<i32>} : memref<1280xi32, #tpu.memory_space<vmem>>, vector<16xi32>,
    %get3A_305 = arith.constant 528 : index
    %get3A_306 = tpu.vector_load %arg5[%get3A_305] {strides = array<i32>} : memref<1280xi32, #tpu.memory_space<vmem>>, vector<16xi32>,
    %get3A_307 = vector.shape_cast %get3A_306 : vector<16xi32> to vector<16xi32>
    %add3A_308 = vector.broadcast %mul3A_7 : i32 to vector<16xi32>
    %add3A_309 = arith.addi %get3A_307, %add3A_308 : vector<16xi32>
    %swap3A_310 = arith.constant 528 : index
    %swap3A_311 = tpu.vector_load %arg7[%swap3A_310] {strides = array<i32>} : memref<1280xi32, #tpu.memory_space<vmem>>, vector<16xi32>,
    %swap3A_312 = vector.shape_cast %swap3A_311 : vector<16xi32> to vector<16xi32>
    %swap3A_313 = vector.shape_cast %add3A_309 : vector<16xi32> to vector<16xi32>
    tpu.vector_store %arg7[%swap3A_310], %swap3A_313 {strides = array<i32>} : memref<1280xi32, #tpu.memory_space<vmem>>, vector<16xi32>,
    %get3A_314 = arith.constant 544 : index
    %get3A_315 = tpu.vector_load %arg5[%get3A_314] {strides = array<i32>} : memref<1280xi32, #tpu.memory_space<vmem>>, vector<16xi32>,
    %get3A_316 = vector.shape_cast %get3A_315 : vector<16xi32> to vector<16xi32>
    %add3A_317 = vector.broadcast %mul3A_7 : i32 to vector<16xi32>
    %add3A_318 = arith.addi %get3A_316, %add3A_317 : vector<16xi32>
    %swap3A_319 = arith.constant 544 : index
    %swap3A_320 = tpu.vector_load %arg7[%swap3A_319] {strides = array<i32>} : memref<1280xi32, #tpu.memory_space<vmem>>, vector<16xi32>,
    %swap3A_321 = vector.shape_cast %swap3A_320 : vector<16xi32> to vector<16xi32>
    %swap3A_322 = vector.shape_cast %add3A_318 : vector<16xi32> to vector<16xi32>
    tpu.vector_store %arg7[%swap3A_319], %swap3A_322 {strides = array<i32>} : memref<1280xi32, #tpu.memory_space<vmem>>, vector<16xi32>,
    %get3A_323 = arith.constant 560 : index
    %get3A_324 = tpu.vector_load %arg5[%get3A_323] {strides = array<i32>} : memref<1280xi32, #tpu.memory_space<vmem>>, vector<16xi32>,
    %get3A_325 = vector.shape_cast %get3A_324 : vector<16xi32> to vector<16xi32>
    %add3A_326 = vector.broadcast %mul3A_7 : i32 to vector<16xi32>
    %add3A_327 = arith.addi %get3A_325, %add3A_326 : vector<16xi32>
    %swap3A_328 = arith.constant 560 : index
    %swap3A_329 = tpu.vector_load %arg7[%swap3A_328] {strides = array<i32>} : memref<1280xi32, #tpu.memory_space<vmem>>, vector<16xi32>,
    %swap3A_330 = vector.shape_cast %swap3A_329 : vector<16xi32> to vector<16xi32>
    %swap3A_331 = vector.shape_cast %add3A_327 : vector<16xi32> to vector<16xi32>
    tpu.vector_store %arg7[%swap3A_328], %swap3A_331 {strides = array<i32>} : memref<1280xi32, #tpu.memory_space<vmem>>, vector<16xi32>,
    %get3A_332 = arith.constant 576 : index
    %get3A_333 = tpu.vector_load %arg5[%get3A_332] {strides = array<i32>} : memref<1280xi32, #tpu.memory_space<vmem>>, vector<16xi32>,
    %get3A_334 = vector.shape_cast %get3A_333 : vector<16xi32> to vector<16xi32>
    %add3A_335 = vector.broadcast %mul3A_7 : i32 to vector<16xi32>
    %add3A_336 = arith.addi %get3A_334, %add3A_335 : vector<16xi32>
    %swap3A_337 = arith.constant 576 : index
    %swap3A_338 = tpu.vector_load %arg7[%swap3A_337] {strides = array<i32>} : memref<1280xi32, #tpu.memory_space<vmem>>, vector<16xi32>,
    %swap3A_339 = vector.shape_cast %swap3A_338 : vector<16xi32> to vector<16xi32>
    %swap3A_340 = vector.shape_cast %add3A_336 : vector<16xi32> to vector<16xi32>
    tpu.vector_store %arg7[%swap3A_337], %swap3A_340 {strides = array<i32>} : memref<1280xi32, #tpu.memory_space<vmem>>, vector<16xi32>,
    %get3A_341 = arith.constant 592 : index
    %get3A_342 = tpu.vector_load %arg5[%get3A_341] {strides = array<i32>} : memref<1280xi32, #tpu.memory_space<vmem>>, vector<16xi32>,
    %get3A_343 = vector.shape_cast %get3A_342 : vector<16xi32> to vector<16xi32>
    %add3A_344 = vector.broadcast %mul3A_7 : i32 to vector<16xi32>
    %add3A_345 = arith.addi %get3A_343, %add3A_344 : vector<16xi32>
    %swap3A_346 = arith.constant 592 : index
    %swap3A_347 = tpu.vector_load %arg7[%swap3A_346] {strides = array<i32>} : memref<1280xi32, #tpu.memory_space<vmem>>, vector<16xi32>,
    %swap3A_348 = vector.shape_cast %swap3A_347 : vector<16xi32> to vector<16xi32>
    %swap3A_349 = vector.shape_cast %add3A_345 : vector<16xi32> to vector<16xi32>
    tpu.vector_store %arg7[%swap3A_346], %swap3A_349 {strides = array<i32>} : memref<1280xi32, #tpu.memory_space<vmem>>, vector<16xi32>,
    %get3A_350 = arith.constant 608 : index
    %get3A_351 = tpu.vector_load %arg5[%get3A_350] {strides = array<i32>} : memref<1280xi32, #tpu.memory_space<vmem>>, vector<16xi32>,
    %get3A_352 = vector.shape_cast %get3A_351 : vector<16xi32> to vector<16xi32>
    %add3A_353 = vector.broadcast %mul3A_7 : i32 to vector<16xi32>
    %add3A_354 = arith.addi %get3A_352, %add3A_353 : vector<16xi32>
    %swap3A_355 = arith.constant 608 : index
    %swap3A_356 = tpu.vector_load %arg7[%swap3A_355] {strides = array<i32>} : memref<1280xi32, #tpu.memory_space<vmem>>, vector<16xi32>,
    %swap3A_357 = vector.shape_cast %swap3A_356 : vector<16xi32> to vector<16xi32>
    %swap3A_358 = vector.shape_cast %add3A_354 : vector<16xi32> to vector<16xi32>
    tpu.vector_store %arg7[%swap3A_355], %swap3A_358 {strides = array<i32>} : memref<1280xi32, #tpu.memory_space<vmem>>, vector<16xi32>,
    %get3A_359 = arith.constant 624 : index
    %get3A_360 = tpu.vector_load %arg5[%get3A_359] {strides = array<i32>} : memref<1280xi32, #tpu.memory_space<vmem>>, vector<16xi32>,
    %get3A_361 = vector.shape_cast %get3A_360 : vector<16xi32> to vector<16xi32>
    %add3A_362 = vector.broadcast %mul3A_7 : i32 to vector<16xi32>
    %add3A_363 = arith.addi %get3A_361, %add3A_362 : vector<16xi32>
    %swap3A_364 = arith.constant 624 : index
    %swap3A_365 = tpu.vector_load %arg7[%swap3A_364] {strides = array<i32>} : memref<1280xi32, #tpu.memory_space<vmem>>, vector<16xi32>,
    %swap3A_366 = vector.shape_cast %swap3A_365 : vector<16xi32> to vector<16xi32>
    %swap3A_367 = vector.shape_cast %add3A_363 : vector<16xi32> to vector<16xi32>
    tpu.vector_store %arg7[%swap3A_364], %swap3A_367 {strides = array<i32>} : memref<1280xi32, #tpu.memory_space<vmem>>, vector<16xi32>,
    %get3A_368 = arith.constant 640 : index
    %get3A_369 = tpu.vector_load %arg5[%get3A_368] {strides = array<i32>} : memref<1280xi32, #tpu.memory_space<vmem>>, vector<16xi32>,
    %get3A_370 = vector.shape_cast %get3A_369 : vector<16xi32> to vector<16xi32>
    %add3A_371 = vector.broadcast %mul3A_7 : i32 to vector<16xi32>
    %add3A_372 = arith.addi %get3A_370, %add3A_371 : vector<16xi32>
    %swap3A_373 = arith.constant 640 : index
    %swap3A_374 = tpu.vector_load %arg7[%swap3A_373] {strides = array<i32>} : memref<1280xi32, #tpu.memory_space<vmem>>, vector<16xi32>,
    %swap3A_375 = vector.shape_cast %swap3A_374 : vector<16xi32> to vector<16xi32>
    %swap3A_376 = vector.shape_cast %add3A_372 : vector<16xi32> to vector<16xi32>
    tpu.vector_store %arg7[%swap3A_373], %swap3A_376 {strides = array<i32>} : memref<1280xi32, #tpu.memory_space<vmem>>, vector<16xi32>,
    %get3A_377 = arith.constant 656 : index
    %get3A_378 = tpu.vector_load %arg5[%get3A_377] {strides = array<i32>} : memref<1280xi32, #tpu.memory_space<vmem>>, vector<16xi32>,
    %get3A_379 = vector.shape_cast %get3A_378 : vector<16xi32> to vector<16xi32>
    %add3A_380 = vector.broadcast %mul3A_7 : i32 to vector<16xi32>
    %add3A_381 = arith.addi %get3A_379, %add3A_380 : vector<16xi32>
    %swap3A_382 = arith.constant 656 : index
    %swap3A_383 = tpu.vector_load %arg7[%swap3A_382] {strides = array<i32>} : memref<1280xi32, #tpu.memory_space<vmem>>, vector<16xi32>,
    %swap3A_384 = vector.shape_cast %swap3A_383 : vector<16xi32> to vector<16xi32>
    %swap3A_385 = vector.shape_cast %add3A_381 : vector<16xi32> to vector<16xi32>
    tpu.vector_store %arg7[%swap3A_382], %swap3A_385 {strides = array<i32>} : memref<1280xi32, #tpu.memory_space<vmem>>, vector<16xi32>,
    %get3A_386 = arith.constant 672 : index
    %get3A_387 = tpu.vector_load %arg5[%get3A_386] {strides = array<i32>} : memref<1280xi32, #tpu.memory_space<vmem>>, vector<16xi32>,
    %get3A_388 = vector.shape_cast %get3A_387 : vector<16xi32> to vector<16xi32>
    %add3A_389 = vector.broadcast %mul3A_7 : i32 to vector<16xi32>
    %add3A_390 = arith.addi %get3A_388, %add3A_389 : vector<16xi32>
    %swap3A_391 = arith.constant 672 : index
    %swap3A_392 = tpu.vector_load %arg7[%swap3A_391] {strides = array<i32>} : memref<1280xi32, #tpu.memory_space<vmem>>, vector<16xi32>,
    %swap3A_393 = vector.shape_cast %swap3A_392 : vector<16xi32> to vector<16xi32>
    %swap3A_394 = vector.shape_cast %add3A_390 : vector<16xi32> to vector<16xi32>
    tpu.vector_store %arg7[%swap3A_391], %swap3A_394 {strides = array<i32>} : memref<1280xi32, #tpu.memory_space<vmem>>, vector<16xi32>,
    %get3A_395 = arith.constant 688 : index
    %get3A_396 = tpu.vector_load %arg5[%get3A_395] {strides = array<i32>} : memref<1280xi32, #tpu.memory_space<vmem>>, vector<16xi32>,
    %get3A_397 = vector.shape_cast %get3A_396 : vector<16xi32> to vector<16xi32>
    %add3A_398 = vector.broadcast %mul3A_7 : i32 to vector<16xi32>
    %add3A_399 = arith.addi %get3A_397, %add3A_398 : vector<16xi32>
    %swap3A_400 = arith.constant 688 : index
    %swap3A_401 = tpu.vector_load %arg7[%swap3A_400] {strides = array<i32>} : memref<1280xi32, #tpu.memory_space<vmem>>, vector<16xi32>,
    %swap3A_402 = vector.shape_cast %swap3A_401 : vector<16xi32> to vector<16xi32>
    %swap3A_403 = vector.shape_cast %add3A_399 : vector<16xi32> to vector<16xi32>
    tpu.vector_store %arg7[%swap3A_400], %swap3A_403 {strides = array<i32>} : memref<1280xi32, #tpu.memory_space<vmem>>, vector<16xi32>,
    %get3A_404 = arith.constant 704 : index
    %get3A_405 = tpu.vector_load %arg5[%get3A_404] {strides = array<i32>} : memref<1280xi32, #tpu.memory_space<vmem>>, vector<16xi32>,
    %get3A_406 = vector.shape_cast %get3A_405 : vector<16xi32> to vector<16xi32>
    %add3A_407 = vector.broadcast %mul3A_7 : i32 to vector<16xi32>
    %add3A_408 = arith.addi %get3A_406, %add3A_407 : vector<16xi32>
    %swap3A_409 = arith.constant 704 : index
    %swap3A_410 = tpu.vector_load %arg7[%swap3A_409] {strides = array<i32>} : memref<1280xi32, #tpu.memory_space<vmem>>, vector<16xi32>,
    %swap3A_411 = vector.shape_cast %swap3A_410 : vector<16xi32> to vector<16xi32>
    %swap3A_412 = vector.shape_cast %add3A_408 : vector<16xi32> to vector<16xi32>
    tpu.vector_store %arg7[%swap3A_409], %swap3A_412 {strides = array<i32>} : memref<1280xi32, #tpu.memory_space<vmem>>, vector<16xi32>,
    %get3A_413 = arith.constant 720 : index
    %get3A_414 = tpu.vector_load %arg5[%get3A_413] {strides = array<i32>} : memref<1280xi32, #tpu.memory_space<vmem>>, vector<16xi32>,
    %get3A_415 = vector.shape_cast %get3A_414 : vector<16xi32> to vector<16xi32>
    %add3A_416 = vector.broadcast %mul3A_7 : i32 to vector<16xi32>
    %add3A_417 = arith.addi %get3A_415, %add3A_416 : vector<16xi32>
    %swap3A_418 = arith.constant 720 : index
    %swap3A_419 = tpu.vector_load %arg7[%swap3A_418] {strides = array<i32>} : memref<1280xi32, #tpu.memory_space<vmem>>, vector<16xi32>,
    %swap3A_420 = vector.shape_cast %swap3A_419 : vector<16xi32> to vector<16xi32>
    %swap3A_421 = vector.shape_cast %add3A_417 : vector<16xi32> to vector<16xi32>
    tpu.vector_store %arg7[%swap3A_418], %swap3A_421 {strides = array<i32>} : memref<1280xi32, #tpu.memory_space<vmem>>, vector<16xi32>,
    %get3A_422 = arith.constant 736 : index
    %get3A_423 = tpu.vector_load %arg5[%get3A_422] {strides = array<i32>} : memref<1280xi32, #tpu.memory_space<vmem>>, vector<16xi32>,
    %get3A_424 = vector.shape_cast %get3A_423 : vector<16xi32> to vector<16xi32>
    %add3A_425 = vector.broadcast %mul3A_7 : i32 to vector<16xi32>
    %add3A_426 = arith.addi %get3A_424, %add3A_425 : vector<16xi32>
    %swap3A_427 = arith.constant 736 : index
    %swap3A_428 = tpu.vector_load %arg7[%swap3A_427] {strides = array<i32>} : memref<1280xi32, #tpu.memory_space<vmem>>, vector<16xi32>,
    %swap3A_429 = vector.shape_cast %swap3A_428 : vector<16xi32> to vector<16xi32>
    %swap3A_430 = vector.shape_cast %add3A_426 : vector<16xi32> to vector<16xi32>
    tpu.vector_store %arg7[%swap3A_427], %swap3A_430 {strides = array<i32>} : memref<1280xi32, #tpu.memory_space<vmem>>, vector<16xi32>,
    %get3A_431 = arith.constant 752 : index
    %get3A_432 = tpu.vector_load %arg5[%get3A_431] {strides = array<i32>} : memref<1280xi32, #tpu.memory_space<vmem>>, vector<16xi32>,
    %get3A_433 = vector.shape_cast %get3A_432 : vector<16xi32> to vector<16xi32>
    %add3A_434 = vector.broadcast %mul3A_7 : i32 to vector<16xi32>
    %add3A_435 = arith.addi %get3A_433, %add3A_434 : vector<16xi32>
    %swap3A_436 = arith.constant 752 : index
    %swap3A_437 = tpu.vector_load %arg7[%swap3A_436] {strides = array<i32>} : memref<1280xi32, #tpu.memory_space<vmem>>, vector<16xi32>,
    %swap3A_438 = vector.shape_cast %swap3A_437 : vector<16xi32> to vector<16xi32>
    %swap3A_439 = vector.shape_cast %add3A_435 : vector<16xi32> to vector<16xi32>
    tpu.vector_store %arg7[%swap3A_436], %swap3A_439 {strides = array<i32>} : memref<1280xi32, #tpu.memory_space<vmem>>, vector<16xi32>,
    %get3A_440 = arith.constant 768 : index
    %get3A_441 = tpu.vector_load %arg5[%get3A_440] {strides = array<i32>} : memref<1280xi32, #tpu.memory_space<vmem>>, vector<16xi32>,
    %get3A_442 = vector.shape_cast %get3A_441 : vector<16xi32> to vector<16xi32>
    %add3A_443 = vector.broadcast %mul3A_7 : i32 to vector<16xi32>
    %add3A_444 = arith.addi %get3A_442, %add3A_443 : vector<16xi32>
    %swap3A_445 = arith.constant 768 : index
    %swap3A_446 = tpu.vector_load %arg7[%swap3A_445] {strides = array<i32>} : memref<1280xi32, #tpu.memory_space<vmem>>, vector<16xi32>,
    %swap3A_447 = vector.shape_cast %swap3A_446 : vector<16xi32> to vector<16xi32>
    %swap3A_448 = vector.shape_cast %add3A_444 : vector<16xi32> to vector<16xi32>
    tpu.vector_store %arg7[%swap3A_445], %swap3A_448 {strides = array<i32>} : memref<1280xi32, #tpu.memory_space<vmem>>, vector<16xi32>,
    %get3A_449 = arith.constant 784 : index
    %get3A_450 = tpu.vector_load %arg5[%get3A_449] {strides = array<i32>} : memref<1280xi32, #tpu.memory_space<vmem>>, vector<16xi32>,
    %get3A_451 = vector.shape_cast %get3A_450 : vector<16xi32> to vector<16xi32>
    %add3A_452 = vector.broadcast %mul3A_7 : i32 to vector<16xi32>
    %add3A_453 = arith.addi %get3A_451, %add3A_452 : vector<16xi32>
    %swap3A_454 = arith.constant 784 : index
    %swap3A_455 = tpu.vector_load %arg7[%swap3A_454] {strides = array<i32>} : memref<1280xi32, #tpu.memory_space<vmem>>, vector<16xi32>,
    %swap3A_456 = vector.shape_cast %swap3A_455 : vector<16xi32> to vector<16xi32>
    %swap3A_457 = vector.shape_cast %add3A_453 : vector<16xi32> to vector<16xi32>
    tpu.vector_store %arg7[%swap3A_454], %swap3A_457 {strides = array<i32>} : memref<1280xi32, #tpu.memory_space<vmem>>, vector<16xi32>,
    %get3A_458 = arith.constant 800 : index
    %get3A_459 = tpu.vector_load %arg5[%get3A_458] {strides = array<i32>} : memref<1280xi32, #tpu.memory_space<vmem>>, vector<16xi32>,
    %get3A_460 = vector.shape_cast %get3A_459 : vector<16xi32> to vector<16xi32>
    %add3A_461 = vector.broadcast %mul3A_7 : i32 to vector<16xi32>
    %add3A_462 = arith.addi %get3A_460, %add3A_461 : vector<16xi32>
    %swap3A_463 = arith.constant 800 : index
    %swap3A_464 = tpu.vector_load %arg7[%swap3A_463] {strides = array<i32>} : memref<1280xi32, #tpu.memory_space<vmem>>, vector<16xi32>,
    %swap3A_465 = vector.shape_cast %swap3A_464 : vector<16xi32> to vector<16xi32>
    %swap3A_466 = vector.shape_cast %add3A_462 : vector<16xi32> to vector<16xi32>
    tpu.vector_store %arg7[%swap3A_463], %swap3A_466 {strides = array<i32>} : memref<1280xi32, #tpu.memory_space<vmem>>, vector<16xi32>,
    %get3A_467 = arith.constant 816 : index
    %get3A_468 = tpu.vector_load %arg5[%get3A_467] {strides = array<i32>} : memref<1280xi32, #tpu.memory_space<vmem>>, vector<16xi32>,
    %get3A_469 = vector.shape_cast %get3A_468 : vector<16xi32> to vector<16xi32>
    %add3A_470 = vector.broadcast %mul3A_7 : i32 to vector<16xi32>
    %add3A_471 = arith.addi %get3A_469, %add3A_470 : vector<16xi32>
    %swap3A_472 = arith.constant 816 : index
    %swap3A_473 = tpu.vector_load %arg7[%swap3A_472] {strides = array<i32>} : memref<1280xi32, #tpu.memory_space<vmem>>, vector<16xi32>,
    %swap3A_474 = vector.shape_cast %swap3A_473 : vector<16xi32> to vector<16xi32>
    %swap3A_475 = vector.shape_cast %add3A_471 : vector<16xi32> to vector<16xi32>
    tpu.vector_store %arg7[%swap3A_472], %swap3A_475 {strides = array<i32>} : memref<1280xi32, #tpu.memory_space<vmem>>, vector<16xi32>,
    %get3A_476 = arith.constant 832 : index
    %get3A_477 = tpu.vector_load %arg5[%get3A_476] {strides = array<i32>} : memref<1280xi32, #tpu.memory_space<vmem>>, vector<16xi32>,
    %get3A_478 = vector.shape_cast %get3A_477 : vector<16xi32> to vector<16xi32>
    %add3A_479 = vector.broadcast %mul3A_7 : i32 to vector<16xi32>
    %add3A_480 = arith.addi %get3A_478, %add3A_479 : vector<16xi32>
    %swap3A_481 = arith.constant 832 : index
    %swap3A_482 = tpu.vector_load %arg7[%swap3A_481] {strides = array<i32>} : memref<1280xi32, #tpu.memory_space<vmem>>, vector<16xi32>,
    %swap3A_483 = vector.shape_cast %swap3A_482 : vector<16xi32> to vector<16xi32>
    %swap3A_484 = vector.shape_cast %add3A_480 : vector<16xi32> to vector<16xi32>
    tpu.vector_store %arg7[%swap3A_481], %swap3A_484 {strides = array<i32>} : memref<1280xi32, #tpu.memory_space<vmem>>, vector<16xi32>,
    %get3A_485 = arith.constant 848 : index
    %get3A_486 = tpu.vector_load %arg5[%get3A_485] {strides = array<i32>} : memref<1280xi32, #tpu.memory_space<vmem>>, vector<16xi32>,
    %get3A_487 = vector.shape_cast %get3A_486 : vector<16xi32> to vector<16xi32>
    %add3A_488 = vector.broadcast %mul3A_7 : i32 to vector<16xi32>
    %add3A_489 = arith.addi %get3A_487, %add3A_488 : vector<16xi32>
    %swap3A_490 = arith.constant 848 : index
    %swap3A_491 = tpu.vector_load %arg7[%swap3A_490] {strides = array<i32>} : memref<1280xi32, #tpu.memory_space<vmem>>, vector<16xi32>,
    %swap3A_492 = vector.shape_cast %swap3A_491 : vector<16xi32> to vector<16xi32>
    %swap3A_493 = vector.shape_cast %add3A_489 : vector<16xi32> to vector<16xi32>
    tpu.vector_store %arg7[%swap3A_490], %swap3A_493 {strides = array<i32>} : memref<1280xi32, #tpu.memory_space<vmem>>, vector<16xi32>,
    %get3A_494 = arith.constant 864 : index
    %get3A_495 = tpu.vector_load %arg5[%get3A_494] {strides = array<i32>} : memref<1280xi32, #tpu.memory_space<vmem>>, vector<16xi32>,
    %get3A_496 = vector.shape_cast %get3A_495 : vector<16xi32> to vector<16xi32>
    %add3A_497 = vector.broadcast %mul3A_7 : i32 to vector<16xi32>
    %add3A_498 = arith.addi %get3A_496, %add3A_497 : vector<16xi32>
    %swap3A_499 = arith.constant 864 : index
    %swap3A_500 = tpu.vector_load %arg7[%swap3A_499] {strides = array<i32>} : memref<1280xi32, #tpu.memory_space<vmem>>, vector<16xi32>,
    %swap3A_501 = vector.shape_cast %swap3A_500 : vector<16xi32> to vector<16xi32>
    %swap3A_502 = vector.shape_cast %add3A_498 : vector<16xi32> to vector<16xi32>
    tpu.vector_store %arg7[%swap3A_499], %swap3A_502 {strides = array<i32>} : memref<1280xi32, #tpu.memory_space<vmem>>, vector<16xi32>,
    %get3A_503 = arith.constant 880 : index
    %get3A_504 = tpu.vector_load %arg5[%get3A_503] {strides = array<i32>} : memref<1280xi32, #tpu.memory_space<vmem>>, vector<16xi32>,
    %get3A_505 = vector.shape_cast %get3A_504 : vector<16xi32> to vector<16xi32>
    %add3A_506 = vector.broadcast %mul3A_7 : i32 to vector<16xi32>
    %add3A_507 = arith.addi %get3A_505, %add3A_506 : vector<16xi32>
    %swap3A_508 = arith.constant 880 : index
    %swap3A_509 = tpu.vector_load %arg7[%swap3A_508] {strides = array<i32>} : memref<1280xi32, #tpu.memory_space<vmem>>, vector<16xi32>,
    %swap3A_510 = vector.shape_cast %swap3A_509 : vector<16xi32> to vector<16xi32>
    %swap3A_511 = vector.shape_cast %add3A_507 : vector<16xi32> to vector<16xi32>
    tpu.vector_store %arg7[%swap3A_508], %swap3A_511 {strides = array<i32>} : memref<1280xi32, #tpu.memory_space<vmem>>, vector<16xi32>,
    %get3A_512 = arith.constant 896 : index
    %get3A_513 = tpu.vector_load %arg5[%get3A_512] {strides = array<i32>} : memref<1280xi32, #tpu.memory_space<vmem>>, vector<16xi32>,
    %get3A_514 = vector.shape_cast %get3A_513 : vector<16xi32> to vector<16xi32>
    %add3A_515 = vector.broadcast %mul3A_7 : i32 to vector<16xi32>
    %add3A_516 = arith.addi %get3A_514, %add3A_515 : vector<16xi32>
    %swap3A_517 = arith.constant 896 : index
    %swap3A_518 = tpu.vector_load %arg7[%swap3A_517] {strides = array<i32>} : memref<1280xi32, #tpu.memory_space<vmem>>, vector<16xi32>,
    %swap3A_519 = vector.shape_cast %swap3A_518 : vector<16xi32> to vector<16xi32>
    %swap3A_520 = vector.shape_cast %add3A_516 : vector<16xi32> to vector<16xi32>
    tpu.vector_store %arg7[%swap3A_517], %swap3A_520 {strides = array<i32>} : memref<1280xi32, #tpu.memory_space<vmem>>, vector<16xi32>,
    %get3A_521 = arith.constant 912 : index
    %get3A_522 = tpu.vector_load %arg5[%get3A_521] {strides = array<i32>} : memref<1280xi32, #tpu.memory_space<vmem>>, vector<16xi32>,
    %get3A_523 = vector.shape_cast %get3A_522 : vector<16xi32> to vector<16xi32>
    %add3A_524 = vector.broadcast %mul3A_7 : i32 to vector<16xi32>
    %add3A_525 = arith.addi %get3A_523, %add3A_524 : vector<16xi32>
    %swap3A_526 = arith.constant 912 : index
    %swap3A_527 = tpu.vector_load %arg7[%swap3A_526] {strides = array<i32>} : memref<1280xi32, #tpu.memory_space<vmem>>, vector<16xi32>,
    %swap3A_528 = vector.shape_cast %swap3A_527 : vector<16xi32> to vector<16xi32>
    %swap3A_529 = vector.shape_cast %add3A_525 : vector<16xi32> to vector<16xi32>
    tpu.vector_store %arg7[%swap3A_526], %swap3A_529 {strides = array<i32>} : memref<1280xi32, #tpu.memory_space<vmem>>, vector<16xi32>,
    %get3A_530 = arith.constant 928 : index
    %get3A_531 = tpu.vector_load %arg5[%get3A_530] {strides = array<i32>} : memref<1280xi32, #tpu.memory_space<vmem>>, vector<16xi32>,
    %get3A_532 = vector.shape_cast %get3A_531 : vector<16xi32> to vector<16xi32>
    %add3A_533 = vector.broadcast %mul3A_7 : i32 to vector<16xi32>
    %add3A_534 = arith.addi %get3A_532, %add3A_533 : vector<16xi32>
    %swap3A_535 = arith.constant 928 : index
    %swap3A_536 = tpu.vector_load %arg7[%swap3A_535] {strides = array<i32>} : memref<1280xi32, #tpu.memory_space<vmem>>, vector<16xi32>,
    %swap3A_537 = vector.shape_cast %swap3A_536 : vector<16xi32> to vector<16xi32>
    %swap3A_538 = vector.shape_cast %add3A_534 : vector<16xi32> to vector<16xi32>
    tpu.vector_store %arg7[%swap3A_535], %swap3A_538 {strides = array<i32>} : memref<1280xi32, #tpu.memory_space<vmem>>, vector<16xi32>,
    %get3A_539 = arith.constant 944 : index
    %get3A_540 = tpu.vector_load %arg5[%get3A_539] {strides = array<i32>} : memref<1280xi32, #tpu.memory_space<vmem>>, vector<16xi32>,
    %get3A_541 = vector.shape_cast %get3A_540 : vector<16xi32> to vector<16xi32>
    %add3A_542 = vector.broadcast %mul3A_7 : i32 to vector<16xi32>
    %add3A_543 = arith.addi %get3A_541, %add3A_542 : vector<16xi32>
    %swap3A_544 = arith.constant 944 : index
    %swap3A_545 = tpu.vector_load %arg7[%swap3A_544] {strides = array<i32>} : memref<1280xi32, #tpu.memory_space<vmem>>, vector<16xi32>,
    %swap3A_546 = vector.shape_cast %swap3A_545 : vector<16xi32> to vector<16xi32>
    %swap3A_547 = vector.shape_cast %add3A_543 : vector<16xi32> to vector<16xi32>
    tpu.vector_store %arg7[%swap3A_544], %swap3A_547 {strides = array<i32>} : memref<1280xi32, #tpu.memory_space<vmem>>, vector<16xi32>,
    %get3A_548 = arith.constant 960 : index
    %get3A_549 = tpu.vector_load %arg5[%get3A_548] {strides = array<i32>} : memref<1280xi32, #tpu.memory_space<vmem>>, vector<16xi32>,
    %get3A_550 = vector.shape_cast %get3A_549 : vector<16xi32> to vector<16xi32>
    %add3A_551 = vector.broadcast %mul3A_7 : i32 to vector<16xi32>
    %add3A_552 = arith.addi %get3A_550, %add3A_551 : vector<16xi32>
    %swap3A_553 = arith.constant 960 : index
    %swap3A_554 = tpu.vector_load %arg7[%swap3A_553] {strides = array<i32>} : memref<1280xi32, #tpu.memory_space<vmem>>, vector<16xi32>,
    %swap3A_555 = vector.shape_cast %swap3A_554 : vector<16xi32> to vector<16xi32>
    %swap3A_556 = vector.shape_cast %add3A_552 : vector<16xi32> to vector<16xi32>
    tpu.vector_store %arg7[%swap3A_553], %swap3A_556 {strides = array<i32>} : memref<1280xi32, #tpu.memory_space<vmem>>, vector<16xi32>,
    %get3A_557 = arith.constant 976 : index
    %get3A_558 = tpu.vector_load %arg5[%get3A_557] {strides = array<i32>} : memref<1280xi32, #tpu.memory_space<vmem>>, vector<16xi32>,
    %get3A_559 = vector.shape_cast %get3A_558 : vector<16xi32> to vector<16xi32>
    %add3A_560 = vector.broadcast %mul3A_7 : i32 to vector<16xi32>
    %add3A_561 = arith.addi %get3A_559, %add3A_560 : vector<16xi32>
    %swap3A_562 = arith.constant 976 : index
    %swap3A_563 = tpu.vector_load %arg7[%swap3A_562] {strides = array<i32>} : memref<1280xi32, #tpu.memory_space<vmem>>, vector<16xi32>,
    %swap3A_564 = vector.shape_cast %swap3A_563 : vector<16xi32> to vector<16xi32>
    %swap3A_565 = vector.shape_cast %add3A_561 : vector<16xi32> to vector<16xi32>
    tpu.vector_store %arg7[%swap3A_562], %swap3A_565 {strides = array<i32>} : memref<1280xi32, #tpu.memory_space<vmem>>, vector<16xi32>,
    %get3A_566 = arith.constant 992 : index
    %get3A_567 = tpu.vector_load %arg5[%get3A_566] {strides = array<i32>} : memref<1280xi32, #tpu.memory_space<vmem>>, vector<16xi32>,
    %get3A_568 = vector.shape_cast %get3A_567 : vector<16xi32> to vector<16xi32>
    %add3A_569 = vector.broadcast %mul3A_7 : i32 to vector<16xi32>
    %add3A_570 = arith.addi %get3A_568, %add3A_569 : vector<16xi32>
    %swap3A_571 = arith.constant 992 : index
    %swap3A_572 = tpu.vector_load %arg7[%swap3A_571] {strides = array<i32>} : memref<1280xi32, #tpu.memory_space<vmem>>, vector<16xi32>,
    %swap3A_573 = vector.shape_cast %swap3A_572 : vector<16xi32> to vector<16xi32>
    %swap3A_574 = vector.shape_cast %add3A_570 : vector<16xi32> to vector<16xi32>
    tpu.vector_store %arg7[%swap3A_571], %swap3A_574 {strides = array<i32>} : memref<1280xi32, #tpu.memory_space<vmem>>, vector<16xi32>,
    %get3A_575 = arith.constant 1008 : index
    %get3A_576 = tpu.vector_load %arg5[%get3A_575] {strides = array<i32>} : memref<1280xi32, #tpu.memory_space<vmem>>, vector<16xi32>,
    %get3A_577 = vector.shape_cast %get3A_576 : vector<16xi32> to vector<16xi32>
    %add3A_578 = vector.broadcast %mul3A_7 : i32 to vector<16xi32>
    %add3A_579 = arith.addi %get3A_577, %add3A_578 : vector<16xi32>
    %swap3A_580 = arith.constant 1008 : index
    %swap3A_581 = tpu.vector_load %arg7[%swap3A_580] {strides = array<i32>} : memref<1280xi32, #tpu.memory_space<vmem>>, vector<16xi32>,
    %swap3A_582 = vector.shape_cast %swap3A_581 : vector<16xi32> to vector<16xi32>
    %swap3A_583 = vector.shape_cast %add3A_579 : vector<16xi32> to vector<16xi32>
    tpu.vector_store %arg7[%swap3A_580], %swap3A_583 {strides = array<i32>} : memref<1280xi32, #tpu.memory_space<vmem>>, vector<16xi32>,
    %get3A_584 = arith.constant 1024 : index
    %get3A_585 = tpu.vector_load %arg5[%get3A_584] {strides = array<i32>} : memref<1280xi32, #tpu.memory_space<vmem>>, vector<16xi32>,
    %get3A_586 = vector.shape_cast %get3A_585 : vector<16xi32> to vector<16xi32>
    %add3A_587 = vector.broadcast %mul3A_7 : i32 to vector<16xi32>
    %add3A_588 = arith.addi %get3A_586, %add3A_587 : vector<16xi32>
    %swap3A_589 = arith.constant 1024 : index
    %swap3A_590 = tpu.vector_load %arg7[%swap3A_589] {strides = array<i32>} : memref<1280xi32, #tpu.memory_space<vmem>>, vector<16xi32>,
    %swap3A_591 = vector.shape_cast %swap3A_590 : vector<16xi32> to vector<16xi32>
    %swap3A_592 = vector.shape_cast %add3A_588 : vector<16xi32> to vector<16xi32>
    tpu.vector_store %arg7[%swap3A_589], %swap3A_592 {strides = array<i32>} : memref<1280xi32, #tpu.memory_space<vmem>>, vector<16xi32>,
    %get3A_593 = arith.constant 1040 : index
    %get3A_594 = tpu.vector_load %arg5[%get3A_593] {strides = array<i32>} : memref<1280xi32, #tpu.memory_space<vmem>>, vector<16xi32>,
    %get3A_595 = vector.shape_cast %get3A_594 : vector<16xi32> to vector<16xi32>
    %add3A_596 = vector.broadcast %mul3A_7 : i32 to vector<16xi32>
    %add3A_597 = arith.addi %get3A_595, %add3A_596 : vector<16xi32>
    %swap3A_598 = arith.constant 1040 : index
    %swap3A_599 = tpu.vector_load %arg7[%swap3A_598] {strides = array<i32>} : memref<1280xi32, #tpu.memory_space<vmem>>, vector<16xi32>,
    %swap3A_600 = vector.shape_cast %swap3A_599 : vector<16xi32> to vector<16xi32>
    %swap3A_601 = vector.shape_cast %add3A_597 : vector<16xi32> to vector<16xi32>
    tpu.vector_store %arg7[%swap3A_598], %swap3A_601 {strides = array<i32>} : memref<1280xi32, #tpu.memory_space<vmem>>, vector<16xi32>,
    %get3A_602 = arith.constant 1056 : index
    %get3A_603 = tpu.vector_load %arg5[%get3A_602] {strides = array<i32>} : memref<1280xi32, #tpu.memory_space<vmem>>, vector<16xi32>,
    %get3A_604 = vector.shape_cast %get3A_603 : vector<16xi32> to vector<16xi32>
    %add3A_605 = vector.broadcast %mul3A_7 : i32 to vector<16xi32>
    %add3A_606 = arith.addi %get3A_604, %add3A_605 : vector<16xi32>
    %swap3A_607 = arith.constant 1056 : index
    %swap3A_608 = tpu.vector_load %arg7[%swap3A_607] {strides = array<i32>} : memref<1280xi32, #tpu.memory_space<vmem>>, vector<16xi32>,
    %swap3A_609 = vector.shape_cast %swap3A_608 : vector<16xi32> to vector<16xi32>
    %swap3A_610 = vector.shape_cast %add3A_606 : vector<16xi32> to vector<16xi32>
    tpu.vector_store %arg7[%swap3A_607], %swap3A_610 {strides = array<i32>} : memref<1280xi32, #tpu.memory_space<vmem>>, vector<16xi32>,
    %get3A_611 = arith.constant 1072 : index
    %get3A_612 = tpu.vector_load %arg5[%get3A_611] {strides = array<i32>} : memref<1280xi32, #tpu.memory_space<vmem>>, vector<16xi32>,
    %get3A_613 = vector.shape_cast %get3A_612 : vector<16xi32> to vector<16xi32>
    %add3A_614 = vector.broadcast %mul3A_7 : i32 to vector<16xi32>
    %add3A_615 = arith.addi %get3A_613, %add3A_614 : vector<16xi32>
    %swap3A_616 = arith.constant 1072 : index
    %swap3A_617 = tpu.vector_load %arg7[%swap3A_616] {strides = array<i32>} : memref<1280xi32, #tpu.memory_space<vmem>>, vector<16xi32>,
    %swap3A_618 = vector.shape_cast %swap3A_617 : vector<16xi32> to vector<16xi32>
    %swap3A_619 = vector.shape_cast %add3A_615 : vector<16xi32> to vector<16xi32>
    tpu.vector_store %arg7[%swap3A_616], %swap3A_619 {strides = array<i32>} : memref<1280xi32, #tpu.memory_space<vmem>>, vector<16xi32>,
    %get3A_620 = arith.constant 1088 : index
    %get3A_621 = tpu.vector_load %arg5[%get3A_620] {strides = array<i32>} : memref<1280xi32, #tpu.memory_space<vmem>>, vector<16xi32>,
    %get3A_622 = vector.shape_cast %get3A_621 : vector<16xi32> to vector<16xi32>
    %add3A_623 = vector.broadcast %mul3A_7 : i32 to vector<16xi32>
    %add3A_624 = arith.addi %get3A_622, %add3A_623 : vector<16xi32>
    %swap3A_625 = arith.constant 1088 : index
    %swap3A_626 = tpu.vector_load %arg7[%swap3A_625] {strides = array<i32>} : memref<1280xi32, #tpu.memory_space<vmem>>, vector<16xi32>,
    %swap3A_627 = vector.shape_cast %swap3A_626 : vector<16xi32> to vector<16xi32>
    %swap3A_628 = vector.shape_cast %add3A_624 : vector<16xi32> to vector<16xi32>
    tpu.vector_store %arg7[%swap3A_625], %swap3A_628 {strides = array<i32>} : memref<1280xi32, #tpu.memory_space<vmem>>, vector<16xi32>,
    %get3A_629 = arith.constant 1104 : index
    %get3A_630 = tpu.vector_load %arg5[%get3A_629] {strides = array<i32>} : memref<1280xi32, #tpu.memory_space<vmem>>, vector<16xi32>,
    %get3A_631 = vector.shape_cast %get3A_630 : vector<16xi32> to vector<16xi32>
    %add3A_632 = vector.broadcast %mul3A_7 : i32 to vector<16xi32>
    %add3A_633 = arith.addi %get3A_631, %add3A_632 : vector<16xi32>
    %swap3A_634 = arith.constant 1104 : index
    %swap3A_635 = tpu.vector_load %arg7[%swap3A_634] {strides = array<i32>} : memref<1280xi32, #tpu.memory_space<vmem>>, vector<16xi32>,
    %swap3A_636 = vector.shape_cast %swap3A_635 : vector<16xi32> to vector<16xi32>
    %swap3A_637 = vector.shape_cast %add3A_633 : vector<16xi32> to vector<16xi32>
    tpu.vector_store %arg7[%swap3A_634], %swap3A_637 {strides = array<i32>} : memref<1280xi32, #tpu.memory_space<vmem>>, vector<16xi32>,
    %get3A_638 = arith.constant 1120 : index
    %get3A_639 = tpu.vector_load %arg5[%get3A_638] {strides = array<i32>} : memref<1280xi32, #tpu.memory_space<vmem>>, vector<16xi32>,
    %get3A_640 = vector.shape_cast %get3A_639 : vector<16xi32> to vector<16xi32>
    %add3A_641 = vector.broadcast %mul3A_7 : i32 to vector<16xi32>
    %add3A_642 = arith.addi %get3A_640, %add3A_641 : vector<16xi32>
    %swap3A_643 = arith.constant 1120 : index
    %swap3A_644 = tpu.vector_load %arg7[%swap3A_643] {strides = array<i32>} : memref<1280xi32, #tpu.memory_space<vmem>>, vector<16xi32>,
    %swap3A_645 = vector.shape_cast %swap3A_644 : vector<16xi32> to vector<16xi32>
    %swap3A_646 = vector.shape_cast %add3A_642 : vector<16xi32> to vector<16xi32>
    tpu.vector_store %arg7[%swap3A_643], %swap3A_646 {strides = array<i32>} : memref<1280xi32, #tpu.memory_space<vmem>>, vector<16xi32>,
    %get3A_647 = arith.constant 1136 : index
    %get3A_648 = tpu.vector_load %arg5[%get3A_647] {strides = array<i32>} : memref<1280xi32, #tpu.memory_space<vmem>>, vector<16xi32>,
    %get3A_649 = vector.shape_cast %get3A_648 : vector<16xi32> to vector<16xi32>
    %add3A_650 = vector.broadcast %mul3A_7 : i32 to vector<16xi32>
    %add3A_651 = arith.addi %get3A_649, %add3A_650 : vector<16xi32>
    %swap3A_652 = arith.constant 1136 : index
    %swap3A_653 = tpu.vector_load %arg7[%swap3A_652] {strides = array<i32>} : memref<1280xi32, #tpu.memory_space<vmem>>, vector<16xi32>,
    %swap3A_654 = vector.shape_cast %swap3A_653 : vector<16xi32> to vector<16xi32>
    %swap3A_655 = vector.shape_cast %add3A_651 : vector<16xi32> to vector<16xi32>
    tpu.vector_store %arg7[%swap3A_652], %swap3A_655 {strides = array<i32>} : memref<1280xi32, #tpu.memory_space<vmem>>, vector<16xi32>,
    %get3A_656 = arith.constant 1152 : index
    %get3A_657 = tpu.vector_load %arg5[%get3A_656] {strides = array<i32>} : memref<1280xi32, #tpu.memory_space<vmem>>, vector<16xi32>,
    %get3A_658 = vector.shape_cast %get3A_657 : vector<16xi32> to vector<16xi32>
    %add3A_659 = vector.broadcast %mul3A_7 : i32 to vector<16xi32>
    %add3A_660 = arith.addi %get3A_658, %add3A_659 : vector<16xi32>
    %swap3A_661 = arith.constant 1152 : index
    %swap3A_662 = tpu.vector_load %arg7[%swap3A_661] {strides = array<i32>} : memref<1280xi32, #tpu.memory_space<vmem>>, vector<16xi32>,
    %swap3A_663 = vector.shape_cast %swap3A_662 : vector<16xi32> to vector<16xi32>
    %swap3A_664 = vector.shape_cast %add3A_660 : vector<16xi32> to vector<16xi32>
    tpu.vector_store %arg7[%swap3A_661], %swap3A_664 {strides = array<i32>} : memref<1280xi32, #tpu.memory_space<vmem>>, vector<16xi32>,
    %get3A_665 = arith.constant 1168 : index
    %get3A_666 = tpu.vector_load %arg5[%get3A_665] {strides = array<i32>} : memref<1280xi32, #tpu.memory_space<vmem>>, vector<16xi32>,
    %get3A_667 = vector.shape_cast %get3A_666 : vector<16xi32> to vector<16xi32>
    %add3A_668 = vector.broadcast %mul3A_7 : i32 to vector<16xi32>
    %add3A_669 = arith.addi %get3A_667, %add3A_668 : vector<16xi32>
    %swap3A_670 = arith.constant 1168 : index
    %swap3A_671 = tpu.vector_load %arg7[%swap3A_670] {strides = array<i32>} : memref<1280xi32, #tpu.memory_space<vmem>>, vector<16xi32>,
    %swap3A_672 = vector.shape_cast %swap3A_671 : vector<16xi32> to vector<16xi32>
    %swap3A_673 = vector.shape_cast %add3A_669 : vector<16xi32> to vector<16xi32>
    tpu.vector_store %arg7[%swap3A_670], %swap3A_673 {strides = array<i32>} : memref<1280xi32, #tpu.memory_space<vmem>>, vector<16xi32>,
    %get3A_674 = arith.constant 1184 : index
    %get3A_675 = tpu.vector_load %arg5[%get3A_674] {strides = array<i32>} : memref<1280xi32, #tpu.memory_space<vmem>>, vector<16xi32>,
    %get3A_676 = vector.shape_cast %get3A_675 : vector<16xi32> to vector<16xi32>
    %add3A_677 = vector.broadcast %mul3A_7 : i32 to vector<16xi32>
    %add3A_678 = arith.addi %get3A_676, %add3A_677 : vector<16xi32>
    %swap3A_679 = arith.constant 1184 : index
    %swap3A_680 = tpu.vector_load %arg7[%swap3A_679] {strides = array<i32>} : memref<1280xi32, #tpu.memory_space<vmem>>, vector<16xi32>,
    %swap3A_681 = vector.shape_cast %swap3A_680 : vector<16xi32> to vector<16xi32>
    %swap3A_682 = vector.shape_cast %add3A_678 : vector<16xi32> to vector<16xi32>
    tpu.vector_store %arg7[%swap3A_679], %swap3A_682 {strides = array<i32>} : memref<1280xi32, #tpu.memory_space<vmem>>, vector<16xi32>,
    %get3A_683 = arith.constant 1200 : index
    %get3A_684 = tpu.vector_load %arg5[%get3A_683] {strides = array<i32>} : memref<1280xi32, #tpu.memory_space<vmem>>, vector<16xi32>,
    %get3A_685 = vector.shape_cast %get3A_684 : vector<16xi32> to vector<16xi32>
    %add3A_686 = vector.broadcast %mul3A_7 : i32 to vector<16xi32>
    %add3A_687 = arith.addi %get3A_685, %add3A_686 : vector<16xi32>
    %swap3A_688 = arith.constant 1200 : index
    %swap3A_689 = tpu.vector_load %arg7[%swap3A_688] {strides = array<i32>} : memref<1280xi32, #tpu.memory_space<vmem>>, vector<16xi32>,
    %swap3A_690 = vector.shape_cast %swap3A_689 : vector<16xi32> to vector<16xi32>
    %swap3A_691 = vector.shape_cast %add3A_687 : vector<16xi32> to vector<16xi32>
    tpu.vector_store %arg7[%swap3A_688], %swap3A_691 {strides = array<i32>} : memref<1280xi32, #tpu.memory_space<vmem>>, vector<16xi32>,
    %get3A_692 = arith.constant 1216 : index
    %get3A_693 = tpu.vector_load %arg5[%get3A_692] {strides = array<i32>} : memref<1280xi32, #tpu.memory_space<vmem>>, vector<16xi32>,
    %get3A_694 = vector.shape_cast %get3A_693 : vector<16xi32> to vector<16xi32>
    %add3A_695 = vector.broadcast %mul3A_7 : i32 to vector<16xi32>
    %add3A_696 = arith.addi %get3A_694, %add3A_695 : vector<16xi32>
    %swap3A_697 = arith.constant 1216 : index
    %swap3A_698 = tpu.vector_load %arg7[%swap3A_697] {strides = array<i32>} : memref<1280xi32, #tpu.memory_space<vmem>>, vector<16xi32>,
    %swap3A_699 = vector.shape_cast %swap3A_698 : vector<16xi32> to vector<16xi32>
    %swap3A_700 = vector.shape_cast %add3A_696 : vector<16xi32> to vector<16xi32>
    tpu.vector_store %arg7[%swap3A_697], %swap3A_700 {strides = array<i32>} : memref<1280xi32, #tpu.memory_space<vmem>>, vector<16xi32>,
    %get3A_701 = arith.constant 1232 : index
    %get3A_702 = tpu.vector_load %arg5[%get3A_701] {strides = array<i32>} : memref<1280xi32, #tpu.memory_space<vmem>>, vector<16xi32>,
    %get3A_703 = vector.shape_cast %get3A_702 : vector<16xi32> to vector<16xi32>
    %add3A_704 = vector.broadcast %mul3A_7 : i32 to vector<16xi32>
    %add3A_705 = arith.addi %get3A_703, %add3A_704 : vector<16xi32>
    %swap3A_706 = arith.constant 1232 : index
    %swap3A_707 = tpu.vector_load %arg7[%swap3A_706] {strides = array<i32>} : memref<1280xi32, #tpu.memory_space<vmem>>, vector<16xi32>,
    %swap3A_708 = vector.shape_cast %swap3A_707 : vector<16xi32> to vector<16xi32>
    %swap3A_709 = vector.shape_cast %add3A_705 : vector<16xi32> to vector<16xi32>
    tpu.vector_store %arg7[%swap3A_706], %swap3A_709 {strides = array<i32>} : memref<1280xi32, #tpu.memory_space<vmem>>, vector<16xi32>,
    %get3A_710 = arith.constant 1248 : index
    %get3A_711 = tpu.vector_load %arg5[%get3A_710] {strides = array<i32>} : memref<1280xi32, #tpu.memory_space<vmem>>, vector<16xi32>,
    %get3A_712 = vector.shape_cast %get3A_711 : vector<16xi32> to vector<16xi32>
    %add3A_713 = vector.broadcast %mul3A_7 : i32 to vector<16xi32>
    %add3A_714 = arith.addi %get3A_712, %add3A_713 : vector<16xi32>
    %swap3A_715 = arith.constant 1248 : index
    %swap3A_716 = tpu.vector_load %arg7[%swap3A_715] {strides = array<i32>} : memref<1280xi32, #tpu.memory_space<vmem>>, vector<16xi32>,
    %swap3A_717 = vector.shape_cast %swap3A_716 : vector<16xi32> to vector<16xi32>
    %swap3A_718 = vector.shape_cast %add3A_714 : vector<16xi32> to vector<16xi32>
    tpu.vector_store %arg7[%swap3A_715], %swap3A_718 {strides = array<i32>} : memref<1280xi32, #tpu.memory_space<vmem>>, vector<16xi32>,
    %get3A_719 = arith.constant 1264 : index
    %get3A_720 = tpu.vector_load %arg5[%get3A_719] {strides = array<i32>} : memref<1280xi32, #tpu.memory_space<vmem>>, vector<16xi32>,
    %get3A_721 = vector.shape_cast %get3A_720 : vector<16xi32> to vector<16xi32>
    %add3A_722 = vector.broadcast %mul3A_7 : i32 to vector<16xi32>
    %add3A_723 = arith.addi %get3A_721, %add3A_722 : vector<16xi32>
    %swap3A_724 = arith.constant 1264 : index
    %swap3A_725 = tpu.vector_load %arg7[%swap3A_724] {strides = array<i32>} : memref<1280xi32, #tpu.memory_space<vmem>>, vector<16xi32>,
    %swap3A_726 = vector.shape_cast %swap3A_725 : vector<16xi32> to vector<16xi32>
    %swap3A_727 = vector.shape_cast %add3A_723 : vector<16xi32> to vector<16xi32>
    tpu.vector_store %arg7[%swap3A_724], %swap3A_727 {strides = array<i32>} : memref<1280xi32, #tpu.memory_space<vmem>>, vector<16xi32>,
    %dma_start3A = arith.constant 0 : i32
    %dma_start3A_728 = arith.constant 0 : i32
    %dma_start3A_729 = tpu.memref_slice %arg2[%dma_start3A, %dma_start3A_728] : memref<2600000x32xf32, #tpu.memory_space<hbm>> -> memref<2600000x32xf32, #tpu.memory_space<hbm>>
    tpu.enqueue_indirect_dma source(%dma_start3A_729 : memref<2600000x32xf32, #tpu.memory_space<hbm>>) target(%arg9 : memref<1280x32xf32, #tpu.memory_space<vmem>>) offsets(%arg7 : memref<1280xi32, #tpu.memory_space<vmem>>) semaphore(%arg13 : memref<!tpu.dma_semaphore, #tpu.memory_space<semaphore_mem>>)
    %scan3A = arith.constant 0 : i32
    %scan3A_730 = arith.constant 0 : i32
    %scan3A_731 = arith.constant 26 : i32
    %scan3A_732 = arith.addi %scan3A_730, %scan3A_731 : i32
    %scan3A_733 = arith.constant 1 : i32
    scf.for %scan3A_735 = %scan3A_730 to %scan3A_732 step %scan3A_733  : i32 {
      %mul3A_736 = arith.constant 2 : i32
      %mul3A_737 = arith.muli %scan3A_735, %mul3A_736 : i32
      %add3A_738 = arith.constant 1 : i32
      %add3A_739 = arith.addi %mul3A_737, %add3A_738 : i32
      %mul3A_740 = arith.constant 64 : i32
      %mul3A_741 = arith.muli %add3A_739, %mul3A_740 : i32
      %add3A_742 = arith.addi %mul3A_2, %mul3A_741 : i32
      %shift_right_arithmetic3A_743 = arith.constant 12 : i32
      %shift_right_arithmetic3A_744 = arith.shrsi %add3A_742, %shift_right_arithmetic3A_743 : i32
      %mul3A_745 = arith.constant 100000 : i32
      %mul3A_746 = arith.muli %shift_right_arithmetic3A_744, %mul3A_745 : i32
      %mul3A_747 = arith.constant 20 : i32
      %mul3A_748 = arith.muli %add3A_742, %mul3A_747 : i32
      "tpu.region"() ({
        %run_scoped3A = tpu.sem_alloc : memref<!tpu.dma_semaphore, #tpu.memory_space<semaphore_mem>>
        %dma_start3A_1505 = tpu.memref_slice %arg3[%mul3A_748] : memref<2129920xi32, #tpu.memory_space<hbm>> -> memref<1280xi32, #tpu.memory_space<hbm>>
        %dma_start3A_1506 = tpu.memref_slice %arg3[%mul3A_748] : memref<2129920xi32, #tpu.memory_space<hbm>> -> memref<1280xi32, #tpu.memory_space<hbm>>
        tpu.enqueue_dma source(%dma_start3A_1506 : memref<1280xi32, #tpu.memory_space<hbm>>) target(%arg6 : memref<1280xi32, #tpu.memory_space<vmem>>) target_semaphore(%run_scoped3A : memref<!tpu.dma_semaphore, #tpu.memory_space<semaphore_mem>>)
        %dma_wait3A_1507 = tpu.memref_slice %arg3[%mul3A_748] : memref<2129920xi32, #tpu.memory_space<hbm>> -> memref<1280xi32, #tpu.memory_space<hbm>>
        %dma_wait3A_1508 = tpu.memref_slice %arg3[%mul3A_748] : memref<2129920xi32, #tpu.memory_space<hbm>> -> memref<1280xi32, #tpu.memory_space<hbm>>
        tpu.wait_dma2 semaphore(%run_scoped3A : memref<!tpu.dma_semaphore, #tpu.memory_space<semaphore_mem>>) src(%dma_wait3A_1508 : memref<1280xi32, #tpu.memory_space<hbm>>) dst(%arg6 : memref<1280xi32, #tpu.memory_space<vmem>>)
        tpu.yield
      }) : () -> ()
      %get3A_749 = arith.constant 0 : index
      %get3A_750 = tpu.vector_load %arg6[%get3A_749] {strides = array<i32>} : memref<1280xi32, #tpu.memory_space<vmem>>, vector<16xi32>,
      %get3A_751 = vector.shape_cast %get3A_750 : vector<16xi32> to vector<16xi32>
      %add3A_752 = vector.broadcast %mul3A_746 : i32 to vector<16xi32>
      %add3A_753 = arith.addi %get3A_751, %add3A_752 : vector<16xi32>
      %swap3A_754 = arith.constant 0 : index
      %swap3A_755 = tpu.vector_load %arg8[%swap3A_754] {strides = array<i32>} : memref<1280xi32, #tpu.memory_space<vmem>>, vector<16xi32>,
      %swap3A_756 = vector.shape_cast %swap3A_755 : vector<16xi32> to vector<16xi32>
      %swap3A_757 = vector.shape_cast %add3A_753 : vector<16xi32> to vector<16xi32>
      tpu.vector_store %arg8[%swap3A_754], %swap3A_757 {strides = array<i32>} : memref<1280xi32, #tpu.memory_space<vmem>>, vector<16xi32>,
      %get3A_758 = arith.constant 16 : index
      %get3A_759 = tpu.vector_load %arg6[%get3A_758] {strides = array<i32>} : memref<1280xi32, #tpu.memory_space<vmem>>, vector<16xi32>,
      %get3A_760 = vector.shape_cast %get3A_759 : vector<16xi32> to vector<16xi32>
      %add3A_761 = vector.broadcast %mul3A_746 : i32 to vector<16xi32>
      %add3A_762 = arith.addi %get3A_760, %add3A_761 : vector<16xi32>
      %swap3A_763 = arith.constant 16 : index
      %swap3A_764 = tpu.vector_load %arg8[%swap3A_763] {strides = array<i32>} : memref<1280xi32, #tpu.memory_space<vmem>>, vector<16xi32>,
      %swap3A_765 = vector.shape_cast %swap3A_764 : vector<16xi32> to vector<16xi32>
      %swap3A_766 = vector.shape_cast %add3A_762 : vector<16xi32> to vector<16xi32>
      tpu.vector_store %arg8[%swap3A_763], %swap3A_766 {strides = array<i32>} : memref<1280xi32, #tpu.memory_space<vmem>>, vector<16xi32>,
      %get3A_767 = arith.constant 32 : index
      %get3A_768 = tpu.vector_load %arg6[%get3A_767] {strides = array<i32>} : memref<1280xi32, #tpu.memory_space<vmem>>, vector<16xi32>,
      %get3A_769 = vector.shape_cast %get3A_768 : vector<16xi32> to vector<16xi32>
      %add3A_770 = vector.broadcast %mul3A_746 : i32 to vector<16xi32>
      %add3A_771 = arith.addi %get3A_769, %add3A_770 : vector<16xi32>
      %swap3A_772 = arith.constant 32 : index
      %swap3A_773 = tpu.vector_load %arg8[%swap3A_772] {strides = array<i32>} : memref<1280xi32, #tpu.memory_space<vmem>>, vector<16xi32>,
      %swap3A_774 = vector.shape_cast %swap3A_773 : vector<16xi32> to vector<16xi32>
      %swap3A_775 = vector.shape_cast %add3A_771 : vector<16xi32> to vector<16xi32>
      tpu.vector_store %arg8[%swap3A_772], %swap3A_775 {strides = array<i32>} : memref<1280xi32, #tpu.memory_space<vmem>>, vector<16xi32>,
      %get3A_776 = arith.constant 48 : index
      %get3A_777 = tpu.vector_load %arg6[%get3A_776] {strides = array<i32>} : memref<1280xi32, #tpu.memory_space<vmem>>, vector<16xi32>,
      %get3A_778 = vector.shape_cast %get3A_777 : vector<16xi32> to vector<16xi32>
      %add3A_779 = vector.broadcast %mul3A_746 : i32 to vector<16xi32>
      %add3A_780 = arith.addi %get3A_778, %add3A_779 : vector<16xi32>
      %swap3A_781 = arith.constant 48 : index
      %swap3A_782 = tpu.vector_load %arg8[%swap3A_781] {strides = array<i32>} : memref<1280xi32, #tpu.memory_space<vmem>>, vector<16xi32>,
      %swap3A_783 = vector.shape_cast %swap3A_782 : vector<16xi32> to vector<16xi32>
      %swap3A_784 = vector.shape_cast %add3A_780 : vector<16xi32> to vector<16xi32>
      tpu.vector_store %arg8[%swap3A_781], %swap3A_784 {strides = array<i32>} : memref<1280xi32, #tpu.memory_space<vmem>>, vector<16xi32>,
      %get3A_785 = arith.constant 64 : index
      %get3A_786 = tpu.vector_load %arg6[%get3A_785] {strides = array<i32>} : memref<1280xi32, #tpu.memory_space<vmem>>, vector<16xi32>,
      %get3A_787 = vector.shape_cast %get3A_786 : vector<16xi32> to vector<16xi32>
      %add3A_788 = vector.broadcast %mul3A_746 : i32 to vector<16xi32>
      %add3A_789 = arith.addi %get3A_787, %add3A_788 : vector<16xi32>
      %swap3A_790 = arith.constant 64 : index
      %swap3A_791 = tpu.vector_load %arg8[%swap3A_790] {strides = array<i32>} : memref<1280xi32, #tpu.memory_space<vmem>>, vector<16xi32>,
      %swap3A_792 = vector.shape_cast %swap3A_791 : vector<16xi32> to vector<16xi32>
      %swap3A_793 = vector.shape_cast %add3A_789 : vector<16xi32> to vector<16xi32>
      tpu.vector_store %arg8[%swap3A_790], %swap3A_793 {strides = array<i32>} : memref<1280xi32, #tpu.memory_space<vmem>>, vector<16xi32>,
      %get3A_794 = arith.constant 80 : index
      %get3A_795 = tpu.vector_load %arg6[%get3A_794] {strides = array<i32>} : memref<1280xi32, #tpu.memory_space<vmem>>, vector<16xi32>,
      %get3A_796 = vector.shape_cast %get3A_795 : vector<16xi32> to vector<16xi32>
      %add3A_797 = vector.broadcast %mul3A_746 : i32 to vector<16xi32>
      %add3A_798 = arith.addi %get3A_796, %add3A_797 : vector<16xi32>
      %swap3A_799 = arith.constant 80 : index
      %swap3A_800 = tpu.vector_load %arg8[%swap3A_799] {strides = array<i32>} : memref<1280xi32, #tpu.memory_space<vmem>>, vector<16xi32>,
      %swap3A_801 = vector.shape_cast %swap3A_800 : vector<16xi32> to vector<16xi32>
      %swap3A_802 = vector.shape_cast %add3A_798 : vector<16xi32> to vector<16xi32>
      tpu.vector_store %arg8[%swap3A_799], %swap3A_802 {strides = array<i32>} : memref<1280xi32, #tpu.memory_space<vmem>>, vector<16xi32>,
      %get3A_803 = arith.constant 96 : index
      %get3A_804 = tpu.vector_load %arg6[%get3A_803] {strides = array<i32>} : memref<1280xi32, #tpu.memory_space<vmem>>, vector<16xi32>,
      %get3A_805 = vector.shape_cast %get3A_804 : vector<16xi32> to vector<16xi32>
      %add3A_806 = vector.broadcast %mul3A_746 : i32 to vector<16xi32>
      %add3A_807 = arith.addi %get3A_805, %add3A_806 : vector<16xi32>
      %swap3A_808 = arith.constant 96 : index
      %swap3A_809 = tpu.vector_load %arg8[%swap3A_808] {strides = array<i32>} : memref<1280xi32, #tpu.memory_space<vmem>>, vector<16xi32>,
      %swap3A_810 = vector.shape_cast %swap3A_809 : vector<16xi32> to vector<16xi32>
      %swap3A_811 = vector.shape_cast %add3A_807 : vector<16xi32> to vector<16xi32>
      tpu.vector_store %arg8[%swap3A_808], %swap3A_811 {strides = array<i32>} : memref<1280xi32, #tpu.memory_space<vmem>>, vector<16xi32>,
      %get3A_812 = arith.constant 112 : index
      %get3A_813 = tpu.vector_load %arg6[%get3A_812] {strides = array<i32>} : memref<1280xi32, #tpu.memory_space<vmem>>, vector<16xi32>,
      %get3A_814 = vector.shape_cast %get3A_813 : vector<16xi32> to vector<16xi32>
      %add3A_815 = vector.broadcast %mul3A_746 : i32 to vector<16xi32>
      %add3A_816 = arith.addi %get3A_814, %add3A_815 : vector<16xi32>
      %swap3A_817 = arith.constant 112 : index
      %swap3A_818 = tpu.vector_load %arg8[%swap3A_817] {strides = array<i32>} : memref<1280xi32, #tpu.memory_space<vmem>>, vector<16xi32>,
      %swap3A_819 = vector.shape_cast %swap3A_818 : vector<16xi32> to vector<16xi32>
      %swap3A_820 = vector.shape_cast %add3A_816 : vector<16xi32> to vector<16xi32>
      tpu.vector_store %arg8[%swap3A_817], %swap3A_820 {strides = array<i32>} : memref<1280xi32, #tpu.memory_space<vmem>>, vector<16xi32>,
      %get3A_821 = arith.constant 128 : index
      %get3A_822 = tpu.vector_load %arg6[%get3A_821] {strides = array<i32>} : memref<1280xi32, #tpu.memory_space<vmem>>, vector<16xi32>,
      %get3A_823 = vector.shape_cast %get3A_822 : vector<16xi32> to vector<16xi32>
      %add3A_824 = vector.broadcast %mul3A_746 : i32 to vector<16xi32>
      %add3A_825 = arith.addi %get3A_823, %add3A_824 : vector<16xi32>
      %swap3A_826 = arith.constant 128 : index
      %swap3A_827 = tpu.vector_load %arg8[%swap3A_826] {strides = array<i32>} : memref<1280xi32, #tpu.memory_space<vmem>>, vector<16xi32>,
      %swap3A_828 = vector.shape_cast %swap3A_827 : vector<16xi32> to vector<16xi32>
      %swap3A_829 = vector.shape_cast %add3A_825 : vector<16xi32> to vector<16xi32>
      tpu.vector_store %arg8[%swap3A_826], %swap3A_829 {strides = array<i32>} : memref<1280xi32, #tpu.memory_space<vmem>>, vector<16xi32>,
      %get3A_830 = arith.constant 144 : index
      %get3A_831 = tpu.vector_load %arg6[%get3A_830] {strides = array<i32>} : memref<1280xi32, #tpu.memory_space<vmem>>, vector<16xi32>,
      %get3A_832 = vector.shape_cast %get3A_831 : vector<16xi32> to vector<16xi32>
      %add3A_833 = vector.broadcast %mul3A_746 : i32 to vector<16xi32>
      %add3A_834 = arith.addi %get3A_832, %add3A_833 : vector<16xi32>
      %swap3A_835 = arith.constant 144 : index
      %swap3A_836 = tpu.vector_load %arg8[%swap3A_835] {strides = array<i32>} : memref<1280xi32, #tpu.memory_space<vmem>>, vector<16xi32>,
      %swap3A_837 = vector.shape_cast %swap3A_836 : vector<16xi32> to vector<16xi32>
      %swap3A_838 = vector.shape_cast %add3A_834 : vector<16xi32> to vector<16xi32>
      tpu.vector_store %arg8[%swap3A_835], %swap3A_838 {strides = array<i32>} : memref<1280xi32, #tpu.memory_space<vmem>>, vector<16xi32>,
      %get3A_839 = arith.constant 160 : index
      %get3A_840 = tpu.vector_load %arg6[%get3A_839] {strides = array<i32>} : memref<1280xi32, #tpu.memory_space<vmem>>, vector<16xi32>,
      %get3A_841 = vector.shape_cast %get3A_840 : vector<16xi32> to vector<16xi32>
      %add3A_842 = vector.broadcast %mul3A_746 : i32 to vector<16xi32>
      %add3A_843 = arith.addi %get3A_841, %add3A_842 : vector<16xi32>
      %swap3A_844 = arith.constant 160 : index
      %swap3A_845 = tpu.vector_load %arg8[%swap3A_844] {strides = array<i32>} : memref<1280xi32, #tpu.memory_space<vmem>>, vector<16xi32>,
      %swap3A_846 = vector.shape_cast %swap3A_845 : vector<16xi32> to vector<16xi32>
      %swap3A_847 = vector.shape_cast %add3A_843 : vector<16xi32> to vector<16xi32>
      tpu.vector_store %arg8[%swap3A_844], %swap3A_847 {strides = array<i32>} : memref<1280xi32, #tpu.memory_space<vmem>>, vector<16xi32>,
      %get3A_848 = arith.constant 176 : index
      %get3A_849 = tpu.vector_load %arg6[%get3A_848] {strides = array<i32>} : memref<1280xi32, #tpu.memory_space<vmem>>, vector<16xi32>,
      %get3A_850 = vector.shape_cast %get3A_849 : vector<16xi32> to vector<16xi32>
      %add3A_851 = vector.broadcast %mul3A_746 : i32 to vector<16xi32>
      %add3A_852 = arith.addi %get3A_850, %add3A_851 : vector<16xi32>
      %swap3A_853 = arith.constant 176 : index
      %swap3A_854 = tpu.vector_load %arg8[%swap3A_853] {strides = array<i32>} : memref<1280xi32, #tpu.memory_space<vmem>>, vector<16xi32>,
      %swap3A_855 = vector.shape_cast %swap3A_854 : vector<16xi32> to vector<16xi32>
      %swap3A_856 = vector.shape_cast %add3A_852 : vector<16xi32> to vector<16xi32>
      tpu.vector_store %arg8[%swap3A_853], %swap3A_856 {strides = array<i32>} : memref<1280xi32, #tpu.memory_space<vmem>>, vector<16xi32>,
      %get3A_857 = arith.constant 192 : index
      %get3A_858 = tpu.vector_load %arg6[%get3A_857] {strides = array<i32>} : memref<1280xi32, #tpu.memory_space<vmem>>, vector<16xi32>,
      %get3A_859 = vector.shape_cast %get3A_858 : vector<16xi32> to vector<16xi32>
      %add3A_860 = vector.broadcast %mul3A_746 : i32 to vector<16xi32>
      %add3A_861 = arith.addi %get3A_859, %add3A_860 : vector<16xi32>
      %swap3A_862 = arith.constant 192 : index
      %swap3A_863 = tpu.vector_load %arg8[%swap3A_862] {strides = array<i32>} : memref<1280xi32, #tpu.memory_space<vmem>>, vector<16xi32>,
      %swap3A_864 = vector.shape_cast %swap3A_863 : vector<16xi32> to vector<16xi32>
      %swap3A_865 = vector.shape_cast %add3A_861 : vector<16xi32> to vector<16xi32>
      tpu.vector_store %arg8[%swap3A_862], %swap3A_865 {strides = array<i32>} : memref<1280xi32, #tpu.memory_space<vmem>>, vector<16xi32>,
      %get3A_866 = arith.constant 208 : index
      %get3A_867 = tpu.vector_load %arg6[%get3A_866] {strides = array<i32>} : memref<1280xi32, #tpu.memory_space<vmem>>, vector<16xi32>,
      %get3A_868 = vector.shape_cast %get3A_867 : vector<16xi32> to vector<16xi32>
      %add3A_869 = vector.broadcast %mul3A_746 : i32 to vector<16xi32>
      %add3A_870 = arith.addi %get3A_868, %add3A_869 : vector<16xi32>
      %swap3A_871 = arith.constant 208 : index
      %swap3A_872 = tpu.vector_load %arg8[%swap3A_871] {strides = array<i32>} : memref<1280xi32, #tpu.memory_space<vmem>>, vector<16xi32>,
      %swap3A_873 = vector.shape_cast %swap3A_872 : vector<16xi32> to vector<16xi32>
      %swap3A_874 = vector.shape_cast %add3A_870 : vector<16xi32> to vector<16xi32>
      tpu.vector_store %arg8[%swap3A_871], %swap3A_874 {strides = array<i32>} : memref<1280xi32, #tpu.memory_space<vmem>>, vector<16xi32>,
      %get3A_875 = arith.constant 224 : index
      %get3A_876 = tpu.vector_load %arg6[%get3A_875] {strides = array<i32>} : memref<1280xi32, #tpu.memory_space<vmem>>, vector<16xi32>,
      %get3A_877 = vector.shape_cast %get3A_876 : vector<16xi32> to vector<16xi32>
      %add3A_878 = vector.broadcast %mul3A_746 : i32 to vector<16xi32>
      %add3A_879 = arith.addi %get3A_877, %add3A_878 : vector<16xi32>
      %swap3A_880 = arith.constant 224 : index
      %swap3A_881 = tpu.vector_load %arg8[%swap3A_880] {strides = array<i32>} : memref<1280xi32, #tpu.memory_space<vmem>>, vector<16xi32>,
      %swap3A_882 = vector.shape_cast %swap3A_881 : vector<16xi32> to vector<16xi32>
      %swap3A_883 = vector.shape_cast %add3A_879 : vector<16xi32> to vector<16xi32>
      tpu.vector_store %arg8[%swap3A_880], %swap3A_883 {strides = array<i32>} : memref<1280xi32, #tpu.memory_space<vmem>>, vector<16xi32>,
      %get3A_884 = arith.constant 240 : index
      %get3A_885 = tpu.vector_load %arg6[%get3A_884] {strides = array<i32>} : memref<1280xi32, #tpu.memory_space<vmem>>, vector<16xi32>,
      %get3A_886 = vector.shape_cast %get3A_885 : vector<16xi32> to vector<16xi32>
      %add3A_887 = vector.broadcast %mul3A_746 : i32 to vector<16xi32>
      %add3A_888 = arith.addi %get3A_886, %add3A_887 : vector<16xi32>
      %swap3A_889 = arith.constant 240 : index
      %swap3A_890 = tpu.vector_load %arg8[%swap3A_889] {strides = array<i32>} : memref<1280xi32, #tpu.memory_space<vmem>>, vector<16xi32>,
      %swap3A_891 = vector.shape_cast %swap3A_890 : vector<16xi32> to vector<16xi32>
      %swap3A_892 = vector.shape_cast %add3A_888 : vector<16xi32> to vector<16xi32>
      tpu.vector_store %arg8[%swap3A_889], %swap3A_892 {strides = array<i32>} : memref<1280xi32, #tpu.memory_space<vmem>>, vector<16xi32>,
      %get3A_893 = arith.constant 256 : index
      %get3A_894 = tpu.vector_load %arg6[%get3A_893] {strides = array<i32>} : memref<1280xi32, #tpu.memory_space<vmem>>, vector<16xi32>,
      %get3A_895 = vector.shape_cast %get3A_894 : vector<16xi32> to vector<16xi32>
      %add3A_896 = vector.broadcast %mul3A_746 : i32 to vector<16xi32>
      %add3A_897 = arith.addi %get3A_895, %add3A_896 : vector<16xi32>
      %swap3A_898 = arith.constant 256 : index
      %swap3A_899 = tpu.vector_load %arg8[%swap3A_898] {strides = array<i32>} : memref<1280xi32, #tpu.memory_space<vmem>>, vector<16xi32>,
      %swap3A_900 = vector.shape_cast %swap3A_899 : vector<16xi32> to vector<16xi32>
      %swap3A_901 = vector.shape_cast %add3A_897 : vector<16xi32> to vector<16xi32>
      tpu.vector_store %arg8[%swap3A_898], %swap3A_901 {strides = array<i32>} : memref<1280xi32, #tpu.memory_space<vmem>>, vector<16xi32>,
      %get3A_902 = arith.constant 272 : index
      %get3A_903 = tpu.vector_load %arg6[%get3A_902] {strides = array<i32>} : memref<1280xi32, #tpu.memory_space<vmem>>, vector<16xi32>,
      %get3A_904 = vector.shape_cast %get3A_903 : vector<16xi32> to vector<16xi32>
      %add3A_905 = vector.broadcast %mul3A_746 : i32 to vector<16xi32>
      %add3A_906 = arith.addi %get3A_904, %add3A_905 : vector<16xi32>
      %swap3A_907 = arith.constant 272 : index
      %swap3A_908 = tpu.vector_load %arg8[%swap3A_907] {strides = array<i32>} : memref<1280xi32, #tpu.memory_space<vmem>>, vector<16xi32>,
      %swap3A_909 = vector.shape_cast %swap3A_908 : vector<16xi32> to vector<16xi32>
      %swap3A_910 = vector.shape_cast %add3A_906 : vector<16xi32> to vector<16xi32>
      tpu.vector_store %arg8[%swap3A_907], %swap3A_910 {strides = array<i32>} : memref<1280xi32, #tpu.memory_space<vmem>>, vector<16xi32>,
      %get3A_911 = arith.constant 288 : index
      %get3A_912 = tpu.vector_load %arg6[%get3A_911] {strides = array<i32>} : memref<1280xi32, #tpu.memory_space<vmem>>, vector<16xi32>,
      %get3A_913 = vector.shape_cast %get3A_912 : vector<16xi32> to vector<16xi32>
      %add3A_914 = vector.broadcast %mul3A_746 : i32 to vector<16xi32>
      %add3A_915 = arith.addi %get3A_913, %add3A_914 : vector<16xi32>
      %swap3A_916 = arith.constant 288 : index
      %swap3A_917 = tpu.vector_load %arg8[%swap3A_916] {strides = array<i32>} : memref<1280xi32, #tpu.memory_space<vmem>>, vector<16xi32>,
      %swap3A_918 = vector.shape_cast %swap3A_917 : vector<16xi32> to vector<16xi32>
      %swap3A_919 = vector.shape_cast %add3A_915 : vector<16xi32> to vector<16xi32>
      tpu.vector_store %arg8[%swap3A_916], %swap3A_919 {strides = array<i32>} : memref<1280xi32, #tpu.memory_space<vmem>>, vector<16xi32>,
      %get3A_920 = arith.constant 304 : index
      %get3A_921 = tpu.vector_load %arg6[%get3A_920] {strides = array<i32>} : memref<1280xi32, #tpu.memory_space<vmem>>, vector<16xi32>,
      %get3A_922 = vector.shape_cast %get3A_921 : vector<16xi32> to vector<16xi32>
      %add3A_923 = vector.broadcast %mul3A_746 : i32 to vector<16xi32>
      %add3A_924 = arith.addi %get3A_922, %add3A_923 : vector<16xi32>
      %swap3A_925 = arith.constant 304 : index
      %swap3A_926 = tpu.vector_load %arg8[%swap3A_925] {strides = array<i32>} : memref<1280xi32, #tpu.memory_space<vmem>>, vector<16xi32>,
      %swap3A_927 = vector.shape_cast %swap3A_926 : vector<16xi32> to vector<16xi32>
      %swap3A_928 = vector.shape_cast %add3A_924 : vector<16xi32> to vector<16xi32>
      tpu.vector_store %arg8[%swap3A_925], %swap3A_928 {strides = array<i32>} : memref<1280xi32, #tpu.memory_space<vmem>>, vector<16xi32>,
      %get3A_929 = arith.constant 320 : index
      %get3A_930 = tpu.vector_load %arg6[%get3A_929] {strides = array<i32>} : memref<1280xi32, #tpu.memory_space<vmem>>, vector<16xi32>,
      %get3A_931 = vector.shape_cast %get3A_930 : vector<16xi32> to vector<16xi32>
      %add3A_932 = vector.broadcast %mul3A_746 : i32 to vector<16xi32>
      %add3A_933 = arith.addi %get3A_931, %add3A_932 : vector<16xi32>
      %swap3A_934 = arith.constant 320 : index
      %swap3A_935 = tpu.vector_load %arg8[%swap3A_934] {strides = array<i32>} : memref<1280xi32, #tpu.memory_space<vmem>>, vector<16xi32>,
      %swap3A_936 = vector.shape_cast %swap3A_935 : vector<16xi32> to vector<16xi32>
      %swap3A_937 = vector.shape_cast %add3A_933 : vector<16xi32> to vector<16xi32>
      tpu.vector_store %arg8[%swap3A_934], %swap3A_937 {strides = array<i32>} : memref<1280xi32, #tpu.memory_space<vmem>>, vector<16xi32>,
      %get3A_938 = arith.constant 336 : index
      %get3A_939 = tpu.vector_load %arg6[%get3A_938] {strides = array<i32>} : memref<1280xi32, #tpu.memory_space<vmem>>, vector<16xi32>,
      %get3A_940 = vector.shape_cast %get3A_939 : vector<16xi32> to vector<16xi32>
      %add3A_941 = vector.broadcast %mul3A_746 : i32 to vector<16xi32>
      %add3A_942 = arith.addi %get3A_940, %add3A_941 : vector<16xi32>
      %swap3A_943 = arith.constant 336 : index
      %swap3A_944 = tpu.vector_load %arg8[%swap3A_943] {strides = array<i32>} : memref<1280xi32, #tpu.memory_space<vmem>>, vector<16xi32>,
      %swap3A_945 = vector.shape_cast %swap3A_944 : vector<16xi32> to vector<16xi32>
      %swap3A_946 = vector.shape_cast %add3A_942 : vector<16xi32> to vector<16xi32>
      tpu.vector_store %arg8[%swap3A_943], %swap3A_946 {strides = array<i32>} : memref<1280xi32, #tpu.memory_space<vmem>>, vector<16xi32>,
      %get3A_947 = arith.constant 352 : index
      %get3A_948 = tpu.vector_load %arg6[%get3A_947] {strides = array<i32>} : memref<1280xi32, #tpu.memory_space<vmem>>, vector<16xi32>,
      %get3A_949 = vector.shape_cast %get3A_948 : vector<16xi32> to vector<16xi32>
      %add3A_950 = vector.broadcast %mul3A_746 : i32 to vector<16xi32>
      %add3A_951 = arith.addi %get3A_949, %add3A_950 : vector<16xi32>
      %swap3A_952 = arith.constant 352 : index
      %swap3A_953 = tpu.vector_load %arg8[%swap3A_952] {strides = array<i32>} : memref<1280xi32, #tpu.memory_space<vmem>>, vector<16xi32>,
      %swap3A_954 = vector.shape_cast %swap3A_953 : vector<16xi32> to vector<16xi32>
      %swap3A_955 = vector.shape_cast %add3A_951 : vector<16xi32> to vector<16xi32>
      tpu.vector_store %arg8[%swap3A_952], %swap3A_955 {strides = array<i32>} : memref<1280xi32, #tpu.memory_space<vmem>>, vector<16xi32>,
      %get3A_956 = arith.constant 368 : index
      %get3A_957 = tpu.vector_load %arg6[%get3A_956] {strides = array<i32>} : memref<1280xi32, #tpu.memory_space<vmem>>, vector<16xi32>,
      %get3A_958 = vector.shape_cast %get3A_957 : vector<16xi32> to vector<16xi32>
      %add3A_959 = vector.broadcast %mul3A_746 : i32 to vector<16xi32>
      %add3A_960 = arith.addi %get3A_958, %add3A_959 : vector<16xi32>
      %swap3A_961 = arith.constant 368 : index
      %swap3A_962 = tpu.vector_load %arg8[%swap3A_961] {strides = array<i32>} : memref<1280xi32, #tpu.memory_space<vmem>>, vector<16xi32>,
      %swap3A_963 = vector.shape_cast %swap3A_962 : vector<16xi32> to vector<16xi32>
      %swap3A_964 = vector.shape_cast %add3A_960 : vector<16xi32> to vector<16xi32>
      tpu.vector_store %arg8[%swap3A_961], %swap3A_964 {strides = array<i32>} : memref<1280xi32, #tpu.memory_space<vmem>>, vector<16xi32>,
      %get3A_965 = arith.constant 384 : index
      %get3A_966 = tpu.vector_load %arg6[%get3A_965] {strides = array<i32>} : memref<1280xi32, #tpu.memory_space<vmem>>, vector<16xi32>,
      %get3A_967 = vector.shape_cast %get3A_966 : vector<16xi32> to vector<16xi32>
      %add3A_968 = vector.broadcast %mul3A_746 : i32 to vector<16xi32>
      %add3A_969 = arith.addi %get3A_967, %add3A_968 : vector<16xi32>
      %swap3A_970 = arith.constant 384 : index
      %swap3A_971 = tpu.vector_load %arg8[%swap3A_970] {strides = array<i32>} : memref<1280xi32, #tpu.memory_space<vmem>>, vector<16xi32>,
      %swap3A_972 = vector.shape_cast %swap3A_971 : vector<16xi32> to vector<16xi32>
      %swap3A_973 = vector.shape_cast %add3A_969 : vector<16xi32> to vector<16xi32>
      tpu.vector_store %arg8[%swap3A_970], %swap3A_973 {strides = array<i32>} : memref<1280xi32, #tpu.memory_space<vmem>>, vector<16xi32>,
      %get3A_974 = arith.constant 400 : index
      %get3A_975 = tpu.vector_load %arg6[%get3A_974] {strides = array<i32>} : memref<1280xi32, #tpu.memory_space<vmem>>, vector<16xi32>,
      %get3A_976 = vector.shape_cast %get3A_975 : vector<16xi32> to vector<16xi32>
      %add3A_977 = vector.broadcast %mul3A_746 : i32 to vector<16xi32>
      %add3A_978 = arith.addi %get3A_976, %add3A_977 : vector<16xi32>
      %swap3A_979 = arith.constant 400 : index
      %swap3A_980 = tpu.vector_load %arg8[%swap3A_979] {strides = array<i32>} : memref<1280xi32, #tpu.memory_space<vmem>>, vector<16xi32>,
      %swap3A_981 = vector.shape_cast %swap3A_980 : vector<16xi32> to vector<16xi32>
      %swap3A_982 = vector.shape_cast %add3A_978 : vector<16xi32> to vector<16xi32>
      tpu.vector_store %arg8[%swap3A_979], %swap3A_982 {strides = array<i32>} : memref<1280xi32, #tpu.memory_space<vmem>>, vector<16xi32>,
      %get3A_983 = arith.constant 416 : index
      %get3A_984 = tpu.vector_load %arg6[%get3A_983] {strides = array<i32>} : memref<1280xi32, #tpu.memory_space<vmem>>, vector<16xi32>,
      %get3A_985 = vector.shape_cast %get3A_984 : vector<16xi32> to vector<16xi32>
      %add3A_986 = vector.broadcast %mul3A_746 : i32 to vector<16xi32>
      %add3A_987 = arith.addi %get3A_985, %add3A_986 : vector<16xi32>
      %swap3A_988 = arith.constant 416 : index
      %swap3A_989 = tpu.vector_load %arg8[%swap3A_988] {strides = array<i32>} : memref<1280xi32, #tpu.memory_space<vmem>>, vector<16xi32>,
      %swap3A_990 = vector.shape_cast %swap3A_989 : vector<16xi32> to vector<16xi32>
      %swap3A_991 = vector.shape_cast %add3A_987 : vector<16xi32> to vector<16xi32>
      tpu.vector_store %arg8[%swap3A_988], %swap3A_991 {strides = array<i32>} : memref<1280xi32, #tpu.memory_space<vmem>>, vector<16xi32>,
      %get3A_992 = arith.constant 432 : index
      %get3A_993 = tpu.vector_load %arg6[%get3A_992] {strides = array<i32>} : memref<1280xi32, #tpu.memory_space<vmem>>, vector<16xi32>,
      %get3A_994 = vector.shape_cast %get3A_993 : vector<16xi32> to vector<16xi32>
      %add3A_995 = vector.broadcast %mul3A_746 : i32 to vector<16xi32>
      %add3A_996 = arith.addi %get3A_994, %add3A_995 : vector<16xi32>
      %swap3A_997 = arith.constant 432 : index
      %swap3A_998 = tpu.vector_load %arg8[%swap3A_997] {strides = array<i32>} : memref<1280xi32, #tpu.memory_space<vmem>>, vector<16xi32>,
      %swap3A_999 = vector.shape_cast %swap3A_998 : vector<16xi32> to vector<16xi32>
      %swap3A_1000 = vector.shape_cast %add3A_996 : vector<16xi32> to vector<16xi32>
      tpu.vector_store %arg8[%swap3A_997], %swap3A_1000 {strides = array<i32>} : memref<1280xi32, #tpu.memory_space<vmem>>, vector<16xi32>,
      %get3A_1001 = arith.constant 448 : index
      %get3A_1002 = tpu.vector_load %arg6[%get3A_1001] {strides = array<i32>} : memref<1280xi32, #tpu.memory_space<vmem>>, vector<16xi32>,
      %get3A_1003 = vector.shape_cast %get3A_1002 : vector<16xi32> to vector<16xi32>
      %add3A_1004 = vector.broadcast %mul3A_746 : i32 to vector<16xi32>
      %add3A_1005 = arith.addi %get3A_1003, %add3A_1004 : vector<16xi32>
      %swap3A_1006 = arith.constant 448 : index
      %swap3A_1007 = tpu.vector_load %arg8[%swap3A_1006] {strides = array<i32>} : memref<1280xi32, #tpu.memory_space<vmem>>, vector<16xi32>,
      %swap3A_1008 = vector.shape_cast %swap3A_1007 : vector<16xi32> to vector<16xi32>
      %swap3A_1009 = vector.shape_cast %add3A_1005 : vector<16xi32> to vector<16xi32>
      tpu.vector_store %arg8[%swap3A_1006], %swap3A_1009 {strides = array<i32>} : memref<1280xi32, #tpu.memory_space<vmem>>, vector<16xi32>,
      %get3A_1010 = arith.constant 464 : index
      %get3A_1011 = tpu.vector_load %arg6[%get3A_1010] {strides = array<i32>} : memref<1280xi32, #tpu.memory_space<vmem>>, vector<16xi32>,
      %get3A_1012 = vector.shape_cast %get3A_1011 : vector<16xi32> to vector<16xi32>
      %add3A_1013 = vector.broadcast %mul3A_746 : i32 to vector<16xi32>
      %add3A_1014 = arith.addi %get3A_1012, %add3A_1013 : vector<16xi32>
      %swap3A_1015 = arith.constant 464 : index
      %swap3A_1016 = tpu.vector_load %arg8[%swap3A_1015] {strides = array<i32>} : memref<1280xi32, #tpu.memory_space<vmem>>, vector<16xi32>,
      %swap3A_1017 = vector.shape_cast %swap3A_1016 : vector<16xi32> to vector<16xi32>
      %swap3A_1018 = vector.shape_cast %add3A_1014 : vector<16xi32> to vector<16xi32>
      tpu.vector_store %arg8[%swap3A_1015], %swap3A_1018 {strides = array<i32>} : memref<1280xi32, #tpu.memory_space<vmem>>, vector<16xi32>,
      %get3A_1019 = arith.constant 480 : index
      %get3A_1020 = tpu.vector_load %arg6[%get3A_1019] {strides = array<i32>} : memref<1280xi32, #tpu.memory_space<vmem>>, vector<16xi32>,
      %get3A_1021 = vector.shape_cast %get3A_1020 : vector<16xi32> to vector<16xi32>
      %add3A_1022 = vector.broadcast %mul3A_746 : i32 to vector<16xi32>
      %add3A_1023 = arith.addi %get3A_1021, %add3A_1022 : vector<16xi32>
      %swap3A_1024 = arith.constant 480 : index
      %swap3A_1025 = tpu.vector_load %arg8[%swap3A_1024] {strides = array<i32>} : memref<1280xi32, #tpu.memory_space<vmem>>, vector<16xi32>,
      %swap3A_1026 = vector.shape_cast %swap3A_1025 : vector<16xi32> to vector<16xi32>
      %swap3A_1027 = vector.shape_cast %add3A_1023 : vector<16xi32> to vector<16xi32>
      tpu.vector_store %arg8[%swap3A_1024], %swap3A_1027 {strides = array<i32>} : memref<1280xi32, #tpu.memory_space<vmem>>, vector<16xi32>,
      %get3A_1028 = arith.constant 496 : index
      %get3A_1029 = tpu.vector_load %arg6[%get3A_1028] {strides = array<i32>} : memref<1280xi32, #tpu.memory_space<vmem>>, vector<16xi32>,
      %get3A_1030 = vector.shape_cast %get3A_1029 : vector<16xi32> to vector<16xi32>
      %add3A_1031 = vector.broadcast %mul3A_746 : i32 to vector<16xi32>
      %add3A_1032 = arith.addi %get3A_1030, %add3A_1031 : vector<16xi32>
      %swap3A_1033 = arith.constant 496 : index
      %swap3A_1034 = tpu.vector_load %arg8[%swap3A_1033] {strides = array<i32>} : memref<1280xi32, #tpu.memory_space<vmem>>, vector<16xi32>,
      %swap3A_1035 = vector.shape_cast %swap3A_1034 : vector<16xi32> to vector<16xi32>
      %swap3A_1036 = vector.shape_cast %add3A_1032 : vector<16xi32> to vector<16xi32>
      tpu.vector_store %arg8[%swap3A_1033], %swap3A_1036 {strides = array<i32>} : memref<1280xi32, #tpu.memory_space<vmem>>, vector<16xi32>,
      %get3A_1037 = arith.constant 512 : index
      %get3A_1038 = tpu.vector_load %arg6[%get3A_1037] {strides = array<i32>} : memref<1280xi32, #tpu.memory_space<vmem>>, vector<16xi32>,
      %get3A_1039 = vector.shape_cast %get3A_1038 : vector<16xi32> to vector<16xi32>
      %add3A_1040 = vector.broadcast %mul3A_746 : i32 to vector<16xi32>
      %add3A_1041 = arith.addi %get3A_1039, %add3A_1040 : vector<16xi32>
      %swap3A_1042 = arith.constant 512 : index
      %swap3A_1043 = tpu.vector_load %arg8[%swap3A_1042] {strides = array<i32>} : memref<1280xi32, #tpu.memory_space<vmem>>, vector<16xi32>,
      %swap3A_1044 = vector.shape_cast %swap3A_1043 : vector<16xi32> to vector<16xi32>
      %swap3A_1045 = vector.shape_cast %add3A_1041 : vector<16xi32> to vector<16xi32>
      tpu.vector_store %arg8[%swap3A_1042], %swap3A_1045 {strides = array<i32>} : memref<1280xi32, #tpu.memory_space<vmem>>, vector<16xi32>,
      %get3A_1046 = arith.constant 528 : index
      %get3A_1047 = tpu.vector_load %arg6[%get3A_1046] {strides = array<i32>} : memref<1280xi32, #tpu.memory_space<vmem>>, vector<16xi32>,
      %get3A_1048 = vector.shape_cast %get3A_1047 : vector<16xi32> to vector<16xi32>
      %add3A_1049 = vector.broadcast %mul3A_746 : i32 to vector<16xi32>
      %add3A_1050 = arith.addi %get3A_1048, %add3A_1049 : vector<16xi32>
      %swap3A_1051 = arith.constant 528 : index
      %swap3A_1052 = tpu.vector_load %arg8[%swap3A_1051] {strides = array<i32>} : memref<1280xi32, #tpu.memory_space<vmem>>, vector<16xi32>,
      %swap3A_1053 = vector.shape_cast %swap3A_1052 : vector<16xi32> to vector<16xi32>
      %swap3A_1054 = vector.shape_cast %add3A_1050 : vector<16xi32> to vector<16xi32>
      tpu.vector_store %arg8[%swap3A_1051], %swap3A_1054 {strides = array<i32>} : memref<1280xi32, #tpu.memory_space<vmem>>, vector<16xi32>,
      %get3A_1055 = arith.constant 544 : index
      %get3A_1056 = tpu.vector_load %arg6[%get3A_1055] {strides = array<i32>} : memref<1280xi32, #tpu.memory_space<vmem>>, vector<16xi32>,
      %get3A_1057 = vector.shape_cast %get3A_1056 : vector<16xi32> to vector<16xi32>
      %add3A_1058 = vector.broadcast %mul3A_746 : i32 to vector<16xi32>
      %add3A_1059 = arith.addi %get3A_1057, %add3A_1058 : vector<16xi32>
      %swap3A_1060 = arith.constant 544 : index
      %swap3A_1061 = tpu.vector_load %arg8[%swap3A_1060] {strides = array<i32>} : memref<1280xi32, #tpu.memory_space<vmem>>, vector<16xi32>,
      %swap3A_1062 = vector.shape_cast %swap3A_1061 : vector<16xi32> to vector<16xi32>
      %swap3A_1063 = vector.shape_cast %add3A_1059 : vector<16xi32> to vector<16xi32>
      tpu.vector_store %arg8[%swap3A_1060], %swap3A_1063 {strides = array<i32>} : memref<1280xi32, #tpu.memory_space<vmem>>, vector<16xi32>,
      %get3A_1064 = arith.constant 560 : index
      %get3A_1065 = tpu.vector_load %arg6[%get3A_1064] {strides = array<i32>} : memref<1280xi32, #tpu.memory_space<vmem>>, vector<16xi32>,
      %get3A_1066 = vector.shape_cast %get3A_1065 : vector<16xi32> to vector<16xi32>
      %add3A_1067 = vector.broadcast %mul3A_746 : i32 to vector<16xi32>
      %add3A_1068 = arith.addi %get3A_1066, %add3A_1067 : vector<16xi32>
      %swap3A_1069 = arith.constant 560 : index
      %swap3A_1070 = tpu.vector_load %arg8[%swap3A_1069] {strides = array<i32>} : memref<1280xi32, #tpu.memory_space<vmem>>, vector<16xi32>,
      %swap3A_1071 = vector.shape_cast %swap3A_1070 : vector<16xi32> to vector<16xi32>
      %swap3A_1072 = vector.shape_cast %add3A_1068 : vector<16xi32> to vector<16xi32>
      tpu.vector_store %arg8[%swap3A_1069], %swap3A_1072 {strides = array<i32>} : memref<1280xi32, #tpu.memory_space<vmem>>, vector<16xi32>,
      %get3A_1073 = arith.constant 576 : index
      %get3A_1074 = tpu.vector_load %arg6[%get3A_1073] {strides = array<i32>} : memref<1280xi32, #tpu.memory_space<vmem>>, vector<16xi32>,
      %get3A_1075 = vector.shape_cast %get3A_1074 : vector<16xi32> to vector<16xi32>
      %add3A_1076 = vector.broadcast %mul3A_746 : i32 to vector<16xi32>
      %add3A_1077 = arith.addi %get3A_1075, %add3A_1076 : vector<16xi32>
      %swap3A_1078 = arith.constant 576 : index
      %swap3A_1079 = tpu.vector_load %arg8[%swap3A_1078] {strides = array<i32>} : memref<1280xi32, #tpu.memory_space<vmem>>, vector<16xi32>,
      %swap3A_1080 = vector.shape_cast %swap3A_1079 : vector<16xi32> to vector<16xi32>
      %swap3A_1081 = vector.shape_cast %add3A_1077 : vector<16xi32> to vector<16xi32>
      tpu.vector_store %arg8[%swap3A_1078], %swap3A_1081 {strides = array<i32>} : memref<1280xi32, #tpu.memory_space<vmem>>, vector<16xi32>,
      %get3A_1082 = arith.constant 592 : index
      %get3A_1083 = tpu.vector_load %arg6[%get3A_1082] {strides = array<i32>} : memref<1280xi32, #tpu.memory_space<vmem>>, vector<16xi32>,
      %get3A_1084 = vector.shape_cast %get3A_1083 : vector<16xi32> to vector<16xi32>
      %add3A_1085 = vector.broadcast %mul3A_746 : i32 to vector<16xi32>
      %add3A_1086 = arith.addi %get3A_1084, %add3A_1085 : vector<16xi32>
      %swap3A_1087 = arith.constant 592 : index
      %swap3A_1088 = tpu.vector_load %arg8[%swap3A_1087] {strides = array<i32>} : memref<1280xi32, #tpu.memory_space<vmem>>, vector<16xi32>,
      %swap3A_1089 = vector.shape_cast %swap3A_1088 : vector<16xi32> to vector<16xi32>
      %swap3A_1090 = vector.shape_cast %add3A_1086 : vector<16xi32> to vector<16xi32>
      tpu.vector_store %arg8[%swap3A_1087], %swap3A_1090 {strides = array<i32>} : memref<1280xi32, #tpu.memory_space<vmem>>, vector<16xi32>,
      %get3A_1091 = arith.constant 608 : index
      %get3A_1092 = tpu.vector_load %arg6[%get3A_1091] {strides = array<i32>} : memref<1280xi32, #tpu.memory_space<vmem>>, vector<16xi32>,
      %get3A_1093 = vector.shape_cast %get3A_1092 : vector<16xi32> to vector<16xi32>
      %add3A_1094 = vector.broadcast %mul3A_746 : i32 to vector<16xi32>
      %add3A_1095 = arith.addi %get3A_1093, %add3A_1094 : vector<16xi32>
      %swap3A_1096 = arith.constant 608 : index
      %swap3A_1097 = tpu.vector_load %arg8[%swap3A_1096] {strides = array<i32>} : memref<1280xi32, #tpu.memory_space<vmem>>, vector<16xi32>,
      %swap3A_1098 = vector.shape_cast %swap3A_1097 : vector<16xi32> to vector<16xi32>
      %swap3A_1099 = vector.shape_cast %add3A_1095 : vector<16xi32> to vector<16xi32>
      tpu.vector_store %arg8[%swap3A_1096], %swap3A_1099 {strides = array<i32>} : memref<1280xi32, #tpu.memory_space<vmem>>, vector<16xi32>,
      %get3A_1100 = arith.constant 624 : index
      %get3A_1101 = tpu.vector_load %arg6[%get3A_1100] {strides = array<i32>} : memref<1280xi32, #tpu.memory_space<vmem>>, vector<16xi32>,
      %get3A_1102 = vector.shape_cast %get3A_1101 : vector<16xi32> to vector<16xi32>
      %add3A_1103 = vector.broadcast %mul3A_746 : i32 to vector<16xi32>
      %add3A_1104 = arith.addi %get3A_1102, %add3A_1103 : vector<16xi32>
      %swap3A_1105 = arith.constant 624 : index
      %swap3A_1106 = tpu.vector_load %arg8[%swap3A_1105] {strides = array<i32>} : memref<1280xi32, #tpu.memory_space<vmem>>, vector<16xi32>,
      %swap3A_1107 = vector.shape_cast %swap3A_1106 : vector<16xi32> to vector<16xi32>
      %swap3A_1108 = vector.shape_cast %add3A_1104 : vector<16xi32> to vector<16xi32>
      tpu.vector_store %arg8[%swap3A_1105], %swap3A_1108 {strides = array<i32>} : memref<1280xi32, #tpu.memory_space<vmem>>, vector<16xi32>,
      %get3A_1109 = arith.constant 640 : index
      %get3A_1110 = tpu.vector_load %arg6[%get3A_1109] {strides = array<i32>} : memref<1280xi32, #tpu.memory_space<vmem>>, vector<16xi32>,
      %get3A_1111 = vector.shape_cast %get3A_1110 : vector<16xi32> to vector<16xi32>
      %add3A_1112 = vector.broadcast %mul3A_746 : i32 to vector<16xi32>
      %add3A_1113 = arith.addi %get3A_1111, %add3A_1112 : vector<16xi32>
      %swap3A_1114 = arith.constant 640 : index
      %swap3A_1115 = tpu.vector_load %arg8[%swap3A_1114] {strides = array<i32>} : memref<1280xi32, #tpu.memory_space<vmem>>, vector<16xi32>,
      %swap3A_1116 = vector.shape_cast %swap3A_1115 : vector<16xi32> to vector<16xi32>
      %swap3A_1117 = vector.shape_cast %add3A_1113 : vector<16xi32> to vector<16xi32>
      tpu.vector_store %arg8[%swap3A_1114], %swap3A_1117 {strides = array<i32>} : memref<1280xi32, #tpu.memory_space<vmem>>, vector<16xi32>,
      %get3A_1118 = arith.constant 656 : index
      %get3A_1119 = tpu.vector_load %arg6[%get3A_1118] {strides = array<i32>} : memref<1280xi32, #tpu.memory_space<vmem>>, vector<16xi32>,
      %get3A_1120 = vector.shape_cast %get3A_1119 : vector<16xi32> to vector<16xi32>
      %add3A_1121 = vector.broadcast %mul3A_746 : i32 to vector<16xi32>
      %add3A_1122 = arith.addi %get3A_1120, %add3A_1121 : vector<16xi32>
      %swap3A_1123 = arith.constant 656 : index
      %swap3A_1124 = tpu.vector_load %arg8[%swap3A_1123] {strides = array<i32>} : memref<1280xi32, #tpu.memory_space<vmem>>, vector<16xi32>,
      %swap3A_1125 = vector.shape_cast %swap3A_1124 : vector<16xi32> to vector<16xi32>
      %swap3A_1126 = vector.shape_cast %add3A_1122 : vector<16xi32> to vector<16xi32>
      tpu.vector_store %arg8[%swap3A_1123], %swap3A_1126 {strides = array<i32>} : memref<1280xi32, #tpu.memory_space<vmem>>, vector<16xi32>,
      %get3A_1127 = arith.constant 672 : index
      %get3A_1128 = tpu.vector_load %arg6[%get3A_1127] {strides = array<i32>} : memref<1280xi32, #tpu.memory_space<vmem>>, vector<16xi32>,
      %get3A_1129 = vector.shape_cast %get3A_1128 : vector<16xi32> to vector<16xi32>
      %add3A_1130 = vector.broadcast %mul3A_746 : i32 to vector<16xi32>
      %add3A_1131 = arith.addi %get3A_1129, %add3A_1130 : vector<16xi32>
      %swap3A_1132 = arith.constant 672 : index
      %swap3A_1133 = tpu.vector_load %arg8[%swap3A_1132] {strides = array<i32>} : memref<1280xi32, #tpu.memory_space<vmem>>, vector<16xi32>,
      %swap3A_1134 = vector.shape_cast %swap3A_1133 : vector<16xi32> to vector<16xi32>
      %swap3A_1135 = vector.shape_cast %add3A_1131 : vector<16xi32> to vector<16xi32>
      tpu.vector_store %arg8[%swap3A_1132], %swap3A_1135 {strides = array<i32>} : memref<1280xi32, #tpu.memory_space<vmem>>, vector<16xi32>,
      %get3A_1136 = arith.constant 688 : index
      %get3A_1137 = tpu.vector_load %arg6[%get3A_1136] {strides = array<i32>} : memref<1280xi32, #tpu.memory_space<vmem>>, vector<16xi32>,
      %get3A_1138 = vector.shape_cast %get3A_1137 : vector<16xi32> to vector<16xi32>
      %add3A_1139 = vector.broadcast %mul3A_746 : i32 to vector<16xi32>
      %add3A_1140 = arith.addi %get3A_1138, %add3A_1139 : vector<16xi32>
      %swap3A_1141 = arith.constant 688 : index
      %swap3A_1142 = tpu.vector_load %arg8[%swap3A_1141] {strides = array<i32>} : memref<1280xi32, #tpu.memory_space<vmem>>, vector<16xi32>,
      %swap3A_1143 = vector.shape_cast %swap3A_1142 : vector<16xi32> to vector<16xi32>
      %swap3A_1144 = vector.shape_cast %add3A_1140 : vector<16xi32> to vector<16xi32>
      tpu.vector_store %arg8[%swap3A_1141], %swap3A_1144 {strides = array<i32>} : memref<1280xi32, #tpu.memory_space<vmem>>, vector<16xi32>,
      %get3A_1145 = arith.constant 704 : index
      %get3A_1146 = tpu.vector_load %arg6[%get3A_1145] {strides = array<i32>} : memref<1280xi32, #tpu.memory_space<vmem>>, vector<16xi32>,
      %get3A_1147 = vector.shape_cast %get3A_1146 : vector<16xi32> to vector<16xi32>
      %add3A_1148 = vector.broadcast %mul3A_746 : i32 to vector<16xi32>
      %add3A_1149 = arith.addi %get3A_1147, %add3A_1148 : vector<16xi32>
      %swap3A_1150 = arith.constant 704 : index
      %swap3A_1151 = tpu.vector_load %arg8[%swap3A_1150] {strides = array<i32>} : memref<1280xi32, #tpu.memory_space<vmem>>, vector<16xi32>,
      %swap3A_1152 = vector.shape_cast %swap3A_1151 : vector<16xi32> to vector<16xi32>
      %swap3A_1153 = vector.shape_cast %add3A_1149 : vector<16xi32> to vector<16xi32>
      tpu.vector_store %arg8[%swap3A_1150], %swap3A_1153 {strides = array<i32>} : memref<1280xi32, #tpu.memory_space<vmem>>, vector<16xi32>,
      %get3A_1154 = arith.constant 720 : index
      %get3A_1155 = tpu.vector_load %arg6[%get3A_1154] {strides = array<i32>} : memref<1280xi32, #tpu.memory_space<vmem>>, vector<16xi32>,
      %get3A_1156 = vector.shape_cast %get3A_1155 : vector<16xi32> to vector<16xi32>
      %add3A_1157 = vector.broadcast %mul3A_746 : i32 to vector<16xi32>
      %add3A_1158 = arith.addi %get3A_1156, %add3A_1157 : vector<16xi32>
      %swap3A_1159 = arith.constant 720 : index
      %swap3A_1160 = tpu.vector_load %arg8[%swap3A_1159] {strides = array<i32>} : memref<1280xi32, #tpu.memory_space<vmem>>, vector<16xi32>,
      %swap3A_1161 = vector.shape_cast %swap3A_1160 : vector<16xi32> to vector<16xi32>
      %swap3A_1162 = vector.shape_cast %add3A_1158 : vector<16xi32> to vector<16xi32>
      tpu.vector_store %arg8[%swap3A_1159], %swap3A_1162 {strides = array<i32>} : memref<1280xi32, #tpu.memory_space<vmem>>, vector<16xi32>,
      %get3A_1163 = arith.constant 736 : index
      %get3A_1164 = tpu.vector_load %arg6[%get3A_1163] {strides = array<i32>} : memref<1280xi32, #tpu.memory_space<vmem>>, vector<16xi32>,
      %get3A_1165 = vector.shape_cast %get3A_1164 : vector<16xi32> to vector<16xi32>
      %add3A_1166 = vector.broadcast %mul3A_746 : i32 to vector<16xi32>
      %add3A_1167 = arith.addi %get3A_1165, %add3A_1166 : vector<16xi32>
      %swap3A_1168 = arith.constant 736 : index
      %swap3A_1169 = tpu.vector_load %arg8[%swap3A_1168] {strides = array<i32>} : memref<1280xi32, #tpu.memory_space<vmem>>, vector<16xi32>,
      %swap3A_1170 = vector.shape_cast %swap3A_1169 : vector<16xi32> to vector<16xi32>
      %swap3A_1171 = vector.shape_cast %add3A_1167 : vector<16xi32> to vector<16xi32>
      tpu.vector_store %arg8[%swap3A_1168], %swap3A_1171 {strides = array<i32>} : memref<1280xi32, #tpu.memory_space<vmem>>, vector<16xi32>,
      %get3A_1172 = arith.constant 752 : index
      %get3A_1173 = tpu.vector_load %arg6[%get3A_1172] {strides = array<i32>} : memref<1280xi32, #tpu.memory_space<vmem>>, vector<16xi32>,
      %get3A_1174 = vector.shape_cast %get3A_1173 : vector<16xi32> to vector<16xi32>
      %add3A_1175 = vector.broadcast %mul3A_746 : i32 to vector<16xi32>
      %add3A_1176 = arith.addi %get3A_1174, %add3A_1175 : vector<16xi32>
      %swap3A_1177 = arith.constant 752 : index
      %swap3A_1178 = tpu.vector_load %arg8[%swap3A_1177] {strides = array<i32>} : memref<1280xi32, #tpu.memory_space<vmem>>, vector<16xi32>,
      %swap3A_1179 = vector.shape_cast %swap3A_1178 : vector<16xi32> to vector<16xi32>
      %swap3A_1180 = vector.shape_cast %add3A_1176 : vector<16xi32> to vector<16xi32>
      tpu.vector_store %arg8[%swap3A_1177], %swap3A_1180 {strides = array<i32>} : memref<1280xi32, #tpu.memory_space<vmem>>, vector<16xi32>,
      %get3A_1181 = arith.constant 768 : index
      %get3A_1182 = tpu.vector_load %arg6[%get3A_1181] {strides = array<i32>} : memref<1280xi32, #tpu.memory_space<vmem>>, vector<16xi32>,
      %get3A_1183 = vector.shape_cast %get3A_1182 : vector<16xi32> to vector<16xi32>
      %add3A_1184 = vector.broadcast %mul3A_746 : i32 to vector<16xi32>
      %add3A_1185 = arith.addi %get3A_1183, %add3A_1184 : vector<16xi32>
      %swap3A_1186 = arith.constant 768 : index
      %swap3A_1187 = tpu.vector_load %arg8[%swap3A_1186] {strides = array<i32>} : memref<1280xi32, #tpu.memory_space<vmem>>, vector<16xi32>,
      %swap3A_1188 = vector.shape_cast %swap3A_1187 : vector<16xi32> to vector<16xi32>
      %swap3A_1189 = vector.shape_cast %add3A_1185 : vector<16xi32> to vector<16xi32>
      tpu.vector_store %arg8[%swap3A_1186], %swap3A_1189 {strides = array<i32>} : memref<1280xi32, #tpu.memory_space<vmem>>, vector<16xi32>,
      %get3A_1190 = arith.constant 784 : index
      %get3A_1191 = tpu.vector_load %arg6[%get3A_1190] {strides = array<i32>} : memref<1280xi32, #tpu.memory_space<vmem>>, vector<16xi32>,
      %get3A_1192 = vector.shape_cast %get3A_1191 : vector<16xi32> to vector<16xi32>
      %add3A_1193 = vector.broadcast %mul3A_746 : i32 to vector<16xi32>
      %add3A_1194 = arith.addi %get3A_1192, %add3A_1193 : vector<16xi32>
      %swap3A_1195 = arith.constant 784 : index
      %swap3A_1196 = tpu.vector_load %arg8[%swap3A_1195] {strides = array<i32>} : memref<1280xi32, #tpu.memory_space<vmem>>, vector<16xi32>,
      %swap3A_1197 = vector.shape_cast %swap3A_1196 : vector<16xi32> to vector<16xi32>
      %swap3A_1198 = vector.shape_cast %add3A_1194 : vector<16xi32> to vector<16xi32>
      tpu.vector_store %arg8[%swap3A_1195], %swap3A_1198 {strides = array<i32>} : memref<1280xi32, #tpu.memory_space<vmem>>, vector<16xi32>,
      %get3A_1199 = arith.constant 800 : index
      %get3A_1200 = tpu.vector_load %arg6[%get3A_1199] {strides = array<i32>} : memref<1280xi32, #tpu.memory_space<vmem>>, vector<16xi32>,
      %get3A_1201 = vector.shape_cast %get3A_1200 : vector<16xi32> to vector<16xi32>
      %add3A_1202 = vector.broadcast %mul3A_746 : i32 to vector<16xi32>
      %add3A_1203 = arith.addi %get3A_1201, %add3A_1202 : vector<16xi32>
      %swap3A_1204 = arith.constant 800 : index
      %swap3A_1205 = tpu.vector_load %arg8[%swap3A_1204] {strides = array<i32>} : memref<1280xi32, #tpu.memory_space<vmem>>, vector<16xi32>,
      %swap3A_1206 = vector.shape_cast %swap3A_1205 : vector<16xi32> to vector<16xi32>
      %swap3A_1207 = vector.shape_cast %add3A_1203 : vector<16xi32> to vector<16xi32>
      tpu.vector_store %arg8[%swap3A_1204], %swap3A_1207 {strides = array<i32>} : memref<1280xi32, #tpu.memory_space<vmem>>, vector<16xi32>,
      %get3A_1208 = arith.constant 816 : index
      %get3A_1209 = tpu.vector_load %arg6[%get3A_1208] {strides = array<i32>} : memref<1280xi32, #tpu.memory_space<vmem>>, vector<16xi32>,
      %get3A_1210 = vector.shape_cast %get3A_1209 : vector<16xi32> to vector<16xi32>
      %add3A_1211 = vector.broadcast %mul3A_746 : i32 to vector<16xi32>
      %add3A_1212 = arith.addi %get3A_1210, %add3A_1211 : vector<16xi32>
      %swap3A_1213 = arith.constant 816 : index
      %swap3A_1214 = tpu.vector_load %arg8[%swap3A_1213] {strides = array<i32>} : memref<1280xi32, #tpu.memory_space<vmem>>, vector<16xi32>,
      %swap3A_1215 = vector.shape_cast %swap3A_1214 : vector<16xi32> to vector<16xi32>
      %swap3A_1216 = vector.shape_cast %add3A_1212 : vector<16xi32> to vector<16xi32>
      tpu.vector_store %arg8[%swap3A_1213], %swap3A_1216 {strides = array<i32>} : memref<1280xi32, #tpu.memory_space<vmem>>, vector<16xi32>,
      %get3A_1217 = arith.constant 832 : index
      %get3A_1218 = tpu.vector_load %arg6[%get3A_1217] {strides = array<i32>} : memref<1280xi32, #tpu.memory_space<vmem>>, vector<16xi32>,
      %get3A_1219 = vector.shape_cast %get3A_1218 : vector<16xi32> to vector<16xi32>
      %add3A_1220 = vector.broadcast %mul3A_746 : i32 to vector<16xi32>
      %add3A_1221 = arith.addi %get3A_1219, %add3A_1220 : vector<16xi32>
      %swap3A_1222 = arith.constant 832 : index
      %swap3A_1223 = tpu.vector_load %arg8[%swap3A_1222] {strides = array<i32>} : memref<1280xi32, #tpu.memory_space<vmem>>, vector<16xi32>,
      %swap3A_1224 = vector.shape_cast %swap3A_1223 : vector<16xi32> to vector<16xi32>
      %swap3A_1225 = vector.shape_cast %add3A_1221 : vector<16xi32> to vector<16xi32>
      tpu.vector_store %arg8[%swap3A_1222], %swap3A_1225 {strides = array<i32>} : memref<1280xi32, #tpu.memory_space<vmem>>, vector<16xi32>,
      %get3A_1226 = arith.constant 848 : index
      %get3A_1227 = tpu.vector_load %arg6[%get3A_1226] {strides = array<i32>} : memref<1280xi32, #tpu.memory_space<vmem>>, vector<16xi32>,
      %get3A_1228 = vector.shape_cast %get3A_1227 : vector<16xi32> to vector<16xi32>
      %add3A_1229 = vector.broadcast %mul3A_746 : i32 to vector<16xi32>
      %add3A_1230 = arith.addi %get3A_1228, %add3A_1229 : vector<16xi32>
      %swap3A_1231 = arith.constant 848 : index
      %swap3A_1232 = tpu.vector_load %arg8[%swap3A_1231] {strides = array<i32>} : memref<1280xi32, #tpu.memory_space<vmem>>, vector<16xi32>,
      %swap3A_1233 = vector.shape_cast %swap3A_1232 : vector<16xi32> to vector<16xi32>
      %swap3A_1234 = vector.shape_cast %add3A_1230 : vector<16xi32> to vector<16xi32>
      tpu.vector_store %arg8[%swap3A_1231], %swap3A_1234 {strides = array<i32>} : memref<1280xi32, #tpu.memory_space<vmem>>, vector<16xi32>,
      %get3A_1235 = arith.constant 864 : index
      %get3A_1236 = tpu.vector_load %arg6[%get3A_1235] {strides = array<i32>} : memref<1280xi32, #tpu.memory_space<vmem>>, vector<16xi32>,
      %get3A_1237 = vector.shape_cast %get3A_1236 : vector<16xi32> to vector<16xi32>
      %add3A_1238 = vector.broadcast %mul3A_746 : i32 to vector<16xi32>
      %add3A_1239 = arith.addi %get3A_1237, %add3A_1238 : vector<16xi32>
      %swap3A_1240 = arith.constant 864 : index
      %swap3A_1241 = tpu.vector_load %arg8[%swap3A_1240] {strides = array<i32>} : memref<1280xi32, #tpu.memory_space<vmem>>, vector<16xi32>,
      %swap3A_1242 = vector.shape_cast %swap3A_1241 : vector<16xi32> to vector<16xi32>
      %swap3A_1243 = vector.shape_cast %add3A_1239 : vector<16xi32> to vector<16xi32>
      tpu.vector_store %arg8[%swap3A_1240], %swap3A_1243 {strides = array<i32>} : memref<1280xi32, #tpu.memory_space<vmem>>, vector<16xi32>,
      %get3A_1244 = arith.constant 880 : index
      %get3A_1245 = tpu.vector_load %arg6[%get3A_1244] {strides = array<i32>} : memref<1280xi32, #tpu.memory_space<vmem>>, vector<16xi32>,
      %get3A_1246 = vector.shape_cast %get3A_1245 : vector<16xi32> to vector<16xi32>
      %add3A_1247 = vector.broadcast %mul3A_746 : i32 to vector<16xi32>
      %add3A_1248 = arith.addi %get3A_1246, %add3A_1247 : vector<16xi32>
      %swap3A_1249 = arith.constant 880 : index
      %swap3A_1250 = tpu.vector_load %arg8[%swap3A_1249] {strides = array<i32>} : memref<1280xi32, #tpu.memory_space<vmem>>, vector<16xi32>,
      %swap3A_1251 = vector.shape_cast %swap3A_1250 : vector<16xi32> to vector<16xi32>
      %swap3A_1252 = vector.shape_cast %add3A_1248 : vector<16xi32> to vector<16xi32>
      tpu.vector_store %arg8[%swap3A_1249], %swap3A_1252 {strides = array<i32>} : memref<1280xi32, #tpu.memory_space<vmem>>, vector<16xi32>,
      %get3A_1253 = arith.constant 896 : index
      %get3A_1254 = tpu.vector_load %arg6[%get3A_1253] {strides = array<i32>} : memref<1280xi32, #tpu.memory_space<vmem>>, vector<16xi32>,
      %get3A_1255 = vector.shape_cast %get3A_1254 : vector<16xi32> to vector<16xi32>
      %add3A_1256 = vector.broadcast %mul3A_746 : i32 to vector<16xi32>
      %add3A_1257 = arith.addi %get3A_1255, %add3A_1256 : vector<16xi32>
      %swap3A_1258 = arith.constant 896 : index
      %swap3A_1259 = tpu.vector_load %arg8[%swap3A_1258] {strides = array<i32>} : memref<1280xi32, #tpu.memory_space<vmem>>, vector<16xi32>,
      %swap3A_1260 = vector.shape_cast %swap3A_1259 : vector<16xi32> to vector<16xi32>
      %swap3A_1261 = vector.shape_cast %add3A_1257 : vector<16xi32> to vector<16xi32>
      tpu.vector_store %arg8[%swap3A_1258], %swap3A_1261 {strides = array<i32>} : memref<1280xi32, #tpu.memory_space<vmem>>, vector<16xi32>,
      %get3A_1262 = arith.constant 912 : index
      %get3A_1263 = tpu.vector_load %arg6[%get3A_1262] {strides = array<i32>} : memref<1280xi32, #tpu.memory_space<vmem>>, vector<16xi32>,
      %get3A_1264 = vector.shape_cast %get3A_1263 : vector<16xi32> to vector<16xi32>
      %add3A_1265 = vector.broadcast %mul3A_746 : i32 to vector<16xi32>
      %add3A_1266 = arith.addi %get3A_1264, %add3A_1265 : vector<16xi32>
      %swap3A_1267 = arith.constant 912 : index
      %swap3A_1268 = tpu.vector_load %arg8[%swap3A_1267] {strides = array<i32>} : memref<1280xi32, #tpu.memory_space<vmem>>, vector<16xi32>,
      %swap3A_1269 = vector.shape_cast %swap3A_1268 : vector<16xi32> to vector<16xi32>
      %swap3A_1270 = vector.shape_cast %add3A_1266 : vector<16xi32> to vector<16xi32>
      tpu.vector_store %arg8[%swap3A_1267], %swap3A_1270 {strides = array<i32>} : memref<1280xi32, #tpu.memory_space<vmem>>, vector<16xi32>,
      %get3A_1271 = arith.constant 928 : index
      %get3A_1272 = tpu.vector_load %arg6[%get3A_1271] {strides = array<i32>} : memref<1280xi32, #tpu.memory_space<vmem>>, vector<16xi32>,
      %get3A_1273 = vector.shape_cast %get3A_1272 : vector<16xi32> to vector<16xi32>
      %add3A_1274 = vector.broadcast %mul3A_746 : i32 to vector<16xi32>
      %add3A_1275 = arith.addi %get3A_1273, %add3A_1274 : vector<16xi32>
      %swap3A_1276 = arith.constant 928 : index
      %swap3A_1277 = tpu.vector_load %arg8[%swap3A_1276] {strides = array<i32>} : memref<1280xi32, #tpu.memory_space<vmem>>, vector<16xi32>,
      %swap3A_1278 = vector.shape_cast %swap3A_1277 : vector<16xi32> to vector<16xi32>
      %swap3A_1279 = vector.shape_cast %add3A_1275 : vector<16xi32> to vector<16xi32>
      tpu.vector_store %arg8[%swap3A_1276], %swap3A_1279 {strides = array<i32>} : memref<1280xi32, #tpu.memory_space<vmem>>, vector<16xi32>,
      %get3A_1280 = arith.constant 944 : index
      %get3A_1281 = tpu.vector_load %arg6[%get3A_1280] {strides = array<i32>} : memref<1280xi32, #tpu.memory_space<vmem>>, vector<16xi32>,
      %get3A_1282 = vector.shape_cast %get3A_1281 : vector<16xi32> to vector<16xi32>
      %add3A_1283 = vector.broadcast %mul3A_746 : i32 to vector<16xi32>
      %add3A_1284 = arith.addi %get3A_1282, %add3A_1283 : vector<16xi32>
      %swap3A_1285 = arith.constant 944 : index
      %swap3A_1286 = tpu.vector_load %arg8[%swap3A_1285] {strides = array<i32>} : memref<1280xi32, #tpu.memory_space<vmem>>, vector<16xi32>,
      %swap3A_1287 = vector.shape_cast %swap3A_1286 : vector<16xi32> to vector<16xi32>
      %swap3A_1288 = vector.shape_cast %add3A_1284 : vector<16xi32> to vector<16xi32>
      tpu.vector_store %arg8[%swap3A_1285], %swap3A_1288 {strides = array<i32>} : memref<1280xi32, #tpu.memory_space<vmem>>, vector<16xi32>,
      %get3A_1289 = arith.constant 960 : index
      %get3A_1290 = tpu.vector_load %arg6[%get3A_1289] {strides = array<i32>} : memref<1280xi32, #tpu.memory_space<vmem>>, vector<16xi32>,
      %get3A_1291 = vector.shape_cast %get3A_1290 : vector<16xi32> to vector<16xi32>
      %add3A_1292 = vector.broadcast %mul3A_746 : i32 to vector<16xi32>
      %add3A_1293 = arith.addi %get3A_1291, %add3A_1292 : vector<16xi32>
      %swap3A_1294 = arith.constant 960 : index
      %swap3A_1295 = tpu.vector_load %arg8[%swap3A_1294] {strides = array<i32>} : memref<1280xi32, #tpu.memory_space<vmem>>, vector<16xi32>,
      %swap3A_1296 = vector.shape_cast %swap3A_1295 : vector<16xi32> to vector<16xi32>
      %swap3A_1297 = vector.shape_cast %add3A_1293 : vector<16xi32> to vector<16xi32>
      tpu.vector_store %arg8[%swap3A_1294], %swap3A_1297 {strides = array<i32>} : memref<1280xi32, #tpu.memory_space<vmem>>, vector<16xi32>,
      %get3A_1298 = arith.constant 976 : index
      %get3A_1299 = tpu.vector_load %arg6[%get3A_1298] {strides = array<i32>} : memref<1280xi32, #tpu.memory_space<vmem>>, vector<16xi32>,
      %get3A_1300 = vector.shape_cast %get3A_1299 : vector<16xi32> to vector<16xi32>
      %add3A_1301 = vector.broadcast %mul3A_746 : i32 to vector<16xi32>
      %add3A_1302 = arith.addi %get3A_1300, %add3A_1301 : vector<16xi32>
      %swap3A_1303 = arith.constant 976 : index
      %swap3A_1304 = tpu.vector_load %arg8[%swap3A_1303] {strides = array<i32>} : memref<1280xi32, #tpu.memory_space<vmem>>, vector<16xi32>,
      %swap3A_1305 = vector.shape_cast %swap3A_1304 : vector<16xi32> to vector<16xi32>
      %swap3A_1306 = vector.shape_cast %add3A_1302 : vector<16xi32> to vector<16xi32>
      tpu.vector_store %arg8[%swap3A_1303], %swap3A_1306 {strides = array<i32>} : memref<1280xi32, #tpu.memory_space<vmem>>, vector<16xi32>,
      %get3A_1307 = arith.constant 992 : index
      %get3A_1308 = tpu.vector_load %arg6[%get3A_1307] {strides = array<i32>} : memref<1280xi32, #tpu.memory_space<vmem>>, vector<16xi32>,
      %get3A_1309 = vector.shape_cast %get3A_1308 : vector<16xi32> to vector<16xi32>
      %add3A_1310 = vector.broadcast %mul3A_746 : i32 to vector<16xi32>
      %add3A_1311 = arith.addi %get3A_1309, %add3A_1310 : vector<16xi32>
      %swap3A_1312 = arith.constant 992 : index
      %swap3A_1313 = tpu.vector_load %arg8[%swap3A_1312] {strides = array<i32>} : memref<1280xi32, #tpu.memory_space<vmem>>, vector<16xi32>,
      %swap3A_1314 = vector.shape_cast %swap3A_1313 : vector<16xi32> to vector<16xi32>
      %swap3A_1315 = vector.shape_cast %add3A_1311 : vector<16xi32> to vector<16xi32>
      tpu.vector_store %arg8[%swap3A_1312], %swap3A_1315 {strides = array<i32>} : memref<1280xi32, #tpu.memory_space<vmem>>, vector<16xi32>,
      %get3A_1316 = arith.constant 1008 : index
      %get3A_1317 = tpu.vector_load %arg6[%get3A_1316] {strides = array<i32>} : memref<1280xi32, #tpu.memory_space<vmem>>, vector<16xi32>,
      %get3A_1318 = vector.shape_cast %get3A_1317 : vector<16xi32> to vector<16xi32>
      %add3A_1319 = vector.broadcast %mul3A_746 : i32 to vector<16xi32>
      %add3A_1320 = arith.addi %get3A_1318, %add3A_1319 : vector<16xi32>
      %swap3A_1321 = arith.constant 1008 : index
      %swap3A_1322 = tpu.vector_load %arg8[%swap3A_1321] {strides = array<i32>} : memref<1280xi32, #tpu.memory_space<vmem>>, vector<16xi32>,
      %swap3A_1323 = vector.shape_cast %swap3A_1322 : vector<16xi32> to vector<16xi32>
      %swap3A_1324 = vector.shape_cast %add3A_1320 : vector<16xi32> to vector<16xi32>
      tpu.vector_store %arg8[%swap3A_1321], %swap3A_1324 {strides = array<i32>} : memref<1280xi32, #tpu.memory_space<vmem>>, vector<16xi32>,
      %get3A_1325 = arith.constant 1024 : index
      %get3A_1326 = tpu.vector_load %arg6[%get3A_1325] {strides = array<i32>} : memref<1280xi32, #tpu.memory_space<vmem>>, vector<16xi32>,
      %get3A_1327 = vector.shape_cast %get3A_1326 : vector<16xi32> to vector<16xi32>
      %add3A_1328 = vector.broadcast %mul3A_746 : i32 to vector<16xi32>
      %add3A_1329 = arith.addi %get3A_1327, %add3A_1328 : vector<16xi32>
      %swap3A_1330 = arith.constant 1024 : index
      %swap3A_1331 = tpu.vector_load %arg8[%swap3A_1330] {strides = array<i32>} : memref<1280xi32, #tpu.memory_space<vmem>>, vector<16xi32>,
      %swap3A_1332 = vector.shape_cast %swap3A_1331 : vector<16xi32> to vector<16xi32>
      %swap3A_1333 = vector.shape_cast %add3A_1329 : vector<16xi32> to vector<16xi32>
      tpu.vector_store %arg8[%swap3A_1330], %swap3A_1333 {strides = array<i32>} : memref<1280xi32, #tpu.memory_space<vmem>>, vector<16xi32>,
      %get3A_1334 = arith.constant 1040 : index
      %get3A_1335 = tpu.vector_load %arg6[%get3A_1334] {strides = array<i32>} : memref<1280xi32, #tpu.memory_space<vmem>>, vector<16xi32>,
      %get3A_1336 = vector.shape_cast %get3A_1335 : vector<16xi32> to vector<16xi32>
      %add3A_1337 = vector.broadcast %mul3A_746 : i32 to vector<16xi32>
      %add3A_1338 = arith.addi %get3A_1336, %add3A_1337 : vector<16xi32>
      %swap3A_1339 = arith.constant 1040 : index
      %swap3A_1340 = tpu.vector_load %arg8[%swap3A_1339] {strides = array<i32>} : memref<1280xi32, #tpu.memory_space<vmem>>, vector<16xi32>,
      %swap3A_1341 = vector.shape_cast %swap3A_1340 : vector<16xi32> to vector<16xi32>
      %swap3A_1342 = vector.shape_cast %add3A_1338 : vector<16xi32> to vector<16xi32>
      tpu.vector_store %arg8[%swap3A_1339], %swap3A_1342 {strides = array<i32>} : memref<1280xi32, #tpu.memory_space<vmem>>, vector<16xi32>,
      %get3A_1343 = arith.constant 1056 : index
      %get3A_1344 = tpu.vector_load %arg6[%get3A_1343] {strides = array<i32>} : memref<1280xi32, #tpu.memory_space<vmem>>, vector<16xi32>,
      %get3A_1345 = vector.shape_cast %get3A_1344 : vector<16xi32> to vector<16xi32>
      %add3A_1346 = vector.broadcast %mul3A_746 : i32 to vector<16xi32>
      %add3A_1347 = arith.addi %get3A_1345, %add3A_1346 : vector<16xi32>
      %swap3A_1348 = arith.constant 1056 : index
      %swap3A_1349 = tpu.vector_load %arg8[%swap3A_1348] {strides = array<i32>} : memref<1280xi32, #tpu.memory_space<vmem>>, vector<16xi32>,
      %swap3A_1350 = vector.shape_cast %swap3A_1349 : vector<16xi32> to vector<16xi32>
      %swap3A_1351 = vector.shape_cast %add3A_1347 : vector<16xi32> to vector<16xi32>
      tpu.vector_store %arg8[%swap3A_1348], %swap3A_1351 {strides = array<i32>} : memref<1280xi32, #tpu.memory_space<vmem>>, vector<16xi32>,
      %get3A_1352 = arith.constant 1072 : index
      %get3A_1353 = tpu.vector_load %arg6[%get3A_1352] {strides = array<i32>} : memref<1280xi32, #tpu.memory_space<vmem>>, vector<16xi32>,
      %get3A_1354 = vector.shape_cast %get3A_1353 : vector<16xi32> to vector<16xi32>
      %add3A_1355 = vector.broadcast %mul3A_746 : i32 to vector<16xi32>
      %add3A_1356 = arith.addi %get3A_1354, %add3A_1355 : vector<16xi32>
      %swap3A_1357 = arith.constant 1072 : index
      %swap3A_1358 = tpu.vector_load %arg8[%swap3A_1357] {strides = array<i32>} : memref<1280xi32, #tpu.memory_space<vmem>>, vector<16xi32>,
      %swap3A_1359 = vector.shape_cast %swap3A_1358 : vector<16xi32> to vector<16xi32>
      %swap3A_1360 = vector.shape_cast %add3A_1356 : vector<16xi32> to vector<16xi32>
      tpu.vector_store %arg8[%swap3A_1357], %swap3A_1360 {strides = array<i32>} : memref<1280xi32, #tpu.memory_space<vmem>>, vector<16xi32>,
      %get3A_1361 = arith.constant 1088 : index
      %get3A_1362 = tpu.vector_load %arg6[%get3A_1361] {strides = array<i32>} : memref<1280xi32, #tpu.memory_space<vmem>>, vector<16xi32>,
      %get3A_1363 = vector.shape_cast %get3A_1362 : vector<16xi32> to vector<16xi32>
      %add3A_1364 = vector.broadcast %mul3A_746 : i32 to vector<16xi32>
      %add3A_1365 = arith.addi %get3A_1363, %add3A_1364 : vector<16xi32>
      %swap3A_1366 = arith.constant 1088 : index
      %swap3A_1367 = tpu.vector_load %arg8[%swap3A_1366] {strides = array<i32>} : memref<1280xi32, #tpu.memory_space<vmem>>, vector<16xi32>,
      %swap3A_1368 = vector.shape_cast %swap3A_1367 : vector<16xi32> to vector<16xi32>
      %swap3A_1369 = vector.shape_cast %add3A_1365 : vector<16xi32> to vector<16xi32>
      tpu.vector_store %arg8[%swap3A_1366], %swap3A_1369 {strides = array<i32>} : memref<1280xi32, #tpu.memory_space<vmem>>, vector<16xi32>,
      %get3A_1370 = arith.constant 1104 : index
      %get3A_1371 = tpu.vector_load %arg6[%get3A_1370] {strides = array<i32>} : memref<1280xi32, #tpu.memory_space<vmem>>, vector<16xi32>,
      %get3A_1372 = vector.shape_cast %get3A_1371 : vector<16xi32> to vector<16xi32>
      %add3A_1373 = vector.broadcast %mul3A_746 : i32 to vector<16xi32>
      %add3A_1374 = arith.addi %get3A_1372, %add3A_1373 : vector<16xi32>
      %swap3A_1375 = arith.constant 1104 : index
      %swap3A_1376 = tpu.vector_load %arg8[%swap3A_1375] {strides = array<i32>} : memref<1280xi32, #tpu.memory_space<vmem>>, vector<16xi32>,
      %swap3A_1377 = vector.shape_cast %swap3A_1376 : vector<16xi32> to vector<16xi32>
      %swap3A_1378 = vector.shape_cast %add3A_1374 : vector<16xi32> to vector<16xi32>
      tpu.vector_store %arg8[%swap3A_1375], %swap3A_1378 {strides = array<i32>} : memref<1280xi32, #tpu.memory_space<vmem>>, vector<16xi32>,
      %get3A_1379 = arith.constant 1120 : index
      %get3A_1380 = tpu.vector_load %arg6[%get3A_1379] {strides = array<i32>} : memref<1280xi32, #tpu.memory_space<vmem>>, vector<16xi32>,
      %get3A_1381 = vector.shape_cast %get3A_1380 : vector<16xi32> to vector<16xi32>
      %add3A_1382 = vector.broadcast %mul3A_746 : i32 to vector<16xi32>
      %add3A_1383 = arith.addi %get3A_1381, %add3A_1382 : vector<16xi32>
      %swap3A_1384 = arith.constant 1120 : index
      %swap3A_1385 = tpu.vector_load %arg8[%swap3A_1384] {strides = array<i32>} : memref<1280xi32, #tpu.memory_space<vmem>>, vector<16xi32>,
      %swap3A_1386 = vector.shape_cast %swap3A_1385 : vector<16xi32> to vector<16xi32>
      %swap3A_1387 = vector.shape_cast %add3A_1383 : vector<16xi32> to vector<16xi32>
      tpu.vector_store %arg8[%swap3A_1384], %swap3A_1387 {strides = array<i32>} : memref<1280xi32, #tpu.memory_space<vmem>>, vector<16xi32>,
      %get3A_1388 = arith.constant 1136 : index
      %get3A_1389 = tpu.vector_load %arg6[%get3A_1388] {strides = array<i32>} : memref<1280xi32, #tpu.memory_space<vmem>>, vector<16xi32>,
      %get3A_1390 = vector.shape_cast %get3A_1389 : vector<16xi32> to vector<16xi32>
      %add3A_1391 = vector.broadcast %mul3A_746 : i32 to vector<16xi32>
      %add3A_1392 = arith.addi %get3A_1390, %add3A_1391 : vector<16xi32>
      %swap3A_1393 = arith.constant 1136 : index
      %swap3A_1394 = tpu.vector_load %arg8[%swap3A_1393] {strides = array<i32>} : memref<1280xi32, #tpu.memory_space<vmem>>, vector<16xi32>,
      %swap3A_1395 = vector.shape_cast %swap3A_1394 : vector<16xi32> to vector<16xi32>
      %swap3A_1396 = vector.shape_cast %add3A_1392 : vector<16xi32> to vector<16xi32>
      tpu.vector_store %arg8[%swap3A_1393], %swap3A_1396 {strides = array<i32>} : memref<1280xi32, #tpu.memory_space<vmem>>, vector<16xi32>,
      %get3A_1397 = arith.constant 1152 : index
      %get3A_1398 = tpu.vector_load %arg6[%get3A_1397] {strides = array<i32>} : memref<1280xi32, #tpu.memory_space<vmem>>, vector<16xi32>,
      %get3A_1399 = vector.shape_cast %get3A_1398 : vector<16xi32> to vector<16xi32>
      %add3A_1400 = vector.broadcast %mul3A_746 : i32 to vector<16xi32>
      %add3A_1401 = arith.addi %get3A_1399, %add3A_1400 : vector<16xi32>
      %swap3A_1402 = arith.constant 1152 : index
      %swap3A_1403 = tpu.vector_load %arg8[%swap3A_1402] {strides = array<i32>} : memref<1280xi32, #tpu.memory_space<vmem>>, vector<16xi32>,
      %swap3A_1404 = vector.shape_cast %swap3A_1403 : vector<16xi32> to vector<16xi32>
      %swap3A_1405 = vector.shape_cast %add3A_1401 : vector<16xi32> to vector<16xi32>
      tpu.vector_store %arg8[%swap3A_1402], %swap3A_1405 {strides = array<i32>} : memref<1280xi32, #tpu.memory_space<vmem>>, vector<16xi32>,
      %get3A_1406 = arith.constant 1168 : index
      %get3A_1407 = tpu.vector_load %arg6[%get3A_1406] {strides = array<i32>} : memref<1280xi32, #tpu.memory_space<vmem>>, vector<16xi32>,
      %get3A_1408 = vector.shape_cast %get3A_1407 : vector<16xi32> to vector<16xi32>
      %add3A_1409 = vector.broadcast %mul3A_746 : i32 to vector<16xi32>
      %add3A_1410 = arith.addi %get3A_1408, %add3A_1409 : vector<16xi32>
      %swap3A_1411 = arith.constant 1168 : index
      %swap3A_1412 = tpu.vector_load %arg8[%swap3A_1411] {strides = array<i32>} : memref<1280xi32, #tpu.memory_space<vmem>>, vector<16xi32>,
      %swap3A_1413 = vector.shape_cast %swap3A_1412 : vector<16xi32> to vector<16xi32>
      %swap3A_1414 = vector.shape_cast %add3A_1410 : vector<16xi32> to vector<16xi32>
      tpu.vector_store %arg8[%swap3A_1411], %swap3A_1414 {strides = array<i32>} : memref<1280xi32, #tpu.memory_space<vmem>>, vector<16xi32>,
      %get3A_1415 = arith.constant 1184 : index
      %get3A_1416 = tpu.vector_load %arg6[%get3A_1415] {strides = array<i32>} : memref<1280xi32, #tpu.memory_space<vmem>>, vector<16xi32>,
      %get3A_1417 = vector.shape_cast %get3A_1416 : vector<16xi32> to vector<16xi32>
      %add3A_1418 = vector.broadcast %mul3A_746 : i32 to vector<16xi32>
      %add3A_1419 = arith.addi %get3A_1417, %add3A_1418 : vector<16xi32>
      %swap3A_1420 = arith.constant 1184 : index
      %swap3A_1421 = tpu.vector_load %arg8[%swap3A_1420] {strides = array<i32>} : memref<1280xi32, #tpu.memory_space<vmem>>, vector<16xi32>,
      %swap3A_1422 = vector.shape_cast %swap3A_1421 : vector<16xi32> to vector<16xi32>
      %swap3A_1423 = vector.shape_cast %add3A_1419 : vector<16xi32> to vector<16xi32>
      tpu.vector_store %arg8[%swap3A_1420], %swap3A_1423 {strides = array<i32>} : memref<1280xi32, #tpu.memory_space<vmem>>, vector<16xi32>,
      %get3A_1424 = arith.constant 1200 : index
      %get3A_1425 = tpu.vector_load %arg6[%get3A_1424] {strides = array<i32>} : memref<1280xi32, #tpu.memory_space<vmem>>, vector<16xi32>,
      %get3A_1426 = vector.shape_cast %get3A_1425 : vector<16xi32> to vector<16xi32>
      %add3A_1427 = vector.broadcast %mul3A_746 : i32 to vector<16xi32>
      %add3A_1428 = arith.addi %get3A_1426, %add3A_1427 : vector<16xi32>
      %swap3A_1429 = arith.constant 1200 : index
      %swap3A_1430 = tpu.vector_load %arg8[%swap3A_1429] {strides = array<i32>} : memref<1280xi32, #tpu.memory_space<vmem>>, vector<16xi32>,
      %swap3A_1431 = vector.shape_cast %swap3A_1430 : vector<16xi32> to vector<16xi32>
      %swap3A_1432 = vector.shape_cast %add3A_1428 : vector<16xi32> to vector<16xi32>
      tpu.vector_store %arg8[%swap3A_1429], %swap3A_1432 {strides = array<i32>} : memref<1280xi32, #tpu.memory_space<vmem>>, vector<16xi32>,
      %get3A_1433 = arith.constant 1216 : index
      %get3A_1434 = tpu.vector_load %arg6[%get3A_1433] {strides = array<i32>} : memref<1280xi32, #tpu.memory_space<vmem>>, vector<16xi32>,
      %get3A_1435 = vector.shape_cast %get3A_1434 : vector<16xi32> to vector<16xi32>
      %add3A_1436 = vector.broadcast %mul3A_746 : i32 to vector<16xi32>
      %add3A_1437 = arith.addi %get3A_1435, %add3A_1436 : vector<16xi32>
      %swap3A_1438 = arith.constant 1216 : index
      %swap3A_1439 = tpu.vector_load %arg8[%swap3A_1438] {strides = array<i32>} : memref<1280xi32, #tpu.memory_space<vmem>>, vector<16xi32>,
      %swap3A_1440 = vector.shape_cast %swap3A_1439 : vector<16xi32> to vector<16xi32>
      %swap3A_1441 = vector.shape_cast %add3A_1437 : vector<16xi32> to vector<16xi32>
      tpu.vector_store %arg8[%swap3A_1438], %swap3A_1441 {strides = array<i32>} : memref<1280xi32, #tpu.memory_space<vmem>>, vector<16xi32>,
      %get3A_1442 = arith.constant 1232 : index
      %get3A_1443 = tpu.vector_load %arg6[%get3A_1442] {strides = array<i32>} : memref<1280xi32, #tpu.memory_space<vmem>>, vector<16xi32>,
      %get3A_1444 = vector.shape_cast %get3A_1443 : vector<16xi32> to vector<16xi32>
      %add3A_1445 = vector.broadcast %mul3A_746 : i32 to vector<16xi32>
      %add3A_1446 = arith.addi %get3A_1444, %add3A_1445 : vector<16xi32>
      %swap3A_1447 = arith.constant 1232 : index
      %swap3A_1448 = tpu.vector_load %arg8[%swap3A_1447] {strides = array<i32>} : memref<1280xi32, #tpu.memory_space<vmem>>, vector<16xi32>,
      %swap3A_1449 = vector.shape_cast %swap3A_1448 : vector<16xi32> to vector<16xi32>
      %swap3A_1450 = vector.shape_cast %add3A_1446 : vector<16xi32> to vector<16xi32>
      tpu.vector_store %arg8[%swap3A_1447], %swap3A_1450 {strides = array<i32>} : memref<1280xi32, #tpu.memory_space<vmem>>, vector<16xi32>,
      %get3A_1451 = arith.constant 1248 : index
      %get3A_1452 = tpu.vector_load %arg6[%get3A_1451] {strides = array<i32>} : memref<1280xi32, #tpu.memory_space<vmem>>, vector<16xi32>,
      %get3A_1453 = vector.shape_cast %get3A_1452 : vector<16xi32> to vector<16xi32>
      %add3A_1454 = vector.broadcast %mul3A_746 : i32 to vector<16xi32>
      %add3A_1455 = arith.addi %get3A_1453, %add3A_1454 : vector<16xi32>
      %swap3A_1456 = arith.constant 1248 : index
      %swap3A_1457 = tpu.vector_load %arg8[%swap3A_1456] {strides = array<i32>} : memref<1280xi32, #tpu.memory_space<vmem>>, vector<16xi32>,
      %swap3A_1458 = vector.shape_cast %swap3A_1457 : vector<16xi32> to vector<16xi32>
      %swap3A_1459 = vector.shape_cast %add3A_1455 : vector<16xi32> to vector<16xi32>
      tpu.vector_store %arg8[%swap3A_1456], %swap3A_1459 {strides = array<i32>} : memref<1280xi32, #tpu.memory_space<vmem>>, vector<16xi32>,
      %get3A_1460 = arith.constant 1264 : index
      %get3A_1461 = tpu.vector_load %arg6[%get3A_1460] {strides = array<i32>} : memref<1280xi32, #tpu.memory_space<vmem>>, vector<16xi32>,
      %get3A_1462 = vector.shape_cast %get3A_1461 : vector<16xi32> to vector<16xi32>
      %add3A_1463 = vector.broadcast %mul3A_746 : i32 to vector<16xi32>
      %add3A_1464 = arith.addi %get3A_1462, %add3A_1463 : vector<16xi32>
      %swap3A_1465 = arith.constant 1264 : index
      %swap3A_1466 = tpu.vector_load %arg8[%swap3A_1465] {strides = array<i32>} : memref<1280xi32, #tpu.memory_space<vmem>>, vector<16xi32>,
      %swap3A_1467 = vector.shape_cast %swap3A_1466 : vector<16xi32> to vector<16xi32>
      %swap3A_1468 = vector.shape_cast %add3A_1464 : vector<16xi32> to vector<16xi32>
      tpu.vector_store %arg8[%swap3A_1465], %swap3A_1468 {strides = array<i32>} : memref<1280xi32, #tpu.memory_space<vmem>>, vector<16xi32>,
      %dma_start3A_1469 = arith.constant 0 : i32
      %dma_start3A_1470 = arith.constant 0 : i32
      %dma_start3A_1471 = tpu.memref_slice %arg2[%dma_start3A_1469, %dma_start3A_1470] : memref<2600000x32xf32, #tpu.memory_space<hbm>> -> memref<2600000x32xf32, #tpu.memory_space<hbm>>
      tpu.enqueue_indirect_dma source(%dma_start3A_1471 : memref<2600000x32xf32, #tpu.memory_space<hbm>>) target(%arg10 : memref<1280x32xf32, #tpu.memory_space<vmem>>) offsets(%arg8 : memref<1280xi32, #tpu.memory_space<vmem>>) semaphore(%arg14 : memref<!tpu.dma_semaphore, #tpu.memory_space<semaphore_mem>>)
      %dma_wait3A = arith.constant 0 : i32
      %dma_wait3A_1472 = arith.constant 0 : i32
      %dma_wait3A_1473 = tpu.memref_slice %arg2[%dma_wait3A, %dma_wait3A_1472] : memref<2600000x32xf32, #tpu.memory_space<hbm>> -> memref<1280x32xf32, #tpu.memory_space<hbm>>
      %dma_wait3A_1474 = arith.constant 0 : i32
      %dma_wait3A_1475 = arith.constant 0 : i32
      %dma_wait3A_1476 = tpu.memref_slice %arg2[%dma_wait3A_1474, %dma_wait3A_1475] : memref<2600000x32xf32, #tpu.memory_space<hbm>> -> memref<1280x32xf32, #tpu.memory_space<hbm>>
      tpu.wait_dma2 semaphore(%arg13 : memref<!tpu.dma_semaphore, #tpu.memory_space<semaphore_mem>>) src(%dma_wait3A_1476 : memref<1280x32xf32, #tpu.memory_space<hbm>>) dst(%arg9 : memref<1280x32xf32, #tpu.memory_space<vmem>>)
      %scan3A_1477 = arith.constant 0 : i32
      %scan3A_1478 = arith.constant 0 : i32
      %scan3A_1479 = arith.constant 16 : i32
      %scan3A_1480 = arith.addi %scan3A_1478, %scan3A_1479 : i32
      %scan3A_1481 = arith.constant 1 : i32
      scf.for %scan3A_1505 = %scan3A_1478 to %scan3A_1480 step %scan3A_1481  : i32 {
        %mul3A_1506 = arith.constant 4 : i32
        %mul3A_1507 = arith.muli %scan3A_1505, %mul3A_1506 : i32
        %add3A_1508 = arith.constant 0 : i32
        %add3A_1509 = arith.addi %mul3A_1507, %add3A_1508 : i32
        %mul3A_1510 = arith.constant 20 : i32
        %mul3A_1511 = arith.muli %add3A_1509, %mul3A_1510 : i32
        %get3A_1512 = arith.index_cast %mul3A_1511 : i32 to index
        %get3A_1513 = arith.constant 0 : index
        %get3A_1514 = tpu.vector_load %arg9[%get3A_1512, %get3A_1513] {strides = array<i32>} : memref<1280x32xf32, #tpu.memory_space<vmem>>, vector<1x16xf32>,
        %get3A_1515 = vector.shape_cast %get3A_1514 : vector<1x16xf32> to vector<16xf32>
        %get3A_1516 = arith.index_cast %mul3A_1511 : i32 to index
        %get3A_1517 = arith.constant 16 : index
        %get3A_1518 = tpu.vector_load %arg9[%get3A_1516, %get3A_1517] {strides = array<i32>} : memref<1280x32xf32, #tpu.memory_space<vmem>>, vector<1x16xf32>,
        %get3A_1519 = vector.shape_cast %get3A_1518 : vector<1x16xf32> to vector<16xf32>
        %add3A_1520 = arith.constant 1 : i32
        %add3A_1521 = arith.addi %mul3A_1507, %add3A_1520 : i32
        %mul3A_1522 = arith.constant 20 : i32
        %mul3A_1523 = arith.muli %add3A_1521, %mul3A_1522 : i32
        %get3A_1524 = arith.index_cast %mul3A_1523 : i32 to index
        %get3A_1525 = arith.constant 0 : index
        %get3A_1526 = tpu.vector_load %arg9[%get3A_1524, %get3A_1525] {strides = array<i32>} : memref<1280x32xf32, #tpu.memory_space<vmem>>, vector<1x16xf32>,
        %get3A_1527 = vector.shape_cast %get3A_1526 : vector<1x16xf32> to vector<16xf32>
        %get3A_1528 = arith.index_cast %mul3A_1523 : i32 to index
        %get3A_1529 = arith.constant 16 : index
        %get3A_1530 = tpu.vector_load %arg9[%get3A_1528, %get3A_1529] {strides = array<i32>} : memref<1280x32xf32, #tpu.memory_space<vmem>>, vector<1x16xf32>,
        %get3A_1531 = vector.shape_cast %get3A_1530 : vector<1x16xf32> to vector<16xf32>
        %add3A_1532 = arith.constant 2 : i32
        %add3A_1533 = arith.addi %mul3A_1507, %add3A_1532 : i32
        %mul3A_1534 = arith.constant 20 : i32
        %mul3A_1535 = arith.muli %add3A_1533, %mul3A_1534 : i32
        %get3A_1536 = arith.index_cast %mul3A_1535 : i32 to index
        %get3A_1537 = arith.constant 0 : index
        %get3A_1538 = tpu.vector_load %arg9[%get3A_1536, %get3A_1537] {strides = array<i32>} : memref<1280x32xf32, #tpu.memory_space<vmem>>, vector<1x16xf32>,
        %get3A_1539 = vector.shape_cast %get3A_1538 : vector<1x16xf32> to vector<16xf32>
        %get3A_1540 = arith.index_cast %mul3A_1535 : i32 to index
        %get3A_1541 = arith.constant 16 : index
        %get3A_1542 = tpu.vector_load %arg9[%get3A_1540, %get3A_1541] {strides = array<i32>} : memref<1280x32xf32, #tpu.memory_space<vmem>>, vector<1x16xf32>,
        %get3A_1543 = vector.shape_cast %get3A_1542 : vector<1x16xf32> to vector<16xf32>
        %add3A_1544 = arith.constant 3 : i32
        %add3A_1545 = arith.addi %mul3A_1507, %add3A_1544 : i32
        %mul3A_1546 = arith.constant 20 : i32
        %mul3A_1547 = arith.muli %add3A_1545, %mul3A_1546 : i32
        %get3A_1548 = arith.index_cast %mul3A_1547 : i32 to index
        %get3A_1549 = arith.constant 0 : index
        %get3A_1550 = tpu.vector_load %arg9[%get3A_1548, %get3A_1549] {strides = array<i32>} : memref<1280x32xf32, #tpu.memory_space<vmem>>, vector<1x16xf32>,
        %get3A_1551 = vector.shape_cast %get3A_1550 : vector<1x16xf32> to vector<16xf32>
        %get3A_1552 = arith.index_cast %mul3A_1547 : i32 to index
        %get3A_1553 = arith.constant 16 : index
        %get3A_1554 = tpu.vector_load %arg9[%get3A_1552, %get3A_1553] {strides = array<i32>} : memref<1280x32xf32, #tpu.memory_space<vmem>>, vector<1x16xf32>,
        %get3A_1555 = vector.shape_cast %get3A_1554 : vector<1x16xf32> to vector<16xf32>
        %add3A_1556 = arith.constant 0 : i32
        %add3A_1557 = arith.addi %mul3A_1507, %add3A_1556 : i32
        %mul3A_1558 = arith.constant 20 : i32
        %mul3A_1559 = arith.muli %add3A_1557, %mul3A_1558 : i32
        %add3A_1560 = arith.constant 1 : i32
        %add3A_1561 = arith.addi %mul3A_1559, %add3A_1560 : i32
        %get3A_1562 = arith.index_cast %add3A_1561 : i32 to index
        %get3A_1563 = arith.constant 0 : index
        %get3A_1564 = tpu.vector_load %arg9[%get3A_1562, %get3A_1563] {strides = array<i32>} : memref<1280x32xf32, #tpu.memory_space<vmem>>, vector<1x16xf32>,
        %get3A_1565 = vector.shape_cast %get3A_1564 : vector<1x16xf32> to vector<16xf32>
        %add3A_1566 = arith.addf %get3A_1515, %get3A_1565 : vector<16xf32>
        %get3A_1567 = arith.index_cast %add3A_1561 : i32 to index
        %get3A_1568 = arith.constant 16 : index
        %get3A_1569 = tpu.vector_load %arg9[%get3A_1567, %get3A_1568] {strides = array<i32>} : memref<1280x32xf32, #tpu.memory_space<vmem>>, vector<1x16xf32>,
        %get3A_1570 = vector.shape_cast %get3A_1569 : vector<1x16xf32> to vector<16xf32>
        %add3A_1571 = arith.addf %get3A_1519, %get3A_1570 : vector<16xf32>
        %add3A_1572 = arith.constant 1 : i32
        %add3A_1573 = arith.addi %mul3A_1507, %add3A_1572 : i32
        %mul3A_1574 = arith.constant 20 : i32
        %mul3A_1575 = arith.muli %add3A_1573, %mul3A_1574 : i32
        %add3A_1576 = arith.constant 1 : i32
        %add3A_1577 = arith.addi %mul3A_1575, %add3A_1576 : i32
        %get3A_1578 = arith.index_cast %add3A_1577 : i32 to index
        %get3A_1579 = arith.constant 0 : index
        %get3A_1580 = tpu.vector_load %arg9[%get3A_1578, %get3A_1579] {strides = array<i32>} : memref<1280x32xf32, #tpu.memory_space<vmem>>, vector<1x16xf32>,
        %get3A_1581 = vector.shape_cast %get3A_1580 : vector<1x16xf32> to vector<16xf32>
        %add3A_1582 = arith.addf %get3A_1527, %get3A_1581 : vector<16xf32>
        %get3A_1583 = arith.index_cast %add3A_1577 : i32 to index
        %get3A_1584 = arith.constant 16 : index
        %get3A_1585 = tpu.vector_load %arg9[%get3A_1583, %get3A_1584] {strides = array<i32>} : memref<1280x32xf32, #tpu.memory_space<vmem>>, vector<1x16xf32>,
        %get3A_1586 = vector.shape_cast %get3A_1585 : vector<1x16xf32> to vector<16xf32>
        %add3A_1587 = arith.addf %get3A_1531, %get3A_1586 : vector<16xf32>
        %add3A_1588 = arith.constant 2 : i32
        %add3A_1589 = arith.addi %mul3A_1507, %add3A_1588 : i32
        %mul3A_1590 = arith.constant 20 : i32
        %mul3A_1591 = arith.muli %add3A_1589, %mul3A_1590 : i32
        %add3A_1592 = arith.constant 1 : i32
        %add3A_1593 = arith.addi %mul3A_1591, %add3A_1592 : i32
        %get3A_1594 = arith.index_cast %add3A_1593 : i32 to index
        %get3A_1595 = arith.constant 0 : index
        %get3A_1596 = tpu.vector_load %arg9[%get3A_1594, %get3A_1595] {strides = array<i32>} : memref<1280x32xf32, #tpu.memory_space<vmem>>, vector<1x16xf32>,
        %get3A_1597 = vector.shape_cast %get3A_1596 : vector<1x16xf32> to vector<16xf32>
        %add3A_1598 = arith.addf %get3A_1539, %get3A_1597 : vector<16xf32>
        %get3A_1599 = arith.index_cast %add3A_1593 : i32 to index
        %get3A_1600 = arith.constant 16 : index
        %get3A_1601 = tpu.vector_load %arg9[%get3A_1599, %get3A_1600] {strides = array<i32>} : memref<1280x32xf32, #tpu.memory_space<vmem>>, vector<1x16xf32>,
        %get3A_1602 = vector.shape_cast %get3A_1601 : vector<1x16xf32> to vector<16xf32>
        %add3A_1603 = arith.addf %get3A_1543, %get3A_1602 : vector<16xf32>
        %add3A_1604 = arith.constant 3 : i32
        %add3A_1605 = arith.addi %mul3A_1507, %add3A_1604 : i32
        %mul3A_1606 = arith.constant 20 : i32
        %mul3A_1607 = arith.muli %add3A_1605, %mul3A_1606 : i32
        %add3A_1608 = arith.constant 1 : i32
        %add3A_1609 = arith.addi %mul3A_1607, %add3A_1608 : i32
        %get3A_1610 = arith.index_cast %add3A_1609 : i32 to index
        %get3A_1611 = arith.constant 0 : index
        %get3A_1612 = tpu.vector_load %arg9[%get3A_1610, %get3A_1611] {strides = array<i32>} : memref<1280x32xf32, #tpu.memory_space<vmem>>, vector<1x16xf32>,
        %get3A_1613 = vector.shape_cast %get3A_1612 : vector<1x16xf32> to vector<16xf32>
        %add3A_1614 = arith.addf %get3A_1551, %get3A_1613 : vector<16xf32>
        %get3A_1615 = arith.index_cast %add3A_1609 : i32 to index
        %get3A_1616 = arith.constant 16 : index
        %get3A_1617 = tpu.vector_load %arg9[%get3A_1615, %get3A_1616] {strides = array<i32>} : memref<1280x32xf32, #tpu.memory_space<vmem>>, vector<1x16xf32>,
        %get3A_1618 = vector.shape_cast %get3A_1617 : vector<1x16xf32> to vector<16xf32>
        %add3A_1619 = arith.addf %get3A_1555, %get3A_1618 : vector<16xf32>
        %add3A_1620 = arith.constant 0 : i32
        %add3A_1621 = arith.addi %mul3A_1507, %add3A_1620 : i32
        %mul3A_1622 = arith.constant 20 : i32
        %mul3A_1623 = arith.muli %add3A_1621, %mul3A_1622 : i32
        %add3A_1624 = arith.constant 2 : i32
        %add3A_1625 = arith.addi %mul3A_1623, %add3A_1624 : i32
        %get3A_1626 = arith.index_cast %add3A_1625 : i32 to index
        %get3A_1627 = arith.constant 0 : index
        %get3A_1628 = tpu.vector_load %arg9[%get3A_1626, %get3A_1627] {strides = array<i32>} : memref<1280x32xf32, #tpu.memory_space<vmem>>, vector<1x16xf32>,
        %get3A_1629 = vector.shape_cast %get3A_1628 : vector<1x16xf32> to vector<16xf32>
        %add3A_1630 = arith.addf %add3A_1566, %get3A_1629 : vector<16xf32>
        %get3A_1631 = arith.index_cast %add3A_1625 : i32 to index
        %get3A_1632 = arith.constant 16 : index
        %get3A_1633 = tpu.vector_load %arg9[%get3A_1631, %get3A_1632] {strides = array<i32>} : memref<1280x32xf32, #tpu.memory_space<vmem>>, vector<1x16xf32>,
        %get3A_1634 = vector.shape_cast %get3A_1633 : vector<1x16xf32> to vector<16xf32>
        %add3A_1635 = arith.addf %add3A_1571, %get3A_1634 : vector<16xf32>
        %add3A_1636 = arith.constant 1 : i32
        %add3A_1637 = arith.addi %mul3A_1507, %add3A_1636 : i32
        %mul3A_1638 = arith.constant 20 : i32
        %mul3A_1639 = arith.muli %add3A_1637, %mul3A_1638 : i32
        %add3A_1640 = arith.constant 2 : i32
        %add3A_1641 = arith.addi %mul3A_1639, %add3A_1640 : i32
        %get3A_1642 = arith.index_cast %add3A_1641 : i32 to index
        %get3A_1643 = arith.constant 0 : index
        %get3A_1644 = tpu.vector_load %arg9[%get3A_1642, %get3A_1643] {strides = array<i32>} : memref<1280x32xf32, #tpu.memory_space<vmem>>, vector<1x16xf32>,
        %get3A_1645 = vector.shape_cast %get3A_1644 : vector<1x16xf32> to vector<16xf32>
        %add3A_1646 = arith.addf %add3A_1582, %get3A_1645 : vector<16xf32>
        %get3A_1647 = arith.index_cast %add3A_1641 : i32 to index
        %get3A_1648 = arith.constant 16 : index
        %get3A_1649 = tpu.vector_load %arg9[%get3A_1647, %get3A_1648] {strides = array<i32>} : memref<1280x32xf32, #tpu.memory_space<vmem>>, vector<1x16xf32>,
        %get3A_1650 = vector.shape_cast %get3A_1649 : vector<1x16xf32> to vector<16xf32>
        %add3A_1651 = arith.addf %add3A_1587, %get3A_1650 : vector<16xf32>
        %add3A_1652 = arith.constant 2 : i32
        %add3A_1653 = arith.addi %mul3A_1507, %add3A_1652 : i32
        %mul3A_1654 = arith.constant 20 : i32
        %mul3A_1655 = arith.muli %add3A_1653, %mul3A_1654 : i32
        %add3A_1656 = arith.constant 2 : i32
        %add3A_1657 = arith.addi %mul3A_1655, %add3A_1656 : i32
        %get3A_1658 = arith.index_cast %add3A_1657 : i32 to index
        %get3A_1659 = arith.constant 0 : index
        %get3A_1660 = tpu.vector_load %arg9[%get3A_1658, %get3A_1659] {strides = array<i32>} : memref<1280x32xf32, #tpu.memory_space<vmem>>, vector<1x16xf32>,
        %get3A_1661 = vector.shape_cast %get3A_1660 : vector<1x16xf32> to vector<16xf32>
        %add3A_1662 = arith.addf %add3A_1598, %get3A_1661 : vector<16xf32>
        %get3A_1663 = arith.index_cast %add3A_1657 : i32 to index
        %get3A_1664 = arith.constant 16 : index
        %get3A_1665 = tpu.vector_load %arg9[%get3A_1663, %get3A_1664] {strides = array<i32>} : memref<1280x32xf32, #tpu.memory_space<vmem>>, vector<1x16xf32>,
        %get3A_1666 = vector.shape_cast %get3A_1665 : vector<1x16xf32> to vector<16xf32>
        %add3A_1667 = arith.addf %add3A_1603, %get3A_1666 : vector<16xf32>
        %add3A_1668 = arith.constant 3 : i32
        %add3A_1669 = arith.addi %mul3A_1507, %add3A_1668 : i32
        %mul3A_1670 = arith.constant 20 : i32
        %mul3A_1671 = arith.muli %add3A_1669, %mul3A_1670 : i32
        %add3A_1672 = arith.constant 2 : i32
        %add3A_1673 = arith.addi %mul3A_1671, %add3A_1672 : i32
        %get3A_1674 = arith.index_cast %add3A_1673 : i32 to index
        %get3A_1675 = arith.constant 0 : index
        %get3A_1676 = tpu.vector_load %arg9[%get3A_1674, %get3A_1675] {strides = array<i32>} : memref<1280x32xf32, #tpu.memory_space<vmem>>, vector<1x16xf32>,
        %get3A_1677 = vector.shape_cast %get3A_1676 : vector<1x16xf32> to vector<16xf32>
        %add3A_1678 = arith.addf %add3A_1614, %get3A_1677 : vector<16xf32>
        %get3A_1679 = arith.index_cast %add3A_1673 : i32 to index
        %get3A_1680 = arith.constant 16 : index
        %get3A_1681 = tpu.vector_load %arg9[%get3A_1679, %get3A_1680] {strides = array<i32>} : memref<1280x32xf32, #tpu.memory_space<vmem>>, vector<1x16xf32>,
        %get3A_1682 = vector.shape_cast %get3A_1681 : vector<1x16xf32> to vector<16xf32>
        %add3A_1683 = arith.addf %add3A_1619, %get3A_1682 : vector<16xf32>
        %add3A_1684 = arith.constant 0 : i32
        %add3A_1685 = arith.addi %mul3A_1507, %add3A_1684 : i32
        %mul3A_1686 = arith.constant 20 : i32
        %mul3A_1687 = arith.muli %add3A_1685, %mul3A_1686 : i32
        %add3A_1688 = arith.constant 3 : i32
        %add3A_1689 = arith.addi %mul3A_1687, %add3A_1688 : i32
        %get3A_1690 = arith.index_cast %add3A_1689 : i32 to index
        %get3A_1691 = arith.constant 0 : index
        %get3A_1692 = tpu.vector_load %arg9[%get3A_1690, %get3A_1691] {strides = array<i32>} : memref<1280x32xf32, #tpu.memory_space<vmem>>, vector<1x16xf32>,
        %get3A_1693 = vector.shape_cast %get3A_1692 : vector<1x16xf32> to vector<16xf32>
        %add3A_1694 = arith.addf %add3A_1630, %get3A_1693 : vector<16xf32>
        %get3A_1695 = arith.index_cast %add3A_1689 : i32 to index
        %get3A_1696 = arith.constant 16 : index
        %get3A_1697 = tpu.vector_load %arg9[%get3A_1695, %get3A_1696] {strides = array<i32>} : memref<1280x32xf32, #tpu.memory_space<vmem>>, vector<1x16xf32>,
        %get3A_1698 = vector.shape_cast %get3A_1697 : vector<1x16xf32> to vector<16xf32>
        %add3A_1699 = arith.addf %add3A_1635, %get3A_1698 : vector<16xf32>
        %add3A_1700 = arith.constant 1 : i32
        %add3A_1701 = arith.addi %mul3A_1507, %add3A_1700 : i32
        %mul3A_1702 = arith.constant 20 : i32
        %mul3A_1703 = arith.muli %add3A_1701, %mul3A_1702 : i32
        %add3A_1704 = arith.constant 3 : i32
        %add3A_1705 = arith.addi %mul3A_1703, %add3A_1704 : i32
        %get3A_1706 = arith.index_cast %add3A_1705 : i32 to index
        %get3A_1707 = arith.constant 0 : index
        %get3A_1708 = tpu.vector_load %arg9[%get3A_1706, %get3A_1707] {strides = array<i32>} : memref<1280x32xf32, #tpu.memory_space<vmem>>, vector<1x16xf32>,
        %get3A_1709 = vector.shape_cast %get3A_1708 : vector<1x16xf32> to vector<16xf32>
        %add3A_1710 = arith.addf %add3A_1646, %get3A_1709 : vector<16xf32>
        %get3A_1711 = arith.index_cast %add3A_1705 : i32 to index
        %get3A_1712 = arith.constant 16 : index
        %get3A_1713 = tpu.vector_load %arg9[%get3A_1711, %get3A_1712] {strides = array<i32>} : memref<1280x32xf32, #tpu.memory_space<vmem>>, vector<1x16xf32>,
        %get3A_1714 = vector.shape_cast %get3A_1713 : vector<1x16xf32> to vector<16xf32>
        %add3A_1715 = arith.addf %add3A_1651, %get3A_1714 : vector<16xf32>
        %add3A_1716 = arith.constant 2 : i32
        %add3A_1717 = arith.addi %mul3A_1507, %add3A_1716 : i32
        %mul3A_1718 = arith.constant 20 : i32
        %mul3A_1719 = arith.muli %add3A_1717, %mul3A_1718 : i32
        %add3A_1720 = arith.constant 3 : i32
        %add3A_1721 = arith.addi %mul3A_1719, %add3A_1720 : i32
        %get3A_1722 = arith.index_cast %add3A_1721 : i32 to index
        %get3A_1723 = arith.constant 0 : index
        %get3A_1724 = tpu.vector_load %arg9[%get3A_1722, %get3A_1723] {strides = array<i32>} : memref<1280x32xf32, #tpu.memory_space<vmem>>, vector<1x16xf32>,
        %get3A_1725 = vector.shape_cast %get3A_1724 : vector<1x16xf32> to vector<16xf32>
        %add3A_1726 = arith.addf %add3A_1662, %get3A_1725 : vector<16xf32>
        %get3A_1727 = arith.index_cast %add3A_1721 : i32 to index
        %get3A_1728 = arith.constant 16 : index
        %get3A_1729 = tpu.vector_load %arg9[%get3A_1727, %get3A_1728] {strides = array<i32>} : memref<1280x32xf32, #tpu.memory_space<vmem>>, vector<1x16xf32>,
        %get3A_1730 = vector.shape_cast %get3A_1729 : vector<1x16xf32> to vector<16xf32>
        %add3A_1731 = arith.addf %add3A_1667, %get3A_1730 : vector<16xf32>
        %add3A_1732 = arith.constant 3 : i32
        %add3A_1733 = arith.addi %mul3A_1507, %add3A_1732 : i32
        %mul3A_1734 = arith.constant 20 : i32
        %mul3A_1735 = arith.muli %add3A_1733, %mul3A_1734 : i32
        %add3A_1736 = arith.constant 3 : i32
        %add3A_1737 = arith.addi %mul3A_1735, %add3A_1736 : i32
        %get3A_1738 = arith.index_cast %add3A_1737 : i32 to index
        %get3A_1739 = arith.constant 0 : index
        %get3A_1740 = tpu.vector_load %arg9[%get3A_1738, %get3A_1739] {strides = array<i32>} : memref<1280x32xf32, #tpu.memory_space<vmem>>, vector<1x16xf32>,
        %get3A_1741 = vector.shape_cast %get3A_1740 : vector<1x16xf32> to vector<16xf32>
        %add3A_1742 = arith.addf %add3A_1678, %get3A_1741 : vector<16xf32>
        %get3A_1743 = arith.index_cast %add3A_1737 : i32 to index
        %get3A_1744 = arith.constant 16 : index
        %get3A_1745 = tpu.vector_load %arg9[%get3A_1743, %get3A_1744] {strides = array<i32>} : memref<1280x32xf32, #tpu.memory_space<vmem>>, vector<1x16xf32>,
        %get3A_1746 = vector.shape_cast %get3A_1745 : vector<1x16xf32> to vector<16xf32>
        %add3A_1747 = arith.addf %add3A_1683, %get3A_1746 : vector<16xf32>
        %add3A_1748 = arith.constant 0 : i32
        %add3A_1749 = arith.addi %mul3A_1507, %add3A_1748 : i32
        %mul3A_1750 = arith.constant 20 : i32
        %mul3A_1751 = arith.muli %add3A_1749, %mul3A_1750 : i32
        %add3A_1752 = arith.constant 4 : i32
        %add3A_1753 = arith.addi %mul3A_1751, %add3A_1752 : i32
        %get3A_1754 = arith.index_cast %add3A_1753 : i32 to index
        %get3A_1755 = arith.constant 0 : index
        %get3A_1756 = tpu.vector_load %arg9[%get3A_1754, %get3A_1755] {strides = array<i32>} : memref<1280x32xf32, #tpu.memory_space<vmem>>, vector<1x16xf32>,
        %get3A_1757 = vector.shape_cast %get3A_1756 : vector<1x16xf32> to vector<16xf32>
        %add3A_1758 = arith.addf %add3A_1694, %get3A_1757 : vector<16xf32>
        %get3A_1759 = arith.index_cast %add3A_1753 : i32 to index
        %get3A_1760 = arith.constant 16 : index
        %get3A_1761 = tpu.vector_load %arg9[%get3A_1759, %get3A_1760] {strides = array<i32>} : memref<1280x32xf32, #tpu.memory_space<vmem>>, vector<1x16xf32>,
        %get3A_1762 = vector.shape_cast %get3A_1761 : vector<1x16xf32> to vector<16xf32>
        %add3A_1763 = arith.addf %add3A_1699, %get3A_1762 : vector<16xf32>
        %add3A_1764 = arith.constant 1 : i32
        %add3A_1765 = arith.addi %mul3A_1507, %add3A_1764 : i32
        %mul3A_1766 = arith.constant 20 : i32
        %mul3A_1767 = arith.muli %add3A_1765, %mul3A_1766 : i32
        %add3A_1768 = arith.constant 4 : i32
        %add3A_1769 = arith.addi %mul3A_1767, %add3A_1768 : i32
        %get3A_1770 = arith.index_cast %add3A_1769 : i32 to index
        %get3A_1771 = arith.constant 0 : index
        %get3A_1772 = tpu.vector_load %arg9[%get3A_1770, %get3A_1771] {strides = array<i32>} : memref<1280x32xf32, #tpu.memory_space<vmem>>, vector<1x16xf32>,
        %get3A_1773 = vector.shape_cast %get3A_1772 : vector<1x16xf32> to vector<16xf32>
        %add3A_1774 = arith.addf %add3A_1710, %get3A_1773 : vector<16xf32>
        %get3A_1775 = arith.index_cast %add3A_1769 : i32 to index
        %get3A_1776 = arith.constant 16 : index
        %get3A_1777 = tpu.vector_load %arg9[%get3A_1775, %get3A_1776] {strides = array<i32>} : memref<1280x32xf32, #tpu.memory_space<vmem>>, vector<1x16xf32>,
        %get3A_1778 = vector.shape_cast %get3A_1777 : vector<1x16xf32> to vector<16xf32>
        %add3A_1779 = arith.addf %add3A_1715, %get3A_1778 : vector<16xf32>
        %add3A_1780 = arith.constant 2 : i32
        %add3A_1781 = arith.addi %mul3A_1507, %add3A_1780 : i32
        %mul3A_1782 = arith.constant 20 : i32
        %mul3A_1783 = arith.muli %add3A_1781, %mul3A_1782 : i32
        %add3A_1784 = arith.constant 4 : i32
        %add3A_1785 = arith.addi %mul3A_1783, %add3A_1784 : i32
        %get3A_1786 = arith.index_cast %add3A_1785 : i32 to index
        %get3A_1787 = arith.constant 0 : index
        %get3A_1788 = tpu.vector_load %arg9[%get3A_1786, %get3A_1787] {strides = array<i32>} : memref<1280x32xf32, #tpu.memory_space<vmem>>, vector<1x16xf32>,
        %get3A_1789 = vector.shape_cast %get3A_1788 : vector<1x16xf32> to vector<16xf32>
        %add3A_1790 = arith.addf %add3A_1726, %get3A_1789 : vector<16xf32>
        %get3A_1791 = arith.index_cast %add3A_1785 : i32 to index
        %get3A_1792 = arith.constant 16 : index
        %get3A_1793 = tpu.vector_load %arg9[%get3A_1791, %get3A_1792] {strides = array<i32>} : memref<1280x32xf32, #tpu.memory_space<vmem>>, vector<1x16xf32>,
        %get3A_1794 = vector.shape_cast %get3A_1793 : vector<1x16xf32> to vector<16xf32>
        %add3A_1795 = arith.addf %add3A_1731, %get3A_1794 : vector<16xf32>
        %add3A_1796 = arith.constant 3 : i32
        %add3A_1797 = arith.addi %mul3A_1507, %add3A_1796 : i32
        %mul3A_1798 = arith.constant 20 : i32
        %mul3A_1799 = arith.muli %add3A_1797, %mul3A_1798 : i32
        %add3A_1800 = arith.constant 4 : i32
        %add3A_1801 = arith.addi %mul3A_1799, %add3A_1800 : i32
        %get3A_1802 = arith.index_cast %add3A_1801 : i32 to index
        %get3A_1803 = arith.constant 0 : index
        %get3A_1804 = tpu.vector_load %arg9[%get3A_1802, %get3A_1803] {strides = array<i32>} : memref<1280x32xf32, #tpu.memory_space<vmem>>, vector<1x16xf32>,
        %get3A_1805 = vector.shape_cast %get3A_1804 : vector<1x16xf32> to vector<16xf32>
        %add3A_1806 = arith.addf %add3A_1742, %get3A_1805 : vector<16xf32>
        %get3A_1807 = arith.index_cast %add3A_1801 : i32 to index
        %get3A_1808 = arith.constant 16 : index
        %get3A_1809 = tpu.vector_load %arg9[%get3A_1807, %get3A_1808] {strides = array<i32>} : memref<1280x32xf32, #tpu.memory_space<vmem>>, vector<1x16xf32>,
        %get3A_1810 = vector.shape_cast %get3A_1809 : vector<1x16xf32> to vector<16xf32>
        %add3A_1811 = arith.addf %add3A_1747, %get3A_1810 : vector<16xf32>
        %add3A_1812 = arith.constant 0 : i32
        %add3A_1813 = arith.addi %mul3A_1507, %add3A_1812 : i32
        %mul3A_1814 = arith.constant 20 : i32
        %mul3A_1815 = arith.muli %add3A_1813, %mul3A_1814 : i32
        %add3A_1816 = arith.constant 5 : i32
        %add3A_1817 = arith.addi %mul3A_1815, %add3A_1816 : i32
        %get3A_1818 = arith.index_cast %add3A_1817 : i32 to index
        %get3A_1819 = arith.constant 0 : index
        %get3A_1820 = tpu.vector_load %arg9[%get3A_1818, %get3A_1819] {strides = array<i32>} : memref<1280x32xf32, #tpu.memory_space<vmem>>, vector<1x16xf32>,
        %get3A_1821 = vector.shape_cast %get3A_1820 : vector<1x16xf32> to vector<16xf32>
        %add3A_1822 = arith.addf %add3A_1758, %get3A_1821 : vector<16xf32>
        %get3A_1823 = arith.index_cast %add3A_1817 : i32 to index
        %get3A_1824 = arith.constant 16 : index
        %get3A_1825 = tpu.vector_load %arg9[%get3A_1823, %get3A_1824] {strides = array<i32>} : memref<1280x32xf32, #tpu.memory_space<vmem>>, vector<1x16xf32>,
        %get3A_1826 = vector.shape_cast %get3A_1825 : vector<1x16xf32> to vector<16xf32>
        %add3A_1827 = arith.addf %add3A_1763, %get3A_1826 : vector<16xf32>
        %add3A_1828 = arith.constant 1 : i32
        %add3A_1829 = arith.addi %mul3A_1507, %add3A_1828 : i32
        %mul3A_1830 = arith.constant 20 : i32
        %mul3A_1831 = arith.muli %add3A_1829, %mul3A_1830 : i32
        %add3A_1832 = arith.constant 5 : i32
        %add3A_1833 = arith.addi %mul3A_1831, %add3A_1832 : i32
        %get3A_1834 = arith.index_cast %add3A_1833 : i32 to index
        %get3A_1835 = arith.constant 0 : index
        %get3A_1836 = tpu.vector_load %arg9[%get3A_1834, %get3A_1835] {strides = array<i32>} : memref<1280x32xf32, #tpu.memory_space<vmem>>, vector<1x16xf32>,
        %get3A_1837 = vector.shape_cast %get3A_1836 : vector<1x16xf32> to vector<16xf32>
        %add3A_1838 = arith.addf %add3A_1774, %get3A_1837 : vector<16xf32>
        %get3A_1839 = arith.index_cast %add3A_1833 : i32 to index
        %get3A_1840 = arith.constant 16 : index
        %get3A_1841 = tpu.vector_load %arg9[%get3A_1839, %get3A_1840] {strides = array<i32>} : memref<1280x32xf32, #tpu.memory_space<vmem>>, vector<1x16xf32>,
        %get3A_1842 = vector.shape_cast %get3A_1841 : vector<1x16xf32> to vector<16xf32>
        %add3A_1843 = arith.addf %add3A_1779, %get3A_1842 : vector<16xf32>
        %add3A_1844 = arith.constant 2 : i32
        %add3A_1845 = arith.addi %mul3A_1507, %add3A_1844 : i32
        %mul3A_1846 = arith.constant 20 : i32
        %mul3A_1847 = arith.muli %add3A_1845, %mul3A_1846 : i32
        %add3A_1848 = arith.constant 5 : i32
        %add3A_1849 = arith.addi %mul3A_1847, %add3A_1848 : i32
        %get3A_1850 = arith.index_cast %add3A_1849 : i32 to index
        %get3A_1851 = arith.constant 0 : index
        %get3A_1852 = tpu.vector_load %arg9[%get3A_1850, %get3A_1851] {strides = array<i32>} : memref<1280x32xf32, #tpu.memory_space<vmem>>, vector<1x16xf32>,
        %get3A_1853 = vector.shape_cast %get3A_1852 : vector<1x16xf32> to vector<16xf32>
        %add3A_1854 = arith.addf %add3A_1790, %get3A_1853 : vector<16xf32>
        %get3A_1855 = arith.index_cast %add3A_1849 : i32 to index
        %get3A_1856 = arith.constant 16 : index
        %get3A_1857 = tpu.vector_load %arg9[%get3A_1855, %get3A_1856] {strides = array<i32>} : memref<1280x32xf32, #tpu.memory_space<vmem>>, vector<1x16xf32>,
        %get3A_1858 = vector.shape_cast %get3A_1857 : vector<1x16xf32> to vector<16xf32>
        %add3A_1859 = arith.addf %add3A_1795, %get3A_1858 : vector<16xf32>
        %add3A_1860 = arith.constant 3 : i32
        %add3A_1861 = arith.addi %mul3A_1507, %add3A_1860 : i32
        %mul3A_1862 = arith.constant 20 : i32
        %mul3A_1863 = arith.muli %add3A_1861, %mul3A_1862 : i32
        %add3A_1864 = arith.constant 5 : i32
        %add3A_1865 = arith.addi %mul3A_1863, %add3A_1864 : i32
        %get3A_1866 = arith.index_cast %add3A_1865 : i32 to index
        %get3A_1867 = arith.constant 0 : index
        %get3A_1868 = tpu.vector_load %arg9[%get3A_1866, %get3A_1867] {strides = array<i32>} : memref<1280x32xf32, #tpu.memory_space<vmem>>, vector<1x16xf32>,
        %get3A_1869 = vector.shape_cast %get3A_1868 : vector<1x16xf32> to vector<16xf32>
        %add3A_1870 = arith.addf %add3A_1806, %get3A_1869 : vector<16xf32>
        %get3A_1871 = arith.index_cast %add3A_1865 : i32 to index
        %get3A_1872 = arith.constant 16 : index
        %get3A_1873 = tpu.vector_load %arg9[%get3A_1871, %get3A_1872] {strides = array<i32>} : memref<1280x32xf32, #tpu.memory_space<vmem>>, vector<1x16xf32>,
        %get3A_1874 = vector.shape_cast %get3A_1873 : vector<1x16xf32> to vector<16xf32>
        %add3A_1875 = arith.addf %add3A_1811, %get3A_1874 : vector<16xf32>
        %add3A_1876 = arith.constant 0 : i32
        %add3A_1877 = arith.addi %mul3A_1507, %add3A_1876 : i32
        %mul3A_1878 = arith.constant 20 : i32
        %mul3A_1879 = arith.muli %add3A_1877, %mul3A_1878 : i32
        %add3A_1880 = arith.constant 6 : i32
        %add3A_1881 = arith.addi %mul3A_1879, %add3A_1880 : i32
        %get3A_1882 = arith.index_cast %add3A_1881 : i32 to index
        %get3A_1883 = arith.constant 0 : index
        %get3A_1884 = tpu.vector_load %arg9[%get3A_1882, %get3A_1883] {strides = array<i32>} : memref<1280x32xf32, #tpu.memory_space<vmem>>, vector<1x16xf32>,
        %get3A_1885 = vector.shape_cast %get3A_1884 : vector<1x16xf32> to vector<16xf32>
        %add3A_1886 = arith.addf %add3A_1822, %get3A_1885 : vector<16xf32>
        %get3A_1887 = arith.index_cast %add3A_1881 : i32 to index
        %get3A_1888 = arith.constant 16 : index
        %get3A_1889 = tpu.vector_load %arg9[%get3A_1887, %get3A_1888] {strides = array<i32>} : memref<1280x32xf32, #tpu.memory_space<vmem>>, vector<1x16xf32>,
        %get3A_1890 = vector.shape_cast %get3A_1889 : vector<1x16xf32> to vector<16xf32>
        %add3A_1891 = arith.addf %add3A_1827, %get3A_1890 : vector<16xf32>
        %add3A_1892 = arith.constant 1 : i32
        %add3A_1893 = arith.addi %mul3A_1507, %add3A_1892 : i32
        %mul3A_1894 = arith.constant 20 : i32
        %mul3A_1895 = arith.muli %add3A_1893, %mul3A_1894 : i32
        %add3A_1896 = arith.constant 6 : i32
        %add3A_1897 = arith.addi %mul3A_1895, %add3A_1896 : i32
        %get3A_1898 = arith.index_cast %add3A_1897 : i32 to index
        %get3A_1899 = arith.constant 0 : index
        %get3A_1900 = tpu.vector_load %arg9[%get3A_1898, %get3A_1899] {strides = array<i32>} : memref<1280x32xf32, #tpu.memory_space<vmem>>, vector<1x16xf32>,
        %get3A_1901 = vector.shape_cast %get3A_1900 : vector<1x16xf32> to vector<16xf32>
        %add3A_1902 = arith.addf %add3A_1838, %get3A_1901 : vector<16xf32>
        %get3A_1903 = arith.index_cast %add3A_1897 : i32 to index
        %get3A_1904 = arith.constant 16 : index
        %get3A_1905 = tpu.vector_load %arg9[%get3A_1903, %get3A_1904] {strides = array<i32>} : memref<1280x32xf32, #tpu.memory_space<vmem>>, vector<1x16xf32>,
        %get3A_1906 = vector.shape_cast %get3A_1905 : vector<1x16xf32> to vector<16xf32>
        %add3A_1907 = arith.addf %add3A_1843, %get3A_1906 : vector<16xf32>
        %add3A_1908 = arith.constant 2 : i32
        %add3A_1909 = arith.addi %mul3A_1507, %add3A_1908 : i32
        %mul3A_1910 = arith.constant 20 : i32
        %mul3A_1911 = arith.muli %add3A_1909, %mul3A_1910 : i32
        %add3A_1912 = arith.constant 6 : i32
        %add3A_1913 = arith.addi %mul3A_1911, %add3A_1912 : i32
        %get3A_1914 = arith.index_cast %add3A_1913 : i32 to index
        %get3A_1915 = arith.constant 0 : index
        %get3A_1916 = tpu.vector_load %arg9[%get3A_1914, %get3A_1915] {strides = array<i32>} : memref<1280x32xf32, #tpu.memory_space<vmem>>, vector<1x16xf32>,
        %get3A_1917 = vector.shape_cast %get3A_1916 : vector<1x16xf32> to vector<16xf32>
        %add3A_1918 = arith.addf %add3A_1854, %get3A_1917 : vector<16xf32>
        %get3A_1919 = arith.index_cast %add3A_1913 : i32 to index
        %get3A_1920 = arith.constant 16 : index
        %get3A_1921 = tpu.vector_load %arg9[%get3A_1919, %get3A_1920] {strides = array<i32>} : memref<1280x32xf32, #tpu.memory_space<vmem>>, vector<1x16xf32>,
        %get3A_1922 = vector.shape_cast %get3A_1921 : vector<1x16xf32> to vector<16xf32>
        %add3A_1923 = arith.addf %add3A_1859, %get3A_1922 : vector<16xf32>
        %add3A_1924 = arith.constant 3 : i32
        %add3A_1925 = arith.addi %mul3A_1507, %add3A_1924 : i32
        %mul3A_1926 = arith.constant 20 : i32
        %mul3A_1927 = arith.muli %add3A_1925, %mul3A_1926 : i32
        %add3A_1928 = arith.constant 6 : i32
        %add3A_1929 = arith.addi %mul3A_1927, %add3A_1928 : i32
        %get3A_1930 = arith.index_cast %add3A_1929 : i32 to index
        %get3A_1931 = arith.constant 0 : index
        %get3A_1932 = tpu.vector_load %arg9[%get3A_1930, %get3A_1931] {strides = array<i32>} : memref<1280x32xf32, #tpu.memory_space<vmem>>, vector<1x16xf32>,
        %get3A_1933 = vector.shape_cast %get3A_1932 : vector<1x16xf32> to vector<16xf32>
        %add3A_1934 = arith.addf %add3A_1870, %get3A_1933 : vector<16xf32>
        %get3A_1935 = arith.index_cast %add3A_1929 : i32 to index
        %get3A_1936 = arith.constant 16 : index
        %get3A_1937 = tpu.vector_load %arg9[%get3A_1935, %get3A_1936] {strides = array<i32>} : memref<1280x32xf32, #tpu.memory_space<vmem>>, vector<1x16xf32>,
        %get3A_1938 = vector.shape_cast %get3A_1937 : vector<1x16xf32> to vector<16xf32>
        %add3A_1939 = arith.addf %add3A_1875, %get3A_1938 : vector<16xf32>
        %add3A_1940 = arith.constant 0 : i32
        %add3A_1941 = arith.addi %mul3A_1507, %add3A_1940 : i32
        %mul3A_1942 = arith.constant 20 : i32
        %mul3A_1943 = arith.muli %add3A_1941, %mul3A_1942 : i32
        %add3A_1944 = arith.constant 7 : i32
        %add3A_1945 = arith.addi %mul3A_1943, %add3A_1944 : i32
        %get3A_1946 = arith.index_cast %add3A_1945 : i32 to index
        %get3A_1947 = arith.constant 0 : index
        %get3A_1948 = tpu.vector_load %arg9[%get3A_1946, %get3A_1947] {strides = array<i32>} : memref<1280x32xf32, #tpu.memory_space<vmem>>, vector<1x16xf32>,
        %get3A_1949 = vector.shape_cast %get3A_1948 : vector<1x16xf32> to vector<16xf32>
        %add3A_1950 = arith.addf %add3A_1886, %get3A_1949 : vector<16xf32>
        %get3A_1951 = arith.index_cast %add3A_1945 : i32 to index
        %get3A_1952 = arith.constant 16 : index
        %get3A_1953 = tpu.vector_load %arg9[%get3A_1951, %get3A_1952] {strides = array<i32>} : memref<1280x32xf32, #tpu.memory_space<vmem>>, vector<1x16xf32>,
        %get3A_1954 = vector.shape_cast %get3A_1953 : vector<1x16xf32> to vector<16xf32>
        %add3A_1955 = arith.addf %add3A_1891, %get3A_1954 : vector<16xf32>
        %add3A_1956 = arith.constant 1 : i32
        %add3A_1957 = arith.addi %mul3A_1507, %add3A_1956 : i32
        %mul3A_1958 = arith.constant 20 : i32
        %mul3A_1959 = arith.muli %add3A_1957, %mul3A_1958 : i32
        %add3A_1960 = arith.constant 7 : i32
        %add3A_1961 = arith.addi %mul3A_1959, %add3A_1960 : i32
        %get3A_1962 = arith.index_cast %add3A_1961 : i32 to index
        %get3A_1963 = arith.constant 0 : index
        %get3A_1964 = tpu.vector_load %arg9[%get3A_1962, %get3A_1963] {strides = array<i32>} : memref<1280x32xf32, #tpu.memory_space<vmem>>, vector<1x16xf32>,
        %get3A_1965 = vector.shape_cast %get3A_1964 : vector<1x16xf32> to vector<16xf32>
        %add3A_1966 = arith.addf %add3A_1902, %get3A_1965 : vector<16xf32>
        %get3A_1967 = arith.index_cast %add3A_1961 : i32 to index
        %get3A_1968 = arith.constant 16 : index
        %get3A_1969 = tpu.vector_load %arg9[%get3A_1967, %get3A_1968] {strides = array<i32>} : memref<1280x32xf32, #tpu.memory_space<vmem>>, vector<1x16xf32>,
        %get3A_1970 = vector.shape_cast %get3A_1969 : vector<1x16xf32> to vector<16xf32>
        %add3A_1971 = arith.addf %add3A_1907, %get3A_1970 : vector<16xf32>
        %add3A_1972 = arith.constant 2 : i32
        %add3A_1973 = arith.addi %mul3A_1507, %add3A_1972 : i32
        %mul3A_1974 = arith.constant 20 : i32
        %mul3A_1975 = arith.muli %add3A_1973, %mul3A_1974 : i32
        %add3A_1976 = arith.constant 7 : i32
        %add3A_1977 = arith.addi %mul3A_1975, %add3A_1976 : i32
        %get3A_1978 = arith.index_cast %add3A_1977 : i32 to index
        %get3A_1979 = arith.constant 0 : index
        %get3A_1980 = tpu.vector_load %arg9[%get3A_1978, %get3A_1979] {strides = array<i32>} : memref<1280x32xf32, #tpu.memory_space<vmem>>, vector<1x16xf32>,
        %get3A_1981 = vector.shape_cast %get3A_1980 : vector<1x16xf32> to vector<16xf32>
        %add3A_1982 = arith.addf %add3A_1918, %get3A_1981 : vector<16xf32>
        %get3A_1983 = arith.index_cast %add3A_1977 : i32 to index
        %get3A_1984 = arith.constant 16 : index
        %get3A_1985 = tpu.vector_load %arg9[%get3A_1983, %get3A_1984] {strides = array<i32>} : memref<1280x32xf32, #tpu.memory_space<vmem>>, vector<1x16xf32>,
        %get3A_1986 = vector.shape_cast %get3A_1985 : vector<1x16xf32> to vector<16xf32>
        %add3A_1987 = arith.addf %add3A_1923, %get3A_1986 : vector<16xf32>
        %add3A_1988 = arith.constant 3 : i32
        %add3A_1989 = arith.addi %mul3A_1507, %add3A_1988 : i32
        %mul3A_1990 = arith.constant 20 : i32
        %mul3A_1991 = arith.muli %add3A_1989, %mul3A_1990 : i32
        %add3A_1992 = arith.constant 7 : i32
        %add3A_1993 = arith.addi %mul3A_1991, %add3A_1992 : i32
        %get3A_1994 = arith.index_cast %add3A_1993 : i32 to index
        %get3A_1995 = arith.constant 0 : index
        %get3A_1996 = tpu.vector_load %arg9[%get3A_1994, %get3A_1995] {strides = array<i32>} : memref<1280x32xf32, #tpu.memory_space<vmem>>, vector<1x16xf32>,
        %get3A_1997 = vector.shape_cast %get3A_1996 : vector<1x16xf32> to vector<16xf32>
        %add3A_1998 = arith.addf %add3A_1934, %get3A_1997 : vector<16xf32>
        %get3A_1999 = arith.index_cast %add3A_1993 : i32 to index
        %get3A_2000 = arith.constant 16 : index
        %get3A_2001 = tpu.vector_load %arg9[%get3A_1999, %get3A_2000] {strides = array<i32>} : memref<1280x32xf32, #tpu.memory_space<vmem>>, vector<1x16xf32>,
        %get3A_2002 = vector.shape_cast %get3A_2001 : vector<1x16xf32> to vector<16xf32>
        %add3A_2003 = arith.addf %add3A_1939, %get3A_2002 : vector<16xf32>
        %add3A_2004 = arith.constant 0 : i32
        %add3A_2005 = arith.addi %mul3A_1507, %add3A_2004 : i32
        %mul3A_2006 = arith.constant 20 : i32
        %mul3A_2007 = arith.muli %add3A_2005, %mul3A_2006 : i32
        %add3A_2008 = arith.constant 8 : i32
        %add3A_2009 = arith.addi %mul3A_2007, %add3A_2008 : i32
        %get3A_2010 = arith.index_cast %add3A_2009 : i32 to index
        %get3A_2011 = arith.constant 0 : index
        %get3A_2012 = tpu.vector_load %arg9[%get3A_2010, %get3A_2011] {strides = array<i32>} : memref<1280x32xf32, #tpu.memory_space<vmem>>, vector<1x16xf32>,
        %get3A_2013 = vector.shape_cast %get3A_2012 : vector<1x16xf32> to vector<16xf32>
        %add3A_2014 = arith.addf %add3A_1950, %get3A_2013 : vector<16xf32>
        %get3A_2015 = arith.index_cast %add3A_2009 : i32 to index
        %get3A_2016 = arith.constant 16 : index
        %get3A_2017 = tpu.vector_load %arg9[%get3A_2015, %get3A_2016] {strides = array<i32>} : memref<1280x32xf32, #tpu.memory_space<vmem>>, vector<1x16xf32>,
        %get3A_2018 = vector.shape_cast %get3A_2017 : vector<1x16xf32> to vector<16xf32>
        %add3A_2019 = arith.addf %add3A_1955, %get3A_2018 : vector<16xf32>
        %add3A_2020 = arith.constant 1 : i32
        %add3A_2021 = arith.addi %mul3A_1507, %add3A_2020 : i32
        %mul3A_2022 = arith.constant 20 : i32
        %mul3A_2023 = arith.muli %add3A_2021, %mul3A_2022 : i32
        %add3A_2024 = arith.constant 8 : i32
        %add3A_2025 = arith.addi %mul3A_2023, %add3A_2024 : i32
        %get3A_2026 = arith.index_cast %add3A_2025 : i32 to index
        %get3A_2027 = arith.constant 0 : index
        %get3A_2028 = tpu.vector_load %arg9[%get3A_2026, %get3A_2027] {strides = array<i32>} : memref<1280x32xf32, #tpu.memory_space<vmem>>, vector<1x16xf32>,
        %get3A_2029 = vector.shape_cast %get3A_2028 : vector<1x16xf32> to vector<16xf32>
        %add3A_2030 = arith.addf %add3A_1966, %get3A_2029 : vector<16xf32>
        %get3A_2031 = arith.index_cast %add3A_2025 : i32 to index
        %get3A_2032 = arith.constant 16 : index
        %get3A_2033 = tpu.vector_load %arg9[%get3A_2031, %get3A_2032] {strides = array<i32>} : memref<1280x32xf32, #tpu.memory_space<vmem>>, vector<1x16xf32>,
        %get3A_2034 = vector.shape_cast %get3A_2033 : vector<1x16xf32> to vector<16xf32>
        %add3A_2035 = arith.addf %add3A_1971, %get3A_2034 : vector<16xf32>
        %add3A_2036 = arith.constant 2 : i32
        %add3A_2037 = arith.addi %mul3A_1507, %add3A_2036 : i32
        %mul3A_2038 = arith.constant 20 : i32
        %mul3A_2039 = arith.muli %add3A_2037, %mul3A_2038 : i32
        %add3A_2040 = arith.constant 8 : i32
        %add3A_2041 = arith.addi %mul3A_2039, %add3A_2040 : i32
        %get3A_2042 = arith.index_cast %add3A_2041 : i32 to index
        %get3A_2043 = arith.constant 0 : index
        %get3A_2044 = tpu.vector_load %arg9[%get3A_2042, %get3A_2043] {strides = array<i32>} : memref<1280x32xf32, #tpu.memory_space<vmem>>, vector<1x16xf32>,
        %get3A_2045 = vector.shape_cast %get3A_2044 : vector<1x16xf32> to vector<16xf32>
        %add3A_2046 = arith.addf %add3A_1982, %get3A_2045 : vector<16xf32>
        %get3A_2047 = arith.index_cast %add3A_2041 : i32 to index
        %get3A_2048 = arith.constant 16 : index
        %get3A_2049 = tpu.vector_load %arg9[%get3A_2047, %get3A_2048] {strides = array<i32>} : memref<1280x32xf32, #tpu.memory_space<vmem>>, vector<1x16xf32>,
        %get3A_2050 = vector.shape_cast %get3A_2049 : vector<1x16xf32> to vector<16xf32>
        %add3A_2051 = arith.addf %add3A_1987, %get3A_2050 : vector<16xf32>
        %add3A_2052 = arith.constant 3 : i32
        %add3A_2053 = arith.addi %mul3A_1507, %add3A_2052 : i32
        %mul3A_2054 = arith.constant 20 : i32
        %mul3A_2055 = arith.muli %add3A_2053, %mul3A_2054 : i32
        %add3A_2056 = arith.constant 8 : i32
        %add3A_2057 = arith.addi %mul3A_2055, %add3A_2056 : i32
        %get3A_2058 = arith.index_cast %add3A_2057 : i32 to index
        %get3A_2059 = arith.constant 0 : index
        %get3A_2060 = tpu.vector_load %arg9[%get3A_2058, %get3A_2059] {strides = array<i32>} : memref<1280x32xf32, #tpu.memory_space<vmem>>, vector<1x16xf32>,
        %get3A_2061 = vector.shape_cast %get3A_2060 : vector<1x16xf32> to vector<16xf32>
        %add3A_2062 = arith.addf %add3A_1998, %get3A_2061 : vector<16xf32>
        %get3A_2063 = arith.index_cast %add3A_2057 : i32 to index
        %get3A_2064 = arith.constant 16 : index
        %get3A_2065 = tpu.vector_load %arg9[%get3A_2063, %get3A_2064] {strides = array<i32>} : memref<1280x32xf32, #tpu.memory_space<vmem>>, vector<1x16xf32>,
        %get3A_2066 = vector.shape_cast %get3A_2065 : vector<1x16xf32> to vector<16xf32>
        %add3A_2067 = arith.addf %add3A_2003, %get3A_2066 : vector<16xf32>
        %add3A_2068 = arith.constant 0 : i32
        %add3A_2069 = arith.addi %mul3A_1507, %add3A_2068 : i32
        %mul3A_2070 = arith.constant 20 : i32
        %mul3A_2071 = arith.muli %add3A_2069, %mul3A_2070 : i32
        %add3A_2072 = arith.constant 9 : i32
        %add3A_2073 = arith.addi %mul3A_2071, %add3A_2072 : i32
        %get3A_2074 = arith.index_cast %add3A_2073 : i32 to index
        %get3A_2075 = arith.constant 0 : index
        %get3A_2076 = tpu.vector_load %arg9[%get3A_2074, %get3A_2075] {strides = array<i32>} : memref<1280x32xf32, #tpu.memory_space<vmem>>, vector<1x16xf32>,
        %get3A_2077 = vector.shape_cast %get3A_2076 : vector<1x16xf32> to vector<16xf32>
        %add3A_2078 = arith.addf %add3A_2014, %get3A_2077 : vector<16xf32>
        %get3A_2079 = arith.index_cast %add3A_2073 : i32 to index
        %get3A_2080 = arith.constant 16 : index
        %get3A_2081 = tpu.vector_load %arg9[%get3A_2079, %get3A_2080] {strides = array<i32>} : memref<1280x32xf32, #tpu.memory_space<vmem>>, vector<1x16xf32>,
        %get3A_2082 = vector.shape_cast %get3A_2081 : vector<1x16xf32> to vector<16xf32>
        %add3A_2083 = arith.addf %add3A_2019, %get3A_2082 : vector<16xf32>
        %add3A_2084 = arith.constant 1 : i32
        %add3A_2085 = arith.addi %mul3A_1507, %add3A_2084 : i32
        %mul3A_2086 = arith.constant 20 : i32
        %mul3A_2087 = arith.muli %add3A_2085, %mul3A_2086 : i32
        %add3A_2088 = arith.constant 9 : i32
        %add3A_2089 = arith.addi %mul3A_2087, %add3A_2088 : i32
        %get3A_2090 = arith.index_cast %add3A_2089 : i32 to index
        %get3A_2091 = arith.constant 0 : index
        %get3A_2092 = tpu.vector_load %arg9[%get3A_2090, %get3A_2091] {strides = array<i32>} : memref<1280x32xf32, #tpu.memory_space<vmem>>, vector<1x16xf32>,
        %get3A_2093 = vector.shape_cast %get3A_2092 : vector<1x16xf32> to vector<16xf32>
        %add3A_2094 = arith.addf %add3A_2030, %get3A_2093 : vector<16xf32>
        %get3A_2095 = arith.index_cast %add3A_2089 : i32 to index
        %get3A_2096 = arith.constant 16 : index
        %get3A_2097 = tpu.vector_load %arg9[%get3A_2095, %get3A_2096] {strides = array<i32>} : memref<1280x32xf32, #tpu.memory_space<vmem>>, vector<1x16xf32>,
        %get3A_2098 = vector.shape_cast %get3A_2097 : vector<1x16xf32> to vector<16xf32>
        %add3A_2099 = arith.addf %add3A_2035, %get3A_2098 : vector<16xf32>
        %add3A_2100 = arith.constant 2 : i32
        %add3A_2101 = arith.addi %mul3A_1507, %add3A_2100 : i32
        %mul3A_2102 = arith.constant 20 : i32
        %mul3A_2103 = arith.muli %add3A_2101, %mul3A_2102 : i32
        %add3A_2104 = arith.constant 9 : i32
        %add3A_2105 = arith.addi %mul3A_2103, %add3A_2104 : i32
        %get3A_2106 = arith.index_cast %add3A_2105 : i32 to index
        %get3A_2107 = arith.constant 0 : index
        %get3A_2108 = tpu.vector_load %arg9[%get3A_2106, %get3A_2107] {strides = array<i32>} : memref<1280x32xf32, #tpu.memory_space<vmem>>, vector<1x16xf32>,
        %get3A_2109 = vector.shape_cast %get3A_2108 : vector<1x16xf32> to vector<16xf32>
        %add3A_2110 = arith.addf %add3A_2046, %get3A_2109 : vector<16xf32>
        %get3A_2111 = arith.index_cast %add3A_2105 : i32 to index
        %get3A_2112 = arith.constant 16 : index
        %get3A_2113 = tpu.vector_load %arg9[%get3A_2111, %get3A_2112] {strides = array<i32>} : memref<1280x32xf32, #tpu.memory_space<vmem>>, vector<1x16xf32>,
        %get3A_2114 = vector.shape_cast %get3A_2113 : vector<1x16xf32> to vector<16xf32>
        %add3A_2115 = arith.addf %add3A_2051, %get3A_2114 : vector<16xf32>
        %add3A_2116 = arith.constant 3 : i32
        %add3A_2117 = arith.addi %mul3A_1507, %add3A_2116 : i32
        %mul3A_2118 = arith.constant 20 : i32
        %mul3A_2119 = arith.muli %add3A_2117, %mul3A_2118 : i32
        %add3A_2120 = arith.constant 9 : i32
        %add3A_2121 = arith.addi %mul3A_2119, %add3A_2120 : i32
        %get3A_2122 = arith.index_cast %add3A_2121 : i32 to index
        %get3A_2123 = arith.constant 0 : index
        %get3A_2124 = tpu.vector_load %arg9[%get3A_2122, %get3A_2123] {strides = array<i32>} : memref<1280x32xf32, #tpu.memory_space<vmem>>, vector<1x16xf32>,
        %get3A_2125 = vector.shape_cast %get3A_2124 : vector<1x16xf32> to vector<16xf32>
        %add3A_2126 = arith.addf %add3A_2062, %get3A_2125 : vector<16xf32>
        %get3A_2127 = arith.index_cast %add3A_2121 : i32 to index
        %get3A_2128 = arith.constant 16 : index
        %get3A_2129 = tpu.vector_load %arg9[%get3A_2127, %get3A_2128] {strides = array<i32>} : memref<1280x32xf32, #tpu.memory_space<vmem>>, vector<1x16xf32>,
        %get3A_2130 = vector.shape_cast %get3A_2129 : vector<1x16xf32> to vector<16xf32>
        %add3A_2131 = arith.addf %add3A_2067, %get3A_2130 : vector<16xf32>
        %add3A_2132 = arith.constant 0 : i32
        %add3A_2133 = arith.addi %mul3A_1507, %add3A_2132 : i32
        %mul3A_2134 = arith.constant 20 : i32
        %mul3A_2135 = arith.muli %add3A_2133, %mul3A_2134 : i32
        %add3A_2136 = arith.constant 10 : i32
        %add3A_2137 = arith.addi %mul3A_2135, %add3A_2136 : i32
        %get3A_2138 = arith.index_cast %add3A_2137 : i32 to index
        %get3A_2139 = arith.constant 0 : index
        %get3A_2140 = tpu.vector_load %arg9[%get3A_2138, %get3A_2139] {strides = array<i32>} : memref<1280x32xf32, #tpu.memory_space<vmem>>, vector<1x16xf32>,
        %get3A_2141 = vector.shape_cast %get3A_2140 : vector<1x16xf32> to vector<16xf32>
        %add3A_2142 = arith.addf %add3A_2078, %get3A_2141 : vector<16xf32>
        %get3A_2143 = arith.index_cast %add3A_2137 : i32 to index
        %get3A_2144 = arith.constant 16 : index
        %get3A_2145 = tpu.vector_load %arg9[%get3A_2143, %get3A_2144] {strides = array<i32>} : memref<1280x32xf32, #tpu.memory_space<vmem>>, vector<1x16xf32>,
        %get3A_2146 = vector.shape_cast %get3A_2145 : vector<1x16xf32> to vector<16xf32>
        %add3A_2147 = arith.addf %add3A_2083, %get3A_2146 : vector<16xf32>
        %add3A_2148 = arith.constant 1 : i32
        %add3A_2149 = arith.addi %mul3A_1507, %add3A_2148 : i32
        %mul3A_2150 = arith.constant 20 : i32
        %mul3A_2151 = arith.muli %add3A_2149, %mul3A_2150 : i32
        %add3A_2152 = arith.constant 10 : i32
        %add3A_2153 = arith.addi %mul3A_2151, %add3A_2152 : i32
        %get3A_2154 = arith.index_cast %add3A_2153 : i32 to index
        %get3A_2155 = arith.constant 0 : index
        %get3A_2156 = tpu.vector_load %arg9[%get3A_2154, %get3A_2155] {strides = array<i32>} : memref<1280x32xf32, #tpu.memory_space<vmem>>, vector<1x16xf32>,
        %get3A_2157 = vector.shape_cast %get3A_2156 : vector<1x16xf32> to vector<16xf32>
        %add3A_2158 = arith.addf %add3A_2094, %get3A_2157 : vector<16xf32>
        %get3A_2159 = arith.index_cast %add3A_2153 : i32 to index
        %get3A_2160 = arith.constant 16 : index
        %get3A_2161 = tpu.vector_load %arg9[%get3A_2159, %get3A_2160] {strides = array<i32>} : memref<1280x32xf32, #tpu.memory_space<vmem>>, vector<1x16xf32>,
        %get3A_2162 = vector.shape_cast %get3A_2161 : vector<1x16xf32> to vector<16xf32>
        %add3A_2163 = arith.addf %add3A_2099, %get3A_2162 : vector<16xf32>
        %add3A_2164 = arith.constant 2 : i32
        %add3A_2165 = arith.addi %mul3A_1507, %add3A_2164 : i32
        %mul3A_2166 = arith.constant 20 : i32
        %mul3A_2167 = arith.muli %add3A_2165, %mul3A_2166 : i32
        %add3A_2168 = arith.constant 10 : i32
        %add3A_2169 = arith.addi %mul3A_2167, %add3A_2168 : i32
        %get3A_2170 = arith.index_cast %add3A_2169 : i32 to index
        %get3A_2171 = arith.constant 0 : index
        %get3A_2172 = tpu.vector_load %arg9[%get3A_2170, %get3A_2171] {strides = array<i32>} : memref<1280x32xf32, #tpu.memory_space<vmem>>, vector<1x16xf32>,
        %get3A_2173 = vector.shape_cast %get3A_2172 : vector<1x16xf32> to vector<16xf32>
        %add3A_2174 = arith.addf %add3A_2110, %get3A_2173 : vector<16xf32>
        %get3A_2175 = arith.index_cast %add3A_2169 : i32 to index
        %get3A_2176 = arith.constant 16 : index
        %get3A_2177 = tpu.vector_load %arg9[%get3A_2175, %get3A_2176] {strides = array<i32>} : memref<1280x32xf32, #tpu.memory_space<vmem>>, vector<1x16xf32>,
        %get3A_2178 = vector.shape_cast %get3A_2177 : vector<1x16xf32> to vector<16xf32>
        %add3A_2179 = arith.addf %add3A_2115, %get3A_2178 : vector<16xf32>
        %add3A_2180 = arith.constant 3 : i32
        %add3A_2181 = arith.addi %mul3A_1507, %add3A_2180 : i32
        %mul3A_2182 = arith.constant 20 : i32
        %mul3A_2183 = arith.muli %add3A_2181, %mul3A_2182 : i32
        %add3A_2184 = arith.constant 10 : i32
        %add3A_2185 = arith.addi %mul3A_2183, %add3A_2184 : i32
        %get3A_2186 = arith.index_cast %add3A_2185 : i32 to index
        %get3A_2187 = arith.constant 0 : index
        %get3A_2188 = tpu.vector_load %arg9[%get3A_2186, %get3A_2187] {strides = array<i32>} : memref<1280x32xf32, #tpu.memory_space<vmem>>, vector<1x16xf32>,
        %get3A_2189 = vector.shape_cast %get3A_2188 : vector<1x16xf32> to vector<16xf32>
        %add3A_2190 = arith.addf %add3A_2126, %get3A_2189 : vector<16xf32>
        %get3A_2191 = arith.index_cast %add3A_2185 : i32 to index
        %get3A_2192 = arith.constant 16 : index
        %get3A_2193 = tpu.vector_load %arg9[%get3A_2191, %get3A_2192] {strides = array<i32>} : memref<1280x32xf32, #tpu.memory_space<vmem>>, vector<1x16xf32>,
        %get3A_2194 = vector.shape_cast %get3A_2193 : vector<1x16xf32> to vector<16xf32>
        %add3A_2195 = arith.addf %add3A_2131, %get3A_2194 : vector<16xf32>
        %add3A_2196 = arith.constant 0 : i32
        %add3A_2197 = arith.addi %mul3A_1507, %add3A_2196 : i32
        %mul3A_2198 = arith.constant 20 : i32
        %mul3A_2199 = arith.muli %add3A_2197, %mul3A_2198 : i32
        %add3A_2200 = arith.constant 11 : i32
        %add3A_2201 = arith.addi %mul3A_2199, %add3A_2200 : i32
        %get3A_2202 = arith.index_cast %add3A_2201 : i32 to index
        %get3A_2203 = arith.constant 0 : index
        %get3A_2204 = tpu.vector_load %arg9[%get3A_2202, %get3A_2203] {strides = array<i32>} : memref<1280x32xf32, #tpu.memory_space<vmem>>, vector<1x16xf32>,
        %get3A_2205 = vector.shape_cast %get3A_2204 : vector<1x16xf32> to vector<16xf32>
        %add3A_2206 = arith.addf %add3A_2142, %get3A_2205 : vector<16xf32>
        %get3A_2207 = arith.index_cast %add3A_2201 : i32 to index
        %get3A_2208 = arith.constant 16 : index
        %get3A_2209 = tpu.vector_load %arg9[%get3A_2207, %get3A_2208] {strides = array<i32>} : memref<1280x32xf32, #tpu.memory_space<vmem>>, vector<1x16xf32>,
        %get3A_2210 = vector.shape_cast %get3A_2209 : vector<1x16xf32> to vector<16xf32>
        %add3A_2211 = arith.addf %add3A_2147, %get3A_2210 : vector<16xf32>
        %add3A_2212 = arith.constant 1 : i32
        %add3A_2213 = arith.addi %mul3A_1507, %add3A_2212 : i32
        %mul3A_2214 = arith.constant 20 : i32
        %mul3A_2215 = arith.muli %add3A_2213, %mul3A_2214 : i32
        %add3A_2216 = arith.constant 11 : i32
        %add3A_2217 = arith.addi %mul3A_2215, %add3A_2216 : i32
        %get3A_2218 = arith.index_cast %add3A_2217 : i32 to index
        %get3A_2219 = arith.constant 0 : index
        %get3A_2220 = tpu.vector_load %arg9[%get3A_2218, %get3A_2219] {strides = array<i32>} : memref<1280x32xf32, #tpu.memory_space<vmem>>, vector<1x16xf32>,
        %get3A_2221 = vector.shape_cast %get3A_2220 : vector<1x16xf32> to vector<16xf32>
        %add3A_2222 = arith.addf %add3A_2158, %get3A_2221 : vector<16xf32>
        %get3A_2223 = arith.index_cast %add3A_2217 : i32 to index
        %get3A_2224 = arith.constant 16 : index
        %get3A_2225 = tpu.vector_load %arg9[%get3A_2223, %get3A_2224] {strides = array<i32>} : memref<1280x32xf32, #tpu.memory_space<vmem>>, vector<1x16xf32>,
        %get3A_2226 = vector.shape_cast %get3A_2225 : vector<1x16xf32> to vector<16xf32>
        %add3A_2227 = arith.addf %add3A_2163, %get3A_2226 : vector<16xf32>
        %add3A_2228 = arith.constant 2 : i32
        %add3A_2229 = arith.addi %mul3A_1507, %add3A_2228 : i32
        %mul3A_2230 = arith.constant 20 : i32
        %mul3A_2231 = arith.muli %add3A_2229, %mul3A_2230 : i32
        %add3A_2232 = arith.constant 11 : i32
        %add3A_2233 = arith.addi %mul3A_2231, %add3A_2232 : i32
        %get3A_2234 = arith.index_cast %add3A_2233 : i32 to index
        %get3A_2235 = arith.constant 0 : index
        %get3A_2236 = tpu.vector_load %arg9[%get3A_2234, %get3A_2235] {strides = array<i32>} : memref<1280x32xf32, #tpu.memory_space<vmem>>, vector<1x16xf32>,
        %get3A_2237 = vector.shape_cast %get3A_2236 : vector<1x16xf32> to vector<16xf32>
        %add3A_2238 = arith.addf %add3A_2174, %get3A_2237 : vector<16xf32>
        %get3A_2239 = arith.index_cast %add3A_2233 : i32 to index
        %get3A_2240 = arith.constant 16 : index
        %get3A_2241 = tpu.vector_load %arg9[%get3A_2239, %get3A_2240] {strides = array<i32>} : memref<1280x32xf32, #tpu.memory_space<vmem>>, vector<1x16xf32>,
        %get3A_2242 = vector.shape_cast %get3A_2241 : vector<1x16xf32> to vector<16xf32>
        %add3A_2243 = arith.addf %add3A_2179, %get3A_2242 : vector<16xf32>
        %add3A_2244 = arith.constant 3 : i32
        %add3A_2245 = arith.addi %mul3A_1507, %add3A_2244 : i32
        %mul3A_2246 = arith.constant 20 : i32
        %mul3A_2247 = arith.muli %add3A_2245, %mul3A_2246 : i32
        %add3A_2248 = arith.constant 11 : i32
        %add3A_2249 = arith.addi %mul3A_2247, %add3A_2248 : i32
        %get3A_2250 = arith.index_cast %add3A_2249 : i32 to index
        %get3A_2251 = arith.constant 0 : index
        %get3A_2252 = tpu.vector_load %arg9[%get3A_2250, %get3A_2251] {strides = array<i32>} : memref<1280x32xf32, #tpu.memory_space<vmem>>, vector<1x16xf32>,
        %get3A_2253 = vector.shape_cast %get3A_2252 : vector<1x16xf32> to vector<16xf32>
        %add3A_2254 = arith.addf %add3A_2190, %get3A_2253 : vector<16xf32>
        %get3A_2255 = arith.index_cast %add3A_2249 : i32 to index
        %get3A_2256 = arith.constant 16 : index
        %get3A_2257 = tpu.vector_load %arg9[%get3A_2255, %get3A_2256] {strides = array<i32>} : memref<1280x32xf32, #tpu.memory_space<vmem>>, vector<1x16xf32>,
        %get3A_2258 = vector.shape_cast %get3A_2257 : vector<1x16xf32> to vector<16xf32>
        %add3A_2259 = arith.addf %add3A_2195, %get3A_2258 : vector<16xf32>
        %add3A_2260 = arith.constant 0 : i32
        %add3A_2261 = arith.addi %mul3A_1507, %add3A_2260 : i32
        %mul3A_2262 = arith.constant 20 : i32
        %mul3A_2263 = arith.muli %add3A_2261, %mul3A_2262 : i32
        %add3A_2264 = arith.constant 12 : i32
        %add3A_2265 = arith.addi %mul3A_2263, %add3A_2264 : i32
        %get3A_2266 = arith.index_cast %add3A_2265 : i32 to index
        %get3A_2267 = arith.constant 0 : index
        %get3A_2268 = tpu.vector_load %arg9[%get3A_2266, %get3A_2267] {strides = array<i32>} : memref<1280x32xf32, #tpu.memory_space<vmem>>, vector<1x16xf32>,
        %get3A_2269 = vector.shape_cast %get3A_2268 : vector<1x16xf32> to vector<16xf32>
        %add3A_2270 = arith.addf %add3A_2206, %get3A_2269 : vector<16xf32>
        %get3A_2271 = arith.index_cast %add3A_2265 : i32 to index
        %get3A_2272 = arith.constant 16 : index
        %get3A_2273 = tpu.vector_load %arg9[%get3A_2271, %get3A_2272] {strides = array<i32>} : memref<1280x32xf32, #tpu.memory_space<vmem>>, vector<1x16xf32>,
        %get3A_2274 = vector.shape_cast %get3A_2273 : vector<1x16xf32> to vector<16xf32>
        %add3A_2275 = arith.addf %add3A_2211, %get3A_2274 : vector<16xf32>
        %add3A_2276 = arith.constant 1 : i32
        %add3A_2277 = arith.addi %mul3A_1507, %add3A_2276 : i32
        %mul3A_2278 = arith.constant 20 : i32
        %mul3A_2279 = arith.muli %add3A_2277, %mul3A_2278 : i32
        %add3A_2280 = arith.constant 12 : i32
        %add3A_2281 = arith.addi %mul3A_2279, %add3A_2280 : i32
        %get3A_2282 = arith.index_cast %add3A_2281 : i32 to index
        %get3A_2283 = arith.constant 0 : index
        %get3A_2284 = tpu.vector_load %arg9[%get3A_2282, %get3A_2283] {strides = array<i32>} : memref<1280x32xf32, #tpu.memory_space<vmem>>, vector<1x16xf32>,
        %get3A_2285 = vector.shape_cast %get3A_2284 : vector<1x16xf32> to vector<16xf32>
        %add3A_2286 = arith.addf %add3A_2222, %get3A_2285 : vector<16xf32>
        %get3A_2287 = arith.index_cast %add3A_2281 : i32 to index
        %get3A_2288 = arith.constant 16 : index
        %get3A_2289 = tpu.vector_load %arg9[%get3A_2287, %get3A_2288] {strides = array<i32>} : memref<1280x32xf32, #tpu.memory_space<vmem>>, vector<1x16xf32>,
        %get3A_2290 = vector.shape_cast %get3A_2289 : vector<1x16xf32> to vector<16xf32>
        %add3A_2291 = arith.addf %add3A_2227, %get3A_2290 : vector<16xf32>
        %add3A_2292 = arith.constant 2 : i32
        %add3A_2293 = arith.addi %mul3A_1507, %add3A_2292 : i32
        %mul3A_2294 = arith.constant 20 : i32
        %mul3A_2295 = arith.muli %add3A_2293, %mul3A_2294 : i32
        %add3A_2296 = arith.constant 12 : i32
        %add3A_2297 = arith.addi %mul3A_2295, %add3A_2296 : i32
        %get3A_2298 = arith.index_cast %add3A_2297 : i32 to index
        %get3A_2299 = arith.constant 0 : index
        %get3A_2300 = tpu.vector_load %arg9[%get3A_2298, %get3A_2299] {strides = array<i32>} : memref<1280x32xf32, #tpu.memory_space<vmem>>, vector<1x16xf32>,
        %get3A_2301 = vector.shape_cast %get3A_2300 : vector<1x16xf32> to vector<16xf32>
        %add3A_2302 = arith.addf %add3A_2238, %get3A_2301 : vector<16xf32>
        %get3A_2303 = arith.index_cast %add3A_2297 : i32 to index
        %get3A_2304 = arith.constant 16 : index
        %get3A_2305 = tpu.vector_load %arg9[%get3A_2303, %get3A_2304] {strides = array<i32>} : memref<1280x32xf32, #tpu.memory_space<vmem>>, vector<1x16xf32>,
        %get3A_2306 = vector.shape_cast %get3A_2305 : vector<1x16xf32> to vector<16xf32>
        %add3A_2307 = arith.addf %add3A_2243, %get3A_2306 : vector<16xf32>
        %add3A_2308 = arith.constant 3 : i32
        %add3A_2309 = arith.addi %mul3A_1507, %add3A_2308 : i32
        %mul3A_2310 = arith.constant 20 : i32
        %mul3A_2311 = arith.muli %add3A_2309, %mul3A_2310 : i32
        %add3A_2312 = arith.constant 12 : i32
        %add3A_2313 = arith.addi %mul3A_2311, %add3A_2312 : i32
        %get3A_2314 = arith.index_cast %add3A_2313 : i32 to index
        %get3A_2315 = arith.constant 0 : index
        %get3A_2316 = tpu.vector_load %arg9[%get3A_2314, %get3A_2315] {strides = array<i32>} : memref<1280x32xf32, #tpu.memory_space<vmem>>, vector<1x16xf32>,
        %get3A_2317 = vector.shape_cast %get3A_2316 : vector<1x16xf32> to vector<16xf32>
        %add3A_2318 = arith.addf %add3A_2254, %get3A_2317 : vector<16xf32>
        %get3A_2319 = arith.index_cast %add3A_2313 : i32 to index
        %get3A_2320 = arith.constant 16 : index
        %get3A_2321 = tpu.vector_load %arg9[%get3A_2319, %get3A_2320] {strides = array<i32>} : memref<1280x32xf32, #tpu.memory_space<vmem>>, vector<1x16xf32>,
        %get3A_2322 = vector.shape_cast %get3A_2321 : vector<1x16xf32> to vector<16xf32>
        %add3A_2323 = arith.addf %add3A_2259, %get3A_2322 : vector<16xf32>
        %add3A_2324 = arith.constant 0 : i32
        %add3A_2325 = arith.addi %mul3A_1507, %add3A_2324 : i32
        %mul3A_2326 = arith.constant 20 : i32
        %mul3A_2327 = arith.muli %add3A_2325, %mul3A_2326 : i32
        %add3A_2328 = arith.constant 13 : i32
        %add3A_2329 = arith.addi %mul3A_2327, %add3A_2328 : i32
        %get3A_2330 = arith.index_cast %add3A_2329 : i32 to index
        %get3A_2331 = arith.constant 0 : index
        %get3A_2332 = tpu.vector_load %arg9[%get3A_2330, %get3A_2331] {strides = array<i32>} : memref<1280x32xf32, #tpu.memory_space<vmem>>, vector<1x16xf32>,
        %get3A_2333 = vector.shape_cast %get3A_2332 : vector<1x16xf32> to vector<16xf32>
        %add3A_2334 = arith.addf %add3A_2270, %get3A_2333 : vector<16xf32>
        %get3A_2335 = arith.index_cast %add3A_2329 : i32 to index
        %get3A_2336 = arith.constant 16 : index
        %get3A_2337 = tpu.vector_load %arg9[%get3A_2335, %get3A_2336] {strides = array<i32>} : memref<1280x32xf32, #tpu.memory_space<vmem>>, vector<1x16xf32>,
        %get3A_2338 = vector.shape_cast %get3A_2337 : vector<1x16xf32> to vector<16xf32>
        %add3A_2339 = arith.addf %add3A_2275, %get3A_2338 : vector<16xf32>
        %add3A_2340 = arith.constant 1 : i32
        %add3A_2341 = arith.addi %mul3A_1507, %add3A_2340 : i32
        %mul3A_2342 = arith.constant 20 : i32
        %mul3A_2343 = arith.muli %add3A_2341, %mul3A_2342 : i32
        %add3A_2344 = arith.constant 13 : i32
        %add3A_2345 = arith.addi %mul3A_2343, %add3A_2344 : i32
        %get3A_2346 = arith.index_cast %add3A_2345 : i32 to index
        %get3A_2347 = arith.constant 0 : index
        %get3A_2348 = tpu.vector_load %arg9[%get3A_2346, %get3A_2347] {strides = array<i32>} : memref<1280x32xf32, #tpu.memory_space<vmem>>, vector<1x16xf32>,
        %get3A_2349 = vector.shape_cast %get3A_2348 : vector<1x16xf32> to vector<16xf32>
        %add3A_2350 = arith.addf %add3A_2286, %get3A_2349 : vector<16xf32>
        %get3A_2351 = arith.index_cast %add3A_2345 : i32 to index
        %get3A_2352 = arith.constant 16 : index
        %get3A_2353 = tpu.vector_load %arg9[%get3A_2351, %get3A_2352] {strides = array<i32>} : memref<1280x32xf32, #tpu.memory_space<vmem>>, vector<1x16xf32>,
        %get3A_2354 = vector.shape_cast %get3A_2353 : vector<1x16xf32> to vector<16xf32>
        %add3A_2355 = arith.addf %add3A_2291, %get3A_2354 : vector<16xf32>
        %add3A_2356 = arith.constant 2 : i32
        %add3A_2357 = arith.addi %mul3A_1507, %add3A_2356 : i32
        %mul3A_2358 = arith.constant 20 : i32
        %mul3A_2359 = arith.muli %add3A_2357, %mul3A_2358 : i32
        %add3A_2360 = arith.constant 13 : i32
        %add3A_2361 = arith.addi %mul3A_2359, %add3A_2360 : i32
        %get3A_2362 = arith.index_cast %add3A_2361 : i32 to index
        %get3A_2363 = arith.constant 0 : index
        %get3A_2364 = tpu.vector_load %arg9[%get3A_2362, %get3A_2363] {strides = array<i32>} : memref<1280x32xf32, #tpu.memory_space<vmem>>, vector<1x16xf32>,
        %get3A_2365 = vector.shape_cast %get3A_2364 : vector<1x16xf32> to vector<16xf32>
        %add3A_2366 = arith.addf %add3A_2302, %get3A_2365 : vector<16xf32>
        %get3A_2367 = arith.index_cast %add3A_2361 : i32 to index
        %get3A_2368 = arith.constant 16 : index
        %get3A_2369 = tpu.vector_load %arg9[%get3A_2367, %get3A_2368] {strides = array<i32>} : memref<1280x32xf32, #tpu.memory_space<vmem>>, vector<1x16xf32>,
        %get3A_2370 = vector.shape_cast %get3A_2369 : vector<1x16xf32> to vector<16xf32>
        %add3A_2371 = arith.addf %add3A_2307, %get3A_2370 : vector<16xf32>
        %add3A_2372 = arith.constant 3 : i32
        %add3A_2373 = arith.addi %mul3A_1507, %add3A_2372 : i32
        %mul3A_2374 = arith.constant 20 : i32
        %mul3A_2375 = arith.muli %add3A_2373, %mul3A_2374 : i32
        %add3A_2376 = arith.constant 13 : i32
        %add3A_2377 = arith.addi %mul3A_2375, %add3A_2376 : i32
        %get3A_2378 = arith.index_cast %add3A_2377 : i32 to index
        %get3A_2379 = arith.constant 0 : index
        %get3A_2380 = tpu.vector_load %arg9[%get3A_2378, %get3A_2379] {strides = array<i32>} : memref<1280x32xf32, #tpu.memory_space<vmem>>, vector<1x16xf32>,
        %get3A_2381 = vector.shape_cast %get3A_2380 : vector<1x16xf32> to vector<16xf32>
        %add3A_2382 = arith.addf %add3A_2318, %get3A_2381 : vector<16xf32>
        %get3A_2383 = arith.index_cast %add3A_2377 : i32 to index
        %get3A_2384 = arith.constant 16 : index
        %get3A_2385 = tpu.vector_load %arg9[%get3A_2383, %get3A_2384] {strides = array<i32>} : memref<1280x32xf32, #tpu.memory_space<vmem>>, vector<1x16xf32>,
        %get3A_2386 = vector.shape_cast %get3A_2385 : vector<1x16xf32> to vector<16xf32>
        %add3A_2387 = arith.addf %add3A_2323, %get3A_2386 : vector<16xf32>
        %add3A_2388 = arith.constant 0 : i32
        %add3A_2389 = arith.addi %mul3A_1507, %add3A_2388 : i32
        %mul3A_2390 = arith.constant 20 : i32
        %mul3A_2391 = arith.muli %add3A_2389, %mul3A_2390 : i32
        %add3A_2392 = arith.constant 14 : i32
        %add3A_2393 = arith.addi %mul3A_2391, %add3A_2392 : i32
        %get3A_2394 = arith.index_cast %add3A_2393 : i32 to index
        %get3A_2395 = arith.constant 0 : index
        %get3A_2396 = tpu.vector_load %arg9[%get3A_2394, %get3A_2395] {strides = array<i32>} : memref<1280x32xf32, #tpu.memory_space<vmem>>, vector<1x16xf32>,
        %get3A_2397 = vector.shape_cast %get3A_2396 : vector<1x16xf32> to vector<16xf32>
        %add3A_2398 = arith.addf %add3A_2334, %get3A_2397 : vector<16xf32>
        %get3A_2399 = arith.index_cast %add3A_2393 : i32 to index
        %get3A_2400 = arith.constant 16 : index
        %get3A_2401 = tpu.vector_load %arg9[%get3A_2399, %get3A_2400] {strides = array<i32>} : memref<1280x32xf32, #tpu.memory_space<vmem>>, vector<1x16xf32>,
        %get3A_2402 = vector.shape_cast %get3A_2401 : vector<1x16xf32> to vector<16xf32>
        %add3A_2403 = arith.addf %add3A_2339, %get3A_2402 : vector<16xf32>
        %add3A_2404 = arith.constant 1 : i32
        %add3A_2405 = arith.addi %mul3A_1507, %add3A_2404 : i32
        %mul3A_2406 = arith.constant 20 : i32
        %mul3A_2407 = arith.muli %add3A_2405, %mul3A_2406 : i32
        %add3A_2408 = arith.constant 14 : i32
        %add3A_2409 = arith.addi %mul3A_2407, %add3A_2408 : i32
        %get3A_2410 = arith.index_cast %add3A_2409 : i32 to index
        %get3A_2411 = arith.constant 0 : index
        %get3A_2412 = tpu.vector_load %arg9[%get3A_2410, %get3A_2411] {strides = array<i32>} : memref<1280x32xf32, #tpu.memory_space<vmem>>, vector<1x16xf32>,
        %get3A_2413 = vector.shape_cast %get3A_2412 : vector<1x16xf32> to vector<16xf32>
        %add3A_2414 = arith.addf %add3A_2350, %get3A_2413 : vector<16xf32>
        %get3A_2415 = arith.index_cast %add3A_2409 : i32 to index
        %get3A_2416 = arith.constant 16 : index
        %get3A_2417 = tpu.vector_load %arg9[%get3A_2415, %get3A_2416] {strides = array<i32>} : memref<1280x32xf32, #tpu.memory_space<vmem>>, vector<1x16xf32>,
        %get3A_2418 = vector.shape_cast %get3A_2417 : vector<1x16xf32> to vector<16xf32>
        %add3A_2419 = arith.addf %add3A_2355, %get3A_2418 : vector<16xf32>
        %add3A_2420 = arith.constant 2 : i32
        %add3A_2421 = arith.addi %mul3A_1507, %add3A_2420 : i32
        %mul3A_2422 = arith.constant 20 : i32
        %mul3A_2423 = arith.muli %add3A_2421, %mul3A_2422 : i32
        %add3A_2424 = arith.constant 14 : i32
        %add3A_2425 = arith.addi %mul3A_2423, %add3A_2424 : i32
        %get3A_2426 = arith.index_cast %add3A_2425 : i32 to index
        %get3A_2427 = arith.constant 0 : index
        %get3A_2428 = tpu.vector_load %arg9[%get3A_2426, %get3A_2427] {strides = array<i32>} : memref<1280x32xf32, #tpu.memory_space<vmem>>, vector<1x16xf32>,
        %get3A_2429 = vector.shape_cast %get3A_2428 : vector<1x16xf32> to vector<16xf32>
        %add3A_2430 = arith.addf %add3A_2366, %get3A_2429 : vector<16xf32>
        %get3A_2431 = arith.index_cast %add3A_2425 : i32 to index
        %get3A_2432 = arith.constant 16 : index
        %get3A_2433 = tpu.vector_load %arg9[%get3A_2431, %get3A_2432] {strides = array<i32>} : memref<1280x32xf32, #tpu.memory_space<vmem>>, vector<1x16xf32>,
        %get3A_2434 = vector.shape_cast %get3A_2433 : vector<1x16xf32> to vector<16xf32>
        %add3A_2435 = arith.addf %add3A_2371, %get3A_2434 : vector<16xf32>
        %add3A_2436 = arith.constant 3 : i32
        %add3A_2437 = arith.addi %mul3A_1507, %add3A_2436 : i32
        %mul3A_2438 = arith.constant 20 : i32
        %mul3A_2439 = arith.muli %add3A_2437, %mul3A_2438 : i32
        %add3A_2440 = arith.constant 14 : i32
        %add3A_2441 = arith.addi %mul3A_2439, %add3A_2440 : i32
        %get3A_2442 = arith.index_cast %add3A_2441 : i32 to index
        %get3A_2443 = arith.constant 0 : index
        %get3A_2444 = tpu.vector_load %arg9[%get3A_2442, %get3A_2443] {strides = array<i32>} : memref<1280x32xf32, #tpu.memory_space<vmem>>, vector<1x16xf32>,
        %get3A_2445 = vector.shape_cast %get3A_2444 : vector<1x16xf32> to vector<16xf32>
        %add3A_2446 = arith.addf %add3A_2382, %get3A_2445 : vector<16xf32>
        %get3A_2447 = arith.index_cast %add3A_2441 : i32 to index
        %get3A_2448 = arith.constant 16 : index
        %get3A_2449 = tpu.vector_load %arg9[%get3A_2447, %get3A_2448] {strides = array<i32>} : memref<1280x32xf32, #tpu.memory_space<vmem>>, vector<1x16xf32>,
        %get3A_2450 = vector.shape_cast %get3A_2449 : vector<1x16xf32> to vector<16xf32>
        %add3A_2451 = arith.addf %add3A_2387, %get3A_2450 : vector<16xf32>
        %add3A_2452 = arith.constant 0 : i32
        %add3A_2453 = arith.addi %mul3A_1507, %add3A_2452 : i32
        %mul3A_2454 = arith.constant 20 : i32
        %mul3A_2455 = arith.muli %add3A_2453, %mul3A_2454 : i32
        %add3A_2456 = arith.constant 15 : i32
        %add3A_2457 = arith.addi %mul3A_2455, %add3A_2456 : i32
        %get3A_2458 = arith.index_cast %add3A_2457 : i32 to index
        %get3A_2459 = arith.constant 0 : index
        %get3A_2460 = tpu.vector_load %arg9[%get3A_2458, %get3A_2459] {strides = array<i32>} : memref<1280x32xf32, #tpu.memory_space<vmem>>, vector<1x16xf32>,
        %get3A_2461 = vector.shape_cast %get3A_2460 : vector<1x16xf32> to vector<16xf32>
        %add3A_2462 = arith.addf %add3A_2398, %get3A_2461 : vector<16xf32>
        %get3A_2463 = arith.index_cast %add3A_2457 : i32 to index
        %get3A_2464 = arith.constant 16 : index
        %get3A_2465 = tpu.vector_load %arg9[%get3A_2463, %get3A_2464] {strides = array<i32>} : memref<1280x32xf32, #tpu.memory_space<vmem>>, vector<1x16xf32>,
        %get3A_2466 = vector.shape_cast %get3A_2465 : vector<1x16xf32> to vector<16xf32>
        %add3A_2467 = arith.addf %add3A_2403, %get3A_2466 : vector<16xf32>
        %add3A_2468 = arith.constant 1 : i32
        %add3A_2469 = arith.addi %mul3A_1507, %add3A_2468 : i32
        %mul3A_2470 = arith.constant 20 : i32
        %mul3A_2471 = arith.muli %add3A_2469, %mul3A_2470 : i32
        %add3A_2472 = arith.constant 15 : i32
        %add3A_2473 = arith.addi %mul3A_2471, %add3A_2472 : i32
        %get3A_2474 = arith.index_cast %add3A_2473 : i32 to index
        %get3A_2475 = arith.constant 0 : index
        %get3A_2476 = tpu.vector_load %arg9[%get3A_2474, %get3A_2475] {strides = array<i32>} : memref<1280x32xf32, #tpu.memory_space<vmem>>, vector<1x16xf32>,
        %get3A_2477 = vector.shape_cast %get3A_2476 : vector<1x16xf32> to vector<16xf32>
        %add3A_2478 = arith.addf %add3A_2414, %get3A_2477 : vector<16xf32>
        %get3A_2479 = arith.index_cast %add3A_2473 : i32 to index
        %get3A_2480 = arith.constant 16 : index
        %get3A_2481 = tpu.vector_load %arg9[%get3A_2479, %get3A_2480] {strides = array<i32>} : memref<1280x32xf32, #tpu.memory_space<vmem>>, vector<1x16xf32>,
        %get3A_2482 = vector.shape_cast %get3A_2481 : vector<1x16xf32> to vector<16xf32>
        %add3A_2483 = arith.addf %add3A_2419, %get3A_2482 : vector<16xf32>
        %add3A_2484 = arith.constant 2 : i32
        %add3A_2485 = arith.addi %mul3A_1507, %add3A_2484 : i32
        %mul3A_2486 = arith.constant 20 : i32
        %mul3A_2487 = arith.muli %add3A_2485, %mul3A_2486 : i32
        %add3A_2488 = arith.constant 15 : i32
        %add3A_2489 = arith.addi %mul3A_2487, %add3A_2488 : i32
        %get3A_2490 = arith.index_cast %add3A_2489 : i32 to index
        %get3A_2491 = arith.constant 0 : index
        %get3A_2492 = tpu.vector_load %arg9[%get3A_2490, %get3A_2491] {strides = array<i32>} : memref<1280x32xf32, #tpu.memory_space<vmem>>, vector<1x16xf32>,
        %get3A_2493 = vector.shape_cast %get3A_2492 : vector<1x16xf32> to vector<16xf32>
        %add3A_2494 = arith.addf %add3A_2430, %get3A_2493 : vector<16xf32>
        %get3A_2495 = arith.index_cast %add3A_2489 : i32 to index
        %get3A_2496 = arith.constant 16 : index
        %get3A_2497 = tpu.vector_load %arg9[%get3A_2495, %get3A_2496] {strides = array<i32>} : memref<1280x32xf32, #tpu.memory_space<vmem>>, vector<1x16xf32>,
        %get3A_2498 = vector.shape_cast %get3A_2497 : vector<1x16xf32> to vector<16xf32>
        %add3A_2499 = arith.addf %add3A_2435, %get3A_2498 : vector<16xf32>
        %add3A_2500 = arith.constant 3 : i32
        %add3A_2501 = arith.addi %mul3A_1507, %add3A_2500 : i32
        %mul3A_2502 = arith.constant 20 : i32
        %mul3A_2503 = arith.muli %add3A_2501, %mul3A_2502 : i32
        %add3A_2504 = arith.constant 15 : i32
        %add3A_2505 = arith.addi %mul3A_2503, %add3A_2504 : i32
        %get3A_2506 = arith.index_cast %add3A_2505 : i32 to index
        %get3A_2507 = arith.constant 0 : index
        %get3A_2508 = tpu.vector_load %arg9[%get3A_2506, %get3A_2507] {strides = array<i32>} : memref<1280x32xf32, #tpu.memory_space<vmem>>, vector<1x16xf32>,
        %get3A_2509 = vector.shape_cast %get3A_2508 : vector<1x16xf32> to vector<16xf32>
        %add3A_2510 = arith.addf %add3A_2446, %get3A_2509 : vector<16xf32>
        %get3A_2511 = arith.index_cast %add3A_2505 : i32 to index
        %get3A_2512 = arith.constant 16 : index
        %get3A_2513 = tpu.vector_load %arg9[%get3A_2511, %get3A_2512] {strides = array<i32>} : memref<1280x32xf32, #tpu.memory_space<vmem>>, vector<1x16xf32>,
        %get3A_2514 = vector.shape_cast %get3A_2513 : vector<1x16xf32> to vector<16xf32>
        %add3A_2515 = arith.addf %add3A_2451, %get3A_2514 : vector<16xf32>
        %add3A_2516 = arith.constant 0 : i32
        %add3A_2517 = arith.addi %mul3A_1507, %add3A_2516 : i32
        %mul3A_2518 = arith.constant 20 : i32
        %mul3A_2519 = arith.muli %add3A_2517, %mul3A_2518 : i32
        %add3A_2520 = arith.constant 16 : i32
        %add3A_2521 = arith.addi %mul3A_2519, %add3A_2520 : i32
        %get3A_2522 = arith.index_cast %add3A_2521 : i32 to index
        %get3A_2523 = arith.constant 0 : index
        %get3A_2524 = tpu.vector_load %arg9[%get3A_2522, %get3A_2523] {strides = array<i32>} : memref<1280x32xf32, #tpu.memory_space<vmem>>, vector<1x16xf32>,
        %get3A_2525 = vector.shape_cast %get3A_2524 : vector<1x16xf32> to vector<16xf32>
        %add3A_2526 = arith.addf %add3A_2462, %get3A_2525 : vector<16xf32>
        %get3A_2527 = arith.index_cast %add3A_2521 : i32 to index
        %get3A_2528 = arith.constant 16 : index
        %get3A_2529 = tpu.vector_load %arg9[%get3A_2527, %get3A_2528] {strides = array<i32>} : memref<1280x32xf32, #tpu.memory_space<vmem>>, vector<1x16xf32>,
        %get3A_2530 = vector.shape_cast %get3A_2529 : vector<1x16xf32> to vector<16xf32>
        %add3A_2531 = arith.addf %add3A_2467, %get3A_2530 : vector<16xf32>
        %add3A_2532 = arith.constant 1 : i32
        %add3A_2533 = arith.addi %mul3A_1507, %add3A_2532 : i32
        %mul3A_2534 = arith.constant 20 : i32
        %mul3A_2535 = arith.muli %add3A_2533, %mul3A_2534 : i32
        %add3A_2536 = arith.constant 16 : i32
        %add3A_2537 = arith.addi %mul3A_2535, %add3A_2536 : i32
        %get3A_2538 = arith.index_cast %add3A_2537 : i32 to index
        %get3A_2539 = arith.constant 0 : index
        %get3A_2540 = tpu.vector_load %arg9[%get3A_2538, %get3A_2539] {strides = array<i32>} : memref<1280x32xf32, #tpu.memory_space<vmem>>, vector<1x16xf32>,
        %get3A_2541 = vector.shape_cast %get3A_2540 : vector<1x16xf32> to vector<16xf32>
        %add3A_2542 = arith.addf %add3A_2478, %get3A_2541 : vector<16xf32>
        %get3A_2543 = arith.index_cast %add3A_2537 : i32 to index
        %get3A_2544 = arith.constant 16 : index
        %get3A_2545 = tpu.vector_load %arg9[%get3A_2543, %get3A_2544] {strides = array<i32>} : memref<1280x32xf32, #tpu.memory_space<vmem>>, vector<1x16xf32>,
        %get3A_2546 = vector.shape_cast %get3A_2545 : vector<1x16xf32> to vector<16xf32>
        %add3A_2547 = arith.addf %add3A_2483, %get3A_2546 : vector<16xf32>
        %add3A_2548 = arith.constant 2 : i32
        %add3A_2549 = arith.addi %mul3A_1507, %add3A_2548 : i32
        %mul3A_2550 = arith.constant 20 : i32
        %mul3A_2551 = arith.muli %add3A_2549, %mul3A_2550 : i32
        %add3A_2552 = arith.constant 16 : i32
        %add3A_2553 = arith.addi %mul3A_2551, %add3A_2552 : i32
        %get3A_2554 = arith.index_cast %add3A_2553 : i32 to index
        %get3A_2555 = arith.constant 0 : index
        %get3A_2556 = tpu.vector_load %arg9[%get3A_2554, %get3A_2555] {strides = array<i32>} : memref<1280x32xf32, #tpu.memory_space<vmem>>, vector<1x16xf32>,
        %get3A_2557 = vector.shape_cast %get3A_2556 : vector<1x16xf32> to vector<16xf32>
        %add3A_2558 = arith.addf %add3A_2494, %get3A_2557 : vector<16xf32>
        %get3A_2559 = arith.index_cast %add3A_2553 : i32 to index
        %get3A_2560 = arith.constant 16 : index
        %get3A_2561 = tpu.vector_load %arg9[%get3A_2559, %get3A_2560] {strides = array<i32>} : memref<1280x32xf32, #tpu.memory_space<vmem>>, vector<1x16xf32>,
        %get3A_2562 = vector.shape_cast %get3A_2561 : vector<1x16xf32> to vector<16xf32>
        %add3A_2563 = arith.addf %add3A_2499, %get3A_2562 : vector<16xf32>
        %add3A_2564 = arith.constant 3 : i32
        %add3A_2565 = arith.addi %mul3A_1507, %add3A_2564 : i32
        %mul3A_2566 = arith.constant 20 : i32
        %mul3A_2567 = arith.muli %add3A_2565, %mul3A_2566 : i32
        %add3A_2568 = arith.constant 16 : i32
        %add3A_2569 = arith.addi %mul3A_2567, %add3A_2568 : i32
        %get3A_2570 = arith.index_cast %add3A_2569 : i32 to index
        %get3A_2571 = arith.constant 0 : index
        %get3A_2572 = tpu.vector_load %arg9[%get3A_2570, %get3A_2571] {strides = array<i32>} : memref<1280x32xf32, #tpu.memory_space<vmem>>, vector<1x16xf32>,
        %get3A_2573 = vector.shape_cast %get3A_2572 : vector<1x16xf32> to vector<16xf32>
        %add3A_2574 = arith.addf %add3A_2510, %get3A_2573 : vector<16xf32>
        %get3A_2575 = arith.index_cast %add3A_2569 : i32 to index
        %get3A_2576 = arith.constant 16 : index
        %get3A_2577 = tpu.vector_load %arg9[%get3A_2575, %get3A_2576] {strides = array<i32>} : memref<1280x32xf32, #tpu.memory_space<vmem>>, vector<1x16xf32>,
        %get3A_2578 = vector.shape_cast %get3A_2577 : vector<1x16xf32> to vector<16xf32>
        %add3A_2579 = arith.addf %add3A_2515, %get3A_2578 : vector<16xf32>
        %add3A_2580 = arith.constant 0 : i32
        %add3A_2581 = arith.addi %mul3A_1507, %add3A_2580 : i32
        %mul3A_2582 = arith.constant 20 : i32
        %mul3A_2583 = arith.muli %add3A_2581, %mul3A_2582 : i32
        %add3A_2584 = arith.constant 17 : i32
        %add3A_2585 = arith.addi %mul3A_2583, %add3A_2584 : i32
        %get3A_2586 = arith.index_cast %add3A_2585 : i32 to index
        %get3A_2587 = arith.constant 0 : index
        %get3A_2588 = tpu.vector_load %arg9[%get3A_2586, %get3A_2587] {strides = array<i32>} : memref<1280x32xf32, #tpu.memory_space<vmem>>, vector<1x16xf32>,
        %get3A_2589 = vector.shape_cast %get3A_2588 : vector<1x16xf32> to vector<16xf32>
        %add3A_2590 = arith.addf %add3A_2526, %get3A_2589 : vector<16xf32>
        %get3A_2591 = arith.index_cast %add3A_2585 : i32 to index
        %get3A_2592 = arith.constant 16 : index
        %get3A_2593 = tpu.vector_load %arg9[%get3A_2591, %get3A_2592] {strides = array<i32>} : memref<1280x32xf32, #tpu.memory_space<vmem>>, vector<1x16xf32>,
        %get3A_2594 = vector.shape_cast %get3A_2593 : vector<1x16xf32> to vector<16xf32>
        %add3A_2595 = arith.addf %add3A_2531, %get3A_2594 : vector<16xf32>
        %add3A_2596 = arith.constant 1 : i32
        %add3A_2597 = arith.addi %mul3A_1507, %add3A_2596 : i32
        %mul3A_2598 = arith.constant 20 : i32
        %mul3A_2599 = arith.muli %add3A_2597, %mul3A_2598 : i32
        %add3A_2600 = arith.constant 17 : i32
        %add3A_2601 = arith.addi %mul3A_2599, %add3A_2600 : i32
        %get3A_2602 = arith.index_cast %add3A_2601 : i32 to index
        %get3A_2603 = arith.constant 0 : index
        %get3A_2604 = tpu.vector_load %arg9[%get3A_2602, %get3A_2603] {strides = array<i32>} : memref<1280x32xf32, #tpu.memory_space<vmem>>, vector<1x16xf32>,
        %get3A_2605 = vector.shape_cast %get3A_2604 : vector<1x16xf32> to vector<16xf32>
        %add3A_2606 = arith.addf %add3A_2542, %get3A_2605 : vector<16xf32>
        %get3A_2607 = arith.index_cast %add3A_2601 : i32 to index
        %get3A_2608 = arith.constant 16 : index
        %get3A_2609 = tpu.vector_load %arg9[%get3A_2607, %get3A_2608] {strides = array<i32>} : memref<1280x32xf32, #tpu.memory_space<vmem>>, vector<1x16xf32>,
        %get3A_2610 = vector.shape_cast %get3A_2609 : vector<1x16xf32> to vector<16xf32>
        %add3A_2611 = arith.addf %add3A_2547, %get3A_2610 : vector<16xf32>
        %add3A_2612 = arith.constant 2 : i32
        %add3A_2613 = arith.addi %mul3A_1507, %add3A_2612 : i32
        %mul3A_2614 = arith.constant 20 : i32
        %mul3A_2615 = arith.muli %add3A_2613, %mul3A_2614 : i32
        %add3A_2616 = arith.constant 17 : i32
        %add3A_2617 = arith.addi %mul3A_2615, %add3A_2616 : i32
        %get3A_2618 = arith.index_cast %add3A_2617 : i32 to index
        %get3A_2619 = arith.constant 0 : index
        %get3A_2620 = tpu.vector_load %arg9[%get3A_2618, %get3A_2619] {strides = array<i32>} : memref<1280x32xf32, #tpu.memory_space<vmem>>, vector<1x16xf32>,
        %get3A_2621 = vector.shape_cast %get3A_2620 : vector<1x16xf32> to vector<16xf32>
        %add3A_2622 = arith.addf %add3A_2558, %get3A_2621 : vector<16xf32>
        %get3A_2623 = arith.index_cast %add3A_2617 : i32 to index
        %get3A_2624 = arith.constant 16 : index
        %get3A_2625 = tpu.vector_load %arg9[%get3A_2623, %get3A_2624] {strides = array<i32>} : memref<1280x32xf32, #tpu.memory_space<vmem>>, vector<1x16xf32>,
        %get3A_2626 = vector.shape_cast %get3A_2625 : vector<1x16xf32> to vector<16xf32>
        %add3A_2627 = arith.addf %add3A_2563, %get3A_2626 : vector<16xf32>
        %add3A_2628 = arith.constant 3 : i32
        %add3A_2629 = arith.addi %mul3A_1507, %add3A_2628 : i32
        %mul3A_2630 = arith.constant 20 : i32
        %mul3A_2631 = arith.muli %add3A_2629, %mul3A_2630 : i32
        %add3A_2632 = arith.constant 17 : i32
        %add3A_2633 = arith.addi %mul3A_2631, %add3A_2632 : i32
        %get3A_2634 = arith.index_cast %add3A_2633 : i32 to index
        %get3A_2635 = arith.constant 0 : index
        %get3A_2636 = tpu.vector_load %arg9[%get3A_2634, %get3A_2635] {strides = array<i32>} : memref<1280x32xf32, #tpu.memory_space<vmem>>, vector<1x16xf32>,
        %get3A_2637 = vector.shape_cast %get3A_2636 : vector<1x16xf32> to vector<16xf32>
        %add3A_2638 = arith.addf %add3A_2574, %get3A_2637 : vector<16xf32>
        %get3A_2639 = arith.index_cast %add3A_2633 : i32 to index
        %get3A_2640 = arith.constant 16 : index
        %get3A_2641 = tpu.vector_load %arg9[%get3A_2639, %get3A_2640] {strides = array<i32>} : memref<1280x32xf32, #tpu.memory_space<vmem>>, vector<1x16xf32>,
        %get3A_2642 = vector.shape_cast %get3A_2641 : vector<1x16xf32> to vector<16xf32>
        %add3A_2643 = arith.addf %add3A_2579, %get3A_2642 : vector<16xf32>
        %add3A_2644 = arith.constant 0 : i32
        %add3A_2645 = arith.addi %mul3A_1507, %add3A_2644 : i32
        %mul3A_2646 = arith.constant 20 : i32
        %mul3A_2647 = arith.muli %add3A_2645, %mul3A_2646 : i32
        %add3A_2648 = arith.constant 18 : i32
        %add3A_2649 = arith.addi %mul3A_2647, %add3A_2648 : i32
        %get3A_2650 = arith.index_cast %add3A_2649 : i32 to index
        %get3A_2651 = arith.constant 0 : index
        %get3A_2652 = tpu.vector_load %arg9[%get3A_2650, %get3A_2651] {strides = array<i32>} : memref<1280x32xf32, #tpu.memory_space<vmem>>, vector<1x16xf32>,
        %get3A_2653 = vector.shape_cast %get3A_2652 : vector<1x16xf32> to vector<16xf32>
        %add3A_2654 = arith.addf %add3A_2590, %get3A_2653 : vector<16xf32>
        %get3A_2655 = arith.index_cast %add3A_2649 : i32 to index
        %get3A_2656 = arith.constant 16 : index
        %get3A_2657 = tpu.vector_load %arg9[%get3A_2655, %get3A_2656] {strides = array<i32>} : memref<1280x32xf32, #tpu.memory_space<vmem>>, vector<1x16xf32>,
        %get3A_2658 = vector.shape_cast %get3A_2657 : vector<1x16xf32> to vector<16xf32>
        %add3A_2659 = arith.addf %add3A_2595, %get3A_2658 : vector<16xf32>
        %add3A_2660 = arith.constant 1 : i32
        %add3A_2661 = arith.addi %mul3A_1507, %add3A_2660 : i32
        %mul3A_2662 = arith.constant 20 : i32
        %mul3A_2663 = arith.muli %add3A_2661, %mul3A_2662 : i32
        %add3A_2664 = arith.constant 18 : i32
        %add3A_2665 = arith.addi %mul3A_2663, %add3A_2664 : i32
        %get3A_2666 = arith.index_cast %add3A_2665 : i32 to index
        %get3A_2667 = arith.constant 0 : index
        %get3A_2668 = tpu.vector_load %arg9[%get3A_2666, %get3A_2667] {strides = array<i32>} : memref<1280x32xf32, #tpu.memory_space<vmem>>, vector<1x16xf32>,
        %get3A_2669 = vector.shape_cast %get3A_2668 : vector<1x16xf32> to vector<16xf32>
        %add3A_2670 = arith.addf %add3A_2606, %get3A_2669 : vector<16xf32>
        %get3A_2671 = arith.index_cast %add3A_2665 : i32 to index
        %get3A_2672 = arith.constant 16 : index
        %get3A_2673 = tpu.vector_load %arg9[%get3A_2671, %get3A_2672] {strides = array<i32>} : memref<1280x32xf32, #tpu.memory_space<vmem>>, vector<1x16xf32>,
        %get3A_2674 = vector.shape_cast %get3A_2673 : vector<1x16xf32> to vector<16xf32>
        %add3A_2675 = arith.addf %add3A_2611, %get3A_2674 : vector<16xf32>
        %add3A_2676 = arith.constant 2 : i32
        %add3A_2677 = arith.addi %mul3A_1507, %add3A_2676 : i32
        %mul3A_2678 = arith.constant 20 : i32
        %mul3A_2679 = arith.muli %add3A_2677, %mul3A_2678 : i32
        %add3A_2680 = arith.constant 18 : i32
        %add3A_2681 = arith.addi %mul3A_2679, %add3A_2680 : i32
        %get3A_2682 = arith.index_cast %add3A_2681 : i32 to index
        %get3A_2683 = arith.constant 0 : index
        %get3A_2684 = tpu.vector_load %arg9[%get3A_2682, %get3A_2683] {strides = array<i32>} : memref<1280x32xf32, #tpu.memory_space<vmem>>, vector<1x16xf32>,
        %get3A_2685 = vector.shape_cast %get3A_2684 : vector<1x16xf32> to vector<16xf32>
        %add3A_2686 = arith.addf %add3A_2622, %get3A_2685 : vector<16xf32>
        %get3A_2687 = arith.index_cast %add3A_2681 : i32 to index
        %get3A_2688 = arith.constant 16 : index
        %get3A_2689 = tpu.vector_load %arg9[%get3A_2687, %get3A_2688] {strides = array<i32>} : memref<1280x32xf32, #tpu.memory_space<vmem>>, vector<1x16xf32>,
        %get3A_2690 = vector.shape_cast %get3A_2689 : vector<1x16xf32> to vector<16xf32>
        %add3A_2691 = arith.addf %add3A_2627, %get3A_2690 : vector<16xf32>
        %add3A_2692 = arith.constant 3 : i32
        %add3A_2693 = arith.addi %mul3A_1507, %add3A_2692 : i32
        %mul3A_2694 = arith.constant 20 : i32
        %mul3A_2695 = arith.muli %add3A_2693, %mul3A_2694 : i32
        %add3A_2696 = arith.constant 18 : i32
        %add3A_2697 = arith.addi %mul3A_2695, %add3A_2696 : i32
        %get3A_2698 = arith.index_cast %add3A_2697 : i32 to index
        %get3A_2699 = arith.constant 0 : index
        %get3A_2700 = tpu.vector_load %arg9[%get3A_2698, %get3A_2699] {strides = array<i32>} : memref<1280x32xf32, #tpu.memory_space<vmem>>, vector<1x16xf32>,
        %get3A_2701 = vector.shape_cast %get3A_2700 : vector<1x16xf32> to vector<16xf32>
        %add3A_2702 = arith.addf %add3A_2638, %get3A_2701 : vector<16xf32>
        %get3A_2703 = arith.index_cast %add3A_2697 : i32 to index
        %get3A_2704 = arith.constant 16 : index
        %get3A_2705 = tpu.vector_load %arg9[%get3A_2703, %get3A_2704] {strides = array<i32>} : memref<1280x32xf32, #tpu.memory_space<vmem>>, vector<1x16xf32>,
        %get3A_2706 = vector.shape_cast %get3A_2705 : vector<1x16xf32> to vector<16xf32>
        %add3A_2707 = arith.addf %add3A_2643, %get3A_2706 : vector<16xf32>
        %add3A_2708 = arith.constant 0 : i32
        %add3A_2709 = arith.addi %mul3A_1507, %add3A_2708 : i32
        %mul3A_2710 = arith.constant 20 : i32
        %mul3A_2711 = arith.muli %add3A_2709, %mul3A_2710 : i32
        %add3A_2712 = arith.constant 19 : i32
        %add3A_2713 = arith.addi %mul3A_2711, %add3A_2712 : i32
        %get3A_2714 = arith.index_cast %add3A_2713 : i32 to index
        %get3A_2715 = arith.constant 0 : index
        %get3A_2716 = tpu.vector_load %arg9[%get3A_2714, %get3A_2715] {strides = array<i32>} : memref<1280x32xf32, #tpu.memory_space<vmem>>, vector<1x16xf32>,
        %get3A_2717 = vector.shape_cast %get3A_2716 : vector<1x16xf32> to vector<16xf32>
        %add3A_2718 = arith.addf %add3A_2654, %get3A_2717 : vector<16xf32>
        %get3A_2719 = arith.index_cast %add3A_2713 : i32 to index
        %get3A_2720 = arith.constant 16 : index
        %get3A_2721 = tpu.vector_load %arg9[%get3A_2719, %get3A_2720] {strides = array<i32>} : memref<1280x32xf32, #tpu.memory_space<vmem>>, vector<1x16xf32>,
        %get3A_2722 = vector.shape_cast %get3A_2721 : vector<1x16xf32> to vector<16xf32>
        %add3A_2723 = arith.addf %add3A_2659, %get3A_2722 : vector<16xf32>
        %add3A_2724 = arith.constant 1 : i32
        %add3A_2725 = arith.addi %mul3A_1507, %add3A_2724 : i32
        %mul3A_2726 = arith.constant 20 : i32
        %mul3A_2727 = arith.muli %add3A_2725, %mul3A_2726 : i32
        %add3A_2728 = arith.constant 19 : i32
        %add3A_2729 = arith.addi %mul3A_2727, %add3A_2728 : i32
        %get3A_2730 = arith.index_cast %add3A_2729 : i32 to index
        %get3A_2731 = arith.constant 0 : index
        %get3A_2732 = tpu.vector_load %arg9[%get3A_2730, %get3A_2731] {strides = array<i32>} : memref<1280x32xf32, #tpu.memory_space<vmem>>, vector<1x16xf32>,
        %get3A_2733 = vector.shape_cast %get3A_2732 : vector<1x16xf32> to vector<16xf32>
        %add3A_2734 = arith.addf %add3A_2670, %get3A_2733 : vector<16xf32>
        %get3A_2735 = arith.index_cast %add3A_2729 : i32 to index
        %get3A_2736 = arith.constant 16 : index
        %get3A_2737 = tpu.vector_load %arg9[%get3A_2735, %get3A_2736] {strides = array<i32>} : memref<1280x32xf32, #tpu.memory_space<vmem>>, vector<1x16xf32>,
        %get3A_2738 = vector.shape_cast %get3A_2737 : vector<1x16xf32> to vector<16xf32>
        %add3A_2739 = arith.addf %add3A_2675, %get3A_2738 : vector<16xf32>
        %add3A_2740 = arith.constant 2 : i32
        %add3A_2741 = arith.addi %mul3A_1507, %add3A_2740 : i32
        %mul3A_2742 = arith.constant 20 : i32
        %mul3A_2743 = arith.muli %add3A_2741, %mul3A_2742 : i32
        %add3A_2744 = arith.constant 19 : i32
        %add3A_2745 = arith.addi %mul3A_2743, %add3A_2744 : i32
        %get3A_2746 = arith.index_cast %add3A_2745 : i32 to index
        %get3A_2747 = arith.constant 0 : index
        %get3A_2748 = tpu.vector_load %arg9[%get3A_2746, %get3A_2747] {strides = array<i32>} : memref<1280x32xf32, #tpu.memory_space<vmem>>, vector<1x16xf32>,
        %get3A_2749 = vector.shape_cast %get3A_2748 : vector<1x16xf32> to vector<16xf32>
        %add3A_2750 = arith.addf %add3A_2686, %get3A_2749 : vector<16xf32>
        %get3A_2751 = arith.index_cast %add3A_2745 : i32 to index
        %get3A_2752 = arith.constant 16 : index
        %get3A_2753 = tpu.vector_load %arg9[%get3A_2751, %get3A_2752] {strides = array<i32>} : memref<1280x32xf32, #tpu.memory_space<vmem>>, vector<1x16xf32>,
        %get3A_2754 = vector.shape_cast %get3A_2753 : vector<1x16xf32> to vector<16xf32>
        %add3A_2755 = arith.addf %add3A_2691, %get3A_2754 : vector<16xf32>
        %add3A_2756 = arith.constant 3 : i32
        %add3A_2757 = arith.addi %mul3A_1507, %add3A_2756 : i32
        %mul3A_2758 = arith.constant 20 : i32
        %mul3A_2759 = arith.muli %add3A_2757, %mul3A_2758 : i32
        %add3A_2760 = arith.constant 19 : i32
        %add3A_2761 = arith.addi %mul3A_2759, %add3A_2760 : i32
        %get3A_2762 = arith.index_cast %add3A_2761 : i32 to index
        %get3A_2763 = arith.constant 0 : index
        %get3A_2764 = tpu.vector_load %arg9[%get3A_2762, %get3A_2763] {strides = array<i32>} : memref<1280x32xf32, #tpu.memory_space<vmem>>, vector<1x16xf32>,
        %get3A_2765 = vector.shape_cast %get3A_2764 : vector<1x16xf32> to vector<16xf32>
        %add3A_2766 = arith.addf %add3A_2702, %get3A_2765 : vector<16xf32>
        %get3A_2767 = arith.index_cast %add3A_2761 : i32 to index
        %get3A_2768 = arith.constant 16 : index
        %get3A_2769 = tpu.vector_load %arg9[%get3A_2767, %get3A_2768] {strides = array<i32>} : memref<1280x32xf32, #tpu.memory_space<vmem>>, vector<1x16xf32>,
        %get3A_2770 = vector.shape_cast %get3A_2769 : vector<1x16xf32> to vector<16xf32>
        %add3A_2771 = arith.addf %add3A_2707, %get3A_2770 : vector<16xf32>
        %add3A_2772 = arith.constant 0 : i32
        %add3A_2773 = arith.addi %mul3A_1507, %add3A_2772 : i32
        %swap3A_2774 = arith.index_cast %add3A_2773 : i32 to index
        %swap3A_2775 = arith.constant 0 : index
        %swap3A_2776 = tpu.vector_load %arg11[%swap3A_2774, %swap3A_2775] {strides = array<i32>} : memref<64x32xf32, #tpu.memory_space<vmem>>, vector<1x16xf32>,
        %swap3A_2777 = vector.shape_cast %swap3A_2776 : vector<1x16xf32> to vector<16xf32>
        %swap3A_2778 = vector.shape_cast %add3A_2718 : vector<16xf32> to vector<1x16xf32>
        tpu.vector_store %arg11[%swap3A_2774, %swap3A_2775], %swap3A_2778 {strides = array<i32>} : memref<64x32xf32, #tpu.memory_space<vmem>>, vector<1x16xf32>,
        %add3A_2779 = arith.constant 0 : i32
        %add3A_2780 = arith.addi %mul3A_1507, %add3A_2779 : i32
        %swap3A_2781 = arith.index_cast %add3A_2780 : i32 to index
        %swap3A_2782 = arith.constant 16 : index
        %swap3A_2783 = tpu.vector_load %arg11[%swap3A_2781, %swap3A_2782] {strides = array<i32>} : memref<64x32xf32, #tpu.memory_space<vmem>>, vector<1x16xf32>,
        %swap3A_2784 = vector.shape_cast %swap3A_2783 : vector<1x16xf32> to vector<16xf32>
        %swap3A_2785 = vector.shape_cast %add3A_2723 : vector<16xf32> to vector<1x16xf32>
        tpu.vector_store %arg11[%swap3A_2781, %swap3A_2782], %swap3A_2785 {strides = array<i32>} : memref<64x32xf32, #tpu.memory_space<vmem>>, vector<1x16xf32>,
        %add3A_2786 = arith.constant 1 : i32
        %add3A_2787 = arith.addi %mul3A_1507, %add3A_2786 : i32
        %swap3A_2788 = arith.index_cast %add3A_2787 : i32 to index
        %swap3A_2789 = arith.constant 0 : index
        %swap3A_2790 = tpu.vector_load %arg11[%swap3A_2788, %swap3A_2789] {strides = array<i32>} : memref<64x32xf32, #tpu.memory_space<vmem>>, vector<1x16xf32>,
        %swap3A_2791 = vector.shape_cast %swap3A_2790 : vector<1x16xf32> to vector<16xf32>
        %swap3A_2792 = vector.shape_cast %add3A_2734 : vector<16xf32> to vector<1x16xf32>
        tpu.vector_store %arg11[%swap3A_2788, %swap3A_2789], %swap3A_2792 {strides = array<i32>} : memref<64x32xf32, #tpu.memory_space<vmem>>, vector<1x16xf32>,
        %add3A_2793 = arith.constant 1 : i32
        %add3A_2794 = arith.addi %mul3A_1507, %add3A_2793 : i32
        %swap3A_2795 = arith.index_cast %add3A_2794 : i32 to index
        %swap3A_2796 = arith.constant 16 : index
        %swap3A_2797 = tpu.vector_load %arg11[%swap3A_2795, %swap3A_2796] {strides = array<i32>} : memref<64x32xf32, #tpu.memory_space<vmem>>, vector<1x16xf32>,
        %swap3A_2798 = vector.shape_cast %swap3A_2797 : vector<1x16xf32> to vector<16xf32>
        %swap3A_2799 = vector.shape_cast %add3A_2739 : vector<16xf32> to vector<1x16xf32>
        tpu.vector_store %arg11[%swap3A_2795, %swap3A_2796], %swap3A_2799 {strides = array<i32>} : memref<64x32xf32, #tpu.memory_space<vmem>>, vector<1x16xf32>,
        %add3A_2800 = arith.constant 2 : i32
        %add3A_2801 = arith.addi %mul3A_1507, %add3A_2800 : i32
        %swap3A_2802 = arith.index_cast %add3A_2801 : i32 to index
        %swap3A_2803 = arith.constant 0 : index
        %swap3A_2804 = tpu.vector_load %arg11[%swap3A_2802, %swap3A_2803] {strides = array<i32>} : memref<64x32xf32, #tpu.memory_space<vmem>>, vector<1x16xf32>,
        %swap3A_2805 = vector.shape_cast %swap3A_2804 : vector<1x16xf32> to vector<16xf32>
        %swap3A_2806 = vector.shape_cast %add3A_2750 : vector<16xf32> to vector<1x16xf32>
        tpu.vector_store %arg11[%swap3A_2802, %swap3A_2803], %swap3A_2806 {strides = array<i32>} : memref<64x32xf32, #tpu.memory_space<vmem>>, vector<1x16xf32>,
        %add3A_2807 = arith.constant 2 : i32
        %add3A_2808 = arith.addi %mul3A_1507, %add3A_2807 : i32
        %swap3A_2809 = arith.index_cast %add3A_2808 : i32 to index
        %swap3A_2810 = arith.constant 16 : index
        %swap3A_2811 = tpu.vector_load %arg11[%swap3A_2809, %swap3A_2810] {strides = array<i32>} : memref<64x32xf32, #tpu.memory_space<vmem>>, vector<1x16xf32>,
        %swap3A_2812 = vector.shape_cast %swap3A_2811 : vector<1x16xf32> to vector<16xf32>
        %swap3A_2813 = vector.shape_cast %add3A_2755 : vector<16xf32> to vector<1x16xf32>
        tpu.vector_store %arg11[%swap3A_2809, %swap3A_2810], %swap3A_2813 {strides = array<i32>} : memref<64x32xf32, #tpu.memory_space<vmem>>, vector<1x16xf32>,
        %add3A_2814 = arith.constant 3 : i32
        %add3A_2815 = arith.addi %mul3A_1507, %add3A_2814 : i32
        %swap3A_2816 = arith.index_cast %add3A_2815 : i32 to index
        %swap3A_2817 = arith.constant 0 : index
        %swap3A_2818 = tpu.vector_load %arg11[%swap3A_2816, %swap3A_2817] {strides = array<i32>} : memref<64x32xf32, #tpu.memory_space<vmem>>, vector<1x16xf32>,
        %swap3A_2819 = vector.shape_cast %swap3A_2818 : vector<1x16xf32> to vector<16xf32>
        %swap3A_2820 = vector.shape_cast %add3A_2766 : vector<16xf32> to vector<1x16xf32>
        tpu.vector_store %arg11[%swap3A_2816, %swap3A_2817], %swap3A_2820 {strides = array<i32>} : memref<64x32xf32, #tpu.memory_space<vmem>>, vector<1x16xf32>,
        %add3A_2821 = arith.constant 3 : i32
        %add3A_2822 = arith.addi %mul3A_1507, %add3A_2821 : i32
        %swap3A_2823 = arith.index_cast %add3A_2822 : i32 to index
        %swap3A_2824 = arith.constant 16 : index
        %swap3A_2825 = tpu.vector_load %arg11[%swap3A_2823, %swap3A_2824] {strides = array<i32>} : memref<64x32xf32, #tpu.memory_space<vmem>>, vector<1x16xf32>,
        %swap3A_2826 = vector.shape_cast %swap3A_2825 : vector<1x16xf32> to vector<16xf32>
        %swap3A_2827 = vector.shape_cast %add3A_2771 : vector<16xf32> to vector<1x16xf32>
        tpu.vector_store %arg11[%swap3A_2823, %swap3A_2824], %swap3A_2827 {strides = array<i32>} : memref<64x32xf32, #tpu.memory_space<vmem>>, vector<1x16xf32>,
      }
      %scan3A_1482 = arith.constant 16 : i32
      %mul3A_1483 = arith.constant 64 : i32
      %mul3A_1484 = arith.muli %mul3A_737, %mul3A_1483 : i32
      %add3A_1485 = arith.addi %mul3A_2, %mul3A_1484 : i32
      "tpu.region"() ({
        %run_scoped3A = tpu.sem_alloc : memref<!tpu.dma_semaphore, #tpu.memory_space<semaphore_mem>>
        %dma_start3A_1505 = arith.constant 0 : i32
        %dma_start3A_1506 = tpu.memref_slice %arg4[%add3A_1485, %dma_start3A_1505] : memref<106496x32xf32, #tpu.memory_space<hbm>> -> memref<64x32xf32, #tpu.memory_space<hbm>>
        %dma_start3A_1507 = arith.constant 0 : i32
        %dma_start3A_1508 = tpu.memref_slice %arg4[%add3A_1485, %dma_start3A_1507] : memref<106496x32xf32, #tpu.memory_space<hbm>> -> memref<64x32xf32, #tpu.memory_space<hbm>>
        tpu.enqueue_dma source(%arg11 : memref<64x32xf32, #tpu.memory_space<vmem>>) target(%dma_start3A_1508 : memref<64x32xf32, #tpu.memory_space<hbm>>) target_semaphore(%run_scoped3A : memref<!tpu.dma_semaphore, #tpu.memory_space<semaphore_mem>>)
        %dma_wait3A_1509 = arith.constant 0 : i32
        %dma_wait3A_1510 = tpu.memref_slice %arg4[%add3A_1485, %dma_wait3A_1509] : memref<106496x32xf32, #tpu.memory_space<hbm>> -> memref<64x32xf32, #tpu.memory_space<hbm>>
        %dma_wait3A_1511 = arith.constant 0 : i32
        %dma_wait3A_1512 = tpu.memref_slice %arg4[%add3A_1485, %dma_wait3A_1511] : memref<106496x32xf32, #tpu.memory_space<hbm>> -> memref<64x32xf32, #tpu.memory_space<hbm>>
        tpu.wait_dma2 semaphore(%run_scoped3A : memref<!tpu.dma_semaphore, #tpu.memory_space<semaphore_mem>>) src(%arg11 : memref<64x32xf32, #tpu.memory_space<vmem>>) dst(%dma_wait3A_1512 : memref<64x32xf32, #tpu.memory_space<hbm>>)
        tpu.yield
      }) : () -> ()
      %lt3A = arith.constant 25 : i32
      %lt3A_1486 = arith.cmpi slt, %scan3A_735, %lt3A : i32
      %convert_element_type3A = arith.extui %lt3A_1486 : i1 to i32
      %cond3A = arith.constant 0 : i32
      %cond3A_1487 = arith.cmpi ne, %convert_element_type3A, %cond3A : i32
      scf.if %cond3A_1487 {
        %add3A_1505 = arith.constant 2 : i32
        %add3A_1506 = arith.addi %mul3A_737, %add3A_1505 : i32
        %mul3A_1507 = arith.constant 64 : i32
        %mul3A_1508 = arith.muli %add3A_1506, %mul3A_1507 : i32
        %add3A_1509 = arith.addi %mul3A_2, %mul3A_1508 : i32
        %shift_right_arithmetic3A_1510 = arith.constant 12 : i32
        %shift_right_arithmetic3A_1511 = arith.shrsi %add3A_1509, %shift_right_arithmetic3A_1510 : i32
        %mul3A_1512 = arith.constant 100000 : i32
        %mul3A_1513 = arith.muli %shift_right_arithmetic3A_1511, %mul3A_1512 : i32
        %mul3A_1514 = arith.constant 20 : i32
        %mul3A_1515 = arith.muli %add3A_1509, %mul3A_1514 : i32
        "tpu.region"() ({
          %run_scoped3A = tpu.sem_alloc : memref<!tpu.dma_semaphore, #tpu.memory_space<semaphore_mem>>
          %dma_start3A_2239 = tpu.memref_slice %arg3[%mul3A_1515] : memref<2129920xi32, #tpu.memory_space<hbm>> -> memref<1280xi32, #tpu.memory_space<hbm>>
          %dma_start3A_2240 = tpu.memref_slice %arg3[%mul3A_1515] : memref<2129920xi32, #tpu.memory_space<hbm>> -> memref<1280xi32, #tpu.memory_space<hbm>>
          tpu.enqueue_dma source(%dma_start3A_2240 : memref<1280xi32, #tpu.memory_space<hbm>>) target(%arg5 : memref<1280xi32, #tpu.memory_space<vmem>>) target_semaphore(%run_scoped3A : memref<!tpu.dma_semaphore, #tpu.memory_space<semaphore_mem>>)
          %dma_wait3A_2241 = tpu.memref_slice %arg3[%mul3A_1515] : memref<2129920xi32, #tpu.memory_space<hbm>> -> memref<1280xi32, #tpu.memory_space<hbm>>
          %dma_wait3A_2242 = tpu.memref_slice %arg3[%mul3A_1515] : memref<2129920xi32, #tpu.memory_space<hbm>> -> memref<1280xi32, #tpu.memory_space<hbm>>
          tpu.wait_dma2 semaphore(%run_scoped3A : memref<!tpu.dma_semaphore, #tpu.memory_space<semaphore_mem>>) src(%dma_wait3A_2242 : memref<1280xi32, #tpu.memory_space<hbm>>) dst(%arg5 : memref<1280xi32, #tpu.memory_space<vmem>>)
          tpu.yield
        }) : () -> ()
        %get3A_1516 = arith.constant 0 : index
        %get3A_1517 = tpu.vector_load %arg5[%get3A_1516] {strides = array<i32>} : memref<1280xi32, #tpu.memory_space<vmem>>, vector<16xi32>,
        %get3A_1518 = vector.shape_cast %get3A_1517 : vector<16xi32> to vector<16xi32>
        %add3A_1519 = vector.broadcast %mul3A_1513 : i32 to vector<16xi32>
        %add3A_1520 = arith.addi %get3A_1518, %add3A_1519 : vector<16xi32>
        %swap3A_1521 = arith.constant 0 : index
        %swap3A_1522 = tpu.vector_load %arg7[%swap3A_1521] {strides = array<i32>} : memref<1280xi32, #tpu.memory_space<vmem>>, vector<16xi32>,
        %swap3A_1523 = vector.shape_cast %swap3A_1522 : vector<16xi32> to vector<16xi32>
        %swap3A_1524 = vector.shape_cast %add3A_1520 : vector<16xi32> to vector<16xi32>
        tpu.vector_store %arg7[%swap3A_1521], %swap3A_1524 {strides = array<i32>} : memref<1280xi32, #tpu.memory_space<vmem>>, vector<16xi32>,
        %get3A_1525 = arith.constant 16 : index
        %get3A_1526 = tpu.vector_load %arg5[%get3A_1525] {strides = array<i32>} : memref<1280xi32, #tpu.memory_space<vmem>>, vector<16xi32>,
        %get3A_1527 = vector.shape_cast %get3A_1526 : vector<16xi32> to vector<16xi32>
        %add3A_1528 = vector.broadcast %mul3A_1513 : i32 to vector<16xi32>
        %add3A_1529 = arith.addi %get3A_1527, %add3A_1528 : vector<16xi32>
        %swap3A_1530 = arith.constant 16 : index
        %swap3A_1531 = tpu.vector_load %arg7[%swap3A_1530] {strides = array<i32>} : memref<1280xi32, #tpu.memory_space<vmem>>, vector<16xi32>,
        %swap3A_1532 = vector.shape_cast %swap3A_1531 : vector<16xi32> to vector<16xi32>
        %swap3A_1533 = vector.shape_cast %add3A_1529 : vector<16xi32> to vector<16xi32>
        tpu.vector_store %arg7[%swap3A_1530], %swap3A_1533 {strides = array<i32>} : memref<1280xi32, #tpu.memory_space<vmem>>, vector<16xi32>,
        %get3A_1534 = arith.constant 32 : index
        %get3A_1535 = tpu.vector_load %arg5[%get3A_1534] {strides = array<i32>} : memref<1280xi32, #tpu.memory_space<vmem>>, vector<16xi32>,
        %get3A_1536 = vector.shape_cast %get3A_1535 : vector<16xi32> to vector<16xi32>
        %add3A_1537 = vector.broadcast %mul3A_1513 : i32 to vector<16xi32>
        %add3A_1538 = arith.addi %get3A_1536, %add3A_1537 : vector<16xi32>
        %swap3A_1539 = arith.constant 32 : index
        %swap3A_1540 = tpu.vector_load %arg7[%swap3A_1539] {strides = array<i32>} : memref<1280xi32, #tpu.memory_space<vmem>>, vector<16xi32>,
        %swap3A_1541 = vector.shape_cast %swap3A_1540 : vector<16xi32> to vector<16xi32>
        %swap3A_1542 = vector.shape_cast %add3A_1538 : vector<16xi32> to vector<16xi32>
        tpu.vector_store %arg7[%swap3A_1539], %swap3A_1542 {strides = array<i32>} : memref<1280xi32, #tpu.memory_space<vmem>>, vector<16xi32>,
        %get3A_1543 = arith.constant 48 : index
        %get3A_1544 = tpu.vector_load %arg5[%get3A_1543] {strides = array<i32>} : memref<1280xi32, #tpu.memory_space<vmem>>, vector<16xi32>,
        %get3A_1545 = vector.shape_cast %get3A_1544 : vector<16xi32> to vector<16xi32>
        %add3A_1546 = vector.broadcast %mul3A_1513 : i32 to vector<16xi32>
        %add3A_1547 = arith.addi %get3A_1545, %add3A_1546 : vector<16xi32>
        %swap3A_1548 = arith.constant 48 : index
        %swap3A_1549 = tpu.vector_load %arg7[%swap3A_1548] {strides = array<i32>} : memref<1280xi32, #tpu.memory_space<vmem>>, vector<16xi32>,
        %swap3A_1550 = vector.shape_cast %swap3A_1549 : vector<16xi32> to vector<16xi32>
        %swap3A_1551 = vector.shape_cast %add3A_1547 : vector<16xi32> to vector<16xi32>
        tpu.vector_store %arg7[%swap3A_1548], %swap3A_1551 {strides = array<i32>} : memref<1280xi32, #tpu.memory_space<vmem>>, vector<16xi32>,
        %get3A_1552 = arith.constant 64 : index
        %get3A_1553 = tpu.vector_load %arg5[%get3A_1552] {strides = array<i32>} : memref<1280xi32, #tpu.memory_space<vmem>>, vector<16xi32>,
        %get3A_1554 = vector.shape_cast %get3A_1553 : vector<16xi32> to vector<16xi32>
        %add3A_1555 = vector.broadcast %mul3A_1513 : i32 to vector<16xi32>
        %add3A_1556 = arith.addi %get3A_1554, %add3A_1555 : vector<16xi32>
        %swap3A_1557 = arith.constant 64 : index
        %swap3A_1558 = tpu.vector_load %arg7[%swap3A_1557] {strides = array<i32>} : memref<1280xi32, #tpu.memory_space<vmem>>, vector<16xi32>,
        %swap3A_1559 = vector.shape_cast %swap3A_1558 : vector<16xi32> to vector<16xi32>
        %swap3A_1560 = vector.shape_cast %add3A_1556 : vector<16xi32> to vector<16xi32>
        tpu.vector_store %arg7[%swap3A_1557], %swap3A_1560 {strides = array<i32>} : memref<1280xi32, #tpu.memory_space<vmem>>, vector<16xi32>,
        %get3A_1561 = arith.constant 80 : index
        %get3A_1562 = tpu.vector_load %arg5[%get3A_1561] {strides = array<i32>} : memref<1280xi32, #tpu.memory_space<vmem>>, vector<16xi32>,
        %get3A_1563 = vector.shape_cast %get3A_1562 : vector<16xi32> to vector<16xi32>
        %add3A_1564 = vector.broadcast %mul3A_1513 : i32 to vector<16xi32>
        %add3A_1565 = arith.addi %get3A_1563, %add3A_1564 : vector<16xi32>
        %swap3A_1566 = arith.constant 80 : index
        %swap3A_1567 = tpu.vector_load %arg7[%swap3A_1566] {strides = array<i32>} : memref<1280xi32, #tpu.memory_space<vmem>>, vector<16xi32>,
        %swap3A_1568 = vector.shape_cast %swap3A_1567 : vector<16xi32> to vector<16xi32>
        %swap3A_1569 = vector.shape_cast %add3A_1565 : vector<16xi32> to vector<16xi32>
        tpu.vector_store %arg7[%swap3A_1566], %swap3A_1569 {strides = array<i32>} : memref<1280xi32, #tpu.memory_space<vmem>>, vector<16xi32>,
        %get3A_1570 = arith.constant 96 : index
        %get3A_1571 = tpu.vector_load %arg5[%get3A_1570] {strides = array<i32>} : memref<1280xi32, #tpu.memory_space<vmem>>, vector<16xi32>,
        %get3A_1572 = vector.shape_cast %get3A_1571 : vector<16xi32> to vector<16xi32>
        %add3A_1573 = vector.broadcast %mul3A_1513 : i32 to vector<16xi32>
        %add3A_1574 = arith.addi %get3A_1572, %add3A_1573 : vector<16xi32>
        %swap3A_1575 = arith.constant 96 : index
        %swap3A_1576 = tpu.vector_load %arg7[%swap3A_1575] {strides = array<i32>} : memref<1280xi32, #tpu.memory_space<vmem>>, vector<16xi32>,
        %swap3A_1577 = vector.shape_cast %swap3A_1576 : vector<16xi32> to vector<16xi32>
        %swap3A_1578 = vector.shape_cast %add3A_1574 : vector<16xi32> to vector<16xi32>
        tpu.vector_store %arg7[%swap3A_1575], %swap3A_1578 {strides = array<i32>} : memref<1280xi32, #tpu.memory_space<vmem>>, vector<16xi32>,
        %get3A_1579 = arith.constant 112 : index
        %get3A_1580 = tpu.vector_load %arg5[%get3A_1579] {strides = array<i32>} : memref<1280xi32, #tpu.memory_space<vmem>>, vector<16xi32>,
        %get3A_1581 = vector.shape_cast %get3A_1580 : vector<16xi32> to vector<16xi32>
        %add3A_1582 = vector.broadcast %mul3A_1513 : i32 to vector<16xi32>
        %add3A_1583 = arith.addi %get3A_1581, %add3A_1582 : vector<16xi32>
        %swap3A_1584 = arith.constant 112 : index
        %swap3A_1585 = tpu.vector_load %arg7[%swap3A_1584] {strides = array<i32>} : memref<1280xi32, #tpu.memory_space<vmem>>, vector<16xi32>,
        %swap3A_1586 = vector.shape_cast %swap3A_1585 : vector<16xi32> to vector<16xi32>
        %swap3A_1587 = vector.shape_cast %add3A_1583 : vector<16xi32> to vector<16xi32>
        tpu.vector_store %arg7[%swap3A_1584], %swap3A_1587 {strides = array<i32>} : memref<1280xi32, #tpu.memory_space<vmem>>, vector<16xi32>,
        %get3A_1588 = arith.constant 128 : index
        %get3A_1589 = tpu.vector_load %arg5[%get3A_1588] {strides = array<i32>} : memref<1280xi32, #tpu.memory_space<vmem>>, vector<16xi32>,
        %get3A_1590 = vector.shape_cast %get3A_1589 : vector<16xi32> to vector<16xi32>
        %add3A_1591 = vector.broadcast %mul3A_1513 : i32 to vector<16xi32>
        %add3A_1592 = arith.addi %get3A_1590, %add3A_1591 : vector<16xi32>
        %swap3A_1593 = arith.constant 128 : index
        %swap3A_1594 = tpu.vector_load %arg7[%swap3A_1593] {strides = array<i32>} : memref<1280xi32, #tpu.memory_space<vmem>>, vector<16xi32>,
        %swap3A_1595 = vector.shape_cast %swap3A_1594 : vector<16xi32> to vector<16xi32>
        %swap3A_1596 = vector.shape_cast %add3A_1592 : vector<16xi32> to vector<16xi32>
        tpu.vector_store %arg7[%swap3A_1593], %swap3A_1596 {strides = array<i32>} : memref<1280xi32, #tpu.memory_space<vmem>>, vector<16xi32>,
        %get3A_1597 = arith.constant 144 : index
        %get3A_1598 = tpu.vector_load %arg5[%get3A_1597] {strides = array<i32>} : memref<1280xi32, #tpu.memory_space<vmem>>, vector<16xi32>,
        %get3A_1599 = vector.shape_cast %get3A_1598 : vector<16xi32> to vector<16xi32>
        %add3A_1600 = vector.broadcast %mul3A_1513 : i32 to vector<16xi32>
        %add3A_1601 = arith.addi %get3A_1599, %add3A_1600 : vector<16xi32>
        %swap3A_1602 = arith.constant 144 : index
        %swap3A_1603 = tpu.vector_load %arg7[%swap3A_1602] {strides = array<i32>} : memref<1280xi32, #tpu.memory_space<vmem>>, vector<16xi32>,
        %swap3A_1604 = vector.shape_cast %swap3A_1603 : vector<16xi32> to vector<16xi32>
        %swap3A_1605 = vector.shape_cast %add3A_1601 : vector<16xi32> to vector<16xi32>
        tpu.vector_store %arg7[%swap3A_1602], %swap3A_1605 {strides = array<i32>} : memref<1280xi32, #tpu.memory_space<vmem>>, vector<16xi32>,
        %get3A_1606 = arith.constant 160 : index
        %get3A_1607 = tpu.vector_load %arg5[%get3A_1606] {strides = array<i32>} : memref<1280xi32, #tpu.memory_space<vmem>>, vector<16xi32>,
        %get3A_1608 = vector.shape_cast %get3A_1607 : vector<16xi32> to vector<16xi32>
        %add3A_1609 = vector.broadcast %mul3A_1513 : i32 to vector<16xi32>
        %add3A_1610 = arith.addi %get3A_1608, %add3A_1609 : vector<16xi32>
        %swap3A_1611 = arith.constant 160 : index
        %swap3A_1612 = tpu.vector_load %arg7[%swap3A_1611] {strides = array<i32>} : memref<1280xi32, #tpu.memory_space<vmem>>, vector<16xi32>,
        %swap3A_1613 = vector.shape_cast %swap3A_1612 : vector<16xi32> to vector<16xi32>
        %swap3A_1614 = vector.shape_cast %add3A_1610 : vector<16xi32> to vector<16xi32>
        tpu.vector_store %arg7[%swap3A_1611], %swap3A_1614 {strides = array<i32>} : memref<1280xi32, #tpu.memory_space<vmem>>, vector<16xi32>,
        %get3A_1615 = arith.constant 176 : index
        %get3A_1616 = tpu.vector_load %arg5[%get3A_1615] {strides = array<i32>} : memref<1280xi32, #tpu.memory_space<vmem>>, vector<16xi32>,
        %get3A_1617 = vector.shape_cast %get3A_1616 : vector<16xi32> to vector<16xi32>
        %add3A_1618 = vector.broadcast %mul3A_1513 : i32 to vector<16xi32>
        %add3A_1619 = arith.addi %get3A_1617, %add3A_1618 : vector<16xi32>
        %swap3A_1620 = arith.constant 176 : index
        %swap3A_1621 = tpu.vector_load %arg7[%swap3A_1620] {strides = array<i32>} : memref<1280xi32, #tpu.memory_space<vmem>>, vector<16xi32>,
        %swap3A_1622 = vector.shape_cast %swap3A_1621 : vector<16xi32> to vector<16xi32>
        %swap3A_1623 = vector.shape_cast %add3A_1619 : vector<16xi32> to vector<16xi32>
        tpu.vector_store %arg7[%swap3A_1620], %swap3A_1623 {strides = array<i32>} : memref<1280xi32, #tpu.memory_space<vmem>>, vector<16xi32>,
        %get3A_1624 = arith.constant 192 : index
        %get3A_1625 = tpu.vector_load %arg5[%get3A_1624] {strides = array<i32>} : memref<1280xi32, #tpu.memory_space<vmem>>, vector<16xi32>,
        %get3A_1626 = vector.shape_cast %get3A_1625 : vector<16xi32> to vector<16xi32>
        %add3A_1627 = vector.broadcast %mul3A_1513 : i32 to vector<16xi32>
        %add3A_1628 = arith.addi %get3A_1626, %add3A_1627 : vector<16xi32>
        %swap3A_1629 = arith.constant 192 : index
        %swap3A_1630 = tpu.vector_load %arg7[%swap3A_1629] {strides = array<i32>} : memref<1280xi32, #tpu.memory_space<vmem>>, vector<16xi32>,
        %swap3A_1631 = vector.shape_cast %swap3A_1630 : vector<16xi32> to vector<16xi32>
        %swap3A_1632 = vector.shape_cast %add3A_1628 : vector<16xi32> to vector<16xi32>
        tpu.vector_store %arg7[%swap3A_1629], %swap3A_1632 {strides = array<i32>} : memref<1280xi32, #tpu.memory_space<vmem>>, vector<16xi32>,
        %get3A_1633 = arith.constant 208 : index
        %get3A_1634 = tpu.vector_load %arg5[%get3A_1633] {strides = array<i32>} : memref<1280xi32, #tpu.memory_space<vmem>>, vector<16xi32>,
        %get3A_1635 = vector.shape_cast %get3A_1634 : vector<16xi32> to vector<16xi32>
        %add3A_1636 = vector.broadcast %mul3A_1513 : i32 to vector<16xi32>
        %add3A_1637 = arith.addi %get3A_1635, %add3A_1636 : vector<16xi32>
        %swap3A_1638 = arith.constant 208 : index
        %swap3A_1639 = tpu.vector_load %arg7[%swap3A_1638] {strides = array<i32>} : memref<1280xi32, #tpu.memory_space<vmem>>, vector<16xi32>,
        %swap3A_1640 = vector.shape_cast %swap3A_1639 : vector<16xi32> to vector<16xi32>
        %swap3A_1641 = vector.shape_cast %add3A_1637 : vector<16xi32> to vector<16xi32>
        tpu.vector_store %arg7[%swap3A_1638], %swap3A_1641 {strides = array<i32>} : memref<1280xi32, #tpu.memory_space<vmem>>, vector<16xi32>,
        %get3A_1642 = arith.constant 224 : index
        %get3A_1643 = tpu.vector_load %arg5[%get3A_1642] {strides = array<i32>} : memref<1280xi32, #tpu.memory_space<vmem>>, vector<16xi32>,
        %get3A_1644 = vector.shape_cast %get3A_1643 : vector<16xi32> to vector<16xi32>
        %add3A_1645 = vector.broadcast %mul3A_1513 : i32 to vector<16xi32>
        %add3A_1646 = arith.addi %get3A_1644, %add3A_1645 : vector<16xi32>
        %swap3A_1647 = arith.constant 224 : index
        %swap3A_1648 = tpu.vector_load %arg7[%swap3A_1647] {strides = array<i32>} : memref<1280xi32, #tpu.memory_space<vmem>>, vector<16xi32>,
        %swap3A_1649 = vector.shape_cast %swap3A_1648 : vector<16xi32> to vector<16xi32>
        %swap3A_1650 = vector.shape_cast %add3A_1646 : vector<16xi32> to vector<16xi32>
        tpu.vector_store %arg7[%swap3A_1647], %swap3A_1650 {strides = array<i32>} : memref<1280xi32, #tpu.memory_space<vmem>>, vector<16xi32>,
        %get3A_1651 = arith.constant 240 : index
        %get3A_1652 = tpu.vector_load %arg5[%get3A_1651] {strides = array<i32>} : memref<1280xi32, #tpu.memory_space<vmem>>, vector<16xi32>,
        %get3A_1653 = vector.shape_cast %get3A_1652 : vector<16xi32> to vector<16xi32>
        %add3A_1654 = vector.broadcast %mul3A_1513 : i32 to vector<16xi32>
        %add3A_1655 = arith.addi %get3A_1653, %add3A_1654 : vector<16xi32>
        %swap3A_1656 = arith.constant 240 : index
        %swap3A_1657 = tpu.vector_load %arg7[%swap3A_1656] {strides = array<i32>} : memref<1280xi32, #tpu.memory_space<vmem>>, vector<16xi32>,
        %swap3A_1658 = vector.shape_cast %swap3A_1657 : vector<16xi32> to vector<16xi32>
        %swap3A_1659 = vector.shape_cast %add3A_1655 : vector<16xi32> to vector<16xi32>
        tpu.vector_store %arg7[%swap3A_1656], %swap3A_1659 {strides = array<i32>} : memref<1280xi32, #tpu.memory_space<vmem>>, vector<16xi32>,
        %get3A_1660 = arith.constant 256 : index
        %get3A_1661 = tpu.vector_load %arg5[%get3A_1660] {strides = array<i32>} : memref<1280xi32, #tpu.memory_space<vmem>>, vector<16xi32>,
        %get3A_1662 = vector.shape_cast %get3A_1661 : vector<16xi32> to vector<16xi32>
        %add3A_1663 = vector.broadcast %mul3A_1513 : i32 to vector<16xi32>
        %add3A_1664 = arith.addi %get3A_1662, %add3A_1663 : vector<16xi32>
        %swap3A_1665 = arith.constant 256 : index
        %swap3A_1666 = tpu.vector_load %arg7[%swap3A_1665] {strides = array<i32>} : memref<1280xi32, #tpu.memory_space<vmem>>, vector<16xi32>,
        %swap3A_1667 = vector.shape_cast %swap3A_1666 : vector<16xi32> to vector<16xi32>
        %swap3A_1668 = vector.shape_cast %add3A_1664 : vector<16xi32> to vector<16xi32>
        tpu.vector_store %arg7[%swap3A_1665], %swap3A_1668 {strides = array<i32>} : memref<1280xi32, #tpu.memory_space<vmem>>, vector<16xi32>,
        %get3A_1669 = arith.constant 272 : index
        %get3A_1670 = tpu.vector_load %arg5[%get3A_1669] {strides = array<i32>} : memref<1280xi32, #tpu.memory_space<vmem>>, vector<16xi32>,
        %get3A_1671 = vector.shape_cast %get3A_1670 : vector<16xi32> to vector<16xi32>
        %add3A_1672 = vector.broadcast %mul3A_1513 : i32 to vector<16xi32>
        %add3A_1673 = arith.addi %get3A_1671, %add3A_1672 : vector<16xi32>
        %swap3A_1674 = arith.constant 272 : index
        %swap3A_1675 = tpu.vector_load %arg7[%swap3A_1674] {strides = array<i32>} : memref<1280xi32, #tpu.memory_space<vmem>>, vector<16xi32>,
        %swap3A_1676 = vector.shape_cast %swap3A_1675 : vector<16xi32> to vector<16xi32>
        %swap3A_1677 = vector.shape_cast %add3A_1673 : vector<16xi32> to vector<16xi32>
        tpu.vector_store %arg7[%swap3A_1674], %swap3A_1677 {strides = array<i32>} : memref<1280xi32, #tpu.memory_space<vmem>>, vector<16xi32>,
        %get3A_1678 = arith.constant 288 : index
        %get3A_1679 = tpu.vector_load %arg5[%get3A_1678] {strides = array<i32>} : memref<1280xi32, #tpu.memory_space<vmem>>, vector<16xi32>,
        %get3A_1680 = vector.shape_cast %get3A_1679 : vector<16xi32> to vector<16xi32>
        %add3A_1681 = vector.broadcast %mul3A_1513 : i32 to vector<16xi32>
        %add3A_1682 = arith.addi %get3A_1680, %add3A_1681 : vector<16xi32>
        %swap3A_1683 = arith.constant 288 : index
        %swap3A_1684 = tpu.vector_load %arg7[%swap3A_1683] {strides = array<i32>} : memref<1280xi32, #tpu.memory_space<vmem>>, vector<16xi32>,
        %swap3A_1685 = vector.shape_cast %swap3A_1684 : vector<16xi32> to vector<16xi32>
        %swap3A_1686 = vector.shape_cast %add3A_1682 : vector<16xi32> to vector<16xi32>
        tpu.vector_store %arg7[%swap3A_1683], %swap3A_1686 {strides = array<i32>} : memref<1280xi32, #tpu.memory_space<vmem>>, vector<16xi32>,
        %get3A_1687 = arith.constant 304 : index
        %get3A_1688 = tpu.vector_load %arg5[%get3A_1687] {strides = array<i32>} : memref<1280xi32, #tpu.memory_space<vmem>>, vector<16xi32>,
        %get3A_1689 = vector.shape_cast %get3A_1688 : vector<16xi32> to vector<16xi32>
        %add3A_1690 = vector.broadcast %mul3A_1513 : i32 to vector<16xi32>
        %add3A_1691 = arith.addi %get3A_1689, %add3A_1690 : vector<16xi32>
        %swap3A_1692 = arith.constant 304 : index
        %swap3A_1693 = tpu.vector_load %arg7[%swap3A_1692] {strides = array<i32>} : memref<1280xi32, #tpu.memory_space<vmem>>, vector<16xi32>,
        %swap3A_1694 = vector.shape_cast %swap3A_1693 : vector<16xi32> to vector<16xi32>
        %swap3A_1695 = vector.shape_cast %add3A_1691 : vector<16xi32> to vector<16xi32>
        tpu.vector_store %arg7[%swap3A_1692], %swap3A_1695 {strides = array<i32>} : memref<1280xi32, #tpu.memory_space<vmem>>, vector<16xi32>,
        %get3A_1696 = arith.constant 320 : index
        %get3A_1697 = tpu.vector_load %arg5[%get3A_1696] {strides = array<i32>} : memref<1280xi32, #tpu.memory_space<vmem>>, vector<16xi32>,
        %get3A_1698 = vector.shape_cast %get3A_1697 : vector<16xi32> to vector<16xi32>
        %add3A_1699 = vector.broadcast %mul3A_1513 : i32 to vector<16xi32>
        %add3A_1700 = arith.addi %get3A_1698, %add3A_1699 : vector<16xi32>
        %swap3A_1701 = arith.constant 320 : index
        %swap3A_1702 = tpu.vector_load %arg7[%swap3A_1701] {strides = array<i32>} : memref<1280xi32, #tpu.memory_space<vmem>>, vector<16xi32>,
        %swap3A_1703 = vector.shape_cast %swap3A_1702 : vector<16xi32> to vector<16xi32>
        %swap3A_1704 = vector.shape_cast %add3A_1700 : vector<16xi32> to vector<16xi32>
        tpu.vector_store %arg7[%swap3A_1701], %swap3A_1704 {strides = array<i32>} : memref<1280xi32, #tpu.memory_space<vmem>>, vector<16xi32>,
        %get3A_1705 = arith.constant 336 : index
        %get3A_1706 = tpu.vector_load %arg5[%get3A_1705] {strides = array<i32>} : memref<1280xi32, #tpu.memory_space<vmem>>, vector<16xi32>,
        %get3A_1707 = vector.shape_cast %get3A_1706 : vector<16xi32> to vector<16xi32>
        %add3A_1708 = vector.broadcast %mul3A_1513 : i32 to vector<16xi32>
        %add3A_1709 = arith.addi %get3A_1707, %add3A_1708 : vector<16xi32>
        %swap3A_1710 = arith.constant 336 : index
        %swap3A_1711 = tpu.vector_load %arg7[%swap3A_1710] {strides = array<i32>} : memref<1280xi32, #tpu.memory_space<vmem>>, vector<16xi32>,
        %swap3A_1712 = vector.shape_cast %swap3A_1711 : vector<16xi32> to vector<16xi32>
        %swap3A_1713 = vector.shape_cast %add3A_1709 : vector<16xi32> to vector<16xi32>
        tpu.vector_store %arg7[%swap3A_1710], %swap3A_1713 {strides = array<i32>} : memref<1280xi32, #tpu.memory_space<vmem>>, vector<16xi32>,
        %get3A_1714 = arith.constant 352 : index
        %get3A_1715 = tpu.vector_load %arg5[%get3A_1714] {strides = array<i32>} : memref<1280xi32, #tpu.memory_space<vmem>>, vector<16xi32>,
        %get3A_1716 = vector.shape_cast %get3A_1715 : vector<16xi32> to vector<16xi32>
        %add3A_1717 = vector.broadcast %mul3A_1513 : i32 to vector<16xi32>
        %add3A_1718 = arith.addi %get3A_1716, %add3A_1717 : vector<16xi32>
        %swap3A_1719 = arith.constant 352 : index
        %swap3A_1720 = tpu.vector_load %arg7[%swap3A_1719] {strides = array<i32>} : memref<1280xi32, #tpu.memory_space<vmem>>, vector<16xi32>,
        %swap3A_1721 = vector.shape_cast %swap3A_1720 : vector<16xi32> to vector<16xi32>
        %swap3A_1722 = vector.shape_cast %add3A_1718 : vector<16xi32> to vector<16xi32>
        tpu.vector_store %arg7[%swap3A_1719], %swap3A_1722 {strides = array<i32>} : memref<1280xi32, #tpu.memory_space<vmem>>, vector<16xi32>,
        %get3A_1723 = arith.constant 368 : index
        %get3A_1724 = tpu.vector_load %arg5[%get3A_1723] {strides = array<i32>} : memref<1280xi32, #tpu.memory_space<vmem>>, vector<16xi32>,
        %get3A_1725 = vector.shape_cast %get3A_1724 : vector<16xi32> to vector<16xi32>
        %add3A_1726 = vector.broadcast %mul3A_1513 : i32 to vector<16xi32>
        %add3A_1727 = arith.addi %get3A_1725, %add3A_1726 : vector<16xi32>
        %swap3A_1728 = arith.constant 368 : index
        %swap3A_1729 = tpu.vector_load %arg7[%swap3A_1728] {strides = array<i32>} : memref<1280xi32, #tpu.memory_space<vmem>>, vector<16xi32>,
        %swap3A_1730 = vector.shape_cast %swap3A_1729 : vector<16xi32> to vector<16xi32>
        %swap3A_1731 = vector.shape_cast %add3A_1727 : vector<16xi32> to vector<16xi32>
        tpu.vector_store %arg7[%swap3A_1728], %swap3A_1731 {strides = array<i32>} : memref<1280xi32, #tpu.memory_space<vmem>>, vector<16xi32>,
        %get3A_1732 = arith.constant 384 : index
        %get3A_1733 = tpu.vector_load %arg5[%get3A_1732] {strides = array<i32>} : memref<1280xi32, #tpu.memory_space<vmem>>, vector<16xi32>,
        %get3A_1734 = vector.shape_cast %get3A_1733 : vector<16xi32> to vector<16xi32>
        %add3A_1735 = vector.broadcast %mul3A_1513 : i32 to vector<16xi32>
        %add3A_1736 = arith.addi %get3A_1734, %add3A_1735 : vector<16xi32>
        %swap3A_1737 = arith.constant 384 : index
        %swap3A_1738 = tpu.vector_load %arg7[%swap3A_1737] {strides = array<i32>} : memref<1280xi32, #tpu.memory_space<vmem>>, vector<16xi32>,
        %swap3A_1739 = vector.shape_cast %swap3A_1738 : vector<16xi32> to vector<16xi32>
        %swap3A_1740 = vector.shape_cast %add3A_1736 : vector<16xi32> to vector<16xi32>
        tpu.vector_store %arg7[%swap3A_1737], %swap3A_1740 {strides = array<i32>} : memref<1280xi32, #tpu.memory_space<vmem>>, vector<16xi32>,
        %get3A_1741 = arith.constant 400 : index
        %get3A_1742 = tpu.vector_load %arg5[%get3A_1741] {strides = array<i32>} : memref<1280xi32, #tpu.memory_space<vmem>>, vector<16xi32>,
        %get3A_1743 = vector.shape_cast %get3A_1742 : vector<16xi32> to vector<16xi32>
        %add3A_1744 = vector.broadcast %mul3A_1513 : i32 to vector<16xi32>
        %add3A_1745 = arith.addi %get3A_1743, %add3A_1744 : vector<16xi32>
        %swap3A_1746 = arith.constant 400 : index
        %swap3A_1747 = tpu.vector_load %arg7[%swap3A_1746] {strides = array<i32>} : memref<1280xi32, #tpu.memory_space<vmem>>, vector<16xi32>,
        %swap3A_1748 = vector.shape_cast %swap3A_1747 : vector<16xi32> to vector<16xi32>
        %swap3A_1749 = vector.shape_cast %add3A_1745 : vector<16xi32> to vector<16xi32>
        tpu.vector_store %arg7[%swap3A_1746], %swap3A_1749 {strides = array<i32>} : memref<1280xi32, #tpu.memory_space<vmem>>, vector<16xi32>,
        %get3A_1750 = arith.constant 416 : index
        %get3A_1751 = tpu.vector_load %arg5[%get3A_1750] {strides = array<i32>} : memref<1280xi32, #tpu.memory_space<vmem>>, vector<16xi32>,
        %get3A_1752 = vector.shape_cast %get3A_1751 : vector<16xi32> to vector<16xi32>
        %add3A_1753 = vector.broadcast %mul3A_1513 : i32 to vector<16xi32>
        %add3A_1754 = arith.addi %get3A_1752, %add3A_1753 : vector<16xi32>
        %swap3A_1755 = arith.constant 416 : index
        %swap3A_1756 = tpu.vector_load %arg7[%swap3A_1755] {strides = array<i32>} : memref<1280xi32, #tpu.memory_space<vmem>>, vector<16xi32>,
        %swap3A_1757 = vector.shape_cast %swap3A_1756 : vector<16xi32> to vector<16xi32>
        %swap3A_1758 = vector.shape_cast %add3A_1754 : vector<16xi32> to vector<16xi32>
        tpu.vector_store %arg7[%swap3A_1755], %swap3A_1758 {strides = array<i32>} : memref<1280xi32, #tpu.memory_space<vmem>>, vector<16xi32>,
        %get3A_1759 = arith.constant 432 : index
        %get3A_1760 = tpu.vector_load %arg5[%get3A_1759] {strides = array<i32>} : memref<1280xi32, #tpu.memory_space<vmem>>, vector<16xi32>,
        %get3A_1761 = vector.shape_cast %get3A_1760 : vector<16xi32> to vector<16xi32>
        %add3A_1762 = vector.broadcast %mul3A_1513 : i32 to vector<16xi32>
        %add3A_1763 = arith.addi %get3A_1761, %add3A_1762 : vector<16xi32>
        %swap3A_1764 = arith.constant 432 : index
        %swap3A_1765 = tpu.vector_load %arg7[%swap3A_1764] {strides = array<i32>} : memref<1280xi32, #tpu.memory_space<vmem>>, vector<16xi32>,
        %swap3A_1766 = vector.shape_cast %swap3A_1765 : vector<16xi32> to vector<16xi32>
        %swap3A_1767 = vector.shape_cast %add3A_1763 : vector<16xi32> to vector<16xi32>
        tpu.vector_store %arg7[%swap3A_1764], %swap3A_1767 {strides = array<i32>} : memref<1280xi32, #tpu.memory_space<vmem>>, vector<16xi32>,
        %get3A_1768 = arith.constant 448 : index
        %get3A_1769 = tpu.vector_load %arg5[%get3A_1768] {strides = array<i32>} : memref<1280xi32, #tpu.memory_space<vmem>>, vector<16xi32>,
        %get3A_1770 = vector.shape_cast %get3A_1769 : vector<16xi32> to vector<16xi32>
        %add3A_1771 = vector.broadcast %mul3A_1513 : i32 to vector<16xi32>
        %add3A_1772 = arith.addi %get3A_1770, %add3A_1771 : vector<16xi32>
        %swap3A_1773 = arith.constant 448 : index
        %swap3A_1774 = tpu.vector_load %arg7[%swap3A_1773] {strides = array<i32>} : memref<1280xi32, #tpu.memory_space<vmem>>, vector<16xi32>,
        %swap3A_1775 = vector.shape_cast %swap3A_1774 : vector<16xi32> to vector<16xi32>
        %swap3A_1776 = vector.shape_cast %add3A_1772 : vector<16xi32> to vector<16xi32>
        tpu.vector_store %arg7[%swap3A_1773], %swap3A_1776 {strides = array<i32>} : memref<1280xi32, #tpu.memory_space<vmem>>, vector<16xi32>,
        %get3A_1777 = arith.constant 464 : index
        %get3A_1778 = tpu.vector_load %arg5[%get3A_1777] {strides = array<i32>} : memref<1280xi32, #tpu.memory_space<vmem>>, vector<16xi32>,
        %get3A_1779 = vector.shape_cast %get3A_1778 : vector<16xi32> to vector<16xi32>
        %add3A_1780 = vector.broadcast %mul3A_1513 : i32 to vector<16xi32>
        %add3A_1781 = arith.addi %get3A_1779, %add3A_1780 : vector<16xi32>
        %swap3A_1782 = arith.constant 464 : index
        %swap3A_1783 = tpu.vector_load %arg7[%swap3A_1782] {strides = array<i32>} : memref<1280xi32, #tpu.memory_space<vmem>>, vector<16xi32>,
        %swap3A_1784 = vector.shape_cast %swap3A_1783 : vector<16xi32> to vector<16xi32>
        %swap3A_1785 = vector.shape_cast %add3A_1781 : vector<16xi32> to vector<16xi32>
        tpu.vector_store %arg7[%swap3A_1782], %swap3A_1785 {strides = array<i32>} : memref<1280xi32, #tpu.memory_space<vmem>>, vector<16xi32>,
        %get3A_1786 = arith.constant 480 : index
        %get3A_1787 = tpu.vector_load %arg5[%get3A_1786] {strides = array<i32>} : memref<1280xi32, #tpu.memory_space<vmem>>, vector<16xi32>,
        %get3A_1788 = vector.shape_cast %get3A_1787 : vector<16xi32> to vector<16xi32>
        %add3A_1789 = vector.broadcast %mul3A_1513 : i32 to vector<16xi32>
        %add3A_1790 = arith.addi %get3A_1788, %add3A_1789 : vector<16xi32>
        %swap3A_1791 = arith.constant 480 : index
        %swap3A_1792 = tpu.vector_load %arg7[%swap3A_1791] {strides = array<i32>} : memref<1280xi32, #tpu.memory_space<vmem>>, vector<16xi32>,
        %swap3A_1793 = vector.shape_cast %swap3A_1792 : vector<16xi32> to vector<16xi32>
        %swap3A_1794 = vector.shape_cast %add3A_1790 : vector<16xi32> to vector<16xi32>
        tpu.vector_store %arg7[%swap3A_1791], %swap3A_1794 {strides = array<i32>} : memref<1280xi32, #tpu.memory_space<vmem>>, vector<16xi32>,
        %get3A_1795 = arith.constant 496 : index
        %get3A_1796 = tpu.vector_load %arg5[%get3A_1795] {strides = array<i32>} : memref<1280xi32, #tpu.memory_space<vmem>>, vector<16xi32>,
        %get3A_1797 = vector.shape_cast %get3A_1796 : vector<16xi32> to vector<16xi32>
        %add3A_1798 = vector.broadcast %mul3A_1513 : i32 to vector<16xi32>
        %add3A_1799 = arith.addi %get3A_1797, %add3A_1798 : vector<16xi32>
        %swap3A_1800 = arith.constant 496 : index
        %swap3A_1801 = tpu.vector_load %arg7[%swap3A_1800] {strides = array<i32>} : memref<1280xi32, #tpu.memory_space<vmem>>, vector<16xi32>,
        %swap3A_1802 = vector.shape_cast %swap3A_1801 : vector<16xi32> to vector<16xi32>
        %swap3A_1803 = vector.shape_cast %add3A_1799 : vector<16xi32> to vector<16xi32>
        tpu.vector_store %arg7[%swap3A_1800], %swap3A_1803 {strides = array<i32>} : memref<1280xi32, #tpu.memory_space<vmem>>, vector<16xi32>,
        %get3A_1804 = arith.constant 512 : index
        %get3A_1805 = tpu.vector_load %arg5[%get3A_1804] {strides = array<i32>} : memref<1280xi32, #tpu.memory_space<vmem>>, vector<16xi32>,
        %get3A_1806 = vector.shape_cast %get3A_1805 : vector<16xi32> to vector<16xi32>
        %add3A_1807 = vector.broadcast %mul3A_1513 : i32 to vector<16xi32>
        %add3A_1808 = arith.addi %get3A_1806, %add3A_1807 : vector<16xi32>
        %swap3A_1809 = arith.constant 512 : index
        %swap3A_1810 = tpu.vector_load %arg7[%swap3A_1809] {strides = array<i32>} : memref<1280xi32, #tpu.memory_space<vmem>>, vector<16xi32>,
        %swap3A_1811 = vector.shape_cast %swap3A_1810 : vector<16xi32> to vector<16xi32>
        %swap3A_1812 = vector.shape_cast %add3A_1808 : vector<16xi32> to vector<16xi32>
        tpu.vector_store %arg7[%swap3A_1809], %swap3A_1812 {strides = array<i32>} : memref<1280xi32, #tpu.memory_space<vmem>>, vector<16xi32>,
        %get3A_1813 = arith.constant 528 : index
        %get3A_1814 = tpu.vector_load %arg5[%get3A_1813] {strides = array<i32>} : memref<1280xi32, #tpu.memory_space<vmem>>, vector<16xi32>,
        %get3A_1815 = vector.shape_cast %get3A_1814 : vector<16xi32> to vector<16xi32>
        %add3A_1816 = vector.broadcast %mul3A_1513 : i32 to vector<16xi32>
        %add3A_1817 = arith.addi %get3A_1815, %add3A_1816 : vector<16xi32>
        %swap3A_1818 = arith.constant 528 : index
        %swap3A_1819 = tpu.vector_load %arg7[%swap3A_1818] {strides = array<i32>} : memref<1280xi32, #tpu.memory_space<vmem>>, vector<16xi32>,
        %swap3A_1820 = vector.shape_cast %swap3A_1819 : vector<16xi32> to vector<16xi32>
        %swap3A_1821 = vector.shape_cast %add3A_1817 : vector<16xi32> to vector<16xi32>
        tpu.vector_store %arg7[%swap3A_1818], %swap3A_1821 {strides = array<i32>} : memref<1280xi32, #tpu.memory_space<vmem>>, vector<16xi32>,
        %get3A_1822 = arith.constant 544 : index
        %get3A_1823 = tpu.vector_load %arg5[%get3A_1822] {strides = array<i32>} : memref<1280xi32, #tpu.memory_space<vmem>>, vector<16xi32>,
        %get3A_1824 = vector.shape_cast %get3A_1823 : vector<16xi32> to vector<16xi32>
        %add3A_1825 = vector.broadcast %mul3A_1513 : i32 to vector<16xi32>
        %add3A_1826 = arith.addi %get3A_1824, %add3A_1825 : vector<16xi32>
        %swap3A_1827 = arith.constant 544 : index
        %swap3A_1828 = tpu.vector_load %arg7[%swap3A_1827] {strides = array<i32>} : memref<1280xi32, #tpu.memory_space<vmem>>, vector<16xi32>,
        %swap3A_1829 = vector.shape_cast %swap3A_1828 : vector<16xi32> to vector<16xi32>
        %swap3A_1830 = vector.shape_cast %add3A_1826 : vector<16xi32> to vector<16xi32>
        tpu.vector_store %arg7[%swap3A_1827], %swap3A_1830 {strides = array<i32>} : memref<1280xi32, #tpu.memory_space<vmem>>, vector<16xi32>,
        %get3A_1831 = arith.constant 560 : index
        %get3A_1832 = tpu.vector_load %arg5[%get3A_1831] {strides = array<i32>} : memref<1280xi32, #tpu.memory_space<vmem>>, vector<16xi32>,
        %get3A_1833 = vector.shape_cast %get3A_1832 : vector<16xi32> to vector<16xi32>
        %add3A_1834 = vector.broadcast %mul3A_1513 : i32 to vector<16xi32>
        %add3A_1835 = arith.addi %get3A_1833, %add3A_1834 : vector<16xi32>
        %swap3A_1836 = arith.constant 560 : index
        %swap3A_1837 = tpu.vector_load %arg7[%swap3A_1836] {strides = array<i32>} : memref<1280xi32, #tpu.memory_space<vmem>>, vector<16xi32>,
        %swap3A_1838 = vector.shape_cast %swap3A_1837 : vector<16xi32> to vector<16xi32>
        %swap3A_1839 = vector.shape_cast %add3A_1835 : vector<16xi32> to vector<16xi32>
        tpu.vector_store %arg7[%swap3A_1836], %swap3A_1839 {strides = array<i32>} : memref<1280xi32, #tpu.memory_space<vmem>>, vector<16xi32>,
        %get3A_1840 = arith.constant 576 : index
        %get3A_1841 = tpu.vector_load %arg5[%get3A_1840] {strides = array<i32>} : memref<1280xi32, #tpu.memory_space<vmem>>, vector<16xi32>,
        %get3A_1842 = vector.shape_cast %get3A_1841 : vector<16xi32> to vector<16xi32>
        %add3A_1843 = vector.broadcast %mul3A_1513 : i32 to vector<16xi32>
        %add3A_1844 = arith.addi %get3A_1842, %add3A_1843 : vector<16xi32>
        %swap3A_1845 = arith.constant 576 : index
        %swap3A_1846 = tpu.vector_load %arg7[%swap3A_1845] {strides = array<i32>} : memref<1280xi32, #tpu.memory_space<vmem>>, vector<16xi32>,
        %swap3A_1847 = vector.shape_cast %swap3A_1846 : vector<16xi32> to vector<16xi32>
        %swap3A_1848 = vector.shape_cast %add3A_1844 : vector<16xi32> to vector<16xi32>
        tpu.vector_store %arg7[%swap3A_1845], %swap3A_1848 {strides = array<i32>} : memref<1280xi32, #tpu.memory_space<vmem>>, vector<16xi32>,
        %get3A_1849 = arith.constant 592 : index
        %get3A_1850 = tpu.vector_load %arg5[%get3A_1849] {strides = array<i32>} : memref<1280xi32, #tpu.memory_space<vmem>>, vector<16xi32>,
        %get3A_1851 = vector.shape_cast %get3A_1850 : vector<16xi32> to vector<16xi32>
        %add3A_1852 = vector.broadcast %mul3A_1513 : i32 to vector<16xi32>
        %add3A_1853 = arith.addi %get3A_1851, %add3A_1852 : vector<16xi32>
        %swap3A_1854 = arith.constant 592 : index
        %swap3A_1855 = tpu.vector_load %arg7[%swap3A_1854] {strides = array<i32>} : memref<1280xi32, #tpu.memory_space<vmem>>, vector<16xi32>,
        %swap3A_1856 = vector.shape_cast %swap3A_1855 : vector<16xi32> to vector<16xi32>
        %swap3A_1857 = vector.shape_cast %add3A_1853 : vector<16xi32> to vector<16xi32>
        tpu.vector_store %arg7[%swap3A_1854], %swap3A_1857 {strides = array<i32>} : memref<1280xi32, #tpu.memory_space<vmem>>, vector<16xi32>,
        %get3A_1858 = arith.constant 608 : index
        %get3A_1859 = tpu.vector_load %arg5[%get3A_1858] {strides = array<i32>} : memref<1280xi32, #tpu.memory_space<vmem>>, vector<16xi32>,
        %get3A_1860 = vector.shape_cast %get3A_1859 : vector<16xi32> to vector<16xi32>
        %add3A_1861 = vector.broadcast %mul3A_1513 : i32 to vector<16xi32>
        %add3A_1862 = arith.addi %get3A_1860, %add3A_1861 : vector<16xi32>
        %swap3A_1863 = arith.constant 608 : index
        %swap3A_1864 = tpu.vector_load %arg7[%swap3A_1863] {strides = array<i32>} : memref<1280xi32, #tpu.memory_space<vmem>>, vector<16xi32>,
        %swap3A_1865 = vector.shape_cast %swap3A_1864 : vector<16xi32> to vector<16xi32>
        %swap3A_1866 = vector.shape_cast %add3A_1862 : vector<16xi32> to vector<16xi32>
        tpu.vector_store %arg7[%swap3A_1863], %swap3A_1866 {strides = array<i32>} : memref<1280xi32, #tpu.memory_space<vmem>>, vector<16xi32>,
        %get3A_1867 = arith.constant 624 : index
        %get3A_1868 = tpu.vector_load %arg5[%get3A_1867] {strides = array<i32>} : memref<1280xi32, #tpu.memory_space<vmem>>, vector<16xi32>,
        %get3A_1869 = vector.shape_cast %get3A_1868 : vector<16xi32> to vector<16xi32>
        %add3A_1870 = vector.broadcast %mul3A_1513 : i32 to vector<16xi32>
        %add3A_1871 = arith.addi %get3A_1869, %add3A_1870 : vector<16xi32>
        %swap3A_1872 = arith.constant 624 : index
        %swap3A_1873 = tpu.vector_load %arg7[%swap3A_1872] {strides = array<i32>} : memref<1280xi32, #tpu.memory_space<vmem>>, vector<16xi32>,
        %swap3A_1874 = vector.shape_cast %swap3A_1873 : vector<16xi32> to vector<16xi32>
        %swap3A_1875 = vector.shape_cast %add3A_1871 : vector<16xi32> to vector<16xi32>
        tpu.vector_store %arg7[%swap3A_1872], %swap3A_1875 {strides = array<i32>} : memref<1280xi32, #tpu.memory_space<vmem>>, vector<16xi32>,
        %get3A_1876 = arith.constant 640 : index
        %get3A_1877 = tpu.vector_load %arg5[%get3A_1876] {strides = array<i32>} : memref<1280xi32, #tpu.memory_space<vmem>>, vector<16xi32>,
        %get3A_1878 = vector.shape_cast %get3A_1877 : vector<16xi32> to vector<16xi32>
        %add3A_1879 = vector.broadcast %mul3A_1513 : i32 to vector<16xi32>
        %add3A_1880 = arith.addi %get3A_1878, %add3A_1879 : vector<16xi32>
        %swap3A_1881 = arith.constant 640 : index
        %swap3A_1882 = tpu.vector_load %arg7[%swap3A_1881] {strides = array<i32>} : memref<1280xi32, #tpu.memory_space<vmem>>, vector<16xi32>,
        %swap3A_1883 = vector.shape_cast %swap3A_1882 : vector<16xi32> to vector<16xi32>
        %swap3A_1884 = vector.shape_cast %add3A_1880 : vector<16xi32> to vector<16xi32>
        tpu.vector_store %arg7[%swap3A_1881], %swap3A_1884 {strides = array<i32>} : memref<1280xi32, #tpu.memory_space<vmem>>, vector<16xi32>,
        %get3A_1885 = arith.constant 656 : index
        %get3A_1886 = tpu.vector_load %arg5[%get3A_1885] {strides = array<i32>} : memref<1280xi32, #tpu.memory_space<vmem>>, vector<16xi32>,
        %get3A_1887 = vector.shape_cast %get3A_1886 : vector<16xi32> to vector<16xi32>
        %add3A_1888 = vector.broadcast %mul3A_1513 : i32 to vector<16xi32>
        %add3A_1889 = arith.addi %get3A_1887, %add3A_1888 : vector<16xi32>
        %swap3A_1890 = arith.constant 656 : index
        %swap3A_1891 = tpu.vector_load %arg7[%swap3A_1890] {strides = array<i32>} : memref<1280xi32, #tpu.memory_space<vmem>>, vector<16xi32>,
        %swap3A_1892 = vector.shape_cast %swap3A_1891 : vector<16xi32> to vector<16xi32>
        %swap3A_1893 = vector.shape_cast %add3A_1889 : vector<16xi32> to vector<16xi32>
        tpu.vector_store %arg7[%swap3A_1890], %swap3A_1893 {strides = array<i32>} : memref<1280xi32, #tpu.memory_space<vmem>>, vector<16xi32>,
        %get3A_1894 = arith.constant 672 : index
        %get3A_1895 = tpu.vector_load %arg5[%get3A_1894] {strides = array<i32>} : memref<1280xi32, #tpu.memory_space<vmem>>, vector<16xi32>,
        %get3A_1896 = vector.shape_cast %get3A_1895 : vector<16xi32> to vector<16xi32>
        %add3A_1897 = vector.broadcast %mul3A_1513 : i32 to vector<16xi32>
        %add3A_1898 = arith.addi %get3A_1896, %add3A_1897 : vector<16xi32>
        %swap3A_1899 = arith.constant 672 : index
        %swap3A_1900 = tpu.vector_load %arg7[%swap3A_1899] {strides = array<i32>} : memref<1280xi32, #tpu.memory_space<vmem>>, vector<16xi32>,
        %swap3A_1901 = vector.shape_cast %swap3A_1900 : vector<16xi32> to vector<16xi32>
        %swap3A_1902 = vector.shape_cast %add3A_1898 : vector<16xi32> to vector<16xi32>
        tpu.vector_store %arg7[%swap3A_1899], %swap3A_1902 {strides = array<i32>} : memref<1280xi32, #tpu.memory_space<vmem>>, vector<16xi32>,
        %get3A_1903 = arith.constant 688 : index
        %get3A_1904 = tpu.vector_load %arg5[%get3A_1903] {strides = array<i32>} : memref<1280xi32, #tpu.memory_space<vmem>>, vector<16xi32>,
        %get3A_1905 = vector.shape_cast %get3A_1904 : vector<16xi32> to vector<16xi32>
        %add3A_1906 = vector.broadcast %mul3A_1513 : i32 to vector<16xi32>
        %add3A_1907 = arith.addi %get3A_1905, %add3A_1906 : vector<16xi32>
        %swap3A_1908 = arith.constant 688 : index
        %swap3A_1909 = tpu.vector_load %arg7[%swap3A_1908] {strides = array<i32>} : memref<1280xi32, #tpu.memory_space<vmem>>, vector<16xi32>,
        %swap3A_1910 = vector.shape_cast %swap3A_1909 : vector<16xi32> to vector<16xi32>
        %swap3A_1911 = vector.shape_cast %add3A_1907 : vector<16xi32> to vector<16xi32>
        tpu.vector_store %arg7[%swap3A_1908], %swap3A_1911 {strides = array<i32>} : memref<1280xi32, #tpu.memory_space<vmem>>, vector<16xi32>,
        %get3A_1912 = arith.constant 704 : index
        %get3A_1913 = tpu.vector_load %arg5[%get3A_1912] {strides = array<i32>} : memref<1280xi32, #tpu.memory_space<vmem>>, vector<16xi32>,
        %get3A_1914 = vector.shape_cast %get3A_1913 : vector<16xi32> to vector<16xi32>
        %add3A_1915 = vector.broadcast %mul3A_1513 : i32 to vector<16xi32>
        %add3A_1916 = arith.addi %get3A_1914, %add3A_1915 : vector<16xi32>
        %swap3A_1917 = arith.constant 704 : index
        %swap3A_1918 = tpu.vector_load %arg7[%swap3A_1917] {strides = array<i32>} : memref<1280xi32, #tpu.memory_space<vmem>>, vector<16xi32>,
        %swap3A_1919 = vector.shape_cast %swap3A_1918 : vector<16xi32> to vector<16xi32>
        %swap3A_1920 = vector.shape_cast %add3A_1916 : vector<16xi32> to vector<16xi32>
        tpu.vector_store %arg7[%swap3A_1917], %swap3A_1920 {strides = array<i32>} : memref<1280xi32, #tpu.memory_space<vmem>>, vector<16xi32>,
        %get3A_1921 = arith.constant 720 : index
        %get3A_1922 = tpu.vector_load %arg5[%get3A_1921] {strides = array<i32>} : memref<1280xi32, #tpu.memory_space<vmem>>, vector<16xi32>,
        %get3A_1923 = vector.shape_cast %get3A_1922 : vector<16xi32> to vector<16xi32>
        %add3A_1924 = vector.broadcast %mul3A_1513 : i32 to vector<16xi32>
        %add3A_1925 = arith.addi %get3A_1923, %add3A_1924 : vector<16xi32>
        %swap3A_1926 = arith.constant 720 : index
        %swap3A_1927 = tpu.vector_load %arg7[%swap3A_1926] {strides = array<i32>} : memref<1280xi32, #tpu.memory_space<vmem>>, vector<16xi32>,
        %swap3A_1928 = vector.shape_cast %swap3A_1927 : vector<16xi32> to vector<16xi32>
        %swap3A_1929 = vector.shape_cast %add3A_1925 : vector<16xi32> to vector<16xi32>
        tpu.vector_store %arg7[%swap3A_1926], %swap3A_1929 {strides = array<i32>} : memref<1280xi32, #tpu.memory_space<vmem>>, vector<16xi32>,
        %get3A_1930 = arith.constant 736 : index
        %get3A_1931 = tpu.vector_load %arg5[%get3A_1930] {strides = array<i32>} : memref<1280xi32, #tpu.memory_space<vmem>>, vector<16xi32>,
        %get3A_1932 = vector.shape_cast %get3A_1931 : vector<16xi32> to vector<16xi32>
        %add3A_1933 = vector.broadcast %mul3A_1513 : i32 to vector<16xi32>
        %add3A_1934 = arith.addi %get3A_1932, %add3A_1933 : vector<16xi32>
        %swap3A_1935 = arith.constant 736 : index
        %swap3A_1936 = tpu.vector_load %arg7[%swap3A_1935] {strides = array<i32>} : memref<1280xi32, #tpu.memory_space<vmem>>, vector<16xi32>,
        %swap3A_1937 = vector.shape_cast %swap3A_1936 : vector<16xi32> to vector<16xi32>
        %swap3A_1938 = vector.shape_cast %add3A_1934 : vector<16xi32> to vector<16xi32>
        tpu.vector_store %arg7[%swap3A_1935], %swap3A_1938 {strides = array<i32>} : memref<1280xi32, #tpu.memory_space<vmem>>, vector<16xi32>,
        %get3A_1939 = arith.constant 752 : index
        %get3A_1940 = tpu.vector_load %arg5[%get3A_1939] {strides = array<i32>} : memref<1280xi32, #tpu.memory_space<vmem>>, vector<16xi32>,
        %get3A_1941 = vector.shape_cast %get3A_1940 : vector<16xi32> to vector<16xi32>
        %add3A_1942 = vector.broadcast %mul3A_1513 : i32 to vector<16xi32>
        %add3A_1943 = arith.addi %get3A_1941, %add3A_1942 : vector<16xi32>
        %swap3A_1944 = arith.constant 752 : index
        %swap3A_1945 = tpu.vector_load %arg7[%swap3A_1944] {strides = array<i32>} : memref<1280xi32, #tpu.memory_space<vmem>>, vector<16xi32>,
        %swap3A_1946 = vector.shape_cast %swap3A_1945 : vector<16xi32> to vector<16xi32>
        %swap3A_1947 = vector.shape_cast %add3A_1943 : vector<16xi32> to vector<16xi32>
        tpu.vector_store %arg7[%swap3A_1944], %swap3A_1947 {strides = array<i32>} : memref<1280xi32, #tpu.memory_space<vmem>>, vector<16xi32>,
        %get3A_1948 = arith.constant 768 : index
        %get3A_1949 = tpu.vector_load %arg5[%get3A_1948] {strides = array<i32>} : memref<1280xi32, #tpu.memory_space<vmem>>, vector<16xi32>,
        %get3A_1950 = vector.shape_cast %get3A_1949 : vector<16xi32> to vector<16xi32>
        %add3A_1951 = vector.broadcast %mul3A_1513 : i32 to vector<16xi32>
        %add3A_1952 = arith.addi %get3A_1950, %add3A_1951 : vector<16xi32>
        %swap3A_1953 = arith.constant 768 : index
        %swap3A_1954 = tpu.vector_load %arg7[%swap3A_1953] {strides = array<i32>} : memref<1280xi32, #tpu.memory_space<vmem>>, vector<16xi32>,
        %swap3A_1955 = vector.shape_cast %swap3A_1954 : vector<16xi32> to vector<16xi32>
        %swap3A_1956 = vector.shape_cast %add3A_1952 : vector<16xi32> to vector<16xi32>
        tpu.vector_store %arg7[%swap3A_1953], %swap3A_1956 {strides = array<i32>} : memref<1280xi32, #tpu.memory_space<vmem>>, vector<16xi32>,
        %get3A_1957 = arith.constant 784 : index
        %get3A_1958 = tpu.vector_load %arg5[%get3A_1957] {strides = array<i32>} : memref<1280xi32, #tpu.memory_space<vmem>>, vector<16xi32>,
        %get3A_1959 = vector.shape_cast %get3A_1958 : vector<16xi32> to vector<16xi32>
        %add3A_1960 = vector.broadcast %mul3A_1513 : i32 to vector<16xi32>
        %add3A_1961 = arith.addi %get3A_1959, %add3A_1960 : vector<16xi32>
        %swap3A_1962 = arith.constant 784 : index
        %swap3A_1963 = tpu.vector_load %arg7[%swap3A_1962] {strides = array<i32>} : memref<1280xi32, #tpu.memory_space<vmem>>, vector<16xi32>,
        %swap3A_1964 = vector.shape_cast %swap3A_1963 : vector<16xi32> to vector<16xi32>
        %swap3A_1965 = vector.shape_cast %add3A_1961 : vector<16xi32> to vector<16xi32>
        tpu.vector_store %arg7[%swap3A_1962], %swap3A_1965 {strides = array<i32>} : memref<1280xi32, #tpu.memory_space<vmem>>, vector<16xi32>,
        %get3A_1966 = arith.constant 800 : index
        %get3A_1967 = tpu.vector_load %arg5[%get3A_1966] {strides = array<i32>} : memref<1280xi32, #tpu.memory_space<vmem>>, vector<16xi32>,
        %get3A_1968 = vector.shape_cast %get3A_1967 : vector<16xi32> to vector<16xi32>
        %add3A_1969 = vector.broadcast %mul3A_1513 : i32 to vector<16xi32>
        %add3A_1970 = arith.addi %get3A_1968, %add3A_1969 : vector<16xi32>
        %swap3A_1971 = arith.constant 800 : index
        %swap3A_1972 = tpu.vector_load %arg7[%swap3A_1971] {strides = array<i32>} : memref<1280xi32, #tpu.memory_space<vmem>>, vector<16xi32>,
        %swap3A_1973 = vector.shape_cast %swap3A_1972 : vector<16xi32> to vector<16xi32>
        %swap3A_1974 = vector.shape_cast %add3A_1970 : vector<16xi32> to vector<16xi32>
        tpu.vector_store %arg7[%swap3A_1971], %swap3A_1974 {strides = array<i32>} : memref<1280xi32, #tpu.memory_space<vmem>>, vector<16xi32>,
        %get3A_1975 = arith.constant 816 : index
        %get3A_1976 = tpu.vector_load %arg5[%get3A_1975] {strides = array<i32>} : memref<1280xi32, #tpu.memory_space<vmem>>, vector<16xi32>,
        %get3A_1977 = vector.shape_cast %get3A_1976 : vector<16xi32> to vector<16xi32>
        %add3A_1978 = vector.broadcast %mul3A_1513 : i32 to vector<16xi32>
        %add3A_1979 = arith.addi %get3A_1977, %add3A_1978 : vector<16xi32>
        %swap3A_1980 = arith.constant 816 : index
        %swap3A_1981 = tpu.vector_load %arg7[%swap3A_1980] {strides = array<i32>} : memref<1280xi32, #tpu.memory_space<vmem>>, vector<16xi32>,
        %swap3A_1982 = vector.shape_cast %swap3A_1981 : vector<16xi32> to vector<16xi32>
        %swap3A_1983 = vector.shape_cast %add3A_1979 : vector<16xi32> to vector<16xi32>
        tpu.vector_store %arg7[%swap3A_1980], %swap3A_1983 {strides = array<i32>} : memref<1280xi32, #tpu.memory_space<vmem>>, vector<16xi32>,
        %get3A_1984 = arith.constant 832 : index
        %get3A_1985 = tpu.vector_load %arg5[%get3A_1984] {strides = array<i32>} : memref<1280xi32, #tpu.memory_space<vmem>>, vector<16xi32>,
        %get3A_1986 = vector.shape_cast %get3A_1985 : vector<16xi32> to vector<16xi32>
        %add3A_1987 = vector.broadcast %mul3A_1513 : i32 to vector<16xi32>
        %add3A_1988 = arith.addi %get3A_1986, %add3A_1987 : vector<16xi32>
        %swap3A_1989 = arith.constant 832 : index
        %swap3A_1990 = tpu.vector_load %arg7[%swap3A_1989] {strides = array<i32>} : memref<1280xi32, #tpu.memory_space<vmem>>, vector<16xi32>,
        %swap3A_1991 = vector.shape_cast %swap3A_1990 : vector<16xi32> to vector<16xi32>
        %swap3A_1992 = vector.shape_cast %add3A_1988 : vector<16xi32> to vector<16xi32>
        tpu.vector_store %arg7[%swap3A_1989], %swap3A_1992 {strides = array<i32>} : memref<1280xi32, #tpu.memory_space<vmem>>, vector<16xi32>,
        %get3A_1993 = arith.constant 848 : index
        %get3A_1994 = tpu.vector_load %arg5[%get3A_1993] {strides = array<i32>} : memref<1280xi32, #tpu.memory_space<vmem>>, vector<16xi32>,
        %get3A_1995 = vector.shape_cast %get3A_1994 : vector<16xi32> to vector<16xi32>
        %add3A_1996 = vector.broadcast %mul3A_1513 : i32 to vector<16xi32>
        %add3A_1997 = arith.addi %get3A_1995, %add3A_1996 : vector<16xi32>
        %swap3A_1998 = arith.constant 848 : index
        %swap3A_1999 = tpu.vector_load %arg7[%swap3A_1998] {strides = array<i32>} : memref<1280xi32, #tpu.memory_space<vmem>>, vector<16xi32>,
        %swap3A_2000 = vector.shape_cast %swap3A_1999 : vector<16xi32> to vector<16xi32>
        %swap3A_2001 = vector.shape_cast %add3A_1997 : vector<16xi32> to vector<16xi32>
        tpu.vector_store %arg7[%swap3A_1998], %swap3A_2001 {strides = array<i32>} : memref<1280xi32, #tpu.memory_space<vmem>>, vector<16xi32>,
        %get3A_2002 = arith.constant 864 : index
        %get3A_2003 = tpu.vector_load %arg5[%get3A_2002] {strides = array<i32>} : memref<1280xi32, #tpu.memory_space<vmem>>, vector<16xi32>,
        %get3A_2004 = vector.shape_cast %get3A_2003 : vector<16xi32> to vector<16xi32>
        %add3A_2005 = vector.broadcast %mul3A_1513 : i32 to vector<16xi32>
        %add3A_2006 = arith.addi %get3A_2004, %add3A_2005 : vector<16xi32>
        %swap3A_2007 = arith.constant 864 : index
        %swap3A_2008 = tpu.vector_load %arg7[%swap3A_2007] {strides = array<i32>} : memref<1280xi32, #tpu.memory_space<vmem>>, vector<16xi32>,
        %swap3A_2009 = vector.shape_cast %swap3A_2008 : vector<16xi32> to vector<16xi32>
        %swap3A_2010 = vector.shape_cast %add3A_2006 : vector<16xi32> to vector<16xi32>
        tpu.vector_store %arg7[%swap3A_2007], %swap3A_2010 {strides = array<i32>} : memref<1280xi32, #tpu.memory_space<vmem>>, vector<16xi32>,
        %get3A_2011 = arith.constant 880 : index
        %get3A_2012 = tpu.vector_load %arg5[%get3A_2011] {strides = array<i32>} : memref<1280xi32, #tpu.memory_space<vmem>>, vector<16xi32>,
        %get3A_2013 = vector.shape_cast %get3A_2012 : vector<16xi32> to vector<16xi32>
        %add3A_2014 = vector.broadcast %mul3A_1513 : i32 to vector<16xi32>
        %add3A_2015 = arith.addi %get3A_2013, %add3A_2014 : vector<16xi32>
        %swap3A_2016 = arith.constant 880 : index
        %swap3A_2017 = tpu.vector_load %arg7[%swap3A_2016] {strides = array<i32>} : memref<1280xi32, #tpu.memory_space<vmem>>, vector<16xi32>,
        %swap3A_2018 = vector.shape_cast %swap3A_2017 : vector<16xi32> to vector<16xi32>
        %swap3A_2019 = vector.shape_cast %add3A_2015 : vector<16xi32> to vector<16xi32>
        tpu.vector_store %arg7[%swap3A_2016], %swap3A_2019 {strides = array<i32>} : memref<1280xi32, #tpu.memory_space<vmem>>, vector<16xi32>,
        %get3A_2020 = arith.constant 896 : index
        %get3A_2021 = tpu.vector_load %arg5[%get3A_2020] {strides = array<i32>} : memref<1280xi32, #tpu.memory_space<vmem>>, vector<16xi32>,
        %get3A_2022 = vector.shape_cast %get3A_2021 : vector<16xi32> to vector<16xi32>
        %add3A_2023 = vector.broadcast %mul3A_1513 : i32 to vector<16xi32>
        %add3A_2024 = arith.addi %get3A_2022, %add3A_2023 : vector<16xi32>
        %swap3A_2025 = arith.constant 896 : index
        %swap3A_2026 = tpu.vector_load %arg7[%swap3A_2025] {strides = array<i32>} : memref<1280xi32, #tpu.memory_space<vmem>>, vector<16xi32>,
        %swap3A_2027 = vector.shape_cast %swap3A_2026 : vector<16xi32> to vector<16xi32>
        %swap3A_2028 = vector.shape_cast %add3A_2024 : vector<16xi32> to vector<16xi32>
        tpu.vector_store %arg7[%swap3A_2025], %swap3A_2028 {strides = array<i32>} : memref<1280xi32, #tpu.memory_space<vmem>>, vector<16xi32>,
        %get3A_2029 = arith.constant 912 : index
        %get3A_2030 = tpu.vector_load %arg5[%get3A_2029] {strides = array<i32>} : memref<1280xi32, #tpu.memory_space<vmem>>, vector<16xi32>,
        %get3A_2031 = vector.shape_cast %get3A_2030 : vector<16xi32> to vector<16xi32>
        %add3A_2032 = vector.broadcast %mul3A_1513 : i32 to vector<16xi32>
        %add3A_2033 = arith.addi %get3A_2031, %add3A_2032 : vector<16xi32>
        %swap3A_2034 = arith.constant 912 : index
        %swap3A_2035 = tpu.vector_load %arg7[%swap3A_2034] {strides = array<i32>} : memref<1280xi32, #tpu.memory_space<vmem>>, vector<16xi32>,
        %swap3A_2036 = vector.shape_cast %swap3A_2035 : vector<16xi32> to vector<16xi32>
        %swap3A_2037 = vector.shape_cast %add3A_2033 : vector<16xi32> to vector<16xi32>
        tpu.vector_store %arg7[%swap3A_2034], %swap3A_2037 {strides = array<i32>} : memref<1280xi32, #tpu.memory_space<vmem>>, vector<16xi32>,
        %get3A_2038 = arith.constant 928 : index
        %get3A_2039 = tpu.vector_load %arg5[%get3A_2038] {strides = array<i32>} : memref<1280xi32, #tpu.memory_space<vmem>>, vector<16xi32>,
        %get3A_2040 = vector.shape_cast %get3A_2039 : vector<16xi32> to vector<16xi32>
        %add3A_2041 = vector.broadcast %mul3A_1513 : i32 to vector<16xi32>
        %add3A_2042 = arith.addi %get3A_2040, %add3A_2041 : vector<16xi32>
        %swap3A_2043 = arith.constant 928 : index
        %swap3A_2044 = tpu.vector_load %arg7[%swap3A_2043] {strides = array<i32>} : memref<1280xi32, #tpu.memory_space<vmem>>, vector<16xi32>,
        %swap3A_2045 = vector.shape_cast %swap3A_2044 : vector<16xi32> to vector<16xi32>
        %swap3A_2046 = vector.shape_cast %add3A_2042 : vector<16xi32> to vector<16xi32>
        tpu.vector_store %arg7[%swap3A_2043], %swap3A_2046 {strides = array<i32>} : memref<1280xi32, #tpu.memory_space<vmem>>, vector<16xi32>,
        %get3A_2047 = arith.constant 944 : index
        %get3A_2048 = tpu.vector_load %arg5[%get3A_2047] {strides = array<i32>} : memref<1280xi32, #tpu.memory_space<vmem>>, vector<16xi32>,
        %get3A_2049 = vector.shape_cast %get3A_2048 : vector<16xi32> to vector<16xi32>
        %add3A_2050 = vector.broadcast %mul3A_1513 : i32 to vector<16xi32>
        %add3A_2051 = arith.addi %get3A_2049, %add3A_2050 : vector<16xi32>
        %swap3A_2052 = arith.constant 944 : index
        %swap3A_2053 = tpu.vector_load %arg7[%swap3A_2052] {strides = array<i32>} : memref<1280xi32, #tpu.memory_space<vmem>>, vector<16xi32>,
        %swap3A_2054 = vector.shape_cast %swap3A_2053 : vector<16xi32> to vector<16xi32>
        %swap3A_2055 = vector.shape_cast %add3A_2051 : vector<16xi32> to vector<16xi32>
        tpu.vector_store %arg7[%swap3A_2052], %swap3A_2055 {strides = array<i32>} : memref<1280xi32, #tpu.memory_space<vmem>>, vector<16xi32>,
        %get3A_2056 = arith.constant 960 : index
        %get3A_2057 = tpu.vector_load %arg5[%get3A_2056] {strides = array<i32>} : memref<1280xi32, #tpu.memory_space<vmem>>, vector<16xi32>,
        %get3A_2058 = vector.shape_cast %get3A_2057 : vector<16xi32> to vector<16xi32>
        %add3A_2059 = vector.broadcast %mul3A_1513 : i32 to vector<16xi32>
        %add3A_2060 = arith.addi %get3A_2058, %add3A_2059 : vector<16xi32>
        %swap3A_2061 = arith.constant 960 : index
        %swap3A_2062 = tpu.vector_load %arg7[%swap3A_2061] {strides = array<i32>} : memref<1280xi32, #tpu.memory_space<vmem>>, vector<16xi32>,
        %swap3A_2063 = vector.shape_cast %swap3A_2062 : vector<16xi32> to vector<16xi32>
        %swap3A_2064 = vector.shape_cast %add3A_2060 : vector<16xi32> to vector<16xi32>
        tpu.vector_store %arg7[%swap3A_2061], %swap3A_2064 {strides = array<i32>} : memref<1280xi32, #tpu.memory_space<vmem>>, vector<16xi32>,
        %get3A_2065 = arith.constant 976 : index
        %get3A_2066 = tpu.vector_load %arg5[%get3A_2065] {strides = array<i32>} : memref<1280xi32, #tpu.memory_space<vmem>>, vector<16xi32>,
        %get3A_2067 = vector.shape_cast %get3A_2066 : vector<16xi32> to vector<16xi32>
        %add3A_2068 = vector.broadcast %mul3A_1513 : i32 to vector<16xi32>
        %add3A_2069 = arith.addi %get3A_2067, %add3A_2068 : vector<16xi32>
        %swap3A_2070 = arith.constant 976 : index
        %swap3A_2071 = tpu.vector_load %arg7[%swap3A_2070] {strides = array<i32>} : memref<1280xi32, #tpu.memory_space<vmem>>, vector<16xi32>,
        %swap3A_2072 = vector.shape_cast %swap3A_2071 : vector<16xi32> to vector<16xi32>
        %swap3A_2073 = vector.shape_cast %add3A_2069 : vector<16xi32> to vector<16xi32>
        tpu.vector_store %arg7[%swap3A_2070], %swap3A_2073 {strides = array<i32>} : memref<1280xi32, #tpu.memory_space<vmem>>, vector<16xi32>,
        %get3A_2074 = arith.constant 992 : index
        %get3A_2075 = tpu.vector_load %arg5[%get3A_2074] {strides = array<i32>} : memref<1280xi32, #tpu.memory_space<vmem>>, vector<16xi32>,
        %get3A_2076 = vector.shape_cast %get3A_2075 : vector<16xi32> to vector<16xi32>
        %add3A_2077 = vector.broadcast %mul3A_1513 : i32 to vector<16xi32>
        %add3A_2078 = arith.addi %get3A_2076, %add3A_2077 : vector<16xi32>
        %swap3A_2079 = arith.constant 992 : index
        %swap3A_2080 = tpu.vector_load %arg7[%swap3A_2079] {strides = array<i32>} : memref<1280xi32, #tpu.memory_space<vmem>>, vector<16xi32>,
        %swap3A_2081 = vector.shape_cast %swap3A_2080 : vector<16xi32> to vector<16xi32>
        %swap3A_2082 = vector.shape_cast %add3A_2078 : vector<16xi32> to vector<16xi32>
        tpu.vector_store %arg7[%swap3A_2079], %swap3A_2082 {strides = array<i32>} : memref<1280xi32, #tpu.memory_space<vmem>>, vector<16xi32>,
        %get3A_2083 = arith.constant 1008 : index
        %get3A_2084 = tpu.vector_load %arg5[%get3A_2083] {strides = array<i32>} : memref<1280xi32, #tpu.memory_space<vmem>>, vector<16xi32>,
        %get3A_2085 = vector.shape_cast %get3A_2084 : vector<16xi32> to vector<16xi32>
        %add3A_2086 = vector.broadcast %mul3A_1513 : i32 to vector<16xi32>
        %add3A_2087 = arith.addi %get3A_2085, %add3A_2086 : vector<16xi32>
        %swap3A_2088 = arith.constant 1008 : index
        %swap3A_2089 = tpu.vector_load %arg7[%swap3A_2088] {strides = array<i32>} : memref<1280xi32, #tpu.memory_space<vmem>>, vector<16xi32>,
        %swap3A_2090 = vector.shape_cast %swap3A_2089 : vector<16xi32> to vector<16xi32>
        %swap3A_2091 = vector.shape_cast %add3A_2087 : vector<16xi32> to vector<16xi32>
        tpu.vector_store %arg7[%swap3A_2088], %swap3A_2091 {strides = array<i32>} : memref<1280xi32, #tpu.memory_space<vmem>>, vector<16xi32>,
        %get3A_2092 = arith.constant 1024 : index
        %get3A_2093 = tpu.vector_load %arg5[%get3A_2092] {strides = array<i32>} : memref<1280xi32, #tpu.memory_space<vmem>>, vector<16xi32>,
        %get3A_2094 = vector.shape_cast %get3A_2093 : vector<16xi32> to vector<16xi32>
        %add3A_2095 = vector.broadcast %mul3A_1513 : i32 to vector<16xi32>
        %add3A_2096 = arith.addi %get3A_2094, %add3A_2095 : vector<16xi32>
        %swap3A_2097 = arith.constant 1024 : index
        %swap3A_2098 = tpu.vector_load %arg7[%swap3A_2097] {strides = array<i32>} : memref<1280xi32, #tpu.memory_space<vmem>>, vector<16xi32>,
        %swap3A_2099 = vector.shape_cast %swap3A_2098 : vector<16xi32> to vector<16xi32>
        %swap3A_2100 = vector.shape_cast %add3A_2096 : vector<16xi32> to vector<16xi32>
        tpu.vector_store %arg7[%swap3A_2097], %swap3A_2100 {strides = array<i32>} : memref<1280xi32, #tpu.memory_space<vmem>>, vector<16xi32>,
        %get3A_2101 = arith.constant 1040 : index
        %get3A_2102 = tpu.vector_load %arg5[%get3A_2101] {strides = array<i32>} : memref<1280xi32, #tpu.memory_space<vmem>>, vector<16xi32>,
        %get3A_2103 = vector.shape_cast %get3A_2102 : vector<16xi32> to vector<16xi32>
        %add3A_2104 = vector.broadcast %mul3A_1513 : i32 to vector<16xi32>
        %add3A_2105 = arith.addi %get3A_2103, %add3A_2104 : vector<16xi32>
        %swap3A_2106 = arith.constant 1040 : index
        %swap3A_2107 = tpu.vector_load %arg7[%swap3A_2106] {strides = array<i32>} : memref<1280xi32, #tpu.memory_space<vmem>>, vector<16xi32>,
        %swap3A_2108 = vector.shape_cast %swap3A_2107 : vector<16xi32> to vector<16xi32>
        %swap3A_2109 = vector.shape_cast %add3A_2105 : vector<16xi32> to vector<16xi32>
        tpu.vector_store %arg7[%swap3A_2106], %swap3A_2109 {strides = array<i32>} : memref<1280xi32, #tpu.memory_space<vmem>>, vector<16xi32>,
        %get3A_2110 = arith.constant 1056 : index
        %get3A_2111 = tpu.vector_load %arg5[%get3A_2110] {strides = array<i32>} : memref<1280xi32, #tpu.memory_space<vmem>>, vector<16xi32>,
        %get3A_2112 = vector.shape_cast %get3A_2111 : vector<16xi32> to vector<16xi32>
        %add3A_2113 = vector.broadcast %mul3A_1513 : i32 to vector<16xi32>
        %add3A_2114 = arith.addi %get3A_2112, %add3A_2113 : vector<16xi32>
        %swap3A_2115 = arith.constant 1056 : index
        %swap3A_2116 = tpu.vector_load %arg7[%swap3A_2115] {strides = array<i32>} : memref<1280xi32, #tpu.memory_space<vmem>>, vector<16xi32>,
        %swap3A_2117 = vector.shape_cast %swap3A_2116 : vector<16xi32> to vector<16xi32>
        %swap3A_2118 = vector.shape_cast %add3A_2114 : vector<16xi32> to vector<16xi32>
        tpu.vector_store %arg7[%swap3A_2115], %swap3A_2118 {strides = array<i32>} : memref<1280xi32, #tpu.memory_space<vmem>>, vector<16xi32>,
        %get3A_2119 = arith.constant 1072 : index
        %get3A_2120 = tpu.vector_load %arg5[%get3A_2119] {strides = array<i32>} : memref<1280xi32, #tpu.memory_space<vmem>>, vector<16xi32>,
        %get3A_2121 = vector.shape_cast %get3A_2120 : vector<16xi32> to vector<16xi32>
        %add3A_2122 = vector.broadcast %mul3A_1513 : i32 to vector<16xi32>
        %add3A_2123 = arith.addi %get3A_2121, %add3A_2122 : vector<16xi32>
        %swap3A_2124 = arith.constant 1072 : index
        %swap3A_2125 = tpu.vector_load %arg7[%swap3A_2124] {strides = array<i32>} : memref<1280xi32, #tpu.memory_space<vmem>>, vector<16xi32>,
        %swap3A_2126 = vector.shape_cast %swap3A_2125 : vector<16xi32> to vector<16xi32>
        %swap3A_2127 = vector.shape_cast %add3A_2123 : vector<16xi32> to vector<16xi32>
        tpu.vector_store %arg7[%swap3A_2124], %swap3A_2127 {strides = array<i32>} : memref<1280xi32, #tpu.memory_space<vmem>>, vector<16xi32>,
        %get3A_2128 = arith.constant 1088 : index
        %get3A_2129 = tpu.vector_load %arg5[%get3A_2128] {strides = array<i32>} : memref<1280xi32, #tpu.memory_space<vmem>>, vector<16xi32>,
        %get3A_2130 = vector.shape_cast %get3A_2129 : vector<16xi32> to vector<16xi32>
        %add3A_2131 = vector.broadcast %mul3A_1513 : i32 to vector<16xi32>
        %add3A_2132 = arith.addi %get3A_2130, %add3A_2131 : vector<16xi32>
        %swap3A_2133 = arith.constant 1088 : index
        %swap3A_2134 = tpu.vector_load %arg7[%swap3A_2133] {strides = array<i32>} : memref<1280xi32, #tpu.memory_space<vmem>>, vector<16xi32>,
        %swap3A_2135 = vector.shape_cast %swap3A_2134 : vector<16xi32> to vector<16xi32>
        %swap3A_2136 = vector.shape_cast %add3A_2132 : vector<16xi32> to vector<16xi32>
        tpu.vector_store %arg7[%swap3A_2133], %swap3A_2136 {strides = array<i32>} : memref<1280xi32, #tpu.memory_space<vmem>>, vector<16xi32>,
        %get3A_2137 = arith.constant 1104 : index
        %get3A_2138 = tpu.vector_load %arg5[%get3A_2137] {strides = array<i32>} : memref<1280xi32, #tpu.memory_space<vmem>>, vector<16xi32>,
        %get3A_2139 = vector.shape_cast %get3A_2138 : vector<16xi32> to vector<16xi32>
        %add3A_2140 = vector.broadcast %mul3A_1513 : i32 to vector<16xi32>
        %add3A_2141 = arith.addi %get3A_2139, %add3A_2140 : vector<16xi32>
        %swap3A_2142 = arith.constant 1104 : index
        %swap3A_2143 = tpu.vector_load %arg7[%swap3A_2142] {strides = array<i32>} : memref<1280xi32, #tpu.memory_space<vmem>>, vector<16xi32>,
        %swap3A_2144 = vector.shape_cast %swap3A_2143 : vector<16xi32> to vector<16xi32>
        %swap3A_2145 = vector.shape_cast %add3A_2141 : vector<16xi32> to vector<16xi32>
        tpu.vector_store %arg7[%swap3A_2142], %swap3A_2145 {strides = array<i32>} : memref<1280xi32, #tpu.memory_space<vmem>>, vector<16xi32>,
        %get3A_2146 = arith.constant 1120 : index
        %get3A_2147 = tpu.vector_load %arg5[%get3A_2146] {strides = array<i32>} : memref<1280xi32, #tpu.memory_space<vmem>>, vector<16xi32>,
        %get3A_2148 = vector.shape_cast %get3A_2147 : vector<16xi32> to vector<16xi32>
        %add3A_2149 = vector.broadcast %mul3A_1513 : i32 to vector<16xi32>
        %add3A_2150 = arith.addi %get3A_2148, %add3A_2149 : vector<16xi32>
        %swap3A_2151 = arith.constant 1120 : index
        %swap3A_2152 = tpu.vector_load %arg7[%swap3A_2151] {strides = array<i32>} : memref<1280xi32, #tpu.memory_space<vmem>>, vector<16xi32>,
        %swap3A_2153 = vector.shape_cast %swap3A_2152 : vector<16xi32> to vector<16xi32>
        %swap3A_2154 = vector.shape_cast %add3A_2150 : vector<16xi32> to vector<16xi32>
        tpu.vector_store %arg7[%swap3A_2151], %swap3A_2154 {strides = array<i32>} : memref<1280xi32, #tpu.memory_space<vmem>>, vector<16xi32>,
        %get3A_2155 = arith.constant 1136 : index
        %get3A_2156 = tpu.vector_load %arg5[%get3A_2155] {strides = array<i32>} : memref<1280xi32, #tpu.memory_space<vmem>>, vector<16xi32>,
        %get3A_2157 = vector.shape_cast %get3A_2156 : vector<16xi32> to vector<16xi32>
        %add3A_2158 = vector.broadcast %mul3A_1513 : i32 to vector<16xi32>
        %add3A_2159 = arith.addi %get3A_2157, %add3A_2158 : vector<16xi32>
        %swap3A_2160 = arith.constant 1136 : index
        %swap3A_2161 = tpu.vector_load %arg7[%swap3A_2160] {strides = array<i32>} : memref<1280xi32, #tpu.memory_space<vmem>>, vector<16xi32>,
        %swap3A_2162 = vector.shape_cast %swap3A_2161 : vector<16xi32> to vector<16xi32>
        %swap3A_2163 = vector.shape_cast %add3A_2159 : vector<16xi32> to vector<16xi32>
        tpu.vector_store %arg7[%swap3A_2160], %swap3A_2163 {strides = array<i32>} : memref<1280xi32, #tpu.memory_space<vmem>>, vector<16xi32>,
        %get3A_2164 = arith.constant 1152 : index
        %get3A_2165 = tpu.vector_load %arg5[%get3A_2164] {strides = array<i32>} : memref<1280xi32, #tpu.memory_space<vmem>>, vector<16xi32>,
        %get3A_2166 = vector.shape_cast %get3A_2165 : vector<16xi32> to vector<16xi32>
        %add3A_2167 = vector.broadcast %mul3A_1513 : i32 to vector<16xi32>
        %add3A_2168 = arith.addi %get3A_2166, %add3A_2167 : vector<16xi32>
        %swap3A_2169 = arith.constant 1152 : index
        %swap3A_2170 = tpu.vector_load %arg7[%swap3A_2169] {strides = array<i32>} : memref<1280xi32, #tpu.memory_space<vmem>>, vector<16xi32>,
        %swap3A_2171 = vector.shape_cast %swap3A_2170 : vector<16xi32> to vector<16xi32>
        %swap3A_2172 = vector.shape_cast %add3A_2168 : vector<16xi32> to vector<16xi32>
        tpu.vector_store %arg7[%swap3A_2169], %swap3A_2172 {strides = array<i32>} : memref<1280xi32, #tpu.memory_space<vmem>>, vector<16xi32>,
        %get3A_2173 = arith.constant 1168 : index
        %get3A_2174 = tpu.vector_load %arg5[%get3A_2173] {strides = array<i32>} : memref<1280xi32, #tpu.memory_space<vmem>>, vector<16xi32>,
        %get3A_2175 = vector.shape_cast %get3A_2174 : vector<16xi32> to vector<16xi32>
        %add3A_2176 = vector.broadcast %mul3A_1513 : i32 to vector<16xi32>
        %add3A_2177 = arith.addi %get3A_2175, %add3A_2176 : vector<16xi32>
        %swap3A_2178 = arith.constant 1168 : index
        %swap3A_2179 = tpu.vector_load %arg7[%swap3A_2178] {strides = array<i32>} : memref<1280xi32, #tpu.memory_space<vmem>>, vector<16xi32>,
        %swap3A_2180 = vector.shape_cast %swap3A_2179 : vector<16xi32> to vector<16xi32>
        %swap3A_2181 = vector.shape_cast %add3A_2177 : vector<16xi32> to vector<16xi32>
        tpu.vector_store %arg7[%swap3A_2178], %swap3A_2181 {strides = array<i32>} : memref<1280xi32, #tpu.memory_space<vmem>>, vector<16xi32>,
        %get3A_2182 = arith.constant 1184 : index
        %get3A_2183 = tpu.vector_load %arg5[%get3A_2182] {strides = array<i32>} : memref<1280xi32, #tpu.memory_space<vmem>>, vector<16xi32>,
        %get3A_2184 = vector.shape_cast %get3A_2183 : vector<16xi32> to vector<16xi32>
        %add3A_2185 = vector.broadcast %mul3A_1513 : i32 to vector<16xi32>
        %add3A_2186 = arith.addi %get3A_2184, %add3A_2185 : vector<16xi32>
        %swap3A_2187 = arith.constant 1184 : index
        %swap3A_2188 = tpu.vector_load %arg7[%swap3A_2187] {strides = array<i32>} : memref<1280xi32, #tpu.memory_space<vmem>>, vector<16xi32>,
        %swap3A_2189 = vector.shape_cast %swap3A_2188 : vector<16xi32> to vector<16xi32>
        %swap3A_2190 = vector.shape_cast %add3A_2186 : vector<16xi32> to vector<16xi32>
        tpu.vector_store %arg7[%swap3A_2187], %swap3A_2190 {strides = array<i32>} : memref<1280xi32, #tpu.memory_space<vmem>>, vector<16xi32>,
        %get3A_2191 = arith.constant 1200 : index
        %get3A_2192 = tpu.vector_load %arg5[%get3A_2191] {strides = array<i32>} : memref<1280xi32, #tpu.memory_space<vmem>>, vector<16xi32>,
        %get3A_2193 = vector.shape_cast %get3A_2192 : vector<16xi32> to vector<16xi32>
        %add3A_2194 = vector.broadcast %mul3A_1513 : i32 to vector<16xi32>
        %add3A_2195 = arith.addi %get3A_2193, %add3A_2194 : vector<16xi32>
        %swap3A_2196 = arith.constant 1200 : index
        %swap3A_2197 = tpu.vector_load %arg7[%swap3A_2196] {strides = array<i32>} : memref<1280xi32, #tpu.memory_space<vmem>>, vector<16xi32>,
        %swap3A_2198 = vector.shape_cast %swap3A_2197 : vector<16xi32> to vector<16xi32>
        %swap3A_2199 = vector.shape_cast %add3A_2195 : vector<16xi32> to vector<16xi32>
        tpu.vector_store %arg7[%swap3A_2196], %swap3A_2199 {strides = array<i32>} : memref<1280xi32, #tpu.memory_space<vmem>>, vector<16xi32>,
        %get3A_2200 = arith.constant 1216 : index
        %get3A_2201 = tpu.vector_load %arg5[%get3A_2200] {strides = array<i32>} : memref<1280xi32, #tpu.memory_space<vmem>>, vector<16xi32>,
        %get3A_2202 = vector.shape_cast %get3A_2201 : vector<16xi32> to vector<16xi32>
        %add3A_2203 = vector.broadcast %mul3A_1513 : i32 to vector<16xi32>
        %add3A_2204 = arith.addi %get3A_2202, %add3A_2203 : vector<16xi32>
        %swap3A_2205 = arith.constant 1216 : index
        %swap3A_2206 = tpu.vector_load %arg7[%swap3A_2205] {strides = array<i32>} : memref<1280xi32, #tpu.memory_space<vmem>>, vector<16xi32>,
        %swap3A_2207 = vector.shape_cast %swap3A_2206 : vector<16xi32> to vector<16xi32>
        %swap3A_2208 = vector.shape_cast %add3A_2204 : vector<16xi32> to vector<16xi32>
        tpu.vector_store %arg7[%swap3A_2205], %swap3A_2208 {strides = array<i32>} : memref<1280xi32, #tpu.memory_space<vmem>>, vector<16xi32>,
        %get3A_2209 = arith.constant 1232 : index
        %get3A_2210 = tpu.vector_load %arg5[%get3A_2209] {strides = array<i32>} : memref<1280xi32, #tpu.memory_space<vmem>>, vector<16xi32>,
        %get3A_2211 = vector.shape_cast %get3A_2210 : vector<16xi32> to vector<16xi32>
        %add3A_2212 = vector.broadcast %mul3A_1513 : i32 to vector<16xi32>
        %add3A_2213 = arith.addi %get3A_2211, %add3A_2212 : vector<16xi32>
        %swap3A_2214 = arith.constant 1232 : index
        %swap3A_2215 = tpu.vector_load %arg7[%swap3A_2214] {strides = array<i32>} : memref<1280xi32, #tpu.memory_space<vmem>>, vector<16xi32>,
        %swap3A_2216 = vector.shape_cast %swap3A_2215 : vector<16xi32> to vector<16xi32>
        %swap3A_2217 = vector.shape_cast %add3A_2213 : vector<16xi32> to vector<16xi32>
        tpu.vector_store %arg7[%swap3A_2214], %swap3A_2217 {strides = array<i32>} : memref<1280xi32, #tpu.memory_space<vmem>>, vector<16xi32>,
        %get3A_2218 = arith.constant 1248 : index
        %get3A_2219 = tpu.vector_load %arg5[%get3A_2218] {strides = array<i32>} : memref<1280xi32, #tpu.memory_space<vmem>>, vector<16xi32>,
        %get3A_2220 = vector.shape_cast %get3A_2219 : vector<16xi32> to vector<16xi32>
        %add3A_2221 = vector.broadcast %mul3A_1513 : i32 to vector<16xi32>
        %add3A_2222 = arith.addi %get3A_2220, %add3A_2221 : vector<16xi32>
        %swap3A_2223 = arith.constant 1248 : index
        %swap3A_2224 = tpu.vector_load %arg7[%swap3A_2223] {strides = array<i32>} : memref<1280xi32, #tpu.memory_space<vmem>>, vector<16xi32>,
        %swap3A_2225 = vector.shape_cast %swap3A_2224 : vector<16xi32> to vector<16xi32>
        %swap3A_2226 = vector.shape_cast %add3A_2222 : vector<16xi32> to vector<16xi32>
        tpu.vector_store %arg7[%swap3A_2223], %swap3A_2226 {strides = array<i32>} : memref<1280xi32, #tpu.memory_space<vmem>>, vector<16xi32>,
        %get3A_2227 = arith.constant 1264 : index
        %get3A_2228 = tpu.vector_load %arg5[%get3A_2227] {strides = array<i32>} : memref<1280xi32, #tpu.memory_space<vmem>>, vector<16xi32>,
        %get3A_2229 = vector.shape_cast %get3A_2228 : vector<16xi32> to vector<16xi32>
        %add3A_2230 = vector.broadcast %mul3A_1513 : i32 to vector<16xi32>
        %add3A_2231 = arith.addi %get3A_2229, %add3A_2230 : vector<16xi32>
        %swap3A_2232 = arith.constant 1264 : index
        %swap3A_2233 = tpu.vector_load %arg7[%swap3A_2232] {strides = array<i32>} : memref<1280xi32, #tpu.memory_space<vmem>>, vector<16xi32>,
        %swap3A_2234 = vector.shape_cast %swap3A_2233 : vector<16xi32> to vector<16xi32>
        %swap3A_2235 = vector.shape_cast %add3A_2231 : vector<16xi32> to vector<16xi32>
        tpu.vector_store %arg7[%swap3A_2232], %swap3A_2235 {strides = array<i32>} : memref<1280xi32, #tpu.memory_space<vmem>>, vector<16xi32>,
        %dma_start3A_2236 = arith.constant 0 : i32
        %dma_start3A_2237 = arith.constant 0 : i32
        %dma_start3A_2238 = tpu.memref_slice %arg2[%dma_start3A_2236, %dma_start3A_2237] : memref<2600000x32xf32, #tpu.memory_space<hbm>> -> memref<2600000x32xf32, #tpu.memory_space<hbm>>
        tpu.enqueue_indirect_dma source(%dma_start3A_2238 : memref<2600000x32xf32, #tpu.memory_space<hbm>>) target(%arg9 : memref<1280x32xf32, #tpu.memory_space<vmem>>) offsets(%arg7 : memref<1280xi32, #tpu.memory_space<vmem>>) semaphore(%arg13 : memref<!tpu.dma_semaphore, #tpu.memory_space<semaphore_mem>>)
      } else {
      }
      %add3A_1488 = arith.constant 1 : i32
      %add3A_1489 = arith.addi %mul3A_737, %add3A_1488 : i32
      %dma_wait3A_1490 = arith.constant 0 : i32
      %dma_wait3A_1491 = arith.constant 0 : i32
      %dma_wait3A_1492 = tpu.memref_slice %arg2[%dma_wait3A_1490, %dma_wait3A_1491] : memref<2600000x32xf32, #tpu.memory_space<hbm>> -> memref<1280x32xf32, #tpu.memory_space<hbm>>
      %dma_wait3A_1493 = arith.constant 0 : i32
      %dma_wait3A_1494 = arith.constant 0 : i32
      %dma_wait3A_1495 = tpu.memref_slice %arg2[%dma_wait3A_1493, %dma_wait3A_1494] : memref<2600000x32xf32, #tpu.memory_space<hbm>> -> memref<1280x32xf32, #tpu.memory_space<hbm>>
      tpu.wait_dma2 semaphore(%arg14 : memref<!tpu.dma_semaphore, #tpu.memory_space<semaphore_mem>>) src(%dma_wait3A_1495 : memref<1280x32xf32, #tpu.memory_space<hbm>>) dst(%arg10 : memref<1280x32xf32, #tpu.memory_space<vmem>>)
      %scan3A_1496 = arith.constant 0 : i32
      %scan3A_1497 = arith.constant 0 : i32
      %scan3A_1498 = arith.constant 16 : i32
      %scan3A_1499 = arith.addi %scan3A_1497, %scan3A_1498 : i32
      %scan3A_1500 = arith.constant 1 : i32
      scf.for %scan3A_1505 = %scan3A_1497 to %scan3A_1499 step %scan3A_1500  : i32 {
        %mul3A_1506 = arith.constant 4 : i32
        %mul3A_1507 = arith.muli %scan3A_1505, %mul3A_1506 : i32
        %add3A_1508 = arith.constant 0 : i32
        %add3A_1509 = arith.addi %mul3A_1507, %add3A_1508 : i32
        %mul3A_1510 = arith.constant 20 : i32
        %mul3A_1511 = arith.muli %add3A_1509, %mul3A_1510 : i32
        %get3A_1512 = arith.index_cast %mul3A_1511 : i32 to index
        %get3A_1513 = arith.constant 0 : index
        %get3A_1514 = tpu.vector_load %arg10[%get3A_1512, %get3A_1513] {strides = array<i32>} : memref<1280x32xf32, #tpu.memory_space<vmem>>, vector<1x16xf32>,
        %get3A_1515 = vector.shape_cast %get3A_1514 : vector<1x16xf32> to vector<16xf32>
        %get3A_1516 = arith.index_cast %mul3A_1511 : i32 to index
        %get3A_1517 = arith.constant 16 : index
        %get3A_1518 = tpu.vector_load %arg10[%get3A_1516, %get3A_1517] {strides = array<i32>} : memref<1280x32xf32, #tpu.memory_space<vmem>>, vector<1x16xf32>,
        %get3A_1519 = vector.shape_cast %get3A_1518 : vector<1x16xf32> to vector<16xf32>
        %add3A_1520 = arith.constant 1 : i32
        %add3A_1521 = arith.addi %mul3A_1507, %add3A_1520 : i32
        %mul3A_1522 = arith.constant 20 : i32
        %mul3A_1523 = arith.muli %add3A_1521, %mul3A_1522 : i32
        %get3A_1524 = arith.index_cast %mul3A_1523 : i32 to index
        %get3A_1525 = arith.constant 0 : index
        %get3A_1526 = tpu.vector_load %arg10[%get3A_1524, %get3A_1525] {strides = array<i32>} : memref<1280x32xf32, #tpu.memory_space<vmem>>, vector<1x16xf32>,
        %get3A_1527 = vector.shape_cast %get3A_1526 : vector<1x16xf32> to vector<16xf32>
        %get3A_1528 = arith.index_cast %mul3A_1523 : i32 to index
        %get3A_1529 = arith.constant 16 : index
        %get3A_1530 = tpu.vector_load %arg10[%get3A_1528, %get3A_1529] {strides = array<i32>} : memref<1280x32xf32, #tpu.memory_space<vmem>>, vector<1x16xf32>,
        %get3A_1531 = vector.shape_cast %get3A_1530 : vector<1x16xf32> to vector<16xf32>
        %add3A_1532 = arith.constant 2 : i32
        %add3A_1533 = arith.addi %mul3A_1507, %add3A_1532 : i32
        %mul3A_1534 = arith.constant 20 : i32
        %mul3A_1535 = arith.muli %add3A_1533, %mul3A_1534 : i32
        %get3A_1536 = arith.index_cast %mul3A_1535 : i32 to index
        %get3A_1537 = arith.constant 0 : index
        %get3A_1538 = tpu.vector_load %arg10[%get3A_1536, %get3A_1537] {strides = array<i32>} : memref<1280x32xf32, #tpu.memory_space<vmem>>, vector<1x16xf32>,
        %get3A_1539 = vector.shape_cast %get3A_1538 : vector<1x16xf32> to vector<16xf32>
        %get3A_1540 = arith.index_cast %mul3A_1535 : i32 to index
        %get3A_1541 = arith.constant 16 : index
        %get3A_1542 = tpu.vector_load %arg10[%get3A_1540, %get3A_1541] {strides = array<i32>} : memref<1280x32xf32, #tpu.memory_space<vmem>>, vector<1x16xf32>,
        %get3A_1543 = vector.shape_cast %get3A_1542 : vector<1x16xf32> to vector<16xf32>
        %add3A_1544 = arith.constant 3 : i32
        %add3A_1545 = arith.addi %mul3A_1507, %add3A_1544 : i32
        %mul3A_1546 = arith.constant 20 : i32
        %mul3A_1547 = arith.muli %add3A_1545, %mul3A_1546 : i32
        %get3A_1548 = arith.index_cast %mul3A_1547 : i32 to index
        %get3A_1549 = arith.constant 0 : index
        %get3A_1550 = tpu.vector_load %arg10[%get3A_1548, %get3A_1549] {strides = array<i32>} : memref<1280x32xf32, #tpu.memory_space<vmem>>, vector<1x16xf32>,
        %get3A_1551 = vector.shape_cast %get3A_1550 : vector<1x16xf32> to vector<16xf32>
        %get3A_1552 = arith.index_cast %mul3A_1547 : i32 to index
        %get3A_1553 = arith.constant 16 : index
        %get3A_1554 = tpu.vector_load %arg10[%get3A_1552, %get3A_1553] {strides = array<i32>} : memref<1280x32xf32, #tpu.memory_space<vmem>>, vector<1x16xf32>,
        %get3A_1555 = vector.shape_cast %get3A_1554 : vector<1x16xf32> to vector<16xf32>
        %add3A_1556 = arith.constant 0 : i32
        %add3A_1557 = arith.addi %mul3A_1507, %add3A_1556 : i32
        %mul3A_1558 = arith.constant 20 : i32
        %mul3A_1559 = arith.muli %add3A_1557, %mul3A_1558 : i32
        %add3A_1560 = arith.constant 1 : i32
        %add3A_1561 = arith.addi %mul3A_1559, %add3A_1560 : i32
        %get3A_1562 = arith.index_cast %add3A_1561 : i32 to index
        %get3A_1563 = arith.constant 0 : index
        %get3A_1564 = tpu.vector_load %arg10[%get3A_1562, %get3A_1563] {strides = array<i32>} : memref<1280x32xf32, #tpu.memory_space<vmem>>, vector<1x16xf32>,
        %get3A_1565 = vector.shape_cast %get3A_1564 : vector<1x16xf32> to vector<16xf32>
        %add3A_1566 = arith.addf %get3A_1515, %get3A_1565 : vector<16xf32>
        %get3A_1567 = arith.index_cast %add3A_1561 : i32 to index
        %get3A_1568 = arith.constant 16 : index
        %get3A_1569 = tpu.vector_load %arg10[%get3A_1567, %get3A_1568] {strides = array<i32>} : memref<1280x32xf32, #tpu.memory_space<vmem>>, vector<1x16xf32>,
        %get3A_1570 = vector.shape_cast %get3A_1569 : vector<1x16xf32> to vector<16xf32>
        %add3A_1571 = arith.addf %get3A_1519, %get3A_1570 : vector<16xf32>
        %add3A_1572 = arith.constant 1 : i32
        %add3A_1573 = arith.addi %mul3A_1507, %add3A_1572 : i32
        %mul3A_1574 = arith.constant 20 : i32
        %mul3A_1575 = arith.muli %add3A_1573, %mul3A_1574 : i32
        %add3A_1576 = arith.constant 1 : i32
        %add3A_1577 = arith.addi %mul3A_1575, %add3A_1576 : i32
        %get3A_1578 = arith.index_cast %add3A_1577 : i32 to index
        %get3A_1579 = arith.constant 0 : index
        %get3A_1580 = tpu.vector_load %arg10[%get3A_1578, %get3A_1579] {strides = array<i32>} : memref<1280x32xf32, #tpu.memory_space<vmem>>, vector<1x16xf32>,
        %get3A_1581 = vector.shape_cast %get3A_1580 : vector<1x16xf32> to vector<16xf32>
        %add3A_1582 = arith.addf %get3A_1527, %get3A_1581 : vector<16xf32>
        %get3A_1583 = arith.index_cast %add3A_1577 : i32 to index
        %get3A_1584 = arith.constant 16 : index
        %get3A_1585 = tpu.vector_load %arg10[%get3A_1583, %get3A_1584] {strides = array<i32>} : memref<1280x32xf32, #tpu.memory_space<vmem>>, vector<1x16xf32>,
        %get3A_1586 = vector.shape_cast %get3A_1585 : vector<1x16xf32> to vector<16xf32>
        %add3A_1587 = arith.addf %get3A_1531, %get3A_1586 : vector<16xf32>
        %add3A_1588 = arith.constant 2 : i32
        %add3A_1589 = arith.addi %mul3A_1507, %add3A_1588 : i32
        %mul3A_1590 = arith.constant 20 : i32
        %mul3A_1591 = arith.muli %add3A_1589, %mul3A_1590 : i32
        %add3A_1592 = arith.constant 1 : i32
        %add3A_1593 = arith.addi %mul3A_1591, %add3A_1592 : i32
        %get3A_1594 = arith.index_cast %add3A_1593 : i32 to index
        %get3A_1595 = arith.constant 0 : index
        %get3A_1596 = tpu.vector_load %arg10[%get3A_1594, %get3A_1595] {strides = array<i32>} : memref<1280x32xf32, #tpu.memory_space<vmem>>, vector<1x16xf32>,
        %get3A_1597 = vector.shape_cast %get3A_1596 : vector<1x16xf32> to vector<16xf32>
        %add3A_1598 = arith.addf %get3A_1539, %get3A_1597 : vector<16xf32>
        %get3A_1599 = arith.index_cast %add3A_1593 : i32 to index
        %get3A_1600 = arith.constant 16 : index
        %get3A_1601 = tpu.vector_load %arg10[%get3A_1599, %get3A_1600] {strides = array<i32>} : memref<1280x32xf32, #tpu.memory_space<vmem>>, vector<1x16xf32>,
        %get3A_1602 = vector.shape_cast %get3A_1601 : vector<1x16xf32> to vector<16xf32>
        %add3A_1603 = arith.addf %get3A_1543, %get3A_1602 : vector<16xf32>
        %add3A_1604 = arith.constant 3 : i32
        %add3A_1605 = arith.addi %mul3A_1507, %add3A_1604 : i32
        %mul3A_1606 = arith.constant 20 : i32
        %mul3A_1607 = arith.muli %add3A_1605, %mul3A_1606 : i32
        %add3A_1608 = arith.constant 1 : i32
        %add3A_1609 = arith.addi %mul3A_1607, %add3A_1608 : i32
        %get3A_1610 = arith.index_cast %add3A_1609 : i32 to index
        %get3A_1611 = arith.constant 0 : index
        %get3A_1612 = tpu.vector_load %arg10[%get3A_1610, %get3A_1611] {strides = array<i32>} : memref<1280x32xf32, #tpu.memory_space<vmem>>, vector<1x16xf32>,
        %get3A_1613 = vector.shape_cast %get3A_1612 : vector<1x16xf32> to vector<16xf32>
        %add3A_1614 = arith.addf %get3A_1551, %get3A_1613 : vector<16xf32>
        %get3A_1615 = arith.index_cast %add3A_1609 : i32 to index
        %get3A_1616 = arith.constant 16 : index
        %get3A_1617 = tpu.vector_load %arg10[%get3A_1615, %get3A_1616] {strides = array<i32>} : memref<1280x32xf32, #tpu.memory_space<vmem>>, vector<1x16xf32>,
        %get3A_1618 = vector.shape_cast %get3A_1617 : vector<1x16xf32> to vector<16xf32>
        %add3A_1619 = arith.addf %get3A_1555, %get3A_1618 : vector<16xf32>
        %add3A_1620 = arith.constant 0 : i32
        %add3A_1621 = arith.addi %mul3A_1507, %add3A_1620 : i32
        %mul3A_1622 = arith.constant 20 : i32
        %mul3A_1623 = arith.muli %add3A_1621, %mul3A_1622 : i32
        %add3A_1624 = arith.constant 2 : i32
        %add3A_1625 = arith.addi %mul3A_1623, %add3A_1624 : i32
        %get3A_1626 = arith.index_cast %add3A_1625 : i32 to index
        %get3A_1627 = arith.constant 0 : index
        %get3A_1628 = tpu.vector_load %arg10[%get3A_1626, %get3A_1627] {strides = array<i32>} : memref<1280x32xf32, #tpu.memory_space<vmem>>, vector<1x16xf32>,
        %get3A_1629 = vector.shape_cast %get3A_1628 : vector<1x16xf32> to vector<16xf32>
        %add3A_1630 = arith.addf %add3A_1566, %get3A_1629 : vector<16xf32>
        %get3A_1631 = arith.index_cast %add3A_1625 : i32 to index
        %get3A_1632 = arith.constant 16 : index
        %get3A_1633 = tpu.vector_load %arg10[%get3A_1631, %get3A_1632] {strides = array<i32>} : memref<1280x32xf32, #tpu.memory_space<vmem>>, vector<1x16xf32>,
        %get3A_1634 = vector.shape_cast %get3A_1633 : vector<1x16xf32> to vector<16xf32>
        %add3A_1635 = arith.addf %add3A_1571, %get3A_1634 : vector<16xf32>
        %add3A_1636 = arith.constant 1 : i32
        %add3A_1637 = arith.addi %mul3A_1507, %add3A_1636 : i32
        %mul3A_1638 = arith.constant 20 : i32
        %mul3A_1639 = arith.muli %add3A_1637, %mul3A_1638 : i32
        %add3A_1640 = arith.constant 2 : i32
        %add3A_1641 = arith.addi %mul3A_1639, %add3A_1640 : i32
        %get3A_1642 = arith.index_cast %add3A_1641 : i32 to index
        %get3A_1643 = arith.constant 0 : index
        %get3A_1644 = tpu.vector_load %arg10[%get3A_1642, %get3A_1643] {strides = array<i32>} : memref<1280x32xf32, #tpu.memory_space<vmem>>, vector<1x16xf32>,
        %get3A_1645 = vector.shape_cast %get3A_1644 : vector<1x16xf32> to vector<16xf32>
        %add3A_1646 = arith.addf %add3A_1582, %get3A_1645 : vector<16xf32>
        %get3A_1647 = arith.index_cast %add3A_1641 : i32 to index
        %get3A_1648 = arith.constant 16 : index
        %get3A_1649 = tpu.vector_load %arg10[%get3A_1647, %get3A_1648] {strides = array<i32>} : memref<1280x32xf32, #tpu.memory_space<vmem>>, vector<1x16xf32>,
        %get3A_1650 = vector.shape_cast %get3A_1649 : vector<1x16xf32> to vector<16xf32>
        %add3A_1651 = arith.addf %add3A_1587, %get3A_1650 : vector<16xf32>
        %add3A_1652 = arith.constant 2 : i32
        %add3A_1653 = arith.addi %mul3A_1507, %add3A_1652 : i32
        %mul3A_1654 = arith.constant 20 : i32
        %mul3A_1655 = arith.muli %add3A_1653, %mul3A_1654 : i32
        %add3A_1656 = arith.constant 2 : i32
        %add3A_1657 = arith.addi %mul3A_1655, %add3A_1656 : i32
        %get3A_1658 = arith.index_cast %add3A_1657 : i32 to index
        %get3A_1659 = arith.constant 0 : index
        %get3A_1660 = tpu.vector_load %arg10[%get3A_1658, %get3A_1659] {strides = array<i32>} : memref<1280x32xf32, #tpu.memory_space<vmem>>, vector<1x16xf32>,
        %get3A_1661 = vector.shape_cast %get3A_1660 : vector<1x16xf32> to vector<16xf32>
        %add3A_1662 = arith.addf %add3A_1598, %get3A_1661 : vector<16xf32>
        %get3A_1663 = arith.index_cast %add3A_1657 : i32 to index
        %get3A_1664 = arith.constant 16 : index
        %get3A_1665 = tpu.vector_load %arg10[%get3A_1663, %get3A_1664] {strides = array<i32>} : memref<1280x32xf32, #tpu.memory_space<vmem>>, vector<1x16xf32>,
        %get3A_1666 = vector.shape_cast %get3A_1665 : vector<1x16xf32> to vector<16xf32>
        %add3A_1667 = arith.addf %add3A_1603, %get3A_1666 : vector<16xf32>
        %add3A_1668 = arith.constant 3 : i32
        %add3A_1669 = arith.addi %mul3A_1507, %add3A_1668 : i32
        %mul3A_1670 = arith.constant 20 : i32
        %mul3A_1671 = arith.muli %add3A_1669, %mul3A_1670 : i32
        %add3A_1672 = arith.constant 2 : i32
        %add3A_1673 = arith.addi %mul3A_1671, %add3A_1672 : i32
        %get3A_1674 = arith.index_cast %add3A_1673 : i32 to index
        %get3A_1675 = arith.constant 0 : index
        %get3A_1676 = tpu.vector_load %arg10[%get3A_1674, %get3A_1675] {strides = array<i32>} : memref<1280x32xf32, #tpu.memory_space<vmem>>, vector<1x16xf32>,
        %get3A_1677 = vector.shape_cast %get3A_1676 : vector<1x16xf32> to vector<16xf32>
        %add3A_1678 = arith.addf %add3A_1614, %get3A_1677 : vector<16xf32>
        %get3A_1679 = arith.index_cast %add3A_1673 : i32 to index
        %get3A_1680 = arith.constant 16 : index
        %get3A_1681 = tpu.vector_load %arg10[%get3A_1679, %get3A_1680] {strides = array<i32>} : memref<1280x32xf32, #tpu.memory_space<vmem>>, vector<1x16xf32>,
        %get3A_1682 = vector.shape_cast %get3A_1681 : vector<1x16xf32> to vector<16xf32>
        %add3A_1683 = arith.addf %add3A_1619, %get3A_1682 : vector<16xf32>
        %add3A_1684 = arith.constant 0 : i32
        %add3A_1685 = arith.addi %mul3A_1507, %add3A_1684 : i32
        %mul3A_1686 = arith.constant 20 : i32
        %mul3A_1687 = arith.muli %add3A_1685, %mul3A_1686 : i32
        %add3A_1688 = arith.constant 3 : i32
        %add3A_1689 = arith.addi %mul3A_1687, %add3A_1688 : i32
        %get3A_1690 = arith.index_cast %add3A_1689 : i32 to index
        %get3A_1691 = arith.constant 0 : index
        %get3A_1692 = tpu.vector_load %arg10[%get3A_1690, %get3A_1691] {strides = array<i32>} : memref<1280x32xf32, #tpu.memory_space<vmem>>, vector<1x16xf32>,
        %get3A_1693 = vector.shape_cast %get3A_1692 : vector<1x16xf32> to vector<16xf32>
        %add3A_1694 = arith.addf %add3A_1630, %get3A_1693 : vector<16xf32>
        %get3A_1695 = arith.index_cast %add3A_1689 : i32 to index
        %get3A_1696 = arith.constant 16 : index
        %get3A_1697 = tpu.vector_load %arg10[%get3A_1695, %get3A_1696] {strides = array<i32>} : memref<1280x32xf32, #tpu.memory_space<vmem>>, vector<1x16xf32>,
        %get3A_1698 = vector.shape_cast %get3A_1697 : vector<1x16xf32> to vector<16xf32>
        %add3A_1699 = arith.addf %add3A_1635, %get3A_1698 : vector<16xf32>
        %add3A_1700 = arith.constant 1 : i32
        %add3A_1701 = arith.addi %mul3A_1507, %add3A_1700 : i32
        %mul3A_1702 = arith.constant 20 : i32
        %mul3A_1703 = arith.muli %add3A_1701, %mul3A_1702 : i32
        %add3A_1704 = arith.constant 3 : i32
        %add3A_1705 = arith.addi %mul3A_1703, %add3A_1704 : i32
        %get3A_1706 = arith.index_cast %add3A_1705 : i32 to index
        %get3A_1707 = arith.constant 0 : index
        %get3A_1708 = tpu.vector_load %arg10[%get3A_1706, %get3A_1707] {strides = array<i32>} : memref<1280x32xf32, #tpu.memory_space<vmem>>, vector<1x16xf32>,
        %get3A_1709 = vector.shape_cast %get3A_1708 : vector<1x16xf32> to vector<16xf32>
        %add3A_1710 = arith.addf %add3A_1646, %get3A_1709 : vector<16xf32>
        %get3A_1711 = arith.index_cast %add3A_1705 : i32 to index
        %get3A_1712 = arith.constant 16 : index
        %get3A_1713 = tpu.vector_load %arg10[%get3A_1711, %get3A_1712] {strides = array<i32>} : memref<1280x32xf32, #tpu.memory_space<vmem>>, vector<1x16xf32>,
        %get3A_1714 = vector.shape_cast %get3A_1713 : vector<1x16xf32> to vector<16xf32>
        %add3A_1715 = arith.addf %add3A_1651, %get3A_1714 : vector<16xf32>
        %add3A_1716 = arith.constant 2 : i32
        %add3A_1717 = arith.addi %mul3A_1507, %add3A_1716 : i32
        %mul3A_1718 = arith.constant 20 : i32
        %mul3A_1719 = arith.muli %add3A_1717, %mul3A_1718 : i32
        %add3A_1720 = arith.constant 3 : i32
        %add3A_1721 = arith.addi %mul3A_1719, %add3A_1720 : i32
        %get3A_1722 = arith.index_cast %add3A_1721 : i32 to index
        %get3A_1723 = arith.constant 0 : index
        %get3A_1724 = tpu.vector_load %arg10[%get3A_1722, %get3A_1723] {strides = array<i32>} : memref<1280x32xf32, #tpu.memory_space<vmem>>, vector<1x16xf32>,
        %get3A_1725 = vector.shape_cast %get3A_1724 : vector<1x16xf32> to vector<16xf32>
        %add3A_1726 = arith.addf %add3A_1662, %get3A_1725 : vector<16xf32>
        %get3A_1727 = arith.index_cast %add3A_1721 : i32 to index
        %get3A_1728 = arith.constant 16 : index
        %get3A_1729 = tpu.vector_load %arg10[%get3A_1727, %get3A_1728] {strides = array<i32>} : memref<1280x32xf32, #tpu.memory_space<vmem>>, vector<1x16xf32>,
        %get3A_1730 = vector.shape_cast %get3A_1729 : vector<1x16xf32> to vector<16xf32>
        %add3A_1731 = arith.addf %add3A_1667, %get3A_1730 : vector<16xf32>
        %add3A_1732 = arith.constant 3 : i32
        %add3A_1733 = arith.addi %mul3A_1507, %add3A_1732 : i32
        %mul3A_1734 = arith.constant 20 : i32
        %mul3A_1735 = arith.muli %add3A_1733, %mul3A_1734 : i32
        %add3A_1736 = arith.constant 3 : i32
        %add3A_1737 = arith.addi %mul3A_1735, %add3A_1736 : i32
        %get3A_1738 = arith.index_cast %add3A_1737 : i32 to index
        %get3A_1739 = arith.constant 0 : index
        %get3A_1740 = tpu.vector_load %arg10[%get3A_1738, %get3A_1739] {strides = array<i32>} : memref<1280x32xf32, #tpu.memory_space<vmem>>, vector<1x16xf32>,
        %get3A_1741 = vector.shape_cast %get3A_1740 : vector<1x16xf32> to vector<16xf32>
        %add3A_1742 = arith.addf %add3A_1678, %get3A_1741 : vector<16xf32>
        %get3A_1743 = arith.index_cast %add3A_1737 : i32 to index
        %get3A_1744 = arith.constant 16 : index
        %get3A_1745 = tpu.vector_load %arg10[%get3A_1743, %get3A_1744] {strides = array<i32>} : memref<1280x32xf32, #tpu.memory_space<vmem>>, vector<1x16xf32>,
        %get3A_1746 = vector.shape_cast %get3A_1745 : vector<1x16xf32> to vector<16xf32>
        %add3A_1747 = arith.addf %add3A_1683, %get3A_1746 : vector<16xf32>
        %add3A_1748 = arith.constant 0 : i32
        %add3A_1749 = arith.addi %mul3A_1507, %add3A_1748 : i32
        %mul3A_1750 = arith.constant 20 : i32
        %mul3A_1751 = arith.muli %add3A_1749, %mul3A_1750 : i32
        %add3A_1752 = arith.constant 4 : i32
        %add3A_1753 = arith.addi %mul3A_1751, %add3A_1752 : i32
        %get3A_1754 = arith.index_cast %add3A_1753 : i32 to index
        %get3A_1755 = arith.constant 0 : index
        %get3A_1756 = tpu.vector_load %arg10[%get3A_1754, %get3A_1755] {strides = array<i32>} : memref<1280x32xf32, #tpu.memory_space<vmem>>, vector<1x16xf32>,
        %get3A_1757 = vector.shape_cast %get3A_1756 : vector<1x16xf32> to vector<16xf32>
        %add3A_1758 = arith.addf %add3A_1694, %get3A_1757 : vector<16xf32>
        %get3A_1759 = arith.index_cast %add3A_1753 : i32 to index
        %get3A_1760 = arith.constant 16 : index
        %get3A_1761 = tpu.vector_load %arg10[%get3A_1759, %get3A_1760] {strides = array<i32>} : memref<1280x32xf32, #tpu.memory_space<vmem>>, vector<1x16xf32>,
        %get3A_1762 = vector.shape_cast %get3A_1761 : vector<1x16xf32> to vector<16xf32>
        %add3A_1763 = arith.addf %add3A_1699, %get3A_1762 : vector<16xf32>
        %add3A_1764 = arith.constant 1 : i32
        %add3A_1765 = arith.addi %mul3A_1507, %add3A_1764 : i32
        %mul3A_1766 = arith.constant 20 : i32
        %mul3A_1767 = arith.muli %add3A_1765, %mul3A_1766 : i32
        %add3A_1768 = arith.constant 4 : i32
        %add3A_1769 = arith.addi %mul3A_1767, %add3A_1768 : i32
        %get3A_1770 = arith.index_cast %add3A_1769 : i32 to index
        %get3A_1771 = arith.constant 0 : index
        %get3A_1772 = tpu.vector_load %arg10[%get3A_1770, %get3A_1771] {strides = array<i32>} : memref<1280x32xf32, #tpu.memory_space<vmem>>, vector<1x16xf32>,
        %get3A_1773 = vector.shape_cast %get3A_1772 : vector<1x16xf32> to vector<16xf32>
        %add3A_1774 = arith.addf %add3A_1710, %get3A_1773 : vector<16xf32>
        %get3A_1775 = arith.index_cast %add3A_1769 : i32 to index
        %get3A_1776 = arith.constant 16 : index
        %get3A_1777 = tpu.vector_load %arg10[%get3A_1775, %get3A_1776] {strides = array<i32>} : memref<1280x32xf32, #tpu.memory_space<vmem>>, vector<1x16xf32>,
        %get3A_1778 = vector.shape_cast %get3A_1777 : vector<1x16xf32> to vector<16xf32>
        %add3A_1779 = arith.addf %add3A_1715, %get3A_1778 : vector<16xf32>
        %add3A_1780 = arith.constant 2 : i32
        %add3A_1781 = arith.addi %mul3A_1507, %add3A_1780 : i32
        %mul3A_1782 = arith.constant 20 : i32
        %mul3A_1783 = arith.muli %add3A_1781, %mul3A_1782 : i32
        %add3A_1784 = arith.constant 4 : i32
        %add3A_1785 = arith.addi %mul3A_1783, %add3A_1784 : i32
        %get3A_1786 = arith.index_cast %add3A_1785 : i32 to index
        %get3A_1787 = arith.constant 0 : index
        %get3A_1788 = tpu.vector_load %arg10[%get3A_1786, %get3A_1787] {strides = array<i32>} : memref<1280x32xf32, #tpu.memory_space<vmem>>, vector<1x16xf32>,
        %get3A_1789 = vector.shape_cast %get3A_1788 : vector<1x16xf32> to vector<16xf32>
        %add3A_1790 = arith.addf %add3A_1726, %get3A_1789 : vector<16xf32>
        %get3A_1791 = arith.index_cast %add3A_1785 : i32 to index
        %get3A_1792 = arith.constant 16 : index
        %get3A_1793 = tpu.vector_load %arg10[%get3A_1791, %get3A_1792] {strides = array<i32>} : memref<1280x32xf32, #tpu.memory_space<vmem>>, vector<1x16xf32>,
        %get3A_1794 = vector.shape_cast %get3A_1793 : vector<1x16xf32> to vector<16xf32>
        %add3A_1795 = arith.addf %add3A_1731, %get3A_1794 : vector<16xf32>
        %add3A_1796 = arith.constant 3 : i32
        %add3A_1797 = arith.addi %mul3A_1507, %add3A_1796 : i32
        %mul3A_1798 = arith.constant 20 : i32
        %mul3A_1799 = arith.muli %add3A_1797, %mul3A_1798 : i32
        %add3A_1800 = arith.constant 4 : i32
        %add3A_1801 = arith.addi %mul3A_1799, %add3A_1800 : i32
        %get3A_1802 = arith.index_cast %add3A_1801 : i32 to index
        %get3A_1803 = arith.constant 0 : index
        %get3A_1804 = tpu.vector_load %arg10[%get3A_1802, %get3A_1803] {strides = array<i32>} : memref<1280x32xf32, #tpu.memory_space<vmem>>, vector<1x16xf32>,
        %get3A_1805 = vector.shape_cast %get3A_1804 : vector<1x16xf32> to vector<16xf32>
        %add3A_1806 = arith.addf %add3A_1742, %get3A_1805 : vector<16xf32>
        %get3A_1807 = arith.index_cast %add3A_1801 : i32 to index
        %get3A_1808 = arith.constant 16 : index
        %get3A_1809 = tpu.vector_load %arg10[%get3A_1807, %get3A_1808] {strides = array<i32>} : memref<1280x32xf32, #tpu.memory_space<vmem>>, vector<1x16xf32>,
        %get3A_1810 = vector.shape_cast %get3A_1809 : vector<1x16xf32> to vector<16xf32>
        %add3A_1811 = arith.addf %add3A_1747, %get3A_1810 : vector<16xf32>
        %add3A_1812 = arith.constant 0 : i32
        %add3A_1813 = arith.addi %mul3A_1507, %add3A_1812 : i32
        %mul3A_1814 = arith.constant 20 : i32
        %mul3A_1815 = arith.muli %add3A_1813, %mul3A_1814 : i32
        %add3A_1816 = arith.constant 5 : i32
        %add3A_1817 = arith.addi %mul3A_1815, %add3A_1816 : i32
        %get3A_1818 = arith.index_cast %add3A_1817 : i32 to index
        %get3A_1819 = arith.constant 0 : index
        %get3A_1820 = tpu.vector_load %arg10[%get3A_1818, %get3A_1819] {strides = array<i32>} : memref<1280x32xf32, #tpu.memory_space<vmem>>, vector<1x16xf32>,
        %get3A_1821 = vector.shape_cast %get3A_1820 : vector<1x16xf32> to vector<16xf32>
        %add3A_1822 = arith.addf %add3A_1758, %get3A_1821 : vector<16xf32>
        %get3A_1823 = arith.index_cast %add3A_1817 : i32 to index
        %get3A_1824 = arith.constant 16 : index
        %get3A_1825 = tpu.vector_load %arg10[%get3A_1823, %get3A_1824] {strides = array<i32>} : memref<1280x32xf32, #tpu.memory_space<vmem>>, vector<1x16xf32>,
        %get3A_1826 = vector.shape_cast %get3A_1825 : vector<1x16xf32> to vector<16xf32>
        %add3A_1827 = arith.addf %add3A_1763, %get3A_1826 : vector<16xf32>
        %add3A_1828 = arith.constant 1 : i32
        %add3A_1829 = arith.addi %mul3A_1507, %add3A_1828 : i32
        %mul3A_1830 = arith.constant 20 : i32
        %mul3A_1831 = arith.muli %add3A_1829, %mul3A_1830 : i32
        %add3A_1832 = arith.constant 5 : i32
        %add3A_1833 = arith.addi %mul3A_1831, %add3A_1832 : i32
        %get3A_1834 = arith.index_cast %add3A_1833 : i32 to index
        %get3A_1835 = arith.constant 0 : index
        %get3A_1836 = tpu.vector_load %arg10[%get3A_1834, %get3A_1835] {strides = array<i32>} : memref<1280x32xf32, #tpu.memory_space<vmem>>, vector<1x16xf32>,
        %get3A_1837 = vector.shape_cast %get3A_1836 : vector<1x16xf32> to vector<16xf32>
        %add3A_1838 = arith.addf %add3A_1774, %get3A_1837 : vector<16xf32>
        %get3A_1839 = arith.index_cast %add3A_1833 : i32 to index
        %get3A_1840 = arith.constant 16 : index
        %get3A_1841 = tpu.vector_load %arg10[%get3A_1839, %get3A_1840] {strides = array<i32>} : memref<1280x32xf32, #tpu.memory_space<vmem>>, vector<1x16xf32>,
        %get3A_1842 = vector.shape_cast %get3A_1841 : vector<1x16xf32> to vector<16xf32>
        %add3A_1843 = arith.addf %add3A_1779, %get3A_1842 : vector<16xf32>
        %add3A_1844 = arith.constant 2 : i32
        %add3A_1845 = arith.addi %mul3A_1507, %add3A_1844 : i32
        %mul3A_1846 = arith.constant 20 : i32
        %mul3A_1847 = arith.muli %add3A_1845, %mul3A_1846 : i32
        %add3A_1848 = arith.constant 5 : i32
        %add3A_1849 = arith.addi %mul3A_1847, %add3A_1848 : i32
        %get3A_1850 = arith.index_cast %add3A_1849 : i32 to index
        %get3A_1851 = arith.constant 0 : index
        %get3A_1852 = tpu.vector_load %arg10[%get3A_1850, %get3A_1851] {strides = array<i32>} : memref<1280x32xf32, #tpu.memory_space<vmem>>, vector<1x16xf32>,
        %get3A_1853 = vector.shape_cast %get3A_1852 : vector<1x16xf32> to vector<16xf32>
        %add3A_1854 = arith.addf %add3A_1790, %get3A_1853 : vector<16xf32>
        %get3A_1855 = arith.index_cast %add3A_1849 : i32 to index
        %get3A_1856 = arith.constant 16 : index
        %get3A_1857 = tpu.vector_load %arg10[%get3A_1855, %get3A_1856] {strides = array<i32>} : memref<1280x32xf32, #tpu.memory_space<vmem>>, vector<1x16xf32>,
        %get3A_1858 = vector.shape_cast %get3A_1857 : vector<1x16xf32> to vector<16xf32>
        %add3A_1859 = arith.addf %add3A_1795, %get3A_1858 : vector<16xf32>
        %add3A_1860 = arith.constant 3 : i32
        %add3A_1861 = arith.addi %mul3A_1507, %add3A_1860 : i32
        %mul3A_1862 = arith.constant 20 : i32
        %mul3A_1863 = arith.muli %add3A_1861, %mul3A_1862 : i32
        %add3A_1864 = arith.constant 5 : i32
        %add3A_1865 = arith.addi %mul3A_1863, %add3A_1864 : i32
        %get3A_1866 = arith.index_cast %add3A_1865 : i32 to index
        %get3A_1867 = arith.constant 0 : index
        %get3A_1868 = tpu.vector_load %arg10[%get3A_1866, %get3A_1867] {strides = array<i32>} : memref<1280x32xf32, #tpu.memory_space<vmem>>, vector<1x16xf32>,
        %get3A_1869 = vector.shape_cast %get3A_1868 : vector<1x16xf32> to vector<16xf32>
        %add3A_1870 = arith.addf %add3A_1806, %get3A_1869 : vector<16xf32>
        %get3A_1871 = arith.index_cast %add3A_1865 : i32 to index
        %get3A_1872 = arith.constant 16 : index
        %get3A_1873 = tpu.vector_load %arg10[%get3A_1871, %get3A_1872] {strides = array<i32>} : memref<1280x32xf32, #tpu.memory_space<vmem>>, vector<1x16xf32>,
        %get3A_1874 = vector.shape_cast %get3A_1873 : vector<1x16xf32> to vector<16xf32>
        %add3A_1875 = arith.addf %add3A_1811, %get3A_1874 : vector<16xf32>
        %add3A_1876 = arith.constant 0 : i32
        %add3A_1877 = arith.addi %mul3A_1507, %add3A_1876 : i32
        %mul3A_1878 = arith.constant 20 : i32
        %mul3A_1879 = arith.muli %add3A_1877, %mul3A_1878 : i32
        %add3A_1880 = arith.constant 6 : i32
        %add3A_1881 = arith.addi %mul3A_1879, %add3A_1880 : i32
        %get3A_1882 = arith.index_cast %add3A_1881 : i32 to index
        %get3A_1883 = arith.constant 0 : index
        %get3A_1884 = tpu.vector_load %arg10[%get3A_1882, %get3A_1883] {strides = array<i32>} : memref<1280x32xf32, #tpu.memory_space<vmem>>, vector<1x16xf32>,
        %get3A_1885 = vector.shape_cast %get3A_1884 : vector<1x16xf32> to vector<16xf32>
        %add3A_1886 = arith.addf %add3A_1822, %get3A_1885 : vector<16xf32>
        %get3A_1887 = arith.index_cast %add3A_1881 : i32 to index
        %get3A_1888 = arith.constant 16 : index
        %get3A_1889 = tpu.vector_load %arg10[%get3A_1887, %get3A_1888] {strides = array<i32>} : memref<1280x32xf32, #tpu.memory_space<vmem>>, vector<1x16xf32>,
        %get3A_1890 = vector.shape_cast %get3A_1889 : vector<1x16xf32> to vector<16xf32>
        %add3A_1891 = arith.addf %add3A_1827, %get3A_1890 : vector<16xf32>
        %add3A_1892 = arith.constant 1 : i32
        %add3A_1893 = arith.addi %mul3A_1507, %add3A_1892 : i32
        %mul3A_1894 = arith.constant 20 : i32
        %mul3A_1895 = arith.muli %add3A_1893, %mul3A_1894 : i32
        %add3A_1896 = arith.constant 6 : i32
        %add3A_1897 = arith.addi %mul3A_1895, %add3A_1896 : i32
        %get3A_1898 = arith.index_cast %add3A_1897 : i32 to index
        %get3A_1899 = arith.constant 0 : index
        %get3A_1900 = tpu.vector_load %arg10[%get3A_1898, %get3A_1899] {strides = array<i32>} : memref<1280x32xf32, #tpu.memory_space<vmem>>, vector<1x16xf32>,
        %get3A_1901 = vector.shape_cast %get3A_1900 : vector<1x16xf32> to vector<16xf32>
        %add3A_1902 = arith.addf %add3A_1838, %get3A_1901 : vector<16xf32>
        %get3A_1903 = arith.index_cast %add3A_1897 : i32 to index
        %get3A_1904 = arith.constant 16 : index
        %get3A_1905 = tpu.vector_load %arg10[%get3A_1903, %get3A_1904] {strides = array<i32>} : memref<1280x32xf32, #tpu.memory_space<vmem>>, vector<1x16xf32>,
        %get3A_1906 = vector.shape_cast %get3A_1905 : vector<1x16xf32> to vector<16xf32>
        %add3A_1907 = arith.addf %add3A_1843, %get3A_1906 : vector<16xf32>
        %add3A_1908 = arith.constant 2 : i32
        %add3A_1909 = arith.addi %mul3A_1507, %add3A_1908 : i32
        %mul3A_1910 = arith.constant 20 : i32
        %mul3A_1911 = arith.muli %add3A_1909, %mul3A_1910 : i32
        %add3A_1912 = arith.constant 6 : i32
        %add3A_1913 = arith.addi %mul3A_1911, %add3A_1912 : i32
        %get3A_1914 = arith.index_cast %add3A_1913 : i32 to index
        %get3A_1915 = arith.constant 0 : index
        %get3A_1916 = tpu.vector_load %arg10[%get3A_1914, %get3A_1915] {strides = array<i32>} : memref<1280x32xf32, #tpu.memory_space<vmem>>, vector<1x16xf32>,
        %get3A_1917 = vector.shape_cast %get3A_1916 : vector<1x16xf32> to vector<16xf32>
        %add3A_1918 = arith.addf %add3A_1854, %get3A_1917 : vector<16xf32>
        %get3A_1919 = arith.index_cast %add3A_1913 : i32 to index
        %get3A_1920 = arith.constant 16 : index
        %get3A_1921 = tpu.vector_load %arg10[%get3A_1919, %get3A_1920] {strides = array<i32>} : memref<1280x32xf32, #tpu.memory_space<vmem>>, vector<1x16xf32>,
        %get3A_1922 = vector.shape_cast %get3A_1921 : vector<1x16xf32> to vector<16xf32>
        %add3A_1923 = arith.addf %add3A_1859, %get3A_1922 : vector<16xf32>
        %add3A_1924 = arith.constant 3 : i32
        %add3A_1925 = arith.addi %mul3A_1507, %add3A_1924 : i32
        %mul3A_1926 = arith.constant 20 : i32
        %mul3A_1927 = arith.muli %add3A_1925, %mul3A_1926 : i32
        %add3A_1928 = arith.constant 6 : i32
        %add3A_1929 = arith.addi %mul3A_1927, %add3A_1928 : i32
        %get3A_1930 = arith.index_cast %add3A_1929 : i32 to index
        %get3A_1931 = arith.constant 0 : index
        %get3A_1932 = tpu.vector_load %arg10[%get3A_1930, %get3A_1931] {strides = array<i32>} : memref<1280x32xf32, #tpu.memory_space<vmem>>, vector<1x16xf32>,
        %get3A_1933 = vector.shape_cast %get3A_1932 : vector<1x16xf32> to vector<16xf32>
        %add3A_1934 = arith.addf %add3A_1870, %get3A_1933 : vector<16xf32>
        %get3A_1935 = arith.index_cast %add3A_1929 : i32 to index
        %get3A_1936 = arith.constant 16 : index
        %get3A_1937 = tpu.vector_load %arg10[%get3A_1935, %get3A_1936] {strides = array<i32>} : memref<1280x32xf32, #tpu.memory_space<vmem>>, vector<1x16xf32>,
        %get3A_1938 = vector.shape_cast %get3A_1937 : vector<1x16xf32> to vector<16xf32>
        %add3A_1939 = arith.addf %add3A_1875, %get3A_1938 : vector<16xf32>
        %add3A_1940 = arith.constant 0 : i32
        %add3A_1941 = arith.addi %mul3A_1507, %add3A_1940 : i32
        %mul3A_1942 = arith.constant 20 : i32
        %mul3A_1943 = arith.muli %add3A_1941, %mul3A_1942 : i32
        %add3A_1944 = arith.constant 7 : i32
        %add3A_1945 = arith.addi %mul3A_1943, %add3A_1944 : i32
        %get3A_1946 = arith.index_cast %add3A_1945 : i32 to index
        %get3A_1947 = arith.constant 0 : index
        %get3A_1948 = tpu.vector_load %arg10[%get3A_1946, %get3A_1947] {strides = array<i32>} : memref<1280x32xf32, #tpu.memory_space<vmem>>, vector<1x16xf32>,
        %get3A_1949 = vector.shape_cast %get3A_1948 : vector<1x16xf32> to vector<16xf32>
        %add3A_1950 = arith.addf %add3A_1886, %get3A_1949 : vector<16xf32>
        %get3A_1951 = arith.index_cast %add3A_1945 : i32 to index
        %get3A_1952 = arith.constant 16 : index
        %get3A_1953 = tpu.vector_load %arg10[%get3A_1951, %get3A_1952] {strides = array<i32>} : memref<1280x32xf32, #tpu.memory_space<vmem>>, vector<1x16xf32>,
        %get3A_1954 = vector.shape_cast %get3A_1953 : vector<1x16xf32> to vector<16xf32>
        %add3A_1955 = arith.addf %add3A_1891, %get3A_1954 : vector<16xf32>
        %add3A_1956 = arith.constant 1 : i32
        %add3A_1957 = arith.addi %mul3A_1507, %add3A_1956 : i32
        %mul3A_1958 = arith.constant 20 : i32
        %mul3A_1959 = arith.muli %add3A_1957, %mul3A_1958 : i32
        %add3A_1960 = arith.constant 7 : i32
        %add3A_1961 = arith.addi %mul3A_1959, %add3A_1960 : i32
        %get3A_1962 = arith.index_cast %add3A_1961 : i32 to index
        %get3A_1963 = arith.constant 0 : index
        %get3A_1964 = tpu.vector_load %arg10[%get3A_1962, %get3A_1963] {strides = array<i32>} : memref<1280x32xf32, #tpu.memory_space<vmem>>, vector<1x16xf32>,
        %get3A_1965 = vector.shape_cast %get3A_1964 : vector<1x16xf32> to vector<16xf32>
        %add3A_1966 = arith.addf %add3A_1902, %get3A_1965 : vector<16xf32>
        %get3A_1967 = arith.index_cast %add3A_1961 : i32 to index
        %get3A_1968 = arith.constant 16 : index
        %get3A_1969 = tpu.vector_load %arg10[%get3A_1967, %get3A_1968] {strides = array<i32>} : memref<1280x32xf32, #tpu.memory_space<vmem>>, vector<1x16xf32>,
        %get3A_1970 = vector.shape_cast %get3A_1969 : vector<1x16xf32> to vector<16xf32>
        %add3A_1971 = arith.addf %add3A_1907, %get3A_1970 : vector<16xf32>
        %add3A_1972 = arith.constant 2 : i32
        %add3A_1973 = arith.addi %mul3A_1507, %add3A_1972 : i32
        %mul3A_1974 = arith.constant 20 : i32
        %mul3A_1975 = arith.muli %add3A_1973, %mul3A_1974 : i32
        %add3A_1976 = arith.constant 7 : i32
        %add3A_1977 = arith.addi %mul3A_1975, %add3A_1976 : i32
        %get3A_1978 = arith.index_cast %add3A_1977 : i32 to index
        %get3A_1979 = arith.constant 0 : index
        %get3A_1980 = tpu.vector_load %arg10[%get3A_1978, %get3A_1979] {strides = array<i32>} : memref<1280x32xf32, #tpu.memory_space<vmem>>, vector<1x16xf32>,
        %get3A_1981 = vector.shape_cast %get3A_1980 : vector<1x16xf32> to vector<16xf32>
        %add3A_1982 = arith.addf %add3A_1918, %get3A_1981 : vector<16xf32>
        %get3A_1983 = arith.index_cast %add3A_1977 : i32 to index
        %get3A_1984 = arith.constant 16 : index
        %get3A_1985 = tpu.vector_load %arg10[%get3A_1983, %get3A_1984] {strides = array<i32>} : memref<1280x32xf32, #tpu.memory_space<vmem>>, vector<1x16xf32>,
        %get3A_1986 = vector.shape_cast %get3A_1985 : vector<1x16xf32> to vector<16xf32>
        %add3A_1987 = arith.addf %add3A_1923, %get3A_1986 : vector<16xf32>
        %add3A_1988 = arith.constant 3 : i32
        %add3A_1989 = arith.addi %mul3A_1507, %add3A_1988 : i32
        %mul3A_1990 = arith.constant 20 : i32
        %mul3A_1991 = arith.muli %add3A_1989, %mul3A_1990 : i32
        %add3A_1992 = arith.constant 7 : i32
        %add3A_1993 = arith.addi %mul3A_1991, %add3A_1992 : i32
        %get3A_1994 = arith.index_cast %add3A_1993 : i32 to index
        %get3A_1995 = arith.constant 0 : index
        %get3A_1996 = tpu.vector_load %arg10[%get3A_1994, %get3A_1995] {strides = array<i32>} : memref<1280x32xf32, #tpu.memory_space<vmem>>, vector<1x16xf32>,
        %get3A_1997 = vector.shape_cast %get3A_1996 : vector<1x16xf32> to vector<16xf32>
        %add3A_1998 = arith.addf %add3A_1934, %get3A_1997 : vector<16xf32>
        %get3A_1999 = arith.index_cast %add3A_1993 : i32 to index
        %get3A_2000 = arith.constant 16 : index
        %get3A_2001 = tpu.vector_load %arg10[%get3A_1999, %get3A_2000] {strides = array<i32>} : memref<1280x32xf32, #tpu.memory_space<vmem>>, vector<1x16xf32>,
        %get3A_2002 = vector.shape_cast %get3A_2001 : vector<1x16xf32> to vector<16xf32>
        %add3A_2003 = arith.addf %add3A_1939, %get3A_2002 : vector<16xf32>
        %add3A_2004 = arith.constant 0 : i32
        %add3A_2005 = arith.addi %mul3A_1507, %add3A_2004 : i32
        %mul3A_2006 = arith.constant 20 : i32
        %mul3A_2007 = arith.muli %add3A_2005, %mul3A_2006 : i32
        %add3A_2008 = arith.constant 8 : i32
        %add3A_2009 = arith.addi %mul3A_2007, %add3A_2008 : i32
        %get3A_2010 = arith.index_cast %add3A_2009 : i32 to index
        %get3A_2011 = arith.constant 0 : index
        %get3A_2012 = tpu.vector_load %arg10[%get3A_2010, %get3A_2011] {strides = array<i32>} : memref<1280x32xf32, #tpu.memory_space<vmem>>, vector<1x16xf32>,
        %get3A_2013 = vector.shape_cast %get3A_2012 : vector<1x16xf32> to vector<16xf32>
        %add3A_2014 = arith.addf %add3A_1950, %get3A_2013 : vector<16xf32>
        %get3A_2015 = arith.index_cast %add3A_2009 : i32 to index
        %get3A_2016 = arith.constant 16 : index
        %get3A_2017 = tpu.vector_load %arg10[%get3A_2015, %get3A_2016] {strides = array<i32>} : memref<1280x32xf32, #tpu.memory_space<vmem>>, vector<1x16xf32>,
        %get3A_2018 = vector.shape_cast %get3A_2017 : vector<1x16xf32> to vector<16xf32>
        %add3A_2019 = arith.addf %add3A_1955, %get3A_2018 : vector<16xf32>
        %add3A_2020 = arith.constant 1 : i32
        %add3A_2021 = arith.addi %mul3A_1507, %add3A_2020 : i32
        %mul3A_2022 = arith.constant 20 : i32
        %mul3A_2023 = arith.muli %add3A_2021, %mul3A_2022 : i32
        %add3A_2024 = arith.constant 8 : i32
        %add3A_2025 = arith.addi %mul3A_2023, %add3A_2024 : i32
        %get3A_2026 = arith.index_cast %add3A_2025 : i32 to index
        %get3A_2027 = arith.constant 0 : index
        %get3A_2028 = tpu.vector_load %arg10[%get3A_2026, %get3A_2027] {strides = array<i32>} : memref<1280x32xf32, #tpu.memory_space<vmem>>, vector<1x16xf32>,
        %get3A_2029 = vector.shape_cast %get3A_2028 : vector<1x16xf32> to vector<16xf32>
        %add3A_2030 = arith.addf %add3A_1966, %get3A_2029 : vector<16xf32>
        %get3A_2031 = arith.index_cast %add3A_2025 : i32 to index
        %get3A_2032 = arith.constant 16 : index
        %get3A_2033 = tpu.vector_load %arg10[%get3A_2031, %get3A_2032] {strides = array<i32>} : memref<1280x32xf32, #tpu.memory_space<vmem>>, vector<1x16xf32>,
        %get3A_2034 = vector.shape_cast %get3A_2033 : vector<1x16xf32> to vector<16xf32>
        %add3A_2035 = arith.addf %add3A_1971, %get3A_2034 : vector<16xf32>
        %add3A_2036 = arith.constant 2 : i32
        %add3A_2037 = arith.addi %mul3A_1507, %add3A_2036 : i32
        %mul3A_2038 = arith.constant 20 : i32
        %mul3A_2039 = arith.muli %add3A_2037, %mul3A_2038 : i32
        %add3A_2040 = arith.constant 8 : i32
        %add3A_2041 = arith.addi %mul3A_2039, %add3A_2040 : i32
        %get3A_2042 = arith.index_cast %add3A_2041 : i32 to index
        %get3A_2043 = arith.constant 0 : index
        %get3A_2044 = tpu.vector_load %arg10[%get3A_2042, %get3A_2043] {strides = array<i32>} : memref<1280x32xf32, #tpu.memory_space<vmem>>, vector<1x16xf32>,
        %get3A_2045 = vector.shape_cast %get3A_2044 : vector<1x16xf32> to vector<16xf32>
        %add3A_2046 = arith.addf %add3A_1982, %get3A_2045 : vector<16xf32>
        %get3A_2047 = arith.index_cast %add3A_2041 : i32 to index
        %get3A_2048 = arith.constant 16 : index
        %get3A_2049 = tpu.vector_load %arg10[%get3A_2047, %get3A_2048] {strides = array<i32>} : memref<1280x32xf32, #tpu.memory_space<vmem>>, vector<1x16xf32>,
        %get3A_2050 = vector.shape_cast %get3A_2049 : vector<1x16xf32> to vector<16xf32>
        %add3A_2051 = arith.addf %add3A_1987, %get3A_2050 : vector<16xf32>
        %add3A_2052 = arith.constant 3 : i32
        %add3A_2053 = arith.addi %mul3A_1507, %add3A_2052 : i32
        %mul3A_2054 = arith.constant 20 : i32
        %mul3A_2055 = arith.muli %add3A_2053, %mul3A_2054 : i32
        %add3A_2056 = arith.constant 8 : i32
        %add3A_2057 = arith.addi %mul3A_2055, %add3A_2056 : i32
        %get3A_2058 = arith.index_cast %add3A_2057 : i32 to index
        %get3A_2059 = arith.constant 0 : index
        %get3A_2060 = tpu.vector_load %arg10[%get3A_2058, %get3A_2059] {strides = array<i32>} : memref<1280x32xf32, #tpu.memory_space<vmem>>, vector<1x16xf32>,
        %get3A_2061 = vector.shape_cast %get3A_2060 : vector<1x16xf32> to vector<16xf32>
        %add3A_2062 = arith.addf %add3A_1998, %get3A_2061 : vector<16xf32>
        %get3A_2063 = arith.index_cast %add3A_2057 : i32 to index
        %get3A_2064 = arith.constant 16 : index
        %get3A_2065 = tpu.vector_load %arg10[%get3A_2063, %get3A_2064] {strides = array<i32>} : memref<1280x32xf32, #tpu.memory_space<vmem>>, vector<1x16xf32>,
        %get3A_2066 = vector.shape_cast %get3A_2065 : vector<1x16xf32> to vector<16xf32>
        %add3A_2067 = arith.addf %add3A_2003, %get3A_2066 : vector<16xf32>
        %add3A_2068 = arith.constant 0 : i32
        %add3A_2069 = arith.addi %mul3A_1507, %add3A_2068 : i32
        %mul3A_2070 = arith.constant 20 : i32
        %mul3A_2071 = arith.muli %add3A_2069, %mul3A_2070 : i32
        %add3A_2072 = arith.constant 9 : i32
        %add3A_2073 = arith.addi %mul3A_2071, %add3A_2072 : i32
        %get3A_2074 = arith.index_cast %add3A_2073 : i32 to index
        %get3A_2075 = arith.constant 0 : index
        %get3A_2076 = tpu.vector_load %arg10[%get3A_2074, %get3A_2075] {strides = array<i32>} : memref<1280x32xf32, #tpu.memory_space<vmem>>, vector<1x16xf32>,
        %get3A_2077 = vector.shape_cast %get3A_2076 : vector<1x16xf32> to vector<16xf32>
        %add3A_2078 = arith.addf %add3A_2014, %get3A_2077 : vector<16xf32>
        %get3A_2079 = arith.index_cast %add3A_2073 : i32 to index
        %get3A_2080 = arith.constant 16 : index
        %get3A_2081 = tpu.vector_load %arg10[%get3A_2079, %get3A_2080] {strides = array<i32>} : memref<1280x32xf32, #tpu.memory_space<vmem>>, vector<1x16xf32>,
        %get3A_2082 = vector.shape_cast %get3A_2081 : vector<1x16xf32> to vector<16xf32>
        %add3A_2083 = arith.addf %add3A_2019, %get3A_2082 : vector<16xf32>
        %add3A_2084 = arith.constant 1 : i32
        %add3A_2085 = arith.addi %mul3A_1507, %add3A_2084 : i32
        %mul3A_2086 = arith.constant 20 : i32
        %mul3A_2087 = arith.muli %add3A_2085, %mul3A_2086 : i32
        %add3A_2088 = arith.constant 9 : i32
        %add3A_2089 = arith.addi %mul3A_2087, %add3A_2088 : i32
        %get3A_2090 = arith.index_cast %add3A_2089 : i32 to index
        %get3A_2091 = arith.constant 0 : index
        %get3A_2092 = tpu.vector_load %arg10[%get3A_2090, %get3A_2091] {strides = array<i32>} : memref<1280x32xf32, #tpu.memory_space<vmem>>, vector<1x16xf32>,
        %get3A_2093 = vector.shape_cast %get3A_2092 : vector<1x16xf32> to vector<16xf32>
        %add3A_2094 = arith.addf %add3A_2030, %get3A_2093 : vector<16xf32>
        %get3A_2095 = arith.index_cast %add3A_2089 : i32 to index
        %get3A_2096 = arith.constant 16 : index
        %get3A_2097 = tpu.vector_load %arg10[%get3A_2095, %get3A_2096] {strides = array<i32>} : memref<1280x32xf32, #tpu.memory_space<vmem>>, vector<1x16xf32>,
        %get3A_2098 = vector.shape_cast %get3A_2097 : vector<1x16xf32> to vector<16xf32>
        %add3A_2099 = arith.addf %add3A_2035, %get3A_2098 : vector<16xf32>
        %add3A_2100 = arith.constant 2 : i32
        %add3A_2101 = arith.addi %mul3A_1507, %add3A_2100 : i32
        %mul3A_2102 = arith.constant 20 : i32
        %mul3A_2103 = arith.muli %add3A_2101, %mul3A_2102 : i32
        %add3A_2104 = arith.constant 9 : i32
        %add3A_2105 = arith.addi %mul3A_2103, %add3A_2104 : i32
        %get3A_2106 = arith.index_cast %add3A_2105 : i32 to index
        %get3A_2107 = arith.constant 0 : index
        %get3A_2108 = tpu.vector_load %arg10[%get3A_2106, %get3A_2107] {strides = array<i32>} : memref<1280x32xf32, #tpu.memory_space<vmem>>, vector<1x16xf32>,
        %get3A_2109 = vector.shape_cast %get3A_2108 : vector<1x16xf32> to vector<16xf32>
        %add3A_2110 = arith.addf %add3A_2046, %get3A_2109 : vector<16xf32>
        %get3A_2111 = arith.index_cast %add3A_2105 : i32 to index
        %get3A_2112 = arith.constant 16 : index
        %get3A_2113 = tpu.vector_load %arg10[%get3A_2111, %get3A_2112] {strides = array<i32>} : memref<1280x32xf32, #tpu.memory_space<vmem>>, vector<1x16xf32>,
        %get3A_2114 = vector.shape_cast %get3A_2113 : vector<1x16xf32> to vector<16xf32>
        %add3A_2115 = arith.addf %add3A_2051, %get3A_2114 : vector<16xf32>
        %add3A_2116 = arith.constant 3 : i32
        %add3A_2117 = arith.addi %mul3A_1507, %add3A_2116 : i32
        %mul3A_2118 = arith.constant 20 : i32
        %mul3A_2119 = arith.muli %add3A_2117, %mul3A_2118 : i32
        %add3A_2120 = arith.constant 9 : i32
        %add3A_2121 = arith.addi %mul3A_2119, %add3A_2120 : i32
        %get3A_2122 = arith.index_cast %add3A_2121 : i32 to index
        %get3A_2123 = arith.constant 0 : index
        %get3A_2124 = tpu.vector_load %arg10[%get3A_2122, %get3A_2123] {strides = array<i32>} : memref<1280x32xf32, #tpu.memory_space<vmem>>, vector<1x16xf32>,
        %get3A_2125 = vector.shape_cast %get3A_2124 : vector<1x16xf32> to vector<16xf32>
        %add3A_2126 = arith.addf %add3A_2062, %get3A_2125 : vector<16xf32>
        %get3A_2127 = arith.index_cast %add3A_2121 : i32 to index
        %get3A_2128 = arith.constant 16 : index
        %get3A_2129 = tpu.vector_load %arg10[%get3A_2127, %get3A_2128] {strides = array<i32>} : memref<1280x32xf32, #tpu.memory_space<vmem>>, vector<1x16xf32>,
        %get3A_2130 = vector.shape_cast %get3A_2129 : vector<1x16xf32> to vector<16xf32>
        %add3A_2131 = arith.addf %add3A_2067, %get3A_2130 : vector<16xf32>
        %add3A_2132 = arith.constant 0 : i32
        %add3A_2133 = arith.addi %mul3A_1507, %add3A_2132 : i32
        %mul3A_2134 = arith.constant 20 : i32
        %mul3A_2135 = arith.muli %add3A_2133, %mul3A_2134 : i32
        %add3A_2136 = arith.constant 10 : i32
        %add3A_2137 = arith.addi %mul3A_2135, %add3A_2136 : i32
        %get3A_2138 = arith.index_cast %add3A_2137 : i32 to index
        %get3A_2139 = arith.constant 0 : index
        %get3A_2140 = tpu.vector_load %arg10[%get3A_2138, %get3A_2139] {strides = array<i32>} : memref<1280x32xf32, #tpu.memory_space<vmem>>, vector<1x16xf32>,
        %get3A_2141 = vector.shape_cast %get3A_2140 : vector<1x16xf32> to vector<16xf32>
        %add3A_2142 = arith.addf %add3A_2078, %get3A_2141 : vector<16xf32>
        %get3A_2143 = arith.index_cast %add3A_2137 : i32 to index
        %get3A_2144 = arith.constant 16 : index
        %get3A_2145 = tpu.vector_load %arg10[%get3A_2143, %get3A_2144] {strides = array<i32>} : memref<1280x32xf32, #tpu.memory_space<vmem>>, vector<1x16xf32>,
        %get3A_2146 = vector.shape_cast %get3A_2145 : vector<1x16xf32> to vector<16xf32>
        %add3A_2147 = arith.addf %add3A_2083, %get3A_2146 : vector<16xf32>
        %add3A_2148 = arith.constant 1 : i32
        %add3A_2149 = arith.addi %mul3A_1507, %add3A_2148 : i32
        %mul3A_2150 = arith.constant 20 : i32
        %mul3A_2151 = arith.muli %add3A_2149, %mul3A_2150 : i32
        %add3A_2152 = arith.constant 10 : i32
        %add3A_2153 = arith.addi %mul3A_2151, %add3A_2152 : i32
        %get3A_2154 = arith.index_cast %add3A_2153 : i32 to index
        %get3A_2155 = arith.constant 0 : index
        %get3A_2156 = tpu.vector_load %arg10[%get3A_2154, %get3A_2155] {strides = array<i32>} : memref<1280x32xf32, #tpu.memory_space<vmem>>, vector<1x16xf32>,
        %get3A_2157 = vector.shape_cast %get3A_2156 : vector<1x16xf32> to vector<16xf32>
        %add3A_2158 = arith.addf %add3A_2094, %get3A_2157 : vector<16xf32>
        %get3A_2159 = arith.index_cast %add3A_2153 : i32 to index
        %get3A_2160 = arith.constant 16 : index
        %get3A_2161 = tpu.vector_load %arg10[%get3A_2159, %get3A_2160] {strides = array<i32>} : memref<1280x32xf32, #tpu.memory_space<vmem>>, vector<1x16xf32>,
        %get3A_2162 = vector.shape_cast %get3A_2161 : vector<1x16xf32> to vector<16xf32>
        %add3A_2163 = arith.addf %add3A_2099, %get3A_2162 : vector<16xf32>
        %add3A_2164 = arith.constant 2 : i32
        %add3A_2165 = arith.addi %mul3A_1507, %add3A_2164 : i32
        %mul3A_2166 = arith.constant 20 : i32
        %mul3A_2167 = arith.muli %add3A_2165, %mul3A_2166 : i32
        %add3A_2168 = arith.constant 10 : i32
        %add3A_2169 = arith.addi %mul3A_2167, %add3A_2168 : i32
        %get3A_2170 = arith.index_cast %add3A_2169 : i32 to index
        %get3A_2171 = arith.constant 0 : index
        %get3A_2172 = tpu.vector_load %arg10[%get3A_2170, %get3A_2171] {strides = array<i32>} : memref<1280x32xf32, #tpu.memory_space<vmem>>, vector<1x16xf32>,
        %get3A_2173 = vector.shape_cast %get3A_2172 : vector<1x16xf32> to vector<16xf32>
        %add3A_2174 = arith.addf %add3A_2110, %get3A_2173 : vector<16xf32>
        %get3A_2175 = arith.index_cast %add3A_2169 : i32 to index
        %get3A_2176 = arith.constant 16 : index
        %get3A_2177 = tpu.vector_load %arg10[%get3A_2175, %get3A_2176] {strides = array<i32>} : memref<1280x32xf32, #tpu.memory_space<vmem>>, vector<1x16xf32>,
        %get3A_2178 = vector.shape_cast %get3A_2177 : vector<1x16xf32> to vector<16xf32>
        %add3A_2179 = arith.addf %add3A_2115, %get3A_2178 : vector<16xf32>
        %add3A_2180 = arith.constant 3 : i32
        %add3A_2181 = arith.addi %mul3A_1507, %add3A_2180 : i32
        %mul3A_2182 = arith.constant 20 : i32
        %mul3A_2183 = arith.muli %add3A_2181, %mul3A_2182 : i32
        %add3A_2184 = arith.constant 10 : i32
        %add3A_2185 = arith.addi %mul3A_2183, %add3A_2184 : i32
        %get3A_2186 = arith.index_cast %add3A_2185 : i32 to index
        %get3A_2187 = arith.constant 0 : index
        %get3A_2188 = tpu.vector_load %arg10[%get3A_2186, %get3A_2187] {strides = array<i32>} : memref<1280x32xf32, #tpu.memory_space<vmem>>, vector<1x16xf32>,
        %get3A_2189 = vector.shape_cast %get3A_2188 : vector<1x16xf32> to vector<16xf32>
        %add3A_2190 = arith.addf %add3A_2126, %get3A_2189 : vector<16xf32>
        %get3A_2191 = arith.index_cast %add3A_2185 : i32 to index
        %get3A_2192 = arith.constant 16 : index
        %get3A_2193 = tpu.vector_load %arg10[%get3A_2191, %get3A_2192] {strides = array<i32>} : memref<1280x32xf32, #tpu.memory_space<vmem>>, vector<1x16xf32>,
        %get3A_2194 = vector.shape_cast %get3A_2193 : vector<1x16xf32> to vector<16xf32>
        %add3A_2195 = arith.addf %add3A_2131, %get3A_2194 : vector<16xf32>
        %add3A_2196 = arith.constant 0 : i32
        %add3A_2197 = arith.addi %mul3A_1507, %add3A_2196 : i32
        %mul3A_2198 = arith.constant 20 : i32
        %mul3A_2199 = arith.muli %add3A_2197, %mul3A_2198 : i32
        %add3A_2200 = arith.constant 11 : i32
        %add3A_2201 = arith.addi %mul3A_2199, %add3A_2200 : i32
        %get3A_2202 = arith.index_cast %add3A_2201 : i32 to index
        %get3A_2203 = arith.constant 0 : index
        %get3A_2204 = tpu.vector_load %arg10[%get3A_2202, %get3A_2203] {strides = array<i32>} : memref<1280x32xf32, #tpu.memory_space<vmem>>, vector<1x16xf32>,
        %get3A_2205 = vector.shape_cast %get3A_2204 : vector<1x16xf32> to vector<16xf32>
        %add3A_2206 = arith.addf %add3A_2142, %get3A_2205 : vector<16xf32>
        %get3A_2207 = arith.index_cast %add3A_2201 : i32 to index
        %get3A_2208 = arith.constant 16 : index
        %get3A_2209 = tpu.vector_load %arg10[%get3A_2207, %get3A_2208] {strides = array<i32>} : memref<1280x32xf32, #tpu.memory_space<vmem>>, vector<1x16xf32>,
        %get3A_2210 = vector.shape_cast %get3A_2209 : vector<1x16xf32> to vector<16xf32>
        %add3A_2211 = arith.addf %add3A_2147, %get3A_2210 : vector<16xf32>
        %add3A_2212 = arith.constant 1 : i32
        %add3A_2213 = arith.addi %mul3A_1507, %add3A_2212 : i32
        %mul3A_2214 = arith.constant 20 : i32
        %mul3A_2215 = arith.muli %add3A_2213, %mul3A_2214 : i32
        %add3A_2216 = arith.constant 11 : i32
        %add3A_2217 = arith.addi %mul3A_2215, %add3A_2216 : i32
        %get3A_2218 = arith.index_cast %add3A_2217 : i32 to index
        %get3A_2219 = arith.constant 0 : index
        %get3A_2220 = tpu.vector_load %arg10[%get3A_2218, %get3A_2219] {strides = array<i32>} : memref<1280x32xf32, #tpu.memory_space<vmem>>, vector<1x16xf32>,
        %get3A_2221 = vector.shape_cast %get3A_2220 : vector<1x16xf32> to vector<16xf32>
        %add3A_2222 = arith.addf %add3A_2158, %get3A_2221 : vector<16xf32>
        %get3A_2223 = arith.index_cast %add3A_2217 : i32 to index
        %get3A_2224 = arith.constant 16 : index
        %get3A_2225 = tpu.vector_load %arg10[%get3A_2223, %get3A_2224] {strides = array<i32>} : memref<1280x32xf32, #tpu.memory_space<vmem>>, vector<1x16xf32>,
        %get3A_2226 = vector.shape_cast %get3A_2225 : vector<1x16xf32> to vector<16xf32>
        %add3A_2227 = arith.addf %add3A_2163, %get3A_2226 : vector<16xf32>
        %add3A_2228 = arith.constant 2 : i32
        %add3A_2229 = arith.addi %mul3A_1507, %add3A_2228 : i32
        %mul3A_2230 = arith.constant 20 : i32
        %mul3A_2231 = arith.muli %add3A_2229, %mul3A_2230 : i32
        %add3A_2232 = arith.constant 11 : i32
        %add3A_2233 = arith.addi %mul3A_2231, %add3A_2232 : i32
        %get3A_2234 = arith.index_cast %add3A_2233 : i32 to index
        %get3A_2235 = arith.constant 0 : index
        %get3A_2236 = tpu.vector_load %arg10[%get3A_2234, %get3A_2235] {strides = array<i32>} : memref<1280x32xf32, #tpu.memory_space<vmem>>, vector<1x16xf32>,
        %get3A_2237 = vector.shape_cast %get3A_2236 : vector<1x16xf32> to vector<16xf32>
        %add3A_2238 = arith.addf %add3A_2174, %get3A_2237 : vector<16xf32>
        %get3A_2239 = arith.index_cast %add3A_2233 : i32 to index
        %get3A_2240 = arith.constant 16 : index
        %get3A_2241 = tpu.vector_load %arg10[%get3A_2239, %get3A_2240] {strides = array<i32>} : memref<1280x32xf32, #tpu.memory_space<vmem>>, vector<1x16xf32>,
        %get3A_2242 = vector.shape_cast %get3A_2241 : vector<1x16xf32> to vector<16xf32>
        %add3A_2243 = arith.addf %add3A_2179, %get3A_2242 : vector<16xf32>
        %add3A_2244 = arith.constant 3 : i32
        %add3A_2245 = arith.addi %mul3A_1507, %add3A_2244 : i32
        %mul3A_2246 = arith.constant 20 : i32
        %mul3A_2247 = arith.muli %add3A_2245, %mul3A_2246 : i32
        %add3A_2248 = arith.constant 11 : i32
        %add3A_2249 = arith.addi %mul3A_2247, %add3A_2248 : i32
        %get3A_2250 = arith.index_cast %add3A_2249 : i32 to index
        %get3A_2251 = arith.constant 0 : index
        %get3A_2252 = tpu.vector_load %arg10[%get3A_2250, %get3A_2251] {strides = array<i32>} : memref<1280x32xf32, #tpu.memory_space<vmem>>, vector<1x16xf32>,
        %get3A_2253 = vector.shape_cast %get3A_2252 : vector<1x16xf32> to vector<16xf32>
        %add3A_2254 = arith.addf %add3A_2190, %get3A_2253 : vector<16xf32>
        %get3A_2255 = arith.index_cast %add3A_2249 : i32 to index
        %get3A_2256 = arith.constant 16 : index
        %get3A_2257 = tpu.vector_load %arg10[%get3A_2255, %get3A_2256] {strides = array<i32>} : memref<1280x32xf32, #tpu.memory_space<vmem>>, vector<1x16xf32>,
        %get3A_2258 = vector.shape_cast %get3A_2257 : vector<1x16xf32> to vector<16xf32>
        %add3A_2259 = arith.addf %add3A_2195, %get3A_2258 : vector<16xf32>
        %add3A_2260 = arith.constant 0 : i32
        %add3A_2261 = arith.addi %mul3A_1507, %add3A_2260 : i32
        %mul3A_2262 = arith.constant 20 : i32
        %mul3A_2263 = arith.muli %add3A_2261, %mul3A_2262 : i32
        %add3A_2264 = arith.constant 12 : i32
        %add3A_2265 = arith.addi %mul3A_2263, %add3A_2264 : i32
        %get3A_2266 = arith.index_cast %add3A_2265 : i32 to index
        %get3A_2267 = arith.constant 0 : index
        %get3A_2268 = tpu.vector_load %arg10[%get3A_2266, %get3A_2267] {strides = array<i32>} : memref<1280x32xf32, #tpu.memory_space<vmem>>, vector<1x16xf32>,
        %get3A_2269 = vector.shape_cast %get3A_2268 : vector<1x16xf32> to vector<16xf32>
        %add3A_2270 = arith.addf %add3A_2206, %get3A_2269 : vector<16xf32>
        %get3A_2271 = arith.index_cast %add3A_2265 : i32 to index
        %get3A_2272 = arith.constant 16 : index
        %get3A_2273 = tpu.vector_load %arg10[%get3A_2271, %get3A_2272] {strides = array<i32>} : memref<1280x32xf32, #tpu.memory_space<vmem>>, vector<1x16xf32>,
        %get3A_2274 = vector.shape_cast %get3A_2273 : vector<1x16xf32> to vector<16xf32>
        %add3A_2275 = arith.addf %add3A_2211, %get3A_2274 : vector<16xf32>
        %add3A_2276 = arith.constant 1 : i32
        %add3A_2277 = arith.addi %mul3A_1507, %add3A_2276 : i32
        %mul3A_2278 = arith.constant 20 : i32
        %mul3A_2279 = arith.muli %add3A_2277, %mul3A_2278 : i32
        %add3A_2280 = arith.constant 12 : i32
        %add3A_2281 = arith.addi %mul3A_2279, %add3A_2280 : i32
        %get3A_2282 = arith.index_cast %add3A_2281 : i32 to index
        %get3A_2283 = arith.constant 0 : index
        %get3A_2284 = tpu.vector_load %arg10[%get3A_2282, %get3A_2283] {strides = array<i32>} : memref<1280x32xf32, #tpu.memory_space<vmem>>, vector<1x16xf32>,
        %get3A_2285 = vector.shape_cast %get3A_2284 : vector<1x16xf32> to vector<16xf32>
        %add3A_2286 = arith.addf %add3A_2222, %get3A_2285 : vector<16xf32>
        %get3A_2287 = arith.index_cast %add3A_2281 : i32 to index
        %get3A_2288 = arith.constant 16 : index
        %get3A_2289 = tpu.vector_load %arg10[%get3A_2287, %get3A_2288] {strides = array<i32>} : memref<1280x32xf32, #tpu.memory_space<vmem>>, vector<1x16xf32>,
        %get3A_2290 = vector.shape_cast %get3A_2289 : vector<1x16xf32> to vector<16xf32>
        %add3A_2291 = arith.addf %add3A_2227, %get3A_2290 : vector<16xf32>
        %add3A_2292 = arith.constant 2 : i32
        %add3A_2293 = arith.addi %mul3A_1507, %add3A_2292 : i32
        %mul3A_2294 = arith.constant 20 : i32
        %mul3A_2295 = arith.muli %add3A_2293, %mul3A_2294 : i32
        %add3A_2296 = arith.constant 12 : i32
        %add3A_2297 = arith.addi %mul3A_2295, %add3A_2296 : i32
        %get3A_2298 = arith.index_cast %add3A_2297 : i32 to index
        %get3A_2299 = arith.constant 0 : index
        %get3A_2300 = tpu.vector_load %arg10[%get3A_2298, %get3A_2299] {strides = array<i32>} : memref<1280x32xf32, #tpu.memory_space<vmem>>, vector<1x16xf32>,
        %get3A_2301 = vector.shape_cast %get3A_2300 : vector<1x16xf32> to vector<16xf32>
        %add3A_2302 = arith.addf %add3A_2238, %get3A_2301 : vector<16xf32>
        %get3A_2303 = arith.index_cast %add3A_2297 : i32 to index
        %get3A_2304 = arith.constant 16 : index
        %get3A_2305 = tpu.vector_load %arg10[%get3A_2303, %get3A_2304] {strides = array<i32>} : memref<1280x32xf32, #tpu.memory_space<vmem>>, vector<1x16xf32>,
        %get3A_2306 = vector.shape_cast %get3A_2305 : vector<1x16xf32> to vector<16xf32>
        %add3A_2307 = arith.addf %add3A_2243, %get3A_2306 : vector<16xf32>
        %add3A_2308 = arith.constant 3 : i32
        %add3A_2309 = arith.addi %mul3A_1507, %add3A_2308 : i32
        %mul3A_2310 = arith.constant 20 : i32
        %mul3A_2311 = arith.muli %add3A_2309, %mul3A_2310 : i32
        %add3A_2312 = arith.constant 12 : i32
        %add3A_2313 = arith.addi %mul3A_2311, %add3A_2312 : i32
        %get3A_2314 = arith.index_cast %add3A_2313 : i32 to index
        %get3A_2315 = arith.constant 0 : index
        %get3A_2316 = tpu.vector_load %arg10[%get3A_2314, %get3A_2315] {strides = array<i32>} : memref<1280x32xf32, #tpu.memory_space<vmem>>, vector<1x16xf32>,
        %get3A_2317 = vector.shape_cast %get3A_2316 : vector<1x16xf32> to vector<16xf32>
        %add3A_2318 = arith.addf %add3A_2254, %get3A_2317 : vector<16xf32>
        %get3A_2319 = arith.index_cast %add3A_2313 : i32 to index
        %get3A_2320 = arith.constant 16 : index
        %get3A_2321 = tpu.vector_load %arg10[%get3A_2319, %get3A_2320] {strides = array<i32>} : memref<1280x32xf32, #tpu.memory_space<vmem>>, vector<1x16xf32>,
        %get3A_2322 = vector.shape_cast %get3A_2321 : vector<1x16xf32> to vector<16xf32>
        %add3A_2323 = arith.addf %add3A_2259, %get3A_2322 : vector<16xf32>
        %add3A_2324 = arith.constant 0 : i32
        %add3A_2325 = arith.addi %mul3A_1507, %add3A_2324 : i32
        %mul3A_2326 = arith.constant 20 : i32
        %mul3A_2327 = arith.muli %add3A_2325, %mul3A_2326 : i32
        %add3A_2328 = arith.constant 13 : i32
        %add3A_2329 = arith.addi %mul3A_2327, %add3A_2328 : i32
        %get3A_2330 = arith.index_cast %add3A_2329 : i32 to index
        %get3A_2331 = arith.constant 0 : index
        %get3A_2332 = tpu.vector_load %arg10[%get3A_2330, %get3A_2331] {strides = array<i32>} : memref<1280x32xf32, #tpu.memory_space<vmem>>, vector<1x16xf32>,
        %get3A_2333 = vector.shape_cast %get3A_2332 : vector<1x16xf32> to vector<16xf32>
        %add3A_2334 = arith.addf %add3A_2270, %get3A_2333 : vector<16xf32>
        %get3A_2335 = arith.index_cast %add3A_2329 : i32 to index
        %get3A_2336 = arith.constant 16 : index
        %get3A_2337 = tpu.vector_load %arg10[%get3A_2335, %get3A_2336] {strides = array<i32>} : memref<1280x32xf32, #tpu.memory_space<vmem>>, vector<1x16xf32>,
        %get3A_2338 = vector.shape_cast %get3A_2337 : vector<1x16xf32> to vector<16xf32>
        %add3A_2339 = arith.addf %add3A_2275, %get3A_2338 : vector<16xf32>
        %add3A_2340 = arith.constant 1 : i32
        %add3A_2341 = arith.addi %mul3A_1507, %add3A_2340 : i32
        %mul3A_2342 = arith.constant 20 : i32
        %mul3A_2343 = arith.muli %add3A_2341, %mul3A_2342 : i32
        %add3A_2344 = arith.constant 13 : i32
        %add3A_2345 = arith.addi %mul3A_2343, %add3A_2344 : i32
        %get3A_2346 = arith.index_cast %add3A_2345 : i32 to index
        %get3A_2347 = arith.constant 0 : index
        %get3A_2348 = tpu.vector_load %arg10[%get3A_2346, %get3A_2347] {strides = array<i32>} : memref<1280x32xf32, #tpu.memory_space<vmem>>, vector<1x16xf32>,
        %get3A_2349 = vector.shape_cast %get3A_2348 : vector<1x16xf32> to vector<16xf32>
        %add3A_2350 = arith.addf %add3A_2286, %get3A_2349 : vector<16xf32>
        %get3A_2351 = arith.index_cast %add3A_2345 : i32 to index
        %get3A_2352 = arith.constant 16 : index
        %get3A_2353 = tpu.vector_load %arg10[%get3A_2351, %get3A_2352] {strides = array<i32>} : memref<1280x32xf32, #tpu.memory_space<vmem>>, vector<1x16xf32>,
        %get3A_2354 = vector.shape_cast %get3A_2353 : vector<1x16xf32> to vector<16xf32>
        %add3A_2355 = arith.addf %add3A_2291, %get3A_2354 : vector<16xf32>
        %add3A_2356 = arith.constant 2 : i32
        %add3A_2357 = arith.addi %mul3A_1507, %add3A_2356 : i32
        %mul3A_2358 = arith.constant 20 : i32
        %mul3A_2359 = arith.muli %add3A_2357, %mul3A_2358 : i32
        %add3A_2360 = arith.constant 13 : i32
        %add3A_2361 = arith.addi %mul3A_2359, %add3A_2360 : i32
        %get3A_2362 = arith.index_cast %add3A_2361 : i32 to index
        %get3A_2363 = arith.constant 0 : index
        %get3A_2364 = tpu.vector_load %arg10[%get3A_2362, %get3A_2363] {strides = array<i32>} : memref<1280x32xf32, #tpu.memory_space<vmem>>, vector<1x16xf32>,
        %get3A_2365 = vector.shape_cast %get3A_2364 : vector<1x16xf32> to vector<16xf32>
        %add3A_2366 = arith.addf %add3A_2302, %get3A_2365 : vector<16xf32>
        %get3A_2367 = arith.index_cast %add3A_2361 : i32 to index
        %get3A_2368 = arith.constant 16 : index
        %get3A_2369 = tpu.vector_load %arg10[%get3A_2367, %get3A_2368] {strides = array<i32>} : memref<1280x32xf32, #tpu.memory_space<vmem>>, vector<1x16xf32>,
        %get3A_2370 = vector.shape_cast %get3A_2369 : vector<1x16xf32> to vector<16xf32>
        %add3A_2371 = arith.addf %add3A_2307, %get3A_2370 : vector<16xf32>
        %add3A_2372 = arith.constant 3 : i32
        %add3A_2373 = arith.addi %mul3A_1507, %add3A_2372 : i32
        %mul3A_2374 = arith.constant 20 : i32
        %mul3A_2375 = arith.muli %add3A_2373, %mul3A_2374 : i32
        %add3A_2376 = arith.constant 13 : i32
        %add3A_2377 = arith.addi %mul3A_2375, %add3A_2376 : i32
        %get3A_2378 = arith.index_cast %add3A_2377 : i32 to index
        %get3A_2379 = arith.constant 0 : index
        %get3A_2380 = tpu.vector_load %arg10[%get3A_2378, %get3A_2379] {strides = array<i32>} : memref<1280x32xf32, #tpu.memory_space<vmem>>, vector<1x16xf32>,
        %get3A_2381 = vector.shape_cast %get3A_2380 : vector<1x16xf32> to vector<16xf32>
        %add3A_2382 = arith.addf %add3A_2318, %get3A_2381 : vector<16xf32>
        %get3A_2383 = arith.index_cast %add3A_2377 : i32 to index
        %get3A_2384 = arith.constant 16 : index
        %get3A_2385 = tpu.vector_load %arg10[%get3A_2383, %get3A_2384] {strides = array<i32>} : memref<1280x32xf32, #tpu.memory_space<vmem>>, vector<1x16xf32>,
        %get3A_2386 = vector.shape_cast %get3A_2385 : vector<1x16xf32> to vector<16xf32>
        %add3A_2387 = arith.addf %add3A_2323, %get3A_2386 : vector<16xf32>
        %add3A_2388 = arith.constant 0 : i32
        %add3A_2389 = arith.addi %mul3A_1507, %add3A_2388 : i32
        %mul3A_2390 = arith.constant 20 : i32
        %mul3A_2391 = arith.muli %add3A_2389, %mul3A_2390 : i32
        %add3A_2392 = arith.constant 14 : i32
        %add3A_2393 = arith.addi %mul3A_2391, %add3A_2392 : i32
        %get3A_2394 = arith.index_cast %add3A_2393 : i32 to index
        %get3A_2395 = arith.constant 0 : index
        %get3A_2396 = tpu.vector_load %arg10[%get3A_2394, %get3A_2395] {strides = array<i32>} : memref<1280x32xf32, #tpu.memory_space<vmem>>, vector<1x16xf32>,
        %get3A_2397 = vector.shape_cast %get3A_2396 : vector<1x16xf32> to vector<16xf32>
        %add3A_2398 = arith.addf %add3A_2334, %get3A_2397 : vector<16xf32>
        %get3A_2399 = arith.index_cast %add3A_2393 : i32 to index
        %get3A_2400 = arith.constant 16 : index
        %get3A_2401 = tpu.vector_load %arg10[%get3A_2399, %get3A_2400] {strides = array<i32>} : memref<1280x32xf32, #tpu.memory_space<vmem>>, vector<1x16xf32>,
        %get3A_2402 = vector.shape_cast %get3A_2401 : vector<1x16xf32> to vector<16xf32>
        %add3A_2403 = arith.addf %add3A_2339, %get3A_2402 : vector<16xf32>
        %add3A_2404 = arith.constant 1 : i32
        %add3A_2405 = arith.addi %mul3A_1507, %add3A_2404 : i32
        %mul3A_2406 = arith.constant 20 : i32
        %mul3A_2407 = arith.muli %add3A_2405, %mul3A_2406 : i32
        %add3A_2408 = arith.constant 14 : i32
        %add3A_2409 = arith.addi %mul3A_2407, %add3A_2408 : i32
        %get3A_2410 = arith.index_cast %add3A_2409 : i32 to index
        %get3A_2411 = arith.constant 0 : index
        %get3A_2412 = tpu.vector_load %arg10[%get3A_2410, %get3A_2411] {strides = array<i32>} : memref<1280x32xf32, #tpu.memory_space<vmem>>, vector<1x16xf32>,
        %get3A_2413 = vector.shape_cast %get3A_2412 : vector<1x16xf32> to vector<16xf32>
        %add3A_2414 = arith.addf %add3A_2350, %get3A_2413 : vector<16xf32>
        %get3A_2415 = arith.index_cast %add3A_2409 : i32 to index
        %get3A_2416 = arith.constant 16 : index
        %get3A_2417 = tpu.vector_load %arg10[%get3A_2415, %get3A_2416] {strides = array<i32>} : memref<1280x32xf32, #tpu.memory_space<vmem>>, vector<1x16xf32>,
        %get3A_2418 = vector.shape_cast %get3A_2417 : vector<1x16xf32> to vector<16xf32>
        %add3A_2419 = arith.addf %add3A_2355, %get3A_2418 : vector<16xf32>
        %add3A_2420 = arith.constant 2 : i32
        %add3A_2421 = arith.addi %mul3A_1507, %add3A_2420 : i32
        %mul3A_2422 = arith.constant 20 : i32
        %mul3A_2423 = arith.muli %add3A_2421, %mul3A_2422 : i32
        %add3A_2424 = arith.constant 14 : i32
        %add3A_2425 = arith.addi %mul3A_2423, %add3A_2424 : i32
        %get3A_2426 = arith.index_cast %add3A_2425 : i32 to index
        %get3A_2427 = arith.constant 0 : index
        %get3A_2428 = tpu.vector_load %arg10[%get3A_2426, %get3A_2427] {strides = array<i32>} : memref<1280x32xf32, #tpu.memory_space<vmem>>, vector<1x16xf32>,
        %get3A_2429 = vector.shape_cast %get3A_2428 : vector<1x16xf32> to vector<16xf32>
        %add3A_2430 = arith.addf %add3A_2366, %get3A_2429 : vector<16xf32>
        %get3A_2431 = arith.index_cast %add3A_2425 : i32 to index
        %get3A_2432 = arith.constant 16 : index
        %get3A_2433 = tpu.vector_load %arg10[%get3A_2431, %get3A_2432] {strides = array<i32>} : memref<1280x32xf32, #tpu.memory_space<vmem>>, vector<1x16xf32>,
        %get3A_2434 = vector.shape_cast %get3A_2433 : vector<1x16xf32> to vector<16xf32>
        %add3A_2435 = arith.addf %add3A_2371, %get3A_2434 : vector<16xf32>
        %add3A_2436 = arith.constant 3 : i32
        %add3A_2437 = arith.addi %mul3A_1507, %add3A_2436 : i32
        %mul3A_2438 = arith.constant 20 : i32
        %mul3A_2439 = arith.muli %add3A_2437, %mul3A_2438 : i32
        %add3A_2440 = arith.constant 14 : i32
        %add3A_2441 = arith.addi %mul3A_2439, %add3A_2440 : i32
        %get3A_2442 = arith.index_cast %add3A_2441 : i32 to index
        %get3A_2443 = arith.constant 0 : index
        %get3A_2444 = tpu.vector_load %arg10[%get3A_2442, %get3A_2443] {strides = array<i32>} : memref<1280x32xf32, #tpu.memory_space<vmem>>, vector<1x16xf32>,
        %get3A_2445 = vector.shape_cast %get3A_2444 : vector<1x16xf32> to vector<16xf32>
        %add3A_2446 = arith.addf %add3A_2382, %get3A_2445 : vector<16xf32>
        %get3A_2447 = arith.index_cast %add3A_2441 : i32 to index
        %get3A_2448 = arith.constant 16 : index
        %get3A_2449 = tpu.vector_load %arg10[%get3A_2447, %get3A_2448] {strides = array<i32>} : memref<1280x32xf32, #tpu.memory_space<vmem>>, vector<1x16xf32>,
        %get3A_2450 = vector.shape_cast %get3A_2449 : vector<1x16xf32> to vector<16xf32>
        %add3A_2451 = arith.addf %add3A_2387, %get3A_2450 : vector<16xf32>
        %add3A_2452 = arith.constant 0 : i32
        %add3A_2453 = arith.addi %mul3A_1507, %add3A_2452 : i32
        %mul3A_2454 = arith.constant 20 : i32
        %mul3A_2455 = arith.muli %add3A_2453, %mul3A_2454 : i32
        %add3A_2456 = arith.constant 15 : i32
        %add3A_2457 = arith.addi %mul3A_2455, %add3A_2456 : i32
        %get3A_2458 = arith.index_cast %add3A_2457 : i32 to index
        %get3A_2459 = arith.constant 0 : index
        %get3A_2460 = tpu.vector_load %arg10[%get3A_2458, %get3A_2459] {strides = array<i32>} : memref<1280x32xf32, #tpu.memory_space<vmem>>, vector<1x16xf32>,
        %get3A_2461 = vector.shape_cast %get3A_2460 : vector<1x16xf32> to vector<16xf32>
        %add3A_2462 = arith.addf %add3A_2398, %get3A_2461 : vector<16xf32>
        %get3A_2463 = arith.index_cast %add3A_2457 : i32 to index
        %get3A_2464 = arith.constant 16 : index
        %get3A_2465 = tpu.vector_load %arg10[%get3A_2463, %get3A_2464] {strides = array<i32>} : memref<1280x32xf32, #tpu.memory_space<vmem>>, vector<1x16xf32>,
        %get3A_2466 = vector.shape_cast %get3A_2465 : vector<1x16xf32> to vector<16xf32>
        %add3A_2467 = arith.addf %add3A_2403, %get3A_2466 : vector<16xf32>
        %add3A_2468 = arith.constant 1 : i32
        %add3A_2469 = arith.addi %mul3A_1507, %add3A_2468 : i32
        %mul3A_2470 = arith.constant 20 : i32
        %mul3A_2471 = arith.muli %add3A_2469, %mul3A_2470 : i32
        %add3A_2472 = arith.constant 15 : i32
        %add3A_2473 = arith.addi %mul3A_2471, %add3A_2472 : i32
        %get3A_2474 = arith.index_cast %add3A_2473 : i32 to index
        %get3A_2475 = arith.constant 0 : index
        %get3A_2476 = tpu.vector_load %arg10[%get3A_2474, %get3A_2475] {strides = array<i32>} : memref<1280x32xf32, #tpu.memory_space<vmem>>, vector<1x16xf32>,
        %get3A_2477 = vector.shape_cast %get3A_2476 : vector<1x16xf32> to vector<16xf32>
        %add3A_2478 = arith.addf %add3A_2414, %get3A_2477 : vector<16xf32>
        %get3A_2479 = arith.index_cast %add3A_2473 : i32 to index
        %get3A_2480 = arith.constant 16 : index
        %get3A_2481 = tpu.vector_load %arg10[%get3A_2479, %get3A_2480] {strides = array<i32>} : memref<1280x32xf32, #tpu.memory_space<vmem>>, vector<1x16xf32>,
        %get3A_2482 = vector.shape_cast %get3A_2481 : vector<1x16xf32> to vector<16xf32>
        %add3A_2483 = arith.addf %add3A_2419, %get3A_2482 : vector<16xf32>
        %add3A_2484 = arith.constant 2 : i32
        %add3A_2485 = arith.addi %mul3A_1507, %add3A_2484 : i32
        %mul3A_2486 = arith.constant 20 : i32
        %mul3A_2487 = arith.muli %add3A_2485, %mul3A_2486 : i32
        %add3A_2488 = arith.constant 15 : i32
        %add3A_2489 = arith.addi %mul3A_2487, %add3A_2488 : i32
        %get3A_2490 = arith.index_cast %add3A_2489 : i32 to index
        %get3A_2491 = arith.constant 0 : index
        %get3A_2492 = tpu.vector_load %arg10[%get3A_2490, %get3A_2491] {strides = array<i32>} : memref<1280x32xf32, #tpu.memory_space<vmem>>, vector<1x16xf32>,
        %get3A_2493 = vector.shape_cast %get3A_2492 : vector<1x16xf32> to vector<16xf32>
        %add3A_2494 = arith.addf %add3A_2430, %get3A_2493 : vector<16xf32>
        %get3A_2495 = arith.index_cast %add3A_2489 : i32 to index
        %get3A_2496 = arith.constant 16 : index
        %get3A_2497 = tpu.vector_load %arg10[%get3A_2495, %get3A_2496] {strides = array<i32>} : memref<1280x32xf32, #tpu.memory_space<vmem>>, vector<1x16xf32>,
        %get3A_2498 = vector.shape_cast %get3A_2497 : vector<1x16xf32> to vector<16xf32>
        %add3A_2499 = arith.addf %add3A_2435, %get3A_2498 : vector<16xf32>
        %add3A_2500 = arith.constant 3 : i32
        %add3A_2501 = arith.addi %mul3A_1507, %add3A_2500 : i32
        %mul3A_2502 = arith.constant 20 : i32
        %mul3A_2503 = arith.muli %add3A_2501, %mul3A_2502 : i32
        %add3A_2504 = arith.constant 15 : i32
        %add3A_2505 = arith.addi %mul3A_2503, %add3A_2504 : i32
        %get3A_2506 = arith.index_cast %add3A_2505 : i32 to index
        %get3A_2507 = arith.constant 0 : index
        %get3A_2508 = tpu.vector_load %arg10[%get3A_2506, %get3A_2507] {strides = array<i32>} : memref<1280x32xf32, #tpu.memory_space<vmem>>, vector<1x16xf32>,
        %get3A_2509 = vector.shape_cast %get3A_2508 : vector<1x16xf32> to vector<16xf32>
        %add3A_2510 = arith.addf %add3A_2446, %get3A_2509 : vector<16xf32>
        %get3A_2511 = arith.index_cast %add3A_2505 : i32 to index
        %get3A_2512 = arith.constant 16 : index
        %get3A_2513 = tpu.vector_load %arg10[%get3A_2511, %get3A_2512] {strides = array<i32>} : memref<1280x32xf32, #tpu.memory_space<vmem>>, vector<1x16xf32>,
        %get3A_2514 = vector.shape_cast %get3A_2513 : vector<1x16xf32> to vector<16xf32>
        %add3A_2515 = arith.addf %add3A_2451, %get3A_2514 : vector<16xf32>
        %add3A_2516 = arith.constant 0 : i32
        %add3A_2517 = arith.addi %mul3A_1507, %add3A_2516 : i32
        %mul3A_2518 = arith.constant 20 : i32
        %mul3A_2519 = arith.muli %add3A_2517, %mul3A_2518 : i32
        %add3A_2520 = arith.constant 16 : i32
        %add3A_2521 = arith.addi %mul3A_2519, %add3A_2520 : i32
        %get3A_2522 = arith.index_cast %add3A_2521 : i32 to index
        %get3A_2523 = arith.constant 0 : index
        %get3A_2524 = tpu.vector_load %arg10[%get3A_2522, %get3A_2523] {strides = array<i32>} : memref<1280x32xf32, #tpu.memory_space<vmem>>, vector<1x16xf32>,
        %get3A_2525 = vector.shape_cast %get3A_2524 : vector<1x16xf32> to vector<16xf32>
        %add3A_2526 = arith.addf %add3A_2462, %get3A_2525 : vector<16xf32>
        %get3A_2527 = arith.index_cast %add3A_2521 : i32 to index
        %get3A_2528 = arith.constant 16 : index
        %get3A_2529 = tpu.vector_load %arg10[%get3A_2527, %get3A_2528] {strides = array<i32>} : memref<1280x32xf32, #tpu.memory_space<vmem>>, vector<1x16xf32>,
        %get3A_2530 = vector.shape_cast %get3A_2529 : vector<1x16xf32> to vector<16xf32>
        %add3A_2531 = arith.addf %add3A_2467, %get3A_2530 : vector<16xf32>
        %add3A_2532 = arith.constant 1 : i32
        %add3A_2533 = arith.addi %mul3A_1507, %add3A_2532 : i32
        %mul3A_2534 = arith.constant 20 : i32
        %mul3A_2535 = arith.muli %add3A_2533, %mul3A_2534 : i32
        %add3A_2536 = arith.constant 16 : i32
        %add3A_2537 = arith.addi %mul3A_2535, %add3A_2536 : i32
        %get3A_2538 = arith.index_cast %add3A_2537 : i32 to index
        %get3A_2539 = arith.constant 0 : index
        %get3A_2540 = tpu.vector_load %arg10[%get3A_2538, %get3A_2539] {strides = array<i32>} : memref<1280x32xf32, #tpu.memory_space<vmem>>, vector<1x16xf32>,
        %get3A_2541 = vector.shape_cast %get3A_2540 : vector<1x16xf32> to vector<16xf32>
        %add3A_2542 = arith.addf %add3A_2478, %get3A_2541 : vector<16xf32>
        %get3A_2543 = arith.index_cast %add3A_2537 : i32 to index
        %get3A_2544 = arith.constant 16 : index
        %get3A_2545 = tpu.vector_load %arg10[%get3A_2543, %get3A_2544] {strides = array<i32>} : memref<1280x32xf32, #tpu.memory_space<vmem>>, vector<1x16xf32>,
        %get3A_2546 = vector.shape_cast %get3A_2545 : vector<1x16xf32> to vector<16xf32>
        %add3A_2547 = arith.addf %add3A_2483, %get3A_2546 : vector<16xf32>
        %add3A_2548 = arith.constant 2 : i32
        %add3A_2549 = arith.addi %mul3A_1507, %add3A_2548 : i32
        %mul3A_2550 = arith.constant 20 : i32
        %mul3A_2551 = arith.muli %add3A_2549, %mul3A_2550 : i32
        %add3A_2552 = arith.constant 16 : i32
        %add3A_2553 = arith.addi %mul3A_2551, %add3A_2552 : i32
        %get3A_2554 = arith.index_cast %add3A_2553 : i32 to index
        %get3A_2555 = arith.constant 0 : index
        %get3A_2556 = tpu.vector_load %arg10[%get3A_2554, %get3A_2555] {strides = array<i32>} : memref<1280x32xf32, #tpu.memory_space<vmem>>, vector<1x16xf32>,
        %get3A_2557 = vector.shape_cast %get3A_2556 : vector<1x16xf32> to vector<16xf32>
        %add3A_2558 = arith.addf %add3A_2494, %get3A_2557 : vector<16xf32>
        %get3A_2559 = arith.index_cast %add3A_2553 : i32 to index
        %get3A_2560 = arith.constant 16 : index
        %get3A_2561 = tpu.vector_load %arg10[%get3A_2559, %get3A_2560] {strides = array<i32>} : memref<1280x32xf32, #tpu.memory_space<vmem>>, vector<1x16xf32>,
        %get3A_2562 = vector.shape_cast %get3A_2561 : vector<1x16xf32> to vector<16xf32>
        %add3A_2563 = arith.addf %add3A_2499, %get3A_2562 : vector<16xf32>
        %add3A_2564 = arith.constant 3 : i32
        %add3A_2565 = arith.addi %mul3A_1507, %add3A_2564 : i32
        %mul3A_2566 = arith.constant 20 : i32
        %mul3A_2567 = arith.muli %add3A_2565, %mul3A_2566 : i32
        %add3A_2568 = arith.constant 16 : i32
        %add3A_2569 = arith.addi %mul3A_2567, %add3A_2568 : i32
        %get3A_2570 = arith.index_cast %add3A_2569 : i32 to index
        %get3A_2571 = arith.constant 0 : index
        %get3A_2572 = tpu.vector_load %arg10[%get3A_2570, %get3A_2571] {strides = array<i32>} : memref<1280x32xf32, #tpu.memory_space<vmem>>, vector<1x16xf32>,
        %get3A_2573 = vector.shape_cast %get3A_2572 : vector<1x16xf32> to vector<16xf32>
        %add3A_2574 = arith.addf %add3A_2510, %get3A_2573 : vector<16xf32>
        %get3A_2575 = arith.index_cast %add3A_2569 : i32 to index
        %get3A_2576 = arith.constant 16 : index
        %get3A_2577 = tpu.vector_load %arg10[%get3A_2575, %get3A_2576] {strides = array<i32>} : memref<1280x32xf32, #tpu.memory_space<vmem>>, vector<1x16xf32>,
        %get3A_2578 = vector.shape_cast %get3A_2577 : vector<1x16xf32> to vector<16xf32>
        %add3A_2579 = arith.addf %add3A_2515, %get3A_2578 : vector<16xf32>
        %add3A_2580 = arith.constant 0 : i32
        %add3A_2581 = arith.addi %mul3A_1507, %add3A_2580 : i32
        %mul3A_2582 = arith.constant 20 : i32
        %mul3A_2583 = arith.muli %add3A_2581, %mul3A_2582 : i32
        %add3A_2584 = arith.constant 17 : i32
        %add3A_2585 = arith.addi %mul3A_2583, %add3A_2584 : i32
        %get3A_2586 = arith.index_cast %add3A_2585 : i32 to index
        %get3A_2587 = arith.constant 0 : index
        %get3A_2588 = tpu.vector_load %arg10[%get3A_2586, %get3A_2587] {strides = array<i32>} : memref<1280x32xf32, #tpu.memory_space<vmem>>, vector<1x16xf32>,
        %get3A_2589 = vector.shape_cast %get3A_2588 : vector<1x16xf32> to vector<16xf32>
        %add3A_2590 = arith.addf %add3A_2526, %get3A_2589 : vector<16xf32>
        %get3A_2591 = arith.index_cast %add3A_2585 : i32 to index
        %get3A_2592 = arith.constant 16 : index
        %get3A_2593 = tpu.vector_load %arg10[%get3A_2591, %get3A_2592] {strides = array<i32>} : memref<1280x32xf32, #tpu.memory_space<vmem>>, vector<1x16xf32>,
        %get3A_2594 = vector.shape_cast %get3A_2593 : vector<1x16xf32> to vector<16xf32>
        %add3A_2595 = arith.addf %add3A_2531, %get3A_2594 : vector<16xf32>
        %add3A_2596 = arith.constant 1 : i32
        %add3A_2597 = arith.addi %mul3A_1507, %add3A_2596 : i32
        %mul3A_2598 = arith.constant 20 : i32
        %mul3A_2599 = arith.muli %add3A_2597, %mul3A_2598 : i32
        %add3A_2600 = arith.constant 17 : i32
        %add3A_2601 = arith.addi %mul3A_2599, %add3A_2600 : i32
        %get3A_2602 = arith.index_cast %add3A_2601 : i32 to index
        %get3A_2603 = arith.constant 0 : index
        %get3A_2604 = tpu.vector_load %arg10[%get3A_2602, %get3A_2603] {strides = array<i32>} : memref<1280x32xf32, #tpu.memory_space<vmem>>, vector<1x16xf32>,
        %get3A_2605 = vector.shape_cast %get3A_2604 : vector<1x16xf32> to vector<16xf32>
        %add3A_2606 = arith.addf %add3A_2542, %get3A_2605 : vector<16xf32>
        %get3A_2607 = arith.index_cast %add3A_2601 : i32 to index
        %get3A_2608 = arith.constant 16 : index
        %get3A_2609 = tpu.vector_load %arg10[%get3A_2607, %get3A_2608] {strides = array<i32>} : memref<1280x32xf32, #tpu.memory_space<vmem>>, vector<1x16xf32>,
        %get3A_2610 = vector.shape_cast %get3A_2609 : vector<1x16xf32> to vector<16xf32>
        %add3A_2611 = arith.addf %add3A_2547, %get3A_2610 : vector<16xf32>
        %add3A_2612 = arith.constant 2 : i32
        %add3A_2613 = arith.addi %mul3A_1507, %add3A_2612 : i32
        %mul3A_2614 = arith.constant 20 : i32
        %mul3A_2615 = arith.muli %add3A_2613, %mul3A_2614 : i32
        %add3A_2616 = arith.constant 17 : i32
        %add3A_2617 = arith.addi %mul3A_2615, %add3A_2616 : i32
        %get3A_2618 = arith.index_cast %add3A_2617 : i32 to index
        %get3A_2619 = arith.constant 0 : index
        %get3A_2620 = tpu.vector_load %arg10[%get3A_2618, %get3A_2619] {strides = array<i32>} : memref<1280x32xf32, #tpu.memory_space<vmem>>, vector<1x16xf32>,
        %get3A_2621 = vector.shape_cast %get3A_2620 : vector<1x16xf32> to vector<16xf32>
        %add3A_2622 = arith.addf %add3A_2558, %get3A_2621 : vector<16xf32>
        %get3A_2623 = arith.index_cast %add3A_2617 : i32 to index
        %get3A_2624 = arith.constant 16 : index
        %get3A_2625 = tpu.vector_load %arg10[%get3A_2623, %get3A_2624] {strides = array<i32>} : memref<1280x32xf32, #tpu.memory_space<vmem>>, vector<1x16xf32>,
        %get3A_2626 = vector.shape_cast %get3A_2625 : vector<1x16xf32> to vector<16xf32>
        %add3A_2627 = arith.addf %add3A_2563, %get3A_2626 : vector<16xf32>
        %add3A_2628 = arith.constant 3 : i32
        %add3A_2629 = arith.addi %mul3A_1507, %add3A_2628 : i32
        %mul3A_2630 = arith.constant 20 : i32
        %mul3A_2631 = arith.muli %add3A_2629, %mul3A_2630 : i32
        %add3A_2632 = arith.constant 17 : i32
        %add3A_2633 = arith.addi %mul3A_2631, %add3A_2632 : i32
        %get3A_2634 = arith.index_cast %add3A_2633 : i32 to index
        %get3A_2635 = arith.constant 0 : index
        %get3A_2636 = tpu.vector_load %arg10[%get3A_2634, %get3A_2635] {strides = array<i32>} : memref<1280x32xf32, #tpu.memory_space<vmem>>, vector<1x16xf32>,
        %get3A_2637 = vector.shape_cast %get3A_2636 : vector<1x16xf32> to vector<16xf32>
        %add3A_2638 = arith.addf %add3A_2574, %get3A_2637 : vector<16xf32>
        %get3A_2639 = arith.index_cast %add3A_2633 : i32 to index
        %get3A_2640 = arith.constant 16 : index
        %get3A_2641 = tpu.vector_load %arg10[%get3A_2639, %get3A_2640] {strides = array<i32>} : memref<1280x32xf32, #tpu.memory_space<vmem>>, vector<1x16xf32>,
        %get3A_2642 = vector.shape_cast %get3A_2641 : vector<1x16xf32> to vector<16xf32>
        %add3A_2643 = arith.addf %add3A_2579, %get3A_2642 : vector<16xf32>
        %add3A_2644 = arith.constant 0 : i32
        %add3A_2645 = arith.addi %mul3A_1507, %add3A_2644 : i32
        %mul3A_2646 = arith.constant 20 : i32
        %mul3A_2647 = arith.muli %add3A_2645, %mul3A_2646 : i32
        %add3A_2648 = arith.constant 18 : i32
        %add3A_2649 = arith.addi %mul3A_2647, %add3A_2648 : i32
        %get3A_2650 = arith.index_cast %add3A_2649 : i32 to index
        %get3A_2651 = arith.constant 0 : index
        %get3A_2652 = tpu.vector_load %arg10[%get3A_2650, %get3A_2651] {strides = array<i32>} : memref<1280x32xf32, #tpu.memory_space<vmem>>, vector<1x16xf32>,
        %get3A_2653 = vector.shape_cast %get3A_2652 : vector<1x16xf32> to vector<16xf32>
        %add3A_2654 = arith.addf %add3A_2590, %get3A_2653 : vector<16xf32>
        %get3A_2655 = arith.index_cast %add3A_2649 : i32 to index
        %get3A_2656 = arith.constant 16 : index
        %get3A_2657 = tpu.vector_load %arg10[%get3A_2655, %get3A_2656] {strides = array<i32>} : memref<1280x32xf32, #tpu.memory_space<vmem>>, vector<1x16xf32>,
        %get3A_2658 = vector.shape_cast %get3A_2657 : vector<1x16xf32> to vector<16xf32>
        %add3A_2659 = arith.addf %add3A_2595, %get3A_2658 : vector<16xf32>
        %add3A_2660 = arith.constant 1 : i32
        %add3A_2661 = arith.addi %mul3A_1507, %add3A_2660 : i32
        %mul3A_2662 = arith.constant 20 : i32
        %mul3A_2663 = arith.muli %add3A_2661, %mul3A_2662 : i32
        %add3A_2664 = arith.constant 18 : i32
        %add3A_2665 = arith.addi %mul3A_2663, %add3A_2664 : i32
        %get3A_2666 = arith.index_cast %add3A_2665 : i32 to index
        %get3A_2667 = arith.constant 0 : index
        %get3A_2668 = tpu.vector_load %arg10[%get3A_2666, %get3A_2667] {strides = array<i32>} : memref<1280x32xf32, #tpu.memory_space<vmem>>, vector<1x16xf32>,
        %get3A_2669 = vector.shape_cast %get3A_2668 : vector<1x16xf32> to vector<16xf32>
        %add3A_2670 = arith.addf %add3A_2606, %get3A_2669 : vector<16xf32>
        %get3A_2671 = arith.index_cast %add3A_2665 : i32 to index
        %get3A_2672 = arith.constant 16 : index
        %get3A_2673 = tpu.vector_load %arg10[%get3A_2671, %get3A_2672] {strides = array<i32>} : memref<1280x32xf32, #tpu.memory_space<vmem>>, vector<1x16xf32>,
        %get3A_2674 = vector.shape_cast %get3A_2673 : vector<1x16xf32> to vector<16xf32>
        %add3A_2675 = arith.addf %add3A_2611, %get3A_2674 : vector<16xf32>
        %add3A_2676 = arith.constant 2 : i32
        %add3A_2677 = arith.addi %mul3A_1507, %add3A_2676 : i32
        %mul3A_2678 = arith.constant 20 : i32
        %mul3A_2679 = arith.muli %add3A_2677, %mul3A_2678 : i32
        %add3A_2680 = arith.constant 18 : i32
        %add3A_2681 = arith.addi %mul3A_2679, %add3A_2680 : i32
        %get3A_2682 = arith.index_cast %add3A_2681 : i32 to index
        %get3A_2683 = arith.constant 0 : index
        %get3A_2684 = tpu.vector_load %arg10[%get3A_2682, %get3A_2683] {strides = array<i32>} : memref<1280x32xf32, #tpu.memory_space<vmem>>, vector<1x16xf32>,
        %get3A_2685 = vector.shape_cast %get3A_2684 : vector<1x16xf32> to vector<16xf32>
        %add3A_2686 = arith.addf %add3A_2622, %get3A_2685 : vector<16xf32>
        %get3A_2687 = arith.index_cast %add3A_2681 : i32 to index
        %get3A_2688 = arith.constant 16 : index
        %get3A_2689 = tpu.vector_load %arg10[%get3A_2687, %get3A_2688] {strides = array<i32>} : memref<1280x32xf32, #tpu.memory_space<vmem>>, vector<1x16xf32>,
        %get3A_2690 = vector.shape_cast %get3A_2689 : vector<1x16xf32> to vector<16xf32>
        %add3A_2691 = arith.addf %add3A_2627, %get3A_2690 : vector<16xf32>
        %add3A_2692 = arith.constant 3 : i32
        %add3A_2693 = arith.addi %mul3A_1507, %add3A_2692 : i32
        %mul3A_2694 = arith.constant 20 : i32
        %mul3A_2695 = arith.muli %add3A_2693, %mul3A_2694 : i32
        %add3A_2696 = arith.constant 18 : i32
        %add3A_2697 = arith.addi %mul3A_2695, %add3A_2696 : i32
        %get3A_2698 = arith.index_cast %add3A_2697 : i32 to index
        %get3A_2699 = arith.constant 0 : index
        %get3A_2700 = tpu.vector_load %arg10[%get3A_2698, %get3A_2699] {strides = array<i32>} : memref<1280x32xf32, #tpu.memory_space<vmem>>, vector<1x16xf32>,
        %get3A_2701 = vector.shape_cast %get3A_2700 : vector<1x16xf32> to vector<16xf32>
        %add3A_2702 = arith.addf %add3A_2638, %get3A_2701 : vector<16xf32>
        %get3A_2703 = arith.index_cast %add3A_2697 : i32 to index
        %get3A_2704 = arith.constant 16 : index
        %get3A_2705 = tpu.vector_load %arg10[%get3A_2703, %get3A_2704] {strides = array<i32>} : memref<1280x32xf32, #tpu.memory_space<vmem>>, vector<1x16xf32>,
        %get3A_2706 = vector.shape_cast %get3A_2705 : vector<1x16xf32> to vector<16xf32>
        %add3A_2707 = arith.addf %add3A_2643, %get3A_2706 : vector<16xf32>
        %add3A_2708 = arith.constant 0 : i32
        %add3A_2709 = arith.addi %mul3A_1507, %add3A_2708 : i32
        %mul3A_2710 = arith.constant 20 : i32
        %mul3A_2711 = arith.muli %add3A_2709, %mul3A_2710 : i32
        %add3A_2712 = arith.constant 19 : i32
        %add3A_2713 = arith.addi %mul3A_2711, %add3A_2712 : i32
        %get3A_2714 = arith.index_cast %add3A_2713 : i32 to index
        %get3A_2715 = arith.constant 0 : index
        %get3A_2716 = tpu.vector_load %arg10[%get3A_2714, %get3A_2715] {strides = array<i32>} : memref<1280x32xf32, #tpu.memory_space<vmem>>, vector<1x16xf32>,
        %get3A_2717 = vector.shape_cast %get3A_2716 : vector<1x16xf32> to vector<16xf32>
        %add3A_2718 = arith.addf %add3A_2654, %get3A_2717 : vector<16xf32>
        %get3A_2719 = arith.index_cast %add3A_2713 : i32 to index
        %get3A_2720 = arith.constant 16 : index
        %get3A_2721 = tpu.vector_load %arg10[%get3A_2719, %get3A_2720] {strides = array<i32>} : memref<1280x32xf32, #tpu.memory_space<vmem>>, vector<1x16xf32>,
        %get3A_2722 = vector.shape_cast %get3A_2721 : vector<1x16xf32> to vector<16xf32>
        %add3A_2723 = arith.addf %add3A_2659, %get3A_2722 : vector<16xf32>
        %add3A_2724 = arith.constant 1 : i32
        %add3A_2725 = arith.addi %mul3A_1507, %add3A_2724 : i32
        %mul3A_2726 = arith.constant 20 : i32
        %mul3A_2727 = arith.muli %add3A_2725, %mul3A_2726 : i32
        %add3A_2728 = arith.constant 19 : i32
        %add3A_2729 = arith.addi %mul3A_2727, %add3A_2728 : i32
        %get3A_2730 = arith.index_cast %add3A_2729 : i32 to index
        %get3A_2731 = arith.constant 0 : index
        %get3A_2732 = tpu.vector_load %arg10[%get3A_2730, %get3A_2731] {strides = array<i32>} : memref<1280x32xf32, #tpu.memory_space<vmem>>, vector<1x16xf32>,
        %get3A_2733 = vector.shape_cast %get3A_2732 : vector<1x16xf32> to vector<16xf32>
        %add3A_2734 = arith.addf %add3A_2670, %get3A_2733 : vector<16xf32>
        %get3A_2735 = arith.index_cast %add3A_2729 : i32 to index
        %get3A_2736 = arith.constant 16 : index
        %get3A_2737 = tpu.vector_load %arg10[%get3A_2735, %get3A_2736] {strides = array<i32>} : memref<1280x32xf32, #tpu.memory_space<vmem>>, vector<1x16xf32>,
        %get3A_2738 = vector.shape_cast %get3A_2737 : vector<1x16xf32> to vector<16xf32>
        %add3A_2739 = arith.addf %add3A_2675, %get3A_2738 : vector<16xf32>
        %add3A_2740 = arith.constant 2 : i32
        %add3A_2741 = arith.addi %mul3A_1507, %add3A_2740 : i32
        %mul3A_2742 = arith.constant 20 : i32
        %mul3A_2743 = arith.muli %add3A_2741, %mul3A_2742 : i32
        %add3A_2744 = arith.constant 19 : i32
        %add3A_2745 = arith.addi %mul3A_2743, %add3A_2744 : i32
        %get3A_2746 = arith.index_cast %add3A_2745 : i32 to index
        %get3A_2747 = arith.constant 0 : index
        %get3A_2748 = tpu.vector_load %arg10[%get3A_2746, %get3A_2747] {strides = array<i32>} : memref<1280x32xf32, #tpu.memory_space<vmem>>, vector<1x16xf32>,
        %get3A_2749 = vector.shape_cast %get3A_2748 : vector<1x16xf32> to vector<16xf32>
        %add3A_2750 = arith.addf %add3A_2686, %get3A_2749 : vector<16xf32>
        %get3A_2751 = arith.index_cast %add3A_2745 : i32 to index
        %get3A_2752 = arith.constant 16 : index
        %get3A_2753 = tpu.vector_load %arg10[%get3A_2751, %get3A_2752] {strides = array<i32>} : memref<1280x32xf32, #tpu.memory_space<vmem>>, vector<1x16xf32>,
        %get3A_2754 = vector.shape_cast %get3A_2753 : vector<1x16xf32> to vector<16xf32>
        %add3A_2755 = arith.addf %add3A_2691, %get3A_2754 : vector<16xf32>
        %add3A_2756 = arith.constant 3 : i32
        %add3A_2757 = arith.addi %mul3A_1507, %add3A_2756 : i32
        %mul3A_2758 = arith.constant 20 : i32
        %mul3A_2759 = arith.muli %add3A_2757, %mul3A_2758 : i32
        %add3A_2760 = arith.constant 19 : i32
        %add3A_2761 = arith.addi %mul3A_2759, %add3A_2760 : i32
        %get3A_2762 = arith.index_cast %add3A_2761 : i32 to index
        %get3A_2763 = arith.constant 0 : index
        %get3A_2764 = tpu.vector_load %arg10[%get3A_2762, %get3A_2763] {strides = array<i32>} : memref<1280x32xf32, #tpu.memory_space<vmem>>, vector<1x16xf32>,
        %get3A_2765 = vector.shape_cast %get3A_2764 : vector<1x16xf32> to vector<16xf32>
        %add3A_2766 = arith.addf %add3A_2702, %get3A_2765 : vector<16xf32>
        %get3A_2767 = arith.index_cast %add3A_2761 : i32 to index
        %get3A_2768 = arith.constant 16 : index
        %get3A_2769 = tpu.vector_load %arg10[%get3A_2767, %get3A_2768] {strides = array<i32>} : memref<1280x32xf32, #tpu.memory_space<vmem>>, vector<1x16xf32>,
        %get3A_2770 = vector.shape_cast %get3A_2769 : vector<1x16xf32> to vector<16xf32>
        %add3A_2771 = arith.addf %add3A_2707, %get3A_2770 : vector<16xf32>
        %add3A_2772 = arith.constant 0 : i32
        %add3A_2773 = arith.addi %mul3A_1507, %add3A_2772 : i32
        %swap3A_2774 = arith.index_cast %add3A_2773 : i32 to index
        %swap3A_2775 = arith.constant 0 : index
        %swap3A_2776 = tpu.vector_load %arg12[%swap3A_2774, %swap3A_2775] {strides = array<i32>} : memref<64x32xf32, #tpu.memory_space<vmem>>, vector<1x16xf32>,
        %swap3A_2777 = vector.shape_cast %swap3A_2776 : vector<1x16xf32> to vector<16xf32>
        %swap3A_2778 = vector.shape_cast %add3A_2718 : vector<16xf32> to vector<1x16xf32>
        tpu.vector_store %arg12[%swap3A_2774, %swap3A_2775], %swap3A_2778 {strides = array<i32>} : memref<64x32xf32, #tpu.memory_space<vmem>>, vector<1x16xf32>,
        %add3A_2779 = arith.constant 0 : i32
        %add3A_2780 = arith.addi %mul3A_1507, %add3A_2779 : i32
        %swap3A_2781 = arith.index_cast %add3A_2780 : i32 to index
        %swap3A_2782 = arith.constant 16 : index
        %swap3A_2783 = tpu.vector_load %arg12[%swap3A_2781, %swap3A_2782] {strides = array<i32>} : memref<64x32xf32, #tpu.memory_space<vmem>>, vector<1x16xf32>,
        %swap3A_2784 = vector.shape_cast %swap3A_2783 : vector<1x16xf32> to vector<16xf32>
        %swap3A_2785 = vector.shape_cast %add3A_2723 : vector<16xf32> to vector<1x16xf32>
        tpu.vector_store %arg12[%swap3A_2781, %swap3A_2782], %swap3A_2785 {strides = array<i32>} : memref<64x32xf32, #tpu.memory_space<vmem>>, vector<1x16xf32>,
        %add3A_2786 = arith.constant 1 : i32
        %add3A_2787 = arith.addi %mul3A_1507, %add3A_2786 : i32
        %swap3A_2788 = arith.index_cast %add3A_2787 : i32 to index
        %swap3A_2789 = arith.constant 0 : index
        %swap3A_2790 = tpu.vector_load %arg12[%swap3A_2788, %swap3A_2789] {strides = array<i32>} : memref<64x32xf32, #tpu.memory_space<vmem>>, vector<1x16xf32>,
        %swap3A_2791 = vector.shape_cast %swap3A_2790 : vector<1x16xf32> to vector<16xf32>
        %swap3A_2792 = vector.shape_cast %add3A_2734 : vector<16xf32> to vector<1x16xf32>
        tpu.vector_store %arg12[%swap3A_2788, %swap3A_2789], %swap3A_2792 {strides = array<i32>} : memref<64x32xf32, #tpu.memory_space<vmem>>, vector<1x16xf32>,
        %add3A_2793 = arith.constant 1 : i32
        %add3A_2794 = arith.addi %mul3A_1507, %add3A_2793 : i32
        %swap3A_2795 = arith.index_cast %add3A_2794 : i32 to index
        %swap3A_2796 = arith.constant 16 : index
        %swap3A_2797 = tpu.vector_load %arg12[%swap3A_2795, %swap3A_2796] {strides = array<i32>} : memref<64x32xf32, #tpu.memory_space<vmem>>, vector<1x16xf32>,
        %swap3A_2798 = vector.shape_cast %swap3A_2797 : vector<1x16xf32> to vector<16xf32>
        %swap3A_2799 = vector.shape_cast %add3A_2739 : vector<16xf32> to vector<1x16xf32>
        tpu.vector_store %arg12[%swap3A_2795, %swap3A_2796], %swap3A_2799 {strides = array<i32>} : memref<64x32xf32, #tpu.memory_space<vmem>>, vector<1x16xf32>,
        %add3A_2800 = arith.constant 2 : i32
        %add3A_2801 = arith.addi %mul3A_1507, %add3A_2800 : i32
        %swap3A_2802 = arith.index_cast %add3A_2801 : i32 to index
        %swap3A_2803 = arith.constant 0 : index
        %swap3A_2804 = tpu.vector_load %arg12[%swap3A_2802, %swap3A_2803] {strides = array<i32>} : memref<64x32xf32, #tpu.memory_space<vmem>>, vector<1x16xf32>,
        %swap3A_2805 = vector.shape_cast %swap3A_2804 : vector<1x16xf32> to vector<16xf32>
        %swap3A_2806 = vector.shape_cast %add3A_2750 : vector<16xf32> to vector<1x16xf32>
        tpu.vector_store %arg12[%swap3A_2802, %swap3A_2803], %swap3A_2806 {strides = array<i32>} : memref<64x32xf32, #tpu.memory_space<vmem>>, vector<1x16xf32>,
        %add3A_2807 = arith.constant 2 : i32
        %add3A_2808 = arith.addi %mul3A_1507, %add3A_2807 : i32
        %swap3A_2809 = arith.index_cast %add3A_2808 : i32 to index
        %swap3A_2810 = arith.constant 16 : index
        %swap3A_2811 = tpu.vector_load %arg12[%swap3A_2809, %swap3A_2810] {strides = array<i32>} : memref<64x32xf32, #tpu.memory_space<vmem>>, vector<1x16xf32>,
        %swap3A_2812 = vector.shape_cast %swap3A_2811 : vector<1x16xf32> to vector<16xf32>
        %swap3A_2813 = vector.shape_cast %add3A_2755 : vector<16xf32> to vector<1x16xf32>
        tpu.vector_store %arg12[%swap3A_2809, %swap3A_2810], %swap3A_2813 {strides = array<i32>} : memref<64x32xf32, #tpu.memory_space<vmem>>, vector<1x16xf32>,
        %add3A_2814 = arith.constant 3 : i32
        %add3A_2815 = arith.addi %mul3A_1507, %add3A_2814 : i32
        %swap3A_2816 = arith.index_cast %add3A_2815 : i32 to index
        %swap3A_2817 = arith.constant 0 : index
        %swap3A_2818 = tpu.vector_load %arg12[%swap3A_2816, %swap3A_2817] {strides = array<i32>} : memref<64x32xf32, #tpu.memory_space<vmem>>, vector<1x16xf32>,
        %swap3A_2819 = vector.shape_cast %swap3A_2818 : vector<1x16xf32> to vector<16xf32>
        %swap3A_2820 = vector.shape_cast %add3A_2766 : vector<16xf32> to vector<1x16xf32>
        tpu.vector_store %arg12[%swap3A_2816, %swap3A_2817], %swap3A_2820 {strides = array<i32>} : memref<64x32xf32, #tpu.memory_space<vmem>>, vector<1x16xf32>,
        %add3A_2821 = arith.constant 3 : i32
        %add3A_2822 = arith.addi %mul3A_1507, %add3A_2821 : i32
        %swap3A_2823 = arith.index_cast %add3A_2822 : i32 to index
        %swap3A_2824 = arith.constant 16 : index
        %swap3A_2825 = tpu.vector_load %arg12[%swap3A_2823, %swap3A_2824] {strides = array<i32>} : memref<64x32xf32, #tpu.memory_space<vmem>>, vector<1x16xf32>,
        %swap3A_2826 = vector.shape_cast %swap3A_2825 : vector<1x16xf32> to vector<16xf32>
        %swap3A_2827 = vector.shape_cast %add3A_2771 : vector<16xf32> to vector<1x16xf32>
        tpu.vector_store %arg12[%swap3A_2823, %swap3A_2824], %swap3A_2827 {strides = array<i32>} : memref<64x32xf32, #tpu.memory_space<vmem>>, vector<1x16xf32>,
      }
      %scan3A_1501 = arith.constant 16 : i32
      %mul3A_1502 = arith.constant 64 : i32
      %mul3A_1503 = arith.muli %add3A_1489, %mul3A_1502 : i32
      %add3A_1504 = arith.addi %mul3A_2, %mul3A_1503 : i32
      "tpu.region"() ({
        %run_scoped3A = tpu.sem_alloc : memref<!tpu.dma_semaphore, #tpu.memory_space<semaphore_mem>>
        %dma_start3A_1505 = arith.constant 0 : i32
        %dma_start3A_1506 = tpu.memref_slice %arg4[%add3A_1504, %dma_start3A_1505] : memref<106496x32xf32, #tpu.memory_space<hbm>> -> memref<64x32xf32, #tpu.memory_space<hbm>>
        %dma_start3A_1507 = arith.constant 0 : i32
        %dma_start3A_1508 = tpu.memref_slice %arg4[%add3A_1504, %dma_start3A_1507] : memref<106496x32xf32, #tpu.memory_space<hbm>> -> memref<64x32xf32, #tpu.memory_space<hbm>>
        tpu.enqueue_dma source(%arg12 : memref<64x32xf32, #tpu.memory_space<vmem>>) target(%dma_start3A_1508 : memref<64x32xf32, #tpu.memory_space<hbm>>) target_semaphore(%run_scoped3A : memref<!tpu.dma_semaphore, #tpu.memory_space<semaphore_mem>>)
        %dma_wait3A_1509 = arith.constant 0 : i32
        %dma_wait3A_1510 = tpu.memref_slice %arg4[%add3A_1504, %dma_wait3A_1509] : memref<106496x32xf32, #tpu.memory_space<hbm>> -> memref<64x32xf32, #tpu.memory_space<hbm>>
        %dma_wait3A_1511 = arith.constant 0 : i32
        %dma_wait3A_1512 = tpu.memref_slice %arg4[%add3A_1504, %dma_wait3A_1511] : memref<106496x32xf32, #tpu.memory_space<hbm>> -> memref<64x32xf32, #tpu.memory_space<hbm>>
        tpu.wait_dma2 semaphore(%run_scoped3A : memref<!tpu.dma_semaphore, #tpu.memory_space<semaphore_mem>>) src(%arg12 : memref<64x32xf32, #tpu.memory_space<vmem>>) dst(%dma_wait3A_1512 : memref<64x32xf32, #tpu.memory_space<hbm>>)
        tpu.yield
      }) : () -> ()
    }
    %scan3A_734 = arith.constant 26 : i32
    return
  }
}

</mosaic_0001>

<sc_bundles>
// kernel: kernel.3.cloned.1.call-start
scs
__scs_entry_jumppad:
0x0: {  	(pc) =	sbr.rel $0x88, $3  }
0x1: {  	(tag) =	ssettag $0x0;
	lr =	simm.s32 $0x1  }
0x2: {  	[smem:$0x3F9F] =	sst lr;
	_ =	strace $0xD0000000  }
0x3: {  	_ = 	snop  }
0x4: {  	_ = 	snop  }
0x5: {  	_ = 	snop  }
0x6: {  	_ = 	snop  }
0x7: {  	_ = 	snop  }
__scs_overlays_trampoline_lowered:
0x8: {  	[smem:$0x3FAE] =	sst s0  }
0x9: {  	[smem:$0x3FAF] =	sst s1  }
0xa: {  	[smem:$0x3FB0] =	sst s2  }
0xb: {  	[smem:$0x3FB1] =	sst s3  }
0xc: {  	[smem:$0x3FB2] =	sst s4  }
0xd: {  	[smem:$0x3FB3] =	sst s5  }
0xe: {  	[smem:$0x3FB4] =	sst s6  }
0xf: {  	[smem:$0x3FB5] =	sst s7  }
0x10: {  	[smem:$0x3FB6] =	sst s8  }
0x11: {  	[smem:$0x3FB7] =	sst s9;
	s0 =	simm.s32 @!p0 $0x0  }
0x12: {  	s1 =	sld [smem:$0x3F9D];
	s0 =	simm.s32 @p0 $0x1  }
0x13: {  	[smem:$0x3FB8] =	sst s0;
	s0 =	simm.s32 @!p1 $0x0  }
0x14: {  	s2 =	sld [smem:$0x3F9C];
	s0 =	simm.s32 @p1 $0x1  }
0x15: {  	[smem:$0x3FB9] =	sst s0;
	s0 =	simm.s32 @!p2 $0x0  }
0x16: {  	s3 =	sld [smem:$0x3FDB];
	s0 =	simm.s32 @p2 $0x1  }
0x17: {  	s4 =	simm.s32 $0x1BF5;
	[smem:$0x3FBB] =	sst s0  }
0x18: {  	s0 =	sld [smem:$0x3F9E];
	_ =	swait.ge [sflag:s4], $0x0  }
0x19: {  	s7 =	sld [smem:$0x3F9F]  }
0x1a: {  	s8 =	sadd.s32 $0xFFFFE003, lr  }
0x1b: {  	s9 =	sadd.s32 $0xFFFFFEF7, lr;
	s5 =	simm.s32 $0xFFFFFFFF;
	p2 =	slt.u32 s8, $0xFFFFF086  }
0x1c: {  	p1 =	slt.u32 s9, $0xF7A;
	s5 =	simm.s32 @!p2 $0x0  }
0x1d: {  	s5 =	simm.s32 @p1 $0x1;
	p0 =	seq.s32 s7, s2  }
0x1e: {  	s7 =	smul.u32 @!p0 $0xF7A, s2;
	p2 =	seq.s32 @!p0 s5, $0x0  }
0x1f: {  	s9 =	smul.u32 $0xF7A, s1;
	s8 =	simm.s32 @!p0 $0x1BF5;
	p2 =	por !p2, p0  }
0x20: {  	[sflag:s8] =	ssyncset.s32 @!p0 $0xFFFFF086;
	s6 =	sadd.s32 @!p0 s3, s7;
	s7 =	simm.s32 @!p0 $0x108  }
0x21: {  	s3 =	sadd.s32 s3, s9;
	s6 =	sadd.s32 @!p0 $0x88, s6;
	s7 =	simm.s32 @p2 $0x1082  }
0x22: {  	[simem:s7], [sflag:s8] =	dma.local @!p0 [hbm:s6], $0xF7A  }
0x23: {  	s9 =	sor.u32 $0xD0000000, s2;
	s6 =	simm.s32 $0x108;
	_ =	swait.ge @!p0 [sflag:s8], $0x0  }
0x24: {  	s3 =	sadd.s32 $0x88, s3;
	s6 =	simm.s32 @!p1 $0x1082;
	[sflag:s4] =	ssyncset.s32 $0xFFFFF086  }
0x25: {  	[simem:s6], [sflag:s4] =	dma.local [hbm:s3], $0xF7A  }
0x26: {  	[smem:$0x3F9F] =	sst s1;
	(tag) =	ssettag s2;
	_ =	strace s9  }
0x27: {  	s1 =	sld [smem:$0x3FAF]  }
0x28: {  	s2 =	sld [smem:$0x3FB0]  }
0x29: {  	s4 =	sld [smem:$0x3FB2]  }
0x2a: {  	p0 =	seq.s32 s5, $0x0;
	s5 =	sld [smem:$0x3FB3]  }
0x2b: {  	s6 =	sld [smem:$0x3FB4]  }
0x2c: {  	s7 =	sld [smem:$0x3FB5]  }
0x2d: {  	s3 =	simm.s32 $0x108;
	s8 =	sld [smem:$0x3FB6]  }
0x2e: {  	s3 =	simm.s32 @!p0 $0x1082;
	s9 =	sld [smem:$0x3FB7]  }
0x2f: {  	lr =	sadd.s32 s0, s3;
	s0 =	sld [smem:$0x3FAE]  }
0x30: {  	s3 =	sld [smem:$0x3FB1]  }
0x31: {  	[smem:$0x3FBA] =	sst s10  }
0x32: {  	s10 =	sld [smem:$0x3FB8];
	_ =	sdelay $0x3  }
0x33: {  	p0 =	seq.s32 s10, $0x1;
	s10 =	sld [smem:$0x3FBA];
	_ =	sdelay $0x3  }
0x34: {  	[smem:$0x3FBA] =	sst s10  }
0x35: {  	s10 =	sld [smem:$0x3FB9];
	_ =	sdelay $0x3  }
0x36: {  	p1 =	seq.s32 s10, $0x1;
	s10 =	sld [smem:$0x3FBA];
	_ =	sdelay $0x3  }
0x37: {  	[smem:$0x3FBA] =	sst s10  }
0x38: {  	s10 =	sld [smem:$0x3FBB]  }
0x39: {  	_ = 	snop;
	(pc) =	sbr.ind lr, $3  }
0x3a: {  	_ = 	snop  }
0x3b: {  	_ = 	snop  }
0x3c: {  	p2 =	seq.s32 s10, $0x1;
	s10 =	sld [smem:$0x3FBA]  }
0x3d: {  	_ =	shalt  }
0x3e: {  	_ =	shalt  }
0x3f: {  	_ =	shalt  }
0x40: {  	_ =	shalt  }
0x41: {  	_ =	shalt  }
0x42: {  	_ =	shalt  }
0x43: {  	_ =	shalt  }
0x44: {  	_ =	shalt  }
0x45: {  	_ =	shalt  }
0x46: {  	_ =	shalt  }
0x47: {  	_ =	shalt  }
0x48: {  	_ =	shalt  }
0x49: {  	_ =	shalt  }
0x4a: {  	_ =	shalt  }
0x4b: {  	_ =	shalt  }
0x4c: {  	_ =	shalt  }
0x4d: {  	_ =	shalt  }
0x4e: {  	_ =	shalt  }
0x4f: {  	_ =	shalt  }
0x50: {  	_ =	shalt  }
0x51: {  	_ =	shalt  }
0x52: {  	_ =	shalt  }
0x53: {  	_ =	shalt  }
0x54: {  	_ =	shalt  }
0x55: {  	_ =	shalt  }
0x56: {  	_ =	shalt  }
0x57: {  	_ =	shalt  }
0x58: {  	_ =	shalt  }
0x59: {  	_ =	shalt  }
0x5a: {  	_ =	shalt  }
0x5b: {  	_ =	shalt  }
0x5c: {  	_ =	shalt  }
0x5d: {  	_ =	shalt  }
0x5e: {  	_ =	shalt  }
0x5f: {  	_ =	shalt  }
0x60: {  	_ =	shalt  }
0x61: {  	_ =	shalt  }
0x62: {  	_ =	shalt  }
0x63: {  	_ =	shalt  }
0x64: {  	_ =	shalt  }
0x65: {  	_ =	shalt  }
0x66: {  	_ =	shalt  }
0x67: {  	_ =	shalt  }
0x68: {  	_ =	shalt  }
0x69: {  	_ =	shalt  }
0x6a: {  	_ =	shalt  }
0x6b: {  	_ =	shalt  }
0x6c: {  	_ =	shalt  }
0x6d: {  	_ =	shalt  }
0x6e: {  	_ =	shalt  }
0x6f: {  	_ =	shalt  }
0x70: {  	_ =	shalt  }
0x71: {  	_ =	shalt  }
0x72: {  	_ =	shalt  }
0x73: {  	_ =	shalt  }
0x74: {  	_ =	shalt  }
0x75: {  	_ =	shalt  }
0x76: {  	_ =	shalt  }
0x77: {  	_ =	shalt  }
0x78: {  	_ =	shalt  }
0x79: {  	_ =	shalt  }
0x7a: {  	_ =	shalt  }
0x7b: {  	_ =	shalt  }
0x7c: {  	_ =	shalt  }
0x7d: {  	_ =	shalt  }
0x7e: {  	_ =	shalt  }
0x7f: {  	_ =	shalt  }
0x80: {  	_ =	shalt  }
0x81: {  	_ =	shalt  }
0x82: {  	_ =	shalt  }
0x83: {  	_ =	shalt  }
0x84: {  	_ =	shalt  }
0x85: {  	_ =	shalt  }
0x86: {  	_ =	shalt  }
0x87: {  	_ =	shalt  }
.Lfunc_end0:
.L_simem_size_0:
called_computation_lowered:
.L_overlay_start_0:
0x88: {  	s2 =	sld [smem:$0x3FD9]  }
0x89: {  	s3 =	sld [smem:$0x3FFE];
	_ =	sdelay $0x1  }
0x8a: {  	s1 =	srdreg.scid  }
0x8b: {  	s0 =	sand.u32 $0x1, s1  }
0x8c: {  	s17 =	sshll.u32 s0, $0xA;
	s2 =	sadd.s32 s3, s2  }
0x8d: {  	s2 =	sadd.s32 s2, s17  }
0x8e: {  	[smem:$0x3FC6] =	sst s2  }
0x8f: {  	_ = 	snop  }
0x90: {  	s2 =	sld [smem:$0x3FC8]  }
0x91: {  	s18 =	sld [smem:$0x3FD0];
	(tm) =	ssettm $0x1  }
0x92: {  	s4 =	sld [smem:$0x3FFB];
	_ =	sdelay $0x3  }
0x93: {  	_ =	strace s4  }
0x94: {  	s4 =	sld [smem:$0x3FFC];
	_ =	sdelay $0x3  }
0x95: {  	_ =	strace s4  }
0x96: {  	s4 =	sld [smem:$0x3FFD];
	_ =	sdelay $0x3  }
0x97: {  	_ =	strace s4  }
0x98: {  	_ =	strace $0x8FFFFFFF  }
0x99: {  	s19 =	sld [smem:$0x3FDB];
	_ =	sdelay $0x1  }
0x9a: {  	s5 =	simm.s32 $_scs_section_size  }
0x9b: {  	s6 =	simm.s32 $_size__tile_overlayer_lowered;
	s7 =	simm.s32 $_tile_overlayer_lowered  }
0x9c: {  	s22 =	simm.s32 $0x1BFF;
	s21 =	sshll.u32 s7, $0x1;
	s4 =	sadd.s32 s5, s19  }
0x9d: {  	s8 =	simm.s32 $0x0;
	s20 =	sshll.u32 s6, $0x1;
	s6 =	sadd.s32 s21, s4  }
0x9e: {  	[timem:s8], [sflag:s22] =	dma.local [hbm:s6], s20  }
0x9f: {  	_ =	swait.ge [sflag:s22], s20  }
0xa0: {  	s5 =	ssub.s32 $0x0, s20;
	[sflag:s22] =	ssyncset.done $0x0  }
0xa1: {  	[sflag:s22] =	ssyncadd.s32 s5;
	_ =	sdelay $0x1  }
0xa2: {  	s23 =	simm.s32 $0x1B8B  }
0xa3: {  	_ =	swait.ge [sflag:s23], $0x1  }
0xa4: {  	[sflag:s23] =	ssyncset.done $0x0  }
0xa5: {  	s25 =	simm.s32 $0x1B8E;
	s24 =	sld [smem:$0x3FFE];
	[sflag:s23] =	ssyncadd.s32 $0xFFFFFFFF  }
0xa6: {  	s26 =	simm.s32 $execute0_lowered;
	[smem:$0x3FD2] =	sst s25  }
0xa7: {  	s6 =	sshll.u32 s26, $0x1;
	_ =	strace $0x80000046;
	[dreg:$0x1] =	wrdreg $0xFFFFFFFF  }
0xa8: {  	s28 =	simm.s32 $_size_execute0_lowered;
	s4 =	sadd.s32 s4, s6;
	[dreg:$0x0] =	wrdreg $0x0  }
0xa9: {  	s6 =	sshll.u32 s28, $0x1;
	[dreg:$0x2] =	wrdreg s4  }
0xaa: {  	[dreg:$0x3] =	wrdreg s6  }
0xab: {  	[dreg:$0x4] =	wrdreg $0xC0  }
0xac: {  	_ =	task [dreg:s8], $0x5FFFF  }
0xad: {  	[dreg:$0x1] =	wrdreg $0xFFFFFFFF  }
0xae: {  	[dreg:$0x0] =	wrdreg $0x60  }
0xaf: {  	[dreg:$0x2] =	wrdreg s24  }
0xb0: {  	[dreg:$0x3] =	wrdreg s2  }
0xb1: {  	[dreg:$0x4] =	wrdreg s18  }
0xb2: {  	[dreg:$0x5] =	wrdreg $0x9  }
0xb3: {  	_ =	task.clear_ibuf [dreg:s8], $0x6FFFF;
	_ =	strace $0x90000046  }
0xb4: {  	s29 =	simm.s32 $0x9;
	_ =	strace $0x80000048  }
0xb5: {  	_ =	swait.ge [sflag:s29], $0x1  }
0xb6: {  	[sflag:s29] =	ssyncadd.s32 $0xFFFFFFFF  }
0xb7: {  	_ =	strace $0x90000048  }
0xb8: {  	_ =	sfence  }
0xb9: {  	s30 =	sld [smem:$0x0];
	_ =	sdelay $0x2  }
0xba: {  	s31 =	sshll.u32 s1, $0xD;
	s1 =	sshrl.u32 s1, $0x2  }
0xbb: {  	s3 =	sand.u32 $0x4000, s31;
	s1 =	sadd.s32 s1, s30  }
0xbc: {  	s0 =	sor.u32 s3, s0;
	s1 =	sshll.u32 s1, $0x11  }
0xbd: {  	s0 =	sor.u32 s1, s0  }
0xbe: {  	s0 =	sadd.s32 $0x8F2B, s0  }
0xbf: {  	[sflag:s0] =	ssyncadd.remote.s32 $0x1  }
0xc0: {  	_ =	sfence.sel $0xFFFF  }
0xc1: {  	[dreg:$0x0] =	wrdreg $0xFFFFFFFF;
	(pc) =	sbr.abs _section_cstart, $3  }
0xc2: {  	[dreg:$0x1] =	wrdreg $0xFFFFFFFF  }
0xc3: {  	_ =	task.clear_ibuf [dreg:s8], $0x2FFFF;
	_ =	strace $0x9FFFFFFF  }
0xc4: {  	(tm) =	ssettm $0x7FFFFFFF  }
0xc5: {  	_ =	shalt  }
tec
execute0_lowered:
.L_overlay_start_1:
0x0: {  	(tag) =	ssettag $0x1  }
0x1: {  	s6 =	rddreg [dreg:$0x0]  }
0x2: {  	s2 =	rddreg [dreg:$0x1];
	s1 =	srdreg.scid  }
0x3: {  	s0 =	stileid.u32;
	s3 =	rddreg [dreg:$0x2]  }
0x4: {  	s4 =	simm.s32 $0x0;
	s13 =	simm.s32 $0xA00;
	s14 =	simm.s32 $0x1400  }
0x5: {  	s15 =	simm.s32 $0xF00;
	s7 =	sand.u32 $0x1, s1;
	s5 =	sshll.u32 s0, $0x1  }
0x6: {  	s16 =	simm.s32 $0xB400;
	s17 =	simm.s32 $0x1;
	s8 =	sor.u32 s7, s5  }
0x7: {  	s18 =	simm.s32 $0x15400;
	s1 =	rddreg [dreg:$0x3];
	s5 =	smul.u32 $0xD00, s8  }
0x8: {  	s20 =	simm.s32 $0x15C00;
	s21 =	simm.s32 $0x0;
	[smem:$0x7FF] =	sst s4  }
0x9: {  	s7 =	ssub.s32 $0x2, s7;
	s11 =	smul.u32 $0x2080, s8;
	s10 =	sshrl.u32 s5, $0xC  }
0xa: {  	s6 =	sadd.s32 $0x27AC800, s6;
	s9 =	sshrl.u32 s7, $0x1;
	s19 =	smul.u32 $0x186A0, s10  }
0xb: {  	_ =	strace $0x80000047;
	s8 =	smul.u32 $0x1A000, s8;
	s12 =	ssub.s32 s7, s9  }
0xc: {  	s7 =	sadd.s32 s2, s11;
	s9 =	sor.u32 $0x80, s5;
	s11 =	simm.s32 $0x3;
	v0 =	vmov s19  }
0xd: {  	s10 =	smax.u32 s12, $0x1;
	s12 =	simm.s32 $0x500;
	s19 =	simm.s32 $0x2;
	[tilespmem:$0x1FFF0] =	vst v0  }
.LBB2_1:
0xe: {  	[tilespmem:s4], [sflag:$0x3] =	stream.linear.gather [hbm4b:s7+s4], $0x500, $0x38;
	[tilespmem:$0x16400] =	vst v63  }
0xf: {  	_ =	swait.ge [sflag:s11], $0x500  }
0x10: {  	[sflag:s11] =	ssyncset.done $0x0  }
0x11: {  	v0 =	vld [tilespmem:$0x1FFF0];
	[sflag:s11] =	ssyncadd.s32 $0xFFFFFB00  }
0x12: {  	v1 =	vld [tilespmem:$0x0]  }
0x13: {  	v2 =	vld [tilespmem:$0x10]  }
0x14: {  	v3 =	vld [tilespmem:$0x20]  }
0x15: {  	v4 =	vld [tilespmem:$0x30]  }
0x16: {  	v5 =	vld [tilespmem:$0x40]  }
0x17: {  	v6 =	vld [tilespmem:$0x50];
	v1 =	vadd.s32 v0, v1  }
0x18: {  	v23 =	vld [tilespmem:$0x60];
	v22 =	vadd.s32 v0, v2;
	[tilespmem:$0xA00] =	vst v1  }
0x19: {  	v25 =	vld [tilespmem:$0x70];
	v24 =	vadd.s32 v0, v3;
	[tilespmem:$0xA10] =	vst v22  }
0x1a: {  	v27 =	vld [tilespmem:$0x80];
	v26 =	vadd.s32 v0, v4;
	[tilespmem:$0xA20] =	vst v24  }
0x1b: {  	v29 =	vld [tilespmem:$0x90];
	v28 =	vadd.s32 v0, v5;
	[tilespmem:$0xA30] =	vst v26  }
0x1c: {  	v31 =	vld [tilespmem:$0xA0];
	v30 =	vadd.s32 v0, v6;
	[tilespmem:$0xA40] =	vst v28  }
0x1d: {  	v33 =	vld [tilespmem:$0xB0];
	v32 =	vadd.s32 v0, v23;
	[tilespmem:$0xA50] =	vst v30  }
0x1e: {  	v35 =	vld [tilespmem:$0xC0];
	v34 =	vadd.s32 v0, v25;
	[tilespmem:$0xA60] =	vst v32  }
0x1f: {  	v37 =	vld [tilespmem:$0xD0];
	v36 =	vadd.s32 v0, v27;
	[tilespmem:$0xA70] =	vst v34  }
0x20: {  	v39 =	vld [tilespmem:$0xE0];
	v38 =	vadd.s32 v0, v29;
	[tilespmem:$0xA80] =	vst v36  }
0x21: {  	v41 =	vld [tilespmem:$0xF0];
	v40 =	vadd.s32 v0, v31;
	[tilespmem:$0xA90] =	vst v38  }
0x22: {  	v43 =	vld [tilespmem:$0x100];
	v42 =	vadd.s32 v0, v33;
	[tilespmem:$0xAA0] =	vst v40  }
0x23: {  	v45 =	vld [tilespmem:$0x110];
	v44 =	vadd.s32 v0, v35;
	[tilespmem:$0xAB0] =	vst v42  }
0x24: {  	v47 =	vld [tilespmem:$0x120];
	v46 =	vadd.s32 v0, v37;
	[tilespmem:$0xAC0] =	vst v44  }
0x25: {  	v49 =	vld [tilespmem:$0x130];
	v48 =	vadd.s32 v0, v39;
	[tilespmem:$0xAD0] =	vst v46  }
0x26: {  	v51 =	vld [tilespmem:$0x140];
	v50 =	vadd.s32 v0, v41;
	[tilespmem:$0xAE0] =	vst v48  }
0x27: {  	v53 =	vld [tilespmem:$0x150];
	v52 =	vadd.s32 v0, v43;
	[tilespmem:$0xAF0] =	vst v50  }
0x28: {  	v55 =	vld [tilespmem:$0x160];
	v54 =	vadd.s32 v0, v45;
	[tilespmem:$0xB00] =	vst v52  }
0x29: {  	v57 =	vld [tilespmem:$0x170];
	v56 =	vadd.s32 v0, v47;
	[tilespmem:$0xB10] =	vst v54  }
0x2a: {  	v59 =	vld [tilespmem:$0x180];
	v58 =	vadd.s32 v0, v49;
	[tilespmem:$0xB20] =	vst v56  }
0x2b: {  	v61 =	vld [tilespmem:$0x190];
	v60 =	vadd.s32 v0, v51;
	[tilespmem:$0xB30] =	vst v58  }
0x2c: {  	v63 =	vld [tilespmem:$0x1A0];
	v62 =	vadd.s32 v0, v53;
	[tilespmem:$0xB40] =	vst v60  }
0x2d: {  	v9 =	vld [tilespmem:$0x1B0];
	v8 =	vadd.s32 v0, v55;
	[tilespmem:$0xB50] =	vst v62  }
0x2e: {  	v11 =	vld [tilespmem:$0x1C0];
	v10 =	vadd.s32 v0, v57;
	[tilespmem:$0xB60] =	vst v8  }
0x2f: {  	v13 =	vld [tilespmem:$0x1D0];
	v12 =	vadd.s32 v0, v59;
	[tilespmem:$0xB70] =	vst v10  }
0x30: {  	v15 =	vld [tilespmem:$0x1E0];
	v14 =	vadd.s32 v0, v61;
	[tilespmem:$0xB80] =	vst v12  }
0x31: {  	v17 =	vld [tilespmem:$0x1F0];
	v16 =	vadd.s32 v0, v63;
	[tilespmem:$0xB90] =	vst v14  }
0x32: {  	v19 =	vld [tilespmem:$0x200];
	v18 =	vadd.s32 v0, v9;
	[tilespmem:$0xBA0] =	vst v16  }
0x33: {  	v21 =	vld [tilespmem:$0x210];
	v20 =	vadd.s32 v0, v11;
	[tilespmem:$0xBB0] =	vst v18  }
0x34: {  	v23 =	vld [tilespmem:$0x220];
	[tilespmem:$0xBC0] =	vst v20;
	v22 =	vadd.s32 v0, v13  }
0x35: {  	v25 =	vld [tilespmem:$0x230];
	v24 =	vadd.s32 v0, v15;
	[tilespmem:$0xBD0] =	vst v22  }
0x36: {  	v27 =	vld [tilespmem:$0x240];
	v26 =	vadd.s32 v0, v17;
	[tilespmem:$0xBE0] =	vst v24  }
0x37: {  	v29 =	vld [tilespmem:$0x250];
	v28 =	vadd.s32 v0, v19;
	[tilespmem:$0xBF0] =	vst v26  }
0x38: {  	v31 =	vld [tilespmem:$0x260];
	v30 =	vadd.s32 v0, v21;
	[tilespmem:$0xC00] =	vst v28  }
0x39: {  	v33 =	vld [tilespmem:$0x270];
	[tilespmem:$0xC10] =	vst v30;
	v32 =	vadd.s32 v0, v23  }
0x3a: {  	v35 =	vld [tilespmem:$0x280];
	v34 =	vadd.s32 v0, v25;
	[tilespmem:$0xC20] =	vst v32  }
0x3b: {  	v37 =	vld [tilespmem:$0x290];
	v36 =	vadd.s32 v0, v27;
	[tilespmem:$0xC30] =	vst v34  }
0x3c: {  	v39 =	vld [tilespmem:$0x2A0];
	v38 =	vadd.s32 v0, v29;
	[tilespmem:$0xC40] =	vst v36  }
0x3d: {  	v41 =	vld [tilespmem:$0x2B0];
	v40 =	vadd.s32 v0, v31;
	[tilespmem:$0xC50] =	vst v38  }
0x3e: {  	v43 =	vld [tilespmem:$0x2C0];
	v42 =	vadd.s32 v0, v33;
	[tilespmem:$0xC60] =	vst v40  }
0x3f: {  	v45 =	vld [tilespmem:$0x2D0];
	v44 =	vadd.s32 v0, v35;
	[tilespmem:$0xC70] =	vst v42  }
0x40: {  	v47 =	vld [tilespmem:$0x2E0];
	v46 =	vadd.s32 v0, v37;
	[tilespmem:$0xC80] =	vst v44  }
0x41: {  	v49 =	vld [tilespmem:$0x2F0];
	v48 =	vadd.s32 v0, v39;
	[tilespmem:$0xC90] =	vst v46  }
0x42: {  	v51 =	vld [tilespmem:$0x300];
	v50 =	vadd.s32 v0, v41;
	[tilespmem:$0xCA0] =	vst v48  }
0x43: {  	v53 =	vld [tilespmem:$0x310];
	v52 =	vadd.s32 v0, v43;
	[tilespmem:$0xCB0] =	vst v50  }
0x44: {  	v55 =	vld [tilespmem:$0x320];
	v54 =	vadd.s32 v0, v45;
	[tilespmem:$0xCC0] =	vst v52  }
0x45: {  	v57 =	vld [tilespmem:$0x330];
	v56 =	vadd.s32 v0, v47;
	[tilespmem:$0xCD0] =	vst v54  }
0x46: {  	v59 =	vld [tilespmem:$0x340];
	v58 =	vadd.s32 v0, v49;
	[tilespmem:$0xCE0] =	vst v56  }
0x47: {  	v61 =	vld [tilespmem:$0x350];
	v60 =	vadd.s32 v0, v51;
	[tilespmem:$0xCF0] =	vst v58  }
0x48: {  	v63 =	vld [tilespmem:$0x360];
	v62 =	vadd.s32 v0, v53;
	[tilespmem:$0xD00] =	vst v60  }
0x49: {  	v10 =	vld [tilespmem:$0x370];
	v9 =	vadd.s32 v0, v55;
	[tilespmem:$0xD10] =	vst v62  }
0x4a: {  	v12 =	vld [tilespmem:$0x380];
	v11 =	vadd.s32 v0, v57;
	[tilespmem:$0xD20] =	vst v9  }
0x4b: {  	v14 =	vld [tilespmem:$0x390];
	v13 =	vadd.s32 v0, v59;
	[tilespmem:$0xD30] =	vst v11  }
0x4c: {  	v16 =	vld [tilespmem:$0x3A0];
	v15 =	vadd.s32 v0, v61;
	[tilespmem:$0xD40] =	vst v13  }
0x4d: {  	v18 =	vld [tilespmem:$0x3B0];
	v17 =	vadd.s32 v0, v63;
	[tilespmem:$0xD50] =	vst v15  }
0x4e: {  	v20 =	vld [tilespmem:$0x3C0];
	[tilespmem:$0xD60] =	vst v17;
	v19 =	vadd.s32 v0, v10  }
0x4f: {  	v22 =	vld [tilespmem:$0x3D0];
	v21 =	vadd.s32 v0, v12;
	[tilespmem:$0xD70] =	vst v19  }
0x50: {  	v24 =	vld [tilespmem:$0x3E0];
	v23 =	vadd.s32 v0, v14;
	[tilespmem:$0xD80] =	vst v21  }
0x51: {  	v26 =	vld [tilespmem:$0x3F0];
	v25 =	vadd.s32 v0, v16;
	[tilespmem:$0xD90] =	vst v23  }
0x52: {  	v28 =	vld [tilespmem:$0x400];
	v27 =	vadd.s32 v0, v18;
	[tilespmem:$0xDA0] =	vst v25  }
0x53: {  	v30 =	vld [tilespmem:$0x410];
	v29 =	vadd.s32 v0, v20;
	[tilespmem:$0xDB0] =	vst v27  }
0x54: {  	v32 =	vld [tilespmem:$0x420];
	[tilespmem:$0xDC0] =	vst v29;
	v31 =	vadd.s32 v0, v22  }
0x55: {  	v34 =	vld [tilespmem:$0x430];
	v33 =	vadd.s32 v0, v24;
	[tilespmem:$0xDD0] =	vst v31  }
0x56: {  	v36 =	vld [tilespmem:$0x440];
	v35 =	vadd.s32 v0, v26;
	[tilespmem:$0xDE0] =	vst v33  }
0x57: {  	v38 =	vld [tilespmem:$0x450];
	v37 =	vadd.s32 v0, v28;
	[tilespmem:$0xDF0] =	vst v35  }
0x58: {  	v40 =	vld [tilespmem:$0x460];
	v39 =	vadd.s32 v0, v30;
	[tilespmem:$0xE00] =	vst v37  }
0x59: {  	v42 =	vld [tilespmem:$0x470];
	[tilespmem:$0xE10] =	vst v39;
	v41 =	vadd.s32 v0, v32  }
0x5a: {  	v44 =	vld [tilespmem:$0x480];
	v43 =	vadd.s32 v0, v34;
	[tilespmem:$0xE20] =	vst v41  }
0x5b: {  	v46 =	vld [tilespmem:$0x490];
	v45 =	vadd.s32 v0, v36;
	[tilespmem:$0xE30] =	vst v43  }
0x5c: {  	v48 =	vld [tilespmem:$0x4A0];
	v47 =	vadd.s32 v0, v38;
	[tilespmem:$0xE40] =	vst v45  }
0x5d: {  	v50 =	vld [tilespmem:$0x4B0];
	v49 =	vadd.s32 v0, v40;
	[tilespmem:$0xE50] =	vst v47  }
0x5e: {  	v52 =	vld [tilespmem:$0x4C0];
	v51 =	vadd.s32 v0, v42;
	[tilespmem:$0xE60] =	vst v49  }
0x5f: {  	v54 =	vld [tilespmem:$0x4D0];
	v53 =	vadd.s32 v0, v44;
	[tilespmem:$0xE70] =	vst v51  }
0x60: {  	v56 =	vld [tilespmem:$0x4E0];
	v55 =	vadd.s32 v0, v46;
	[tilespmem:$0xE80] =	vst v53  }
0x61: {  	v58 =	vld [tilespmem:$0x4F0];
	v57 =	vadd.s32 v0, v48;
	[tilespmem:$0xE90] =	vst v55  }
0x62: {  	v59 =	vadd.s32 v0, v50;
	[tilespmem:$0xEA0] =	vst v57  }
0x63: {  	v60 =	vadd.s32 v0, v52;
	[tilespmem:$0xEB0] =	vst v59  }
0x64: {  	v61 =	vadd.s32 v0, v54;
	[tilespmem:$0xEC0] =	vst v60  }
0x65: {  	v62 =	vadd.s32 v0, v56;
	[tilespmem:$0xED0] =	vst v61  }
0x66: {  	v63 =	vadd.s32 v0, v58;
	[tilespmem:$0xEE0] =	vst v62  }
0x67: {  	s22 =	simm.s32 $0x0;
	[tilespmem:$0xEF0] =	vst v63  }
0x68: {  	[tilespmem:s14], [sflag:$0x1] =	stream.indirect.gather [hbm4b:s6+s12], $0x20, s13, s12, $0xb8;
	[tilespmem:$0x16400] =	vst v63  }
.LBB2_2:
0x69: {  	s24 =	sshll.u32 s22, $0x7  }
0x6a: {  	s23 =	sadd.s32 s24, s5  }
0x6b: {  	s23 =	sadd.s32 $0x40, s23  }
0x6c: {  	s25 =	smul.u32 $0x14, s23;
	_ =	sdelay $0x1  }
0x6d: {  	s25 =	sshrl.u32 s25, $0x3  }
0x6e: {  	s26 =	sadd.s32 s2, s25;
	s25 =	simm.s32 $0x0  }
0x6f: {  	[tilespmem:s12], [sflag:$0x3] =	stream.linear.gather [hbm4b:s26+s25], $0x500, $0x38;
	[tilespmem:$0x16400] =	vst v63  }
0x70: {  	_ =	swait.ge [sflag:s11], $0x500  }
0x71: {  	[sflag:s11] =	ssyncset.done $0x0  }
0x72: {  	[sflag:s11] =	ssyncadd.s32 $0xFFFFFB00  }
0x73: {  	v1 =	vld [tilespmem:$0x500]  }
0x74: {  	v2 =	vld [tilespmem:$0x510]  }
0x75: {  	s31 =	sshrl.u32 s23, $0xC;
	v3 =	vld [tilespmem:$0x520]  }
0x76: {  	s26 =	smul.u32 $0x186A0, s31;
	v4 =	vld [tilespmem:$0x530]  }
0x77: {  	v5 =	vld [tilespmem:$0x540]  }
0x78: {  	v6 =	vld [tilespmem:$0x550];
	v1 =	vadd.s32 s26, v1  }
0x79: {  	v23 =	vld [tilespmem:$0x560];
	v22 =	vadd.s32 s26, v2;
	[tilespmem:$0xF00] =	vst v1  }
0x7a: {  	v25 =	vld [tilespmem:$0x570];
	v24 =	vadd.s32 s26, v3;
	[tilespmem:$0xF10] =	vst v22  }
0x7b: {  	v27 =	vld [tilespmem:$0x580];
	v26 =	vadd.s32 s26, v4;
	[tilespmem:$0xF20] =	vst v24  }
0x7c: {  	v29 =	vld [tilespmem:$0x590];
	v28 =	vadd.s32 s26, v5;
	[tilespmem:$0xF30] =	vst v26  }
0x7d: {  	v31 =	vld [tilespmem:$0x5A0];
	v30 =	vadd.s32 s26, v6;
	[tilespmem:$0xF40] =	vst v28  }
0x7e: {  	v33 =	vld [tilespmem:$0x5B0];
	v32 =	vadd.s32 s26, v23;
	[tilespmem:$0xF50] =	vst v30  }
0x7f: {  	v35 =	vld [tilespmem:$0x5C0];
	v34 =	vadd.s32 s26, v25;
	[tilespmem:$0xF60] =	vst v32  }
0x80: {  	v37 =	vld [tilespmem:$0x5D0];
	v36 =	vadd.s32 s26, v27;
	[tilespmem:$0xF70] =	vst v34  }
0x81: {  	v39 =	vld [tilespmem:$0x5E0];
	v38 =	vadd.s32 s26, v29;
	[tilespmem:$0xF80] =	vst v36  }
0x82: {  	v41 =	vld [tilespmem:$0x5F0];
	v40 =	vadd.s32 s26, v31;
	[tilespmem:$0xF90] =	vst v38  }
0x83: {  	v43 =	vld [tilespmem:$0x600];
	v42 =	vadd.s32 s26, v33;
	[tilespmem:$0xFA0] =	vst v40  }
0x84: {  	v45 =	vld [tilespmem:$0x610];
	v44 =	vadd.s32 s26, v35;
	[tilespmem:$0xFB0] =	vst v42  }
0x85: {  	v47 =	vld [tilespmem:$0x620];
	v46 =	vadd.s32 s26, v37;
	[tilespmem:$0xFC0] =	vst v44  }
0x86: {  	v49 =	vld [tilespmem:$0x630];
	v48 =	vadd.s32 s26, v39;
	[tilespmem:$0xFD0] =	vst v46  }
0x87: {  	v51 =	vld [tilespmem:$0x640];
	v50 =	vadd.s32 s26, v41;
	[tilespmem:$0xFE0] =	vst v48  }
0x88: {  	v53 =	vld [tilespmem:$0x650];
	v52 =	vadd.s32 s26, v43;
	[tilespmem:$0xFF0] =	vst v50  }
0x89: {  	v55 =	vld [tilespmem:$0x660];
	v54 =	vadd.s32 s26, v45;
	[tilespmem:$0x1000] =	vst v52  }
0x8a: {  	v57 =	vld [tilespmem:$0x670];
	v56 =	vadd.s32 s26, v47;
	[tilespmem:$0x1010] =	vst v54  }
0x8b: {  	v59 =	vld [tilespmem:$0x680];
	v58 =	vadd.s32 s26, v49;
	[tilespmem:$0x1020] =	vst v56  }
0x8c: {  	v61 =	vld [tilespmem:$0x690];
	v60 =	vadd.s32 s26, v51;
	[tilespmem:$0x1030] =	vst v58  }
0x8d: {  	v63 =	vld [tilespmem:$0x6A0];
	v62 =	vadd.s32 s26, v53;
	[tilespmem:$0x1040] =	vst v60  }
0x8e: {  	v9 =	vld [tilespmem:$0x6B0];
	v8 =	vadd.s32 s26, v55;
	[tilespmem:$0x1050] =	vst v62  }
0x8f: {  	v11 =	vld [tilespmem:$0x6C0];
	v10 =	vadd.s32 s26, v57;
	[tilespmem:$0x1060] =	vst v8  }
0x90: {  	v13 =	vld [tilespmem:$0x6D0];
	v12 =	vadd.s32 s26, v59;
	[tilespmem:$0x1070] =	vst v10  }
0x91: {  	v15 =	vld [tilespmem:$0x6E0];
	v14 =	vadd.s32 s26, v61;
	[tilespmem:$0x1080] =	vst v12  }
0x92: {  	v17 =	vld [tilespmem:$0x6F0];
	v16 =	vadd.s32 s26, v63;
	[tilespmem:$0x1090] =	vst v14  }
0x93: {  	v19 =	vld [tilespmem:$0x700];
	v18 =	vadd.s32 s26, v9;
	[tilespmem:$0x10A0] =	vst v16  }
0x94: {  	v21 =	vld [tilespmem:$0x710];
	v20 =	vadd.s32 s26, v11;
	[tilespmem:$0x10B0] =	vst v18  }
0x95: {  	v23 =	vld [tilespmem:$0x720];
	[tilespmem:$0x10C0] =	vst v20;
	v22 =	vadd.s32 s26, v13  }
0x96: {  	v25 =	vld [tilespmem:$0x730];
	v24 =	vadd.s32 s26, v15;
	[tilespmem:$0x10D0] =	vst v22  }
0x97: {  	v27 =	vld [tilespmem:$0x740];
	v26 =	vadd.s32 s26, v17;
	[tilespmem:$0x10E0] =	vst v24  }
0x98: {  	v29 =	vld [tilespmem:$0x750];
	v28 =	vadd.s32 s26, v19;
	[tilespmem:$0x10F0] =	vst v26  }
0x99: {  	v31 =	vld [tilespmem:$0x760];
	v30 =	vadd.s32 s26, v21;
	[tilespmem:$0x1100] =	vst v28  }
0x9a: {  	v33 =	vld [tilespmem:$0x770];
	[tilespmem:$0x1110] =	vst v30;
	v32 =	vadd.s32 s26, v23  }
0x9b: {  	v35 =	vld [tilespmem:$0x780];
	v34 =	vadd.s32 s26, v25;
	[tilespmem:$0x1120] =	vst v32  }
0x9c: {  	v37 =	vld [tilespmem:$0x790];
	v36 =	vadd.s32 s26, v27;
	[tilespmem:$0x1130] =	vst v34  }
0x9d: {  	v39 =	vld [tilespmem:$0x7A0];
	v38 =	vadd.s32 s26, v29;
	[tilespmem:$0x1140] =	vst v36  }
0x9e: {  	v41 =	vld [tilespmem:$0x7B0];
	v40 =	vadd.s32 s26, v31;
	[tilespmem:$0x1150] =	vst v38  }
0x9f: {  	v43 =	vld [tilespmem:$0x7C0];
	v42 =	vadd.s32 s26, v33;
	[tilespmem:$0x1160] =	vst v40  }
0xa0: {  	v45 =	vld [tilespmem:$0x7D0];
	v44 =	vadd.s32 s26, v35;
	[tilespmem:$0x1170] =	vst v42  }
0xa1: {  	v47 =	vld [tilespmem:$0x7E0];
	v46 =	vadd.s32 s26, v37;
	[tilespmem:$0x1180] =	vst v44  }
0xa2: {  	v49 =	vld [tilespmem:$0x7F0];
	v48 =	vadd.s32 s26, v39;
	[tilespmem:$0x1190] =	vst v46  }
0xa3: {  	v51 =	vld [tilespmem:$0x800];
	v50 =	vadd.s32 s26, v41;
	[tilespmem:$0x11A0] =	vst v48  }
0xa4: {  	v53 =	vld [tilespmem:$0x810];
	v52 =	vadd.s32 s26, v43;
	[tilespmem:$0x11B0] =	vst v50  }
0xa5: {  	v55 =	vld [tilespmem:$0x820];
	v54 =	vadd.s32 s26, v45;
	[tilespmem:$0x11C0] =	vst v52  }
0xa6: {  	v57 =	vld [tilespmem:$0x830];
	v56 =	vadd.s32 s26, v47;
	[tilespmem:$0x11D0] =	vst v54  }
0xa7: {  	v59 =	vld [tilespmem:$0x840];
	v58 =	vadd.s32 s26, v49;
	[tilespmem:$0x11E0] =	vst v56  }
0xa8: {  	v61 =	vld [tilespmem:$0x850];
	v60 =	vadd.s32 s26, v51;
	[tilespmem:$0x11F0] =	vst v58  }
0xa9: {  	v63 =	vld [tilespmem:$0x860];
	v62 =	vadd.s32 s26, v53;
	[tilespmem:$0x1200] =	vst v60  }
0xaa: {  	v10 =	vld [tilespmem:$0x870];
	v9 =	vadd.s32 s26, v55;
	[tilespmem:$0x1210] =	vst v62  }
0xab: {  	v12 =	vld [tilespmem:$0x880];
	v11 =	vadd.s32 s26, v57;
	[tilespmem:$0x1220] =	vst v9  }
0xac: {  	v14 =	vld [tilespmem:$0x890];
	v13 =	vadd.s32 s26, v59;
	[tilespmem:$0x1230] =	vst v11  }
0xad: {  	v16 =	vld [tilespmem:$0x8A0];
	v15 =	vadd.s32 s26, v61;
	[tilespmem:$0x1240] =	vst v13  }
0xae: {  	v18 =	vld [tilespmem:$0x8B0];
	v17 =	vadd.s32 s26, v63;
	[tilespmem:$0x1250] =	vst v15  }
0xaf: {  	v20 =	vld [tilespmem:$0x8C0];
	[tilespmem:$0x1260] =	vst v17;
	v19 =	vadd.s32 s26, v10  }
0xb0: {  	v22 =	vld [tilespmem:$0x8D0];
	v21 =	vadd.s32 s26, v12;
	[tilespmem:$0x1270] =	vst v19  }
0xb1: {  	v24 =	vld [tilespmem:$0x8E0];
	v23 =	vadd.s32 s26, v14;
	[tilespmem:$0x1280] =	vst v21  }
0xb2: {  	v26 =	vld [tilespmem:$0x8F0];
	v25 =	vadd.s32 s26, v16;
	[tilespmem:$0x1290] =	vst v23  }
0xb3: {  	v28 =	vld [tilespmem:$0x900];
	v27 =	vadd.s32 s26, v18;
	[tilespmem:$0x12A0] =	vst v25  }
0xb4: {  	v30 =	vld [tilespmem:$0x910];
	v29 =	vadd.s32 s26, v20;
	[tilespmem:$0x12B0] =	vst v27  }
0xb5: {  	v32 =	vld [tilespmem:$0x920];
	[tilespmem:$0x12C0] =	vst v29;
	v31 =	vadd.s32 s26, v22  }
0xb6: {  	v34 =	vld [tilespmem:$0x930];
	v33 =	vadd.s32 s26, v24;
	[tilespmem:$0x12D0] =	vst v31  }
0xb7: {  	v36 =	vld [tilespmem:$0x940];
	v35 =	vadd.s32 s26, v26;
	[tilespmem:$0x12E0] =	vst v33  }
0xb8: {  	v38 =	vld [tilespmem:$0x950];
	v37 =	vadd.s32 s26, v28;
	[tilespmem:$0x12F0] =	vst v35  }
0xb9: {  	v40 =	vld [tilespmem:$0x960];
	v39 =	vadd.s32 s26, v30;
	[tilespmem:$0x1300] =	vst v37  }
0xba: {  	v42 =	vld [tilespmem:$0x970];
	[tilespmem:$0x1310] =	vst v39;
	v41 =	vadd.s32 s26, v32  }
0xbb: {  	v44 =	vld [tilespmem:$0x980];
	v43 =	vadd.s32 s26, v34;
	[tilespmem:$0x1320] =	vst v41  }
0xbc: {  	v46 =	vld [tilespmem:$0x990];
	v45 =	vadd.s32 s26, v36;
	[tilespmem:$0x1330] =	vst v43  }
0xbd: {  	v48 =	vld [tilespmem:$0x9A0];
	v47 =	vadd.s32 s26, v38;
	[tilespmem:$0x1340] =	vst v45  }
0xbe: {  	v50 =	vld [tilespmem:$0x9B0];
	v49 =	vadd.s32 s26, v40;
	[tilespmem:$0x1350] =	vst v47  }
0xbf: {  	v52 =	vld [tilespmem:$0x9C0];
	v51 =	vadd.s32 s26, v42;
	[tilespmem:$0x1360] =	vst v49  }
0xc0: {  	v54 =	vld [tilespmem:$0x9D0];
	v53 =	vadd.s32 s26, v44;
	[tilespmem:$0x1370] =	vst v51  }
0xc1: {  	v56 =	vld [tilespmem:$0x9E0];
	v55 =	vadd.s32 s26, v46;
	[tilespmem:$0x1380] =	vst v53  }
0xc2: {  	v58 =	vld [tilespmem:$0x9F0];
	v57 =	vadd.s32 s26, v48;
	[tilespmem:$0x1390] =	vst v55  }
0xc3: {  	v59 =	vadd.s32 s26, v50;
	[tilespmem:$0x13A0] =	vst v57  }
0xc4: {  	v60 =	vadd.s32 s26, v52;
	[tilespmem:$0x13B0] =	vst v59  }
0xc5: {  	v61 =	vadd.s32 s26, v54;
	[tilespmem:$0x13C0] =	vst v60  }
0xc6: {  	v62 =	vadd.s32 s26, v56;
	[tilespmem:$0x13D0] =	vst v61  }
0xc7: {  	v63 =	vadd.s32 s26, v58;
	[tilespmem:$0x13E0] =	vst v62  }
0xc8: {  	[tilespmem:$0x13F0] =	vst v63  }
0xc9: {  	[tilespmem:s16], [sflag:$0x2] =	stream.indirect.gather [hbm4b:s6+s12], $0x20, s15, s12, $0xb8;
	[tilespmem:$0x16400] =	vst v63  }
0xca: {  	_ =	swait.ge [sflag:s17], $0xA000  }
0xcb: {  	[sflag:s17] =	ssyncset.done $0x0  }
0xcc: {  	s26 =	simm.s32 $0x1900;
	[sflag:s17] =	ssyncadd.s32 $0xFFFF6000  }
.LBB2_3:
0xcd: {  	v1 =	vld [tilespmem:s26+$0xFFFFFB00]  }
0xce: {  	v2 =	vld [tilespmem:s26+$0xFFFFFB10]  }
0xcf: {  	v3 =	vld [tilespmem:s26+$0xFFFFFD80]  }
0xd0: {  	v4 =	vld [tilespmem:s26+$0xFFFFFD90]  }
0xd1: {  	v5 =	vld [tilespmem:s26+$0x0]  }
0xd2: {  	v6 =	vld [tilespmem:s26+$0x10]  }
0xd3: {  	v7 =	vld [tilespmem:s26+$0x280]  }
0xd4: {  	v8 =	vld [tilespmem:s26+$0x290]  }
0xd5: {  	v9 =	vld [tilespmem:s26+$0xFFFFFB20]  }
0xd6: {  	v10 =	vld [tilespmem:s26+$0xFFFFFB30]  }
0xd7: {  	v11 =	vld [tilespmem:s26+$0xFFFFFDA0]  }
0xd8: {  	v12 =	vld [tilespmem:s26+$0xFFFFFDB0]  }
0xd9: {  	v13 =	vld [tilespmem:s26+$0x20]  }
0xda: {  	v14 =	vld [tilespmem:s26+$0x30]  }
0xdb: {  	v15 =	vld [tilespmem:s26+$0x2A0]  }
0xdc: {  	v16 =	vld [tilespmem:s26+$0x2B0]  }
0xdd: {  	v17 =	vld [tilespmem:s26+$0xFFFFFB40]  }
0xde: {  	v18 =	vld [tilespmem:s26+$0xFFFFFB50]  }
0xdf: {  	v19 =	vld [tilespmem:s26+$0xFFFFFDC0]  }
0xe0: {  	v20 =	vld [tilespmem:s26+$0xFFFFFDD0]  }
0xe1: {  	v21 =	vld [tilespmem:s26+$0x40]  }
0xe2: {  	v22 =	vld [tilespmem:s26+$0x50]  }
0xe3: {  	v23 =	vld [tilespmem:s26+$0x2C0]  }
0xe4: {  	v24 =	vld [tilespmem:s26+$0x2D0]  }
0xe5: {  	v25 =	vld [tilespmem:s26+$0xFFFFFB60]  }
0xe6: {  	v26 =	vld [tilespmem:s26+$0xFFFFFB70]  }
0xe7: {  	v27 =	vld [tilespmem:s26+$0xFFFFFDE0]  }
0xe8: {  	v28 =	vld [tilespmem:s26+$0xFFFFFDF0]  }
0xe9: {  	v29 =	vld [tilespmem:s26+$0x60]  }
0xea: {  	v30 =	vld [tilespmem:s26+$0x70]  }
0xeb: {  	v31 =	vld [tilespmem:s26+$0x2E0]  }
0xec: {  	v32 =	vld [tilespmem:s26+$0x2F0]  }
0xed: {  	v33 =	vld [tilespmem:s26+$0xFFFFFB80]  }
0xee: {  	v34 =	vld [tilespmem:s26+$0xFFFFFB90]  }
0xef: {  	v0 =	vld [tilespmem:s26+$0x370]  }
0xf0: {  	v35 =	vld [tilespmem:s26+$0xFFFFFE00]  }
0xf1: {  	v36 =	vld [tilespmem:s26+$0xFFFFFE10]  }
0xf2: {  	v37 =	vld [tilespmem:s26+$0x80]  }
0xf3: {  	v38 =	vld [tilespmem:s26+$0x90]  }
0xf4: {  	[tilespmem:$0x1FE50] =	vst v0;
	v0 =	vld [tilespmem:s26+$0xFFFFFC00]  }
0xf5: {  	v39 =	vld [tilespmem:s26+$0x300]  }
0xf6: {  	v40 =	vld [tilespmem:s26+$0x310]  }
0xf7: {  	v41 =	vld [tilespmem:s26+$0xFFFFFBA0]  }
0xf8: {  	v42 =	vld [tilespmem:s26+$0xFFFFFBB0]  }
0xf9: {  	[tilespmem:$0x1FE60] =	vst v0;
	v0 =	vld [tilespmem:s26+$0xFFFFFC10]  }
0xfa: {  	v43 =	vld [tilespmem:s26+$0xFFFFFE20]  }
0xfb: {  	v44 =	vld [tilespmem:s26+$0xFFFFFE30]  }
0xfc: {  	v45 =	vld [tilespmem:s26+$0xA0]  }
0xfd: {  	v46 =	vld [tilespmem:s26+$0xB0]  }
0xfe: {  	[tilespmem:$0x1FE70] =	vst v0;
	v0 =	vld [tilespmem:s26+$0xFFFFFE80]  }
0xff: {  	v47 =	vld [tilespmem:s26+$0x320]  }
0x100: {  	v48 =	vld [tilespmem:s26+$0x330]  }
0x101: {  	v49 =	vld [tilespmem:s26+$0xFFFFFBC0]  }
0x102: {  	v50 =	vld [tilespmem:s26+$0xFFFFFBD0]  }
0x103: {  	[tilespmem:$0x1FE80] =	vst v0;
	v0 =	vld [tilespmem:s26+$0xFFFFFE90]  }
0x104: {  	v51 =	vld [tilespmem:s26+$0xFFFFFE40]  }
0x105: {  	v52 =	vld [tilespmem:s26+$0xFFFFFE50]  }
0x106: {  	v53 =	vld [tilespmem:s26+$0xC0]  }
0x107: {  	v54 =	vld [tilespmem:s26+$0xD0]  }
0x108: {  	[tilespmem:$0x1FE90] =	vst v0;
	v0 =	vld [tilespmem:s26+$0x100]  }
0x109: {  	v55 =	vld [tilespmem:s26+$0x340]  }
0x10a: {  	v56 =	vld [tilespmem:s26+$0x350]  }
0x10b: {  	v57 =	vld [tilespmem:s26+$0xFFFFFBE0]  }
0x10c: {  	v58 =	vld [tilespmem:s26+$0xFFFFFBF0]  }
0x10d: {  	[tilespmem:$0x1FEA0] =	vst v0;
	v0 =	vld [tilespmem:s26+$0x110]  }
0x10e: {  	v59 =	vld [tilespmem:s26+$0xFFFFFE60]  }
0x10f: {  	v60 =	vld [tilespmem:s26+$0xFFFFFE70]  }
0x110: {  	v61 =	vld [tilespmem:s26+$0xE0]  }
0x111: {  	v62 =	vld [tilespmem:s26+$0xF0]  }
0x112: {  	[tilespmem:$0x1FEB0] =	vst v0;
	v0 =	vld [tilespmem:s26+$0x380]  }
0x113: {  	v63 =	vld [tilespmem:s26+$0x360]  }
0x114: {  	v1 =	vadd.f32 v9, v1;
	v9 =	vld [tilespmem:s26+$0xFFFFFC70]  }
0x115: {  	v2 =	vadd.f32 v10, v2;
	v10 =	vld [tilespmem:s26+$0xFFFFFEE0]  }
0x116: {  	v3 =	vadd.f32 v11, v3;
	v11 =	vld [tilespmem:s26+$0xFFFFFEF0]  }
0x117: {  	[tilespmem:$0x1FEC0] =	vst v0;
	v0 =	vld [tilespmem:s26+$0x390]  }
0x118: {  	v4 =	vadd.f32 v12, v4;
	v12 =	vld [tilespmem:s26+$0x160]  }
0x119: {  	v5 =	vadd.f32 v13, v5;
	v13 =	vld [tilespmem:s26+$0x170]  }
0x11a: {  	v6 =	vadd.f32 v14, v6;
	v14 =	vld [tilespmem:s26+$0x3E0]  }
0x11b: {  	v7 =	vadd.f32 v15, v7;
	v15 =	vld [tilespmem:s26+$0x3F0]  }
0x11c: {  	[tilespmem:$0x1FED0] =	vst v0;
	v0 =	vld [tilespmem:s26+$0xFFFFFC20]  }
0x11d: {  	v8 =	vadd.f32 v16, v8;
	v16 =	vld [tilespmem:s26+$0xFFFFFC80]  }
0x11e: {  	v1 =	vadd.f32 v17, v1;
	v17 =	vld [tilespmem:s26+$0xFFFFFC90]  }
0x11f: {  	v2 =	vadd.f32 v18, v2;
	v18 =	vld [tilespmem:s26+$0xFFFFFF00]  }
0x120: {  	v3 =	vadd.f32 v19, v3;
	v19 =	vld [tilespmem:s26+$0xFFFFFF10]  }
0x121: {  	[tilespmem:$0x1FEE0] =	vst v0;
	v0 =	vld [tilespmem:s26+$0xFFFFFC30]  }
0x122: {  	v4 =	vadd.f32 v20, v4;
	v20 =	vld [tilespmem:s26+$0x180]  }
0x123: {  	v5 =	vadd.f32 v21, v5;
	v21 =	vld [tilespmem:s26+$0x190]  }
0x124: {  	v6 =	vadd.f32 v22, v6;
	v22 =	vld [tilespmem:s26+$0x400]  }
0x125: {  	v7 =	vadd.f32 v23, v7;
	v23 =	vld [tilespmem:s26+$0x410]  }
0x126: {  	[tilespmem:$0x1FEF0] =	vst v0;
	v0 =	vld [tilespmem:s26+$0xFFFFFEA0]  }
0x127: {  	v8 =	vadd.f32 v24, v8;
	v24 =	vld [tilespmem:s26+$0xFFFFFCA0]  }
0x128: {  	v1 =	vadd.f32 v25, v1;
	v25 =	vld [tilespmem:s26+$0xFFFFFCB0]  }
0x129: {  	v2 =	vadd.f32 v26, v2;
	v26 =	vld [tilespmem:s26+$0xFFFFFF20]  }
0x12a: {  	v3 =	vadd.f32 v27, v3;
	v27 =	vld [tilespmem:s26+$0xFFFFFF30]  }
0x12b: {  	[tilespmem:$0x1FF00] =	vst v0;
	v0 =	vld [tilespmem:s26+$0xFFFFFEB0]  }
0x12c: {  	v4 =	vadd.f32 v28, v4;
	v28 =	vld [tilespmem:s26+$0x1A0]  }
0x12d: {  	v5 =	vadd.f32 v29, v5;
	v29 =	vld [tilespmem:s26+$0x1B0]  }
0x12e: {  	v6 =	vadd.f32 v30, v6;
	v30 =	vld [tilespmem:s26+$0x420]  }
0x12f: {  	v7 =	vadd.f32 v31, v7;
	v31 =	vld [tilespmem:s26+$0x430]  }
0x130: {  	[tilespmem:$0x1FF10] =	vst v0;
	v0 =	vld [tilespmem:s26+$0x120]  }
0x131: {  	v8 =	vadd.f32 v32, v8;
	v32 =	vld [tilespmem:s26+$0xFFFFFCC0]  }
0x132: {  	v1 =	vadd.f32 v33, v1;
	v33 =	vld [tilespmem:s26+$0xFFFFFCD0]  }
0x133: {  	v2 =	vadd.f32 v34, v2;
	v34 =	vld [tilespmem:s26+$0xFFFFFF40]  }
0x134: {  	v3 =	vadd.f32 v35, v3;
	v35 =	vld [tilespmem:s26+$0xFFFFFF50]  }
0x135: {  	[tilespmem:$0x1FF20] =	vst v0;
	v0 =	vld [tilespmem:s26+$0x130]  }
0x136: {  	v4 =	vadd.f32 v36, v4;
	v36 =	vld [tilespmem:s26+$0x1D0]  }
0x137: {  	v5 =	vadd.f32 v37, v5;
	v37 =	vld [tilespmem:s26+$0x440]  }
0x138: {  	v6 =	vadd.f32 v38, v6;
	v38 =	vld [tilespmem:s26+$0x450]  }
0x139: {  	v7 =	vadd.f32 v39, v7;
	v39 =	vld [tilespmem:s26+$0xFFFFFCE0]  }
0x13a: {  	[tilespmem:$0x1FF30] =	vst v0;
	v0 =	vld [tilespmem:s26+$0x3A0]  }
0x13b: {  	v8 =	vadd.f32 v40, v8;
	v40 =	vld [tilespmem:s26+$0xFFFFFCF0]  }
0x13c: {  	v3 =	vadd.f32 v43, v3;
	v43 =	vld [tilespmem:$0x1FE50]  }
0x13d: {  	v1 =	vadd.f32 v41, v1;
	v4 =	vadd.f32 v44, v4;
	v44 =	vld [tilespmem:$0x1FE60]  }
0x13e: {  	v41 =	vld [tilespmem:s26+$0xFFFFFF60]  }
0x13f: {  	v1 =	vadd.f32 v49, v1;
	[tilespmem:$0x1FF40] =	vst v0;
	v0 =	vld [tilespmem:s26+$0x3B0]  }
0x140: {  	v2 =	vadd.f32 v42, v2;
	v42 =	vld [tilespmem:s26+$0xFFFFFF70]  }
0x141: {  	v5 =	vadd.f32 v45, v5;
	v45 =	vld [tilespmem:$0x1FE70];
	v1 =	vadd.f32 v57, v1  }
0x142: {  	v6 =	vadd.f32 v46, v6;
	v2 =	vadd.f32 v50, v2;
	v46 =	vld [tilespmem:$0x1FE80]  }
0x143: {  	v3 =	vadd.f32 v51, v3;
	v1 =	vadd.f32 v44, v1;
	v44 =	vld [tilespmem:s26+$0x1F0]  }
0x144: {  	v2 =	vadd.f32 v58, v2;
	[tilespmem:$0x1FF50] =	vst v0;
	v0 =	vld [tilespmem:s26+$0xFFFFFC40]  }
0x145: {  	v7 =	vadd.f32 v47, v7;
	v3 =	vadd.f32 v59, v3;
	v47 =	vld [tilespmem:$0x1FE90]  }
0x146: {  	v4 =	vadd.f32 v52, v4;
	v2 =	vadd.f32 v45, v2;
	v45 =	vld [tilespmem:s26+$0x460]  }
0x147: {  	v3 =	vadd.f32 v46, v3;
	v46 =	vld [tilespmem:s26+$0x470]  }
0x148: {  	v8 =	vadd.f32 v48, v8;
	v4 =	vadd.f32 v60, v4;
	v48 =	vld [tilespmem:$0x1FEA0]  }
0x149: {  	[tilespmem:$0x1FF60] =	vst v0;
	v0 =	vld [tilespmem:s26+$0xFFFFFC50]  }
0x14a: {  	v4 =	vadd.f32 v47, v4;
	v47 =	vld [tilespmem:s26+$0xFFFFFD00]  }
0x14b: {  	v49 =	vld [tilespmem:$0x1FEB0]  }
0x14c: {  	v50 =	vld [tilespmem:$0x1FEC0]  }
0x14d: {  	v5 =	vadd.f32 v53, v5;
	v53 =	vld [tilespmem:$0x1FEF0]  }
0x14e: {  	[tilespmem:$0x1FF70] =	vst v0;
	v0 =	vld [tilespmem:s26+$0xFFFFFEC0]  }
0x14f: {  	v51 =	vld [tilespmem:$0x1FED0]  }
0x150: {  	v52 =	vld [tilespmem:$0x1FEE0]  }
0x151: {  	v6 =	vadd.f32 v54, v6;
	v54 =	vld [tilespmem:$0x1FF00]  }
0x152: {  	v2 =	vadd.f32 v53, v2;
	v53 =	vld [tilespmem:s26+$0xFFFFFD10]  }
0x153: {  	[tilespmem:$0x1FF80] =	vst v0;
	v0 =	vld [tilespmem:s26+$0xFFFFFED0]  }
0x154: {  	v7 =	vadd.f32 v55, v7;
	v55 =	vld [tilespmem:$0x1FF10]  }
0x155: {  	v8 =	vadd.f32 v56, v8;
	v56 =	vld [tilespmem:$0x1FF20]  }
0x156: {  	v5 =	vadd.f32 v61, v5;
	v61 =	vld [tilespmem:$0x1FF70]  }
0x157: {  	v3 =	vadd.f32 v54, v3;
	v54 =	vld [tilespmem:s26+$0xFFFFFF80]  }
0x158: {  	[tilespmem:$0x1FF90] =	vst v0;
	v0 =	vld [tilespmem:s26+$0x140]  }
0x159: {  	v5 =	vadd.f32 v48, v5;
	v4 =	vadd.f32 v55, v4;
	v55 =	vld [tilespmem:s26+$0xFFFFFF90]  }
0x15a: {  	v57 =	vld [tilespmem:$0x1FF30]  }
0x15b: {  	v5 =	vadd.f32 v56, v5;
	v56 =	vld [tilespmem:s26+$0x200];
	v2 =	vadd.f32 v61, v2  }
0x15c: {  	v6 =	vadd.f32 v62, v6;
	v62 =	vld [tilespmem:$0x1FF80]  }
0x15d: {  	v2 =	vadd.f32 v9, v2;
	[tilespmem:$0x1FFA0] =	vst v0;
	v0 =	vld [tilespmem:s26+$0x150]  }
0x15e: {  	v6 =	vadd.f32 v49, v6;
	v58 =	vld [tilespmem:$0x1FF40]  }
0x15f: {  	v7 =	vadd.f32 v63, v7;
	v2 =	vadd.f32 v17, v2;
	v63 =	vld [tilespmem:$0x1FF90]  }
0x160: {  	v6 =	vadd.f32 v57, v6;
	v57 =	vld [tilespmem:s26+$0x210]  }
0x161: {  	v59 =	vld [tilespmem:$0x1FF50];
	v3 =	vadd.f32 v62, v3;
	v2 =	vadd.f32 v25, v2  }
0x162: {  	v7 =	vadd.f32 v50, v7;
	[tilespmem:$0x1FFB0] =	vst v0;
	v0 =	vld [tilespmem:s26+$0x3C0]  }
0x163: {  	v60 =	vld [tilespmem:$0x1FF60];
	v3 =	vadd.f32 v10, v3;
	v2 =	vadd.f32 v33, v2  }
0x164: {  	v1 =	vadd.f32 v52, v1;
	v61 =	vld [tilespmem:s26+$0xFFFFFD30];
	v4 =	vadd.f32 v63, v4  }
0x165: {  	v3 =	vadd.f32 v18, v3;
	v48 =	vld [tilespmem:$0x1FFA0];
	v2 =	vadd.f32 v40, v2  }
0x166: {  	v7 =	vadd.f32 v58, v7;
	v40 =	vld [tilespmem:s26+$0xFFFFFD50];
	v4 =	vadd.f32 v11, v4  }
0x167: {  	v3 =	vadd.f32 v26, v3;
	v2 =	vadd.f32 v53, v2;
	[tilespmem:$0x1FFC0] =	vst v0;
	v0 =	vld [tilespmem:s26+$0x3D0]  }
0x168: {  	v1 =	vadd.f32 v60, v1;
	v4 =	vadd.f32 v19, v4;
	v49 =	vld [tilespmem:$0x1FFB0]  }
0x169: {  	v58 =	vld [tilespmem:s26+$0x480];
	v3 =	vadd.f32 v34, v3;
	v2 =	vadd.f32 v61, v2  }
0x16a: {  	v62 =	vld [tilespmem:s26+$0xFFFFFFA0];
	v5 =	vadd.f32 v48, v5;
	v4 =	vadd.f32 v27, v4  }
0x16b: {  	v63 =	vld [tilespmem:s26+$0xFFFFFFB0];
	v3 =	vadd.f32 v41, v3;
	v2 =	vadd.f32 v40, v2  }
0x16c: {  	v5 =	vadd.f32 v12, v5;
	v4 =	vadd.f32 v35, v4;
	[tilespmem:$0x1FFD0] =	vst v0;
	v0 =	vld [tilespmem:s26+$0xFFFFFC60]  }
0x16d: {  	v3 =	vadd.f32 v54, v3;
	v6 =	vadd.f32 v49, v6;
	v50 =	vld [tilespmem:$0x1FFC0]  }
0x16e: {  	v60 =	vld [tilespmem:s26+$0xFFFFFD20];
	v5 =	vadd.f32 v20, v5;
	v4 =	vadd.f32 v42, v4  }
0x16f: {  	v48 =	vld [tilespmem:s26+$0xFFFFFFC0];
	v3 =	vadd.f32 v62, v3;
	v6 =	vadd.f32 v13, v6  }
0x170: {  	v49 =	vld [tilespmem:s26+$0xFFFFFFD0];
	v5 =	vadd.f32 v28, v5;
	v4 =	vadd.f32 v55, v4  }
0x171: {  	v33 =	vld [tilespmem:s26+$0x230];
	v6 =	vadd.f32 v21, v6;
	[tilespmem:$0x1FFE0] =	vst v0;
	v0 =	vadd.f32 v43, v8  }
0x172: {  	v4 =	vadd.f32 v63, v4;
	v7 =	vadd.f32 v50, v7;
	v52 =	vld [tilespmem:$0x1FFE0]  }
0x173: {  	v6 =	vadd.f32 v29, v6;
	v0 =	vadd.f32 v51, v0;
	v51 =	vld [tilespmem:$0x1FFD0]  }
0x174: {  	v53 =	vld [tilespmem:s26+$0x4D0];
	v3 =	vadd.f32 v48, v3;
	v7 =	vadd.f32 v14, v7  }
0x175: {  	v4 =	vadd.f32 v49, v4;
	v6 =	vadd.f32 v36, v6;
	v8 =	vld [tilespmem:s26+$0x1C0]  }
0x176: {  	v54 =	vld [tilespmem:s26+$0xFFFFFD60];
	v7 =	vadd.f32 v22, v7;
	v0 =	vadd.f32 v59, v0  }
0x177: {  	v43 =	vld [tilespmem:s26+$0x1E0];
	v6 =	vadd.f32 v44, v6;
	v1 =	vadd.f32 v52, v1  }
0x178: {  	v35 =	vld [tilespmem:s26+$0x4A0];
	v7 =	vadd.f32 v30, v7;
	v0 =	vadd.f32 v51, v0  }
0x179: {  	v55 =	vld [tilespmem:s26+$0xFFFFFD70];
	v6 =	vadd.f32 v57, v6;
	v1 =	vadd.f32 v16, v1  }
0x17a: {  	v50 =	vld [tilespmem:s26+$0x240];
	v5 =	vadd.f32 v8, v5;
	v0 =	vadd.f32 v15, v0  }
0x17b: {  	v36 =	vld [tilespmem:s26+$0x4B0];
	v7 =	vadd.f32 v37, v7;
	v1 =	vadd.f32 v24, v1  }
0x17c: {  	v57 =	vld [tilespmem:s26+$0xFFFFFFF0];
	v5 =	vadd.f32 v43, v5;
	v0 =	vadd.f32 v23, v0  }
0x17d: {  	v59 =	vld [tilespmem:s26+$0x490];
	v7 =	vadd.f32 v45, v7;
	v1 =	vadd.f32 v32, v1  }
0x17e: {  	v5 =	vadd.f32 v56, v5;
	v56 =	vld [tilespmem:s26+$0xFFFFFFE0];
	v0 =	vadd.f32 v31, v0  }
0x17f: {  	v2 =	vadd.f32 v55, v2;
	v31 =	vld [tilespmem:s26+$0x220];
	v1 =	vadd.f32 v39, v1  }
0x180: {  	v7 =	vadd.f32 v58, v7;
	v0 =	vadd.f32 v38, v0;
	v38 =	vld [tilespmem:s26+$0xFFFFFD40]  }
0x181: {  	v6 =	vadd.f32 v33, v6;
	v52 =	vld [tilespmem:s26+$0x4C0];
	v1 =	vadd.f32 v47, v1  }
0x182: {  	v51 =	vld [tilespmem:s26+$0x250];
	v4 =	vadd.f32 v57, v4;
	v7 =	vadd.f32 v35, v7  }
0x183: {  	v58 =	vld [tilespmem:s26+$0x260];
	v0 =	vadd.f32 v46, v0;
	v1 =	vadd.f32 v60, v1  }
0x184: {  	v3 =	vadd.f32 v56, v3;
	v5 =	vadd.f32 v31, v5;
	v60 =	vld [tilespmem:s26+$0x4E0]  }
0x185: {  	s28 =	sshra.s32 s25, $0x2;
	v0 =	vadd.f32 v59, v0;
	v59 =	vld [tilespmem:s26+$0x270];
	v1 =	vadd.f32 v38, v1  }
0x186: {  	v61 =	vld [tilespmem:s26+$0x4F0];
	v63 =	vadd.f32 v52, v7;
	[tilespmem:s28+$0x15410] =	vst v2;
	v5 =	vadd.f32 v50, v5  }
0x187: {  	[tilespmem:s28+$0x15420] =	vst v3;
	v0 =	vadd.f32 v36, v0;
	v1 =	vadd.f32 v54, v1  }
0x188: {  	p0 =	sne.s32 s25, $0x1E00;
	v62 =	vadd.f32 v51, v6;
	[tilespmem:s28+$0x15430] =	vst v4;
	v5 =	vadd.f32 v58, v5  }
.Ltmp0:
0x189: {  	v0 =	vadd.f32 v53, v0;
	v2 =	vadd.f32 v60, v63;
	[tilespmem:s28+$0x15400] =	vst v1;
	(pc) =	sbr.rel @p0 .LBB2_3-.Ltmp0, $4  }
0x18a: {  	v1 =	vadd.f32 v59, v62;
	[tilespmem:s28+$0x15440] =	vst v5  }
0x18b: {  	v0 =	vadd.f32 v61, v0;
	[tilespmem:s28+$0x15460] =	vst v2  }
0x18c: {  	[tilespmem:s28+$0x15450] =	vst v1  }
0x18d: {  	s25 =	sadd.s32 $0x200, s25;
	s26 =	sadd.s32 $0xA00, s26;
	[tilespmem:s28+$0x15470] =	vst v0  }
0x18e: {  	s25 =	sshll.u32 s22, $0xC  }
0x18f: {  	s25 =	sadd.s32 s8, s25  }
0x190: {  	p0 =	seq.s32 s22, $0x19;
	s25 =	sshrl.u32 s25, $0x3  }
.Ltmp1:
0x191: {  	s25 =	sadd.s32 s3, s25;
	(pc) =	sbr.rel @p0 .LBB2_6-.Ltmp1, $4  }
0x192: {  	[hbm4b:s25+s4] =	stream.linear.scatter [tilespmem:s18], [sflag:$0x3], $0x800, $0x38;
	[tilespmem:$0x16400] =	vst v63  }
0x193: {  	_ =	swait.ge [sflag:s11], $0x800  }
0x194: {  	[sflag:s11] =	ssyncset.done $0x0  }
0x195: {  	[sflag:s11] =	ssyncadd.s32 $0xFFFFF800  }
0x196: {  	s24 =	sadd.s32 s24, s9  }
0x197: {  	s25 =	smul.u32 $0x14, s24;
	_ =	sdelay $0x1  }
0x198: {  	s25 =	sshrl.u32 s25, $0x3  }
0x199: {  	s25 =	sadd.s32 s2, s25  }
0x19a: {  	[tilespmem:s4], [sflag:$0x3] =	stream.linear.gather [hbm4b:s25+s4], $0x500, $0x38;
	[tilespmem:$0x16400] =	vst v63  }
0x19b: {  	_ =	swait.ge [sflag:s11], $0x500  }
0x19c: {  	[sflag:s11] =	ssyncset.done $0x0  }
0x19d: {  	[sflag:s11] =	ssyncadd.s32 $0xFFFFFB00  }
0x19e: {  	v0 =	vld [tilespmem:$0x0]  }
0x19f: {  	v1 =	vld [tilespmem:$0x10]  }
0x1a0: {  	s24 =	sshrl.u32 s24, $0xC;
	v2 =	vld [tilespmem:$0x20]  }
0x1a1: {  	s24 =	smul.u32 $0x186A0, s24;
	v3 =	vld [tilespmem:$0x30]  }
0x1a2: {  	v4 =	vld [tilespmem:$0x40]  }
0x1a3: {  	v5 =	vld [tilespmem:$0x50];
	v0 =	vadd.s32 s24, v0  }
0x1a4: {  	v25 =	vld [tilespmem:$0x60];
	v24 =	vadd.s32 s24, v1;
	[tilespmem:$0xA00] =	vst v0  }
0x1a5: {  	v27 =	vld [tilespmem:$0x70];
	v26 =	vadd.s32 s24, v2;
	[tilespmem:$0xA10] =	vst v24  }
0x1a6: {  	v29 =	vld [tilespmem:$0x80];
	v28 =	vadd.s32 s24, v3;
	[tilespmem:$0xA20] =	vst v26  }
0x1a7: {  	v31 =	vld [tilespmem:$0x90];
	v30 =	vadd.s32 s24, v4;
	[tilespmem:$0xA30] =	vst v28  }
0x1a8: {  	v33 =	vld [tilespmem:$0xA0];
	v32 =	vadd.s32 s24, v5;
	[tilespmem:$0xA40] =	vst v30  }
0x1a9: {  	v35 =	vld [tilespmem:$0xB0];
	v34 =	vadd.s32 s24, v25;
	[tilespmem:$0xA50] =	vst v32  }
0x1aa: {  	v37 =	vld [tilespmem:$0xC0];
	v36 =	vadd.s32 s24, v27;
	[tilespmem:$0xA60] =	vst v34  }
0x1ab: {  	v39 =	vld [tilespmem:$0xD0];
	v38 =	vadd.s32 s24, v29;
	[tilespmem:$0xA70] =	vst v36  }
0x1ac: {  	v41 =	vld [tilespmem:$0xE0];
	v40 =	vadd.s32 s24, v31;
	[tilespmem:$0xA80] =	vst v38  }
0x1ad: {  	v43 =	vld [tilespmem:$0xF0];
	v42 =	vadd.s32 s24, v33;
	[tilespmem:$0xA90] =	vst v40  }
0x1ae: {  	v45 =	vld [tilespmem:$0x100];
	v44 =	vadd.s32 s24, v35;
	[tilespmem:$0xAA0] =	vst v42  }
0x1af: {  	v47 =	vld [tilespmem:$0x110];
	v46 =	vadd.s32 s24, v37;
	[tilespmem:$0xAB0] =	vst v44  }
0x1b0: {  	v49 =	vld [tilespmem:$0x120];
	v48 =	vadd.s32 s24, v39;
	[tilespmem:$0xAC0] =	vst v46  }
0x1b1: {  	v51 =	vld [tilespmem:$0x130];
	v50 =	vadd.s32 s24, v41;
	[tilespmem:$0xAD0] =	vst v48  }
0x1b2: {  	v53 =	vld [tilespmem:$0x140];
	v52 =	vadd.s32 s24, v43;
	[tilespmem:$0xAE0] =	vst v50  }
0x1b3: {  	v55 =	vld [tilespmem:$0x150];
	v54 =	vadd.s32 s24, v45;
	[tilespmem:$0xAF0] =	vst v52  }
0x1b4: {  	v57 =	vld [tilespmem:$0x160];
	v56 =	vadd.s32 s24, v47;
	[tilespmem:$0xB00] =	vst v54  }
0x1b5: {  	v59 =	vld [tilespmem:$0x170];
	v58 =	vadd.s32 s24, v49;
	[tilespmem:$0xB10] =	vst v56  }
0x1b6: {  	v61 =	vld [tilespmem:$0x180];
	v60 =	vadd.s32 s24, v51;
	[tilespmem:$0xB20] =	vst v58  }
0x1b7: {  	v63 =	vld [tilespmem:$0x190];
	v62 =	vadd.s32 s24, v53;
	[tilespmem:$0xB30] =	vst v60  }
0x1b8: {  	v8 =	vld [tilespmem:$0x1A0];
	v7 =	vadd.s32 s24, v55;
	[tilespmem:$0xB40] =	vst v62  }
0x1b9: {  	v10 =	vld [tilespmem:$0x1B0];
	v9 =	vadd.s32 s24, v57;
	[tilespmem:$0xB50] =	vst v7  }
0x1ba: {  	v12 =	vld [tilespmem:$0x1C0];
	v11 =	vadd.s32 s24, v59;
	[tilespmem:$0xB60] =	vst v9  }
0x1bb: {  	v14 =	vld [tilespmem:$0x1D0];
	v13 =	vadd.s32 s24, v61;
	[tilespmem:$0xB70] =	vst v11  }
0x1bc: {  	v16 =	vld [tilespmem:$0x1E0];
	v15 =	vadd.s32 s24, v63;
	[tilespmem:$0xB80] =	vst v13  }
0x1bd: {  	v18 =	vld [tilespmem:$0x1F0];
	v17 =	vadd.s32 s24, v8;
	[tilespmem:$0xB90] =	vst v15  }
0x1be: {  	v20 =	vld [tilespmem:$0x200];
	v19 =	vadd.s32 s24, v10;
	[tilespmem:$0xBA0] =	vst v17  }
0x1bf: {  	v22 =	vld [tilespmem:$0x210];
	v21 =	vadd.s32 s24, v12;
	[tilespmem:$0xBB0] =	vst v19  }
0x1c0: {  	v23 =	vadd.s32 s24, v14;
	v8 =	vld [tilespmem:$0x360];
	[tilespmem:$0xBC0] =	vst v21  }
0x1c1: {  	v25 =	vadd.s32 s24, v16;
	v10 =	vld [tilespmem:$0x370];
	[tilespmem:$0xBD0] =	vst v23  }
0x1c2: {  	v27 =	vadd.s32 s24, v18;
	v12 =	vld [tilespmem:$0x380];
	[tilespmem:$0xBE0] =	vst v25  }
0x1c3: {  	v29 =	vadd.s32 s24, v20;
	v14 =	vld [tilespmem:$0x390];
	[tilespmem:$0xBF0] =	vst v27  }
0x1c4: {  	v31 =	vadd.s32 s24, v22;
	v16 =	vld [tilespmem:$0x3A0];
	[tilespmem:$0xC00] =	vst v29  }
0x1c5: {  	v18 =	vld [tilespmem:$0x3B0];
	[tilespmem:$0xC10] =	vst v31;
	v17 =	vadd.s32 s24, v8  }
0x1c6: {  	v20 =	vld [tilespmem:$0x3C0];
	v19 =	vadd.s32 s24, v10;
	[tilespmem:$0xD60] =	vst v17  }
0x1c7: {  	v22 =	vld [tilespmem:$0x3D0];
	v21 =	vadd.s32 s24, v12;
	[tilespmem:$0xD70] =	vst v19  }
0x1c8: {  	v24 =	vld [tilespmem:$0x220];
	v23 =	vadd.s32 s24, v14;
	[tilespmem:$0xD80] =	vst v21  }
0x1c9: {  	v26 =	vld [tilespmem:$0x230];
	v25 =	vadd.s32 s24, v16;
	[tilespmem:$0xD90] =	vst v23  }
0x1ca: {  	v28 =	vld [tilespmem:$0x240];
	v27 =	vadd.s32 s24, v18;
	[tilespmem:$0xDA0] =	vst v25  }
0x1cb: {  	v30 =	vld [tilespmem:$0x250];
	v29 =	vadd.s32 s24, v20;
	[tilespmem:$0xDB0] =	vst v27  }
0x1cc: {  	v32 =	vld [tilespmem:$0x260];
	v31 =	vadd.s32 s24, v22;
	[tilespmem:$0xDC0] =	vst v29  }
0x1cd: {  	v34 =	vld [tilespmem:$0x270];
	v33 =	vadd.s32 s24, v24;
	[tilespmem:$0xDD0] =	vst v31  }
0x1ce: {  	v36 =	vld [tilespmem:$0x280];
	v35 =	vadd.s32 s24, v26;
	[tilespmem:$0xC20] =	vst v33  }
0x1cf: {  	v38 =	vld [tilespmem:$0x290];
	v37 =	vadd.s32 s24, v28;
	[tilespmem:$0xC30] =	vst v35  }
0x1d0: {  	v40 =	vld [tilespmem:$0x2A0];
	v39 =	vadd.s32 s24, v30;
	[tilespmem:$0xC40] =	vst v37  }
0x1d1: {  	v42 =	vld [tilespmem:$0x2B0];
	v41 =	vadd.s32 s24, v32;
	[tilespmem:$0xC50] =	vst v39  }
0x1d2: {  	v44 =	vld [tilespmem:$0x2C0];
	v43 =	vadd.s32 s24, v34;
	[tilespmem:$0xC60] =	vst v41  }
0x1d3: {  	v46 =	vld [tilespmem:$0x2D0];
	v45 =	vadd.s32 s24, v36;
	[tilespmem:$0xC70] =	vst v43  }
0x1d4: {  	v48 =	vld [tilespmem:$0x2E0];
	v47 =	vadd.s32 s24, v38;
	[tilespmem:$0xC80] =	vst v45  }
0x1d5: {  	v50 =	vld [tilespmem:$0x2F0];
	v49 =	vadd.s32 s24, v40;
	[tilespmem:$0xC90] =	vst v47  }
0x1d6: {  	v52 =	vld [tilespmem:$0x300];
	v51 =	vadd.s32 s24, v42;
	[tilespmem:$0xCA0] =	vst v49  }
0x1d7: {  	v54 =	vld [tilespmem:$0x310];
	v53 =	vadd.s32 s24, v44;
	[tilespmem:$0xCB0] =	vst v51  }
0x1d8: {  	v56 =	vld [tilespmem:$0x320];
	v55 =	vadd.s32 s24, v46;
	[tilespmem:$0xCC0] =	vst v53  }
0x1d9: {  	v58 =	vld [tilespmem:$0x330];
	v57 =	vadd.s32 s24, v48;
	[tilespmem:$0xCD0] =	vst v55  }
0x1da: {  	v60 =	vld [tilespmem:$0x340];
	v59 =	vadd.s32 s24, v50;
	[tilespmem:$0xCE0] =	vst v57  }
0x1db: {  	v62 =	vld [tilespmem:$0x350];
	v61 =	vadd.s32 s24, v52;
	[tilespmem:$0xCF0] =	vst v59  }
0x1dc: {  	v63 =	vadd.s32 s24, v54;
	v24 =	vld [tilespmem:$0x3E0];
	[tilespmem:$0xD00] =	vst v61  }
0x1dd: {  	v9 =	vadd.s32 s24, v56;
	v26 =	vld [tilespmem:$0x3F0];
	[tilespmem:$0xD10] =	vst v63  }
0x1de: {  	v11 =	vadd.s32 s24, v58;
	v28 =	vld [tilespmem:$0x400];
	[tilespmem:$0xD20] =	vst v9  }
0x1df: {  	v13 =	vadd.s32 s24, v60;
	v30 =	vld [tilespmem:$0x410];
	[tilespmem:$0xD30] =	vst v11  }
0x1e0: {  	v15 =	vadd.s32 s24, v62;
	v32 =	vld [tilespmem:$0x420];
	[tilespmem:$0xD40] =	vst v13  }
0x1e1: {  	v34 =	vld [tilespmem:$0x430];
	[tilespmem:$0xD50] =	vst v15;
	v33 =	vadd.s32 s24, v24  }
0x1e2: {  	v36 =	vld [tilespmem:$0x440];
	v35 =	vadd.s32 s24, v26;
	[tilespmem:$0xDE0] =	vst v33  }
0x1e3: {  	v38 =	vld [tilespmem:$0x450];
	v37 =	vadd.s32 s24, v28;
	[tilespmem:$0xDF0] =	vst v35  }
0x1e4: {  	v40 =	vld [tilespmem:$0x460];
	v39 =	vadd.s32 s24, v30;
	[tilespmem:$0xE00] =	vst v37  }
0x1e5: {  	v42 =	vld [tilespmem:$0x470];
	v41 =	vadd.s32 s24, v32;
	[tilespmem:$0xE10] =	vst v39  }
0x1e6: {  	v44 =	vld [tilespmem:$0x480];
	v43 =	vadd.s32 s24, v34;
	[tilespmem:$0xE20] =	vst v41  }
0x1e7: {  	v46 =	vld [tilespmem:$0x490];
	v45 =	vadd.s32 s24, v36;
	[tilespmem:$0xE30] =	vst v43  }
0x1e8: {  	v48 =	vld [tilespmem:$0x4A0];
	v47 =	vadd.s32 s24, v38;
	[tilespmem:$0xE40] =	vst v45  }
0x1e9: {  	v50 =	vld [tilespmem:$0x4B0];
	v49 =	vadd.s32 s24, v40;
	[tilespmem:$0xE50] =	vst v47  }
0x1ea: {  	v52 =	vld [tilespmem:$0x4C0];
	v51 =	vadd.s32 s24, v42;
	[tilespmem:$0xE60] =	vst v49  }
0x1eb: {  	v54 =	vld [tilespmem:$0x4D0];
	v53 =	vadd.s32 s24, v44;
	[tilespmem:$0xE70] =	vst v51  }
0x1ec: {  	v56 =	vld [tilespmem:$0x4E0];
	v55 =	vadd.s32 s24, v46;
	[tilespmem:$0xE80] =	vst v53  }
0x1ed: {  	v58 =	vld [tilespmem:$0x4F0];
	v57 =	vadd.s32 s24, v48;
	[tilespmem:$0xE90] =	vst v55  }
0x1ee: {  	v59 =	vadd.s32 s24, v50;
	[tilespmem:$0xEA0] =	vst v57  }
0x1ef: {  	v60 =	vadd.s32 s24, v52;
	[tilespmem:$0xEB0] =	vst v59  }
0x1f0: {  	v61 =	vadd.s32 s24, v54;
	[tilespmem:$0xEC0] =	vst v60  }
0x1f1: {  	v62 =	vadd.s32 s24, v56;
	[tilespmem:$0xED0] =	vst v61  }
0x1f2: {  	v63 =	vadd.s32 s24, v58;
	[tilespmem:$0xEE0] =	vst v62  }
0x1f3: {  	[tilespmem:$0xEF0] =	vst v63  }
0x1f4: {  	[tilespmem:s14], [sflag:$0x1] =	stream.indirect.gather [hbm4b:s6+s12], $0x20, s13, s12, $0xb8;
	[tilespmem:$0x16400] =	vst v63  }
.LBB2_6:
0x1f5: {  	_ =	swait.ge [sflag:s19], $0xA000  }
0x1f6: {  	[sflag:s19] =	ssyncset.done $0x0  }
0x1f7: {  	s24 =	simm.s32 $0x0;
	s25 =	simm.s32 $0xB900;
	[sflag:s19] =	ssyncadd.s32 $0xFFFF6000  }
.LBB2_7:
0x1f8: {  	v0 =	vld [tilespmem:s25+$0xFFFFFB00]  }
0x1f9: {  	v1 =	vld [tilespmem:s25+$0xFFFFFB10]  }
0x1fa: {  	v2 =	vld [tilespmem:s25+$0xFFFFFD80]  }
0x1fb: {  	v3 =	vld [tilespmem:s25+$0xFFFFFD90]  }
0x1fc: {  	v4 =	vld [tilespmem:s25+$0x0]  }
0x1fd: {  	v5 =	vld [tilespmem:s25+$0x10]  }
0x1fe: {  	v6 =	vld [tilespmem:s25+$0x280]  }
0x1ff: {  	v7 =	vld [tilespmem:s25+$0x290]  }
0x200: {  	v8 =	vld [tilespmem:s25+$0xFFFFFB20]  }
0x201: {  	v9 =	vld [tilespmem:s25+$0xFFFFFB30]  }
0x202: {  	v10 =	vld [tilespmem:s25+$0xFFFFFDA0]  }
0x203: {  	v11 =	vld [tilespmem:s25+$0xFFFFFDB0]  }
0x204: {  	v12 =	vld [tilespmem:s25+$0x20]  }
0x205: {  	v13 =	vld [tilespmem:s25+$0x30]  }
0x206: {  	v14 =	vld [tilespmem:s25+$0x2A0]  }
0x207: {  	v15 =	vld [tilespmem:s25+$0x2B0]  }
0x208: {  	v16 =	vld [tilespmem:s25+$0xFFFFFB40]  }
0x209: {  	v17 =	vld [tilespmem:s25+$0xFFFFFB50]  }
0x20a: {  	v18 =	vld [tilespmem:s25+$0xFFFFFDC0]  }
0x20b: {  	v19 =	vld [tilespmem:s25+$0xFFFFFDD0]  }
0x20c: {  	v20 =	vld [tilespmem:s25+$0x40]  }
0x20d: {  	v21 =	vld [tilespmem:s25+$0x50]  }
0x20e: {  	v22 =	vld [tilespmem:s25+$0x2C0]  }
0x20f: {  	v23 =	vld [tilespmem:s25+$0x2D0]  }
0x210: {  	v24 =	vld [tilespmem:s25+$0xFFFFFB60]  }
0x211: {  	v25 =	vld [tilespmem:s25+$0xFFFFFB70]  }
0x212: {  	v26 =	vld [tilespmem:s25+$0xFFFFFDE0]  }
0x213: {  	v27 =	vld [tilespmem:s25+$0xFFFFFDF0]  }
0x214: {  	v28 =	vld [tilespmem:s25+$0x60]  }
0x215: {  	v29 =	vld [tilespmem:s25+$0x70]  }
0x216: {  	v30 =	vld [tilespmem:s25+$0x2E0]  }
0x217: {  	v31 =	vld [tilespmem:s25+$0x2F0]  }
0x218: {  	v32 =	vld [tilespmem:s25+$0xFFFFFB80]  }
0x219: {  	v62 =	vld [tilespmem:s25+$0x360]  }
0x21a: {  	v33 =	vld [tilespmem:s25+$0xFFFFFB90]  }
0x21b: {  	v34 =	vld [tilespmem:s25+$0xFFFFFE00]  }
0x21c: {  	v35 =	vld [tilespmem:s25+$0xFFFFFE10]  }
0x21d: {  	v36 =	vld [tilespmem:s25+$0x80]  }
0x21e: {  	[tilespmem:$0x1FCB0] =	vst v62;
	v62 =	vld [tilespmem:s25+$0xFFFFFC00]  }
0x21f: {  	v37 =	vld [tilespmem:s25+$0x90]  }
0x220: {  	v38 =	vld [tilespmem:s25+$0x300]  }
0x221: {  	v39 =	vld [tilespmem:s25+$0x310]  }
0x222: {  	v40 =	vld [tilespmem:s25+$0xFFFFFBA0]  }
0x223: {  	[tilespmem:$0x1FCC0] =	vst v62;
	v62 =	vld [tilespmem:s25+$0xFFFFFC10]  }
0x224: {  	v41 =	vld [tilespmem:s25+$0xFFFFFBB0]  }
0x225: {  	v42 =	vld [tilespmem:s25+$0xFFFFFE20]  }
0x226: {  	v43 =	vld [tilespmem:s25+$0xFFFFFE30]  }
0x227: {  	v44 =	vld [tilespmem:s25+$0xA0]  }
0x228: {  	[tilespmem:$0x1FCD0] =	vst v62;
	v62 =	vld [tilespmem:s25+$0xFFFFFE80]  }
0x229: {  	v45 =	vld [tilespmem:s25+$0xB0]  }
0x22a: {  	v46 =	vld [tilespmem:s25+$0x320]  }
0x22b: {  	v47 =	vld [tilespmem:s25+$0x330]  }
0x22c: {  	v48 =	vld [tilespmem:s25+$0xFFFFFBC0]  }
0x22d: {  	[tilespmem:$0x1FCE0] =	vst v62;
	v62 =	vld [tilespmem:s25+$0xFFFFFE90]  }
0x22e: {  	v49 =	vld [tilespmem:s25+$0xFFFFFBD0]  }
0x22f: {  	v50 =	vld [tilespmem:s25+$0xFFFFFE40]  }
0x230: {  	v51 =	vld [tilespmem:s25+$0xFFFFFE50]  }
0x231: {  	v52 =	vld [tilespmem:s25+$0xC0]  }
0x232: {  	[tilespmem:$0x1FCF0] =	vst v62;
	v62 =	vld [tilespmem:s25+$0x100]  }
0x233: {  	v53 =	vld [tilespmem:s25+$0xD0]  }
0x234: {  	v54 =	vld [tilespmem:s25+$0x340]  }
0x235: {  	v55 =	vld [tilespmem:s25+$0x350]  }
0x236: {  	v56 =	vld [tilespmem:s25+$0xFFFFFBE0]  }
0x237: {  	[tilespmem:$0x1FD00] =	vst v62;
	v62 =	vld [tilespmem:s25+$0x110]  }
0x238: {  	v57 =	vld [tilespmem:s25+$0xFFFFFBF0]  }
0x239: {  	v58 =	vld [tilespmem:s25+$0xFFFFFE60]  }
0x23a: {  	v59 =	vld [tilespmem:s25+$0xFFFFFE70]  }
0x23b: {  	v60 =	vld [tilespmem:s25+$0xE0]  }
0x23c: {  	[tilespmem:$0x1FD10] =	vst v62;
	v62 =	vld [tilespmem:s25+$0x380]  }
0x23d: {  	v61 =	vld [tilespmem:s25+$0xF0]  }
0x23e: {  	v63 =	vld [tilespmem:s25+$0x370]  }
0x23f: {  	v0 =	vadd.f32 v8, v0;
	v8 =	vld [tilespmem:s25+$0xFFFFFC70]  }
0x240: {  	v1 =	vadd.f32 v9, v1;
	v9 =	vld [tilespmem:s25+$0xFFFFFEE0]  }
0x241: {  	[tilespmem:$0x1FD20] =	vst v62;
	v62 =	vld [tilespmem:s25+$0x390]  }
0x242: {  	v2 =	vadd.f32 v10, v2;
	v10 =	vld [tilespmem:s25+$0xFFFFFEF0]  }
0x243: {  	v3 =	vadd.f32 v11, v3;
	v11 =	vld [tilespmem:s25+$0x160]  }
0x244: {  	v4 =	vadd.f32 v12, v4;
	v12 =	vld [tilespmem:s25+$0x170]  }
0x245: {  	v5 =	vadd.f32 v13, v5;
	v13 =	vld [tilespmem:s25+$0x3E0]  }
0x246: {  	[tilespmem:$0x1FD30] =	vst v62;
	v62 =	vld [tilespmem:s25+$0xFFFFFC20]  }
0x247: {  	v6 =	vadd.f32 v14, v6;
	v14 =	vld [tilespmem:s25+$0x3F0]  }
0x248: {  	v7 =	vadd.f32 v15, v7;
	v15 =	vld [tilespmem:s25+$0xFFFFFC80]  }
0x249: {  	v0 =	vadd.f32 v16, v0;
	v16 =	vld [tilespmem:s25+$0xFFFFFC90]  }
0x24a: {  	v1 =	vadd.f32 v17, v1;
	v17 =	vld [tilespmem:s25+$0xFFFFFF00]  }
0x24b: {  	[tilespmem:$0x1FD40] =	vst v62;
	v62 =	vld [tilespmem:s25+$0xFFFFFC30]  }
0x24c: {  	v2 =	vadd.f32 v18, v2;
	v18 =	vld [tilespmem:s25+$0xFFFFFF10]  }
0x24d: {  	v3 =	vadd.f32 v19, v3;
	v19 =	vld [tilespmem:s25+$0x180]  }
0x24e: {  	v4 =	vadd.f32 v20, v4;
	v20 =	vld [tilespmem:s25+$0x190]  }
0x24f: {  	v5 =	vadd.f32 v21, v5;
	v21 =	vld [tilespmem:s25+$0x400]  }
0x250: {  	[tilespmem:$0x1FD50] =	vst v62;
	v62 =	vld [tilespmem:s25+$0xFFFFFEA0]  }
0x251: {  	v6 =	vadd.f32 v22, v6;
	v22 =	vld [tilespmem:s25+$0x410]  }
0x252: {  	v7 =	vadd.f32 v23, v7;
	v23 =	vld [tilespmem:s25+$0xFFFFFCA0]  }
0x253: {  	v0 =	vadd.f32 v24, v0;
	v24 =	vld [tilespmem:s25+$0xFFFFFCB0]  }
0x254: {  	v1 =	vadd.f32 v25, v1;
	v25 =	vld [tilespmem:s25+$0xFFFFFF20]  }
0x255: {  	[tilespmem:$0x1FD60] =	vst v62;
	v62 =	vld [tilespmem:s25+$0xFFFFFEB0]  }
0x256: {  	v2 =	vadd.f32 v26, v2;
	v26 =	vld [tilespmem:s25+$0xFFFFFF30]  }
0x257: {  	v3 =	vadd.f32 v27, v3;
	v27 =	vld [tilespmem:s25+$0x1A0]  }
0x258: {  	v4 =	vadd.f32 v28, v4;
	v28 =	vld [tilespmem:s25+$0x1B0]  }
0x259: {  	v5 =	vadd.f32 v29, v5;
	v29 =	vld [tilespmem:s25+$0x420]  }
0x25a: {  	[tilespmem:$0x1FD70] =	vst v62;
	v62 =	vld [tilespmem:s25+$0x120]  }
0x25b: {  	v6 =	vadd.f32 v30, v6;
	v30 =	vld [tilespmem:s25+$0x430]  }
0x25c: {  	v7 =	vadd.f32 v31, v7;
	v31 =	vld [tilespmem:s25+$0xFFFFFCC0]  }
0x25d: {  	v0 =	vadd.f32 v32, v0;
	v32 =	vld [tilespmem:s25+$0xFFFFFCD0]  }
0x25e: {  	v1 =	vadd.f32 v33, v1;
	v33 =	vld [tilespmem:s25+$0xFFFFFF40]  }
0x25f: {  	[tilespmem:$0x1FD80] =	vst v62;
	v62 =	vld [tilespmem:s25+$0x130]  }
0x260: {  	v2 =	vadd.f32 v34, v2;
	v34 =	vld [tilespmem:s25+$0xFFFFFF50]  }
0x261: {  	v3 =	vadd.f32 v35, v3;
	v35 =	vld [tilespmem:s25+$0x1C0]  }
0x262: {  	v4 =	vadd.f32 v36, v4;
	v36 =	vld [tilespmem:s25+$0x1D0]  }
0x263: {  	v5 =	vadd.f32 v37, v5;
	v37 =	vld [tilespmem:s25+$0x440]  }
0x264: {  	[tilespmem:$0x1FD90] =	vst v62;
	v62 =	vld [tilespmem:s25+$0x3A0]  }
0x265: {  	v6 =	vadd.f32 v38, v6;
	v38 =	vld [tilespmem:s25+$0x450]  }
0x266: {  	v7 =	vadd.f32 v39, v7;
	v39 =	vld [tilespmem:s25+$0xFFFFFCE0]  }
0x267: {  	v3 =	vadd.f32 v43, v3;
	v43 =	vld [tilespmem:$0x1FCB0]  }
0x268: {  	v4 =	vadd.f32 v44, v4;
	v44 =	vld [tilespmem:$0x1FCC0]  }
0x269: {  	[tilespmem:$0x1FDA0] =	vst v62;
	v62 =	vld [tilespmem:s25+$0x3B0]  }
0x26a: {  	v0 =	vadd.f32 v40, v0;
	v40 =	vld [tilespmem:s25+$0xFFFFFCF0]  }
0x26b: {  	v1 =	vadd.f32 v41, v1;
	v6 =	vadd.f32 v46, v6;
	v41 =	vld [tilespmem:s25+$0xFFFFFF60]  }
0x26c: {  	v2 =	vadd.f32 v42, v2;
	v5 =	vadd.f32 v45, v5;
	v42 =	vld [tilespmem:s25+$0xFFFFFF70]  }
0x26d: {  	v0 =	vadd.f32 v48, v0;
	v6 =	vadd.f32 v54, v6;
	v45 =	vld [tilespmem:$0x1FCD0]  }
0x26e: {  	[tilespmem:$0x1FDB0] =	vst v62;
	v62 =	vld [tilespmem:s25+$0xFFFFFC40]  }
0x26f: {  	v0 =	vadd.f32 v56, v0;
	v6 =	vadd.f32 v43, v6;
	v43 =	vld [tilespmem:s25+$0x1E0]  }
0x270: {  	v1 =	vadd.f32 v49, v1;
	v46 =	vld [tilespmem:$0x1FCE0]  }
0x271: {  	v2 =	vadd.f32 v50, v2;
	v0 =	vadd.f32 v44, v0;
	v44 =	vld [tilespmem:s25+$0x1F0]  }
0x272: {  	v7 =	vadd.f32 v47, v7;
	v1 =	vadd.f32 v57, v1;
	v47 =	vld [tilespmem:$0x1FCF0]  }
0x273: {  	v3 =	vadd.f32 v51, v3;
	v2 =	vadd.f32 v58, v2;
	[tilespmem:$0x1FDC0] =	vst v62;
	v62 =	vld [tilespmem:s25+$0xFFFFFC50]  }
0x274: {  	v1 =	vadd.f32 v45, v1;
	v45 =	vld [tilespmem:s25+$0x460]  }
0x275: {  	v3 =	vadd.f32 v59, v3;
	v2 =	vadd.f32 v46, v2;
	v46 =	vld [tilespmem:s25+$0x470]  }
0x276: {  	v48 =	vld [tilespmem:$0x1FD00]  }
0x277: {  	v3 =	vadd.f32 v47, v3;
	v47 =	vld [tilespmem:s25+$0xFFFFFD00]  }
0x278: {  	[tilespmem:$0x1FDD0] =	vst v62;
	v62 =	vld [tilespmem:s25+$0xFFFFFEC0]  }
0x279: {  	v49 =	vld [tilespmem:$0x1FD10]  }
0x27a: {  	v50 =	vld [tilespmem:$0x1FD20]  }
0x27b: {  	v5 =	vadd.f32 v53, v5;
	v53 =	vld [tilespmem:$0x1FD50]  }
0x27c: {  	v51 =	vld [tilespmem:$0x1FD30]  }
0x27d: {  	[tilespmem:$0x1FDE0] =	vst v62;
	v62 =	vld [tilespmem:s25+$0xFFFFFED0]  }
0x27e: {  	v4 =	vadd.f32 v52, v4;
	v52 =	vld [tilespmem:$0x1FD40]  }
0x27f: {  	v54 =	vld [tilespmem:$0x1FD60]  }
0x280: {  	v1 =	vadd.f32 v53, v1;
	v53 =	vld [tilespmem:s25+$0xFFFFFD10]  }
0x281: {  	v7 =	vadd.f32 v55, v7;
	v55 =	vld [tilespmem:$0x1FD70]  }
0x282: {  	[tilespmem:$0x1FDF0] =	vst v62;
	v62 =	vld [tilespmem:s25+$0x140]  }
0x283: {  	v5 =	vadd.f32 v61, v5;
	v61 =	vld [tilespmem:$0x1FDD0]  }
0x284: {  	v2 =	vadd.f32 v54, v2;
	v54 =	vld [tilespmem:s25+$0xFFFFFF80]  }
0x285: {  	v56 =	vld [tilespmem:$0x1FD80]  }
0x286: {  	v57 =	vld [tilespmem:$0x1FD90]  }
0x287: {  	v4 =	vadd.f32 v60, v4;
	[tilespmem:$0x1FE00] =	vst v62;
	v62 =	vld [tilespmem:s25+$0x150]  }
0x288: {  	v58 =	vld [tilespmem:$0x1FDA0];
	v1 =	vadd.f32 v61, v1  }
0x289: {  	v7 =	vadd.f32 v63, v7;
	v4 =	vadd.f32 v48, v4;
	v63 =	vld [tilespmem:$0x1FDF0]  }
0x28a: {  	v5 =	vadd.f32 v49, v5;
	v59 =	vld [tilespmem:$0x1FDB0];
	v1 =	vadd.f32 v8, v1  }
0x28b: {  	v6 =	vadd.f32 v50, v6;
	v7 =	vadd.f32 v51, v7;
	v48 =	vld [tilespmem:$0x1FE00]  }
0x28c: {  	v3 =	vadd.f32 v55, v3;
	v1 =	vadd.f32 v16, v1;
	[tilespmem:$0x1FE10] =	vst v62;
	v62 =	vld [tilespmem:s25+$0x3C0]  }
0x28d: {  	v0 =	vadd.f32 v52, v0;
	v55 =	vld [tilespmem:s25+$0xFFFFFF90];
	v4 =	vadd.f32 v56, v4  }
0x28e: {  	v60 =	vld [tilespmem:$0x1FDC0];
	v1 =	vadd.f32 v24, v1;
	v3 =	vadd.f32 v63, v3  }
0x28f: {  	v5 =	vadd.f32 v57, v5;
	v6 =	vadd.f32 v58, v6;
	v61 =	vld [tilespmem:s25+$0xFFFFFD30]  }
0x290: {  	v1 =	vadd.f32 v32, v1;
	v3 =	vadd.f32 v10, v3;
	v49 =	vld [tilespmem:$0x1FE10]  }
0x291: {  	v7 =	vadd.f32 v59, v7;
	v4 =	vadd.f32 v48, v4;
	[tilespmem:$0x1FE20] =	vst v62;
	v62 =	vld [tilespmem:s25+$0x3D0]  }
0x292: {  	v56 =	vld [tilespmem:s25+$0x200];
	v1 =	vadd.f32 v40, v1;
	v3 =	vadd.f32 v18, v3  }
0x293: {  	v0 =	vadd.f32 v60, v0;
	v40 =	vld [tilespmem:s25+$0xFFFFFD50];
	v4 =	vadd.f32 v11, v4  }
0x294: {  	v57 =	vld [tilespmem:s25+$0x210];
	v1 =	vadd.f32 v53, v1;
	v3 =	vadd.f32 v26, v3  }
0x295: {  	v4 =	vadd.f32 v19, v4;
	v5 =	vadd.f32 v49, v5;
	v50 =	vld [tilespmem:$0x1FE20]  }
0x296: {  	v1 =	vadd.f32 v61, v1;
	v3 =	vadd.f32 v34, v3;
	[tilespmem:$0x1FE30] =	vst v62;
	v62 =	vld [tilespmem:s25+$0xFFFFFC60]  }
0x297: {  	v63 =	vld [tilespmem:s25+$0xFFFFFFB0];
	v4 =	vadd.f32 v27, v4;
	v5 =	vadd.f32 v12, v5  }
0x298: {  	v58 =	vld [tilespmem:s25+$0x480];
	v1 =	vadd.f32 v40, v1;
	v3 =	vadd.f32 v42, v3  }
0x299: {  	v4 =	vadd.f32 v35, v4;
	v5 =	vadd.f32 v20, v5;
	v51 =	vld [tilespmem:$0x1FE30]  }
0x29a: {  	v48 =	vld [tilespmem:s25+$0xFFFFFFD0];
	v3 =	vadd.f32 v55, v3;
	v6 =	vadd.f32 v50, v6  }
0x29b: {  	v4 =	vadd.f32 v43, v4;
	v5 =	vadd.f32 v28, v5;
	[tilespmem:$0x1FE40] =	vst v62;
	v62 =	vld [tilespmem:$0x1FDE0]  }
0x29c: {  	v3 =	vadd.f32 v63, v3;
	v6 =	vadd.f32 v13, v6;
	v52 =	vld [tilespmem:$0x1FE40]  }
0x29d: {  	v4 =	vadd.f32 v56, v4;
	v56 =	vld [tilespmem:s25+$0xFFFFFFF0];
	v5 =	vadd.f32 v36, v5  }
0x29e: {  	v59 =	vld [tilespmem:s25+$0x490];
	v6 =	vadd.f32 v21, v6;
	v7 =	vadd.f32 v51, v7  }
0x29f: {  	v60 =	vld [tilespmem:s25+$0xFFFFFD20];
	v3 =	vadd.f32 v48, v3;
	v5 =	vadd.f32 v44, v5  }
0x2a0: {  	v32 =	vld [tilespmem:s25+$0x230];
	v6 =	vadd.f32 v29, v6;
	v7 =	vadd.f32 v14, v7  }
0x2a1: {  	v53 =	vld [tilespmem:s25+$0xFFFFFD60];
	v2 =	vadd.f32 v62, v2;
	v0 =	vadd.f32 v52, v0  }
0x2a2: {  	v34 =	vld [tilespmem:s25+$0x4A0];
	v5 =	vadd.f32 v57, v5;
	v3 =	vadd.f32 v56, v3  }
0x2a3: {  	v50 =	vld [tilespmem:s25+$0x250];
	v2 =	vadd.f32 v9, v2;
	v0 =	vadd.f32 v15, v0  }
0x2a4: {  	v42 =	vld [tilespmem:s25+$0xFFFFFFC0];
	v6 =	vadd.f32 v37, v6;
	v7 =	vadd.f32 v22, v7  }
0x2a5: {  	v49 =	vld [tilespmem:s25+$0x240];
	v2 =	vadd.f32 v17, v2;
	v0 =	vadd.f32 v23, v0  }
0x2a6: {  	v55 =	vld [tilespmem:s25+$0xFFFFFFE0];
	v5 =	vadd.f32 v32, v5;
	v7 =	vadd.f32 v30, v7  }
0x2a7: {  	v30 =	vld [tilespmem:s25+$0x220];
	v2 =	vadd.f32 v25, v2;
	v0 =	vadd.f32 v31, v0  }
0x2a8: {  	v36 =	vld [tilespmem:s25+$0x4B0];
	v6 =	vadd.f32 v45, v6;
	v61 =	vadd.f32 v50, v5  }
0x2a9: {  	v62 =	vld [tilespmem:s25+$0xFFFFFFA0];
	v2 =	vadd.f32 v33, v2;
	v0 =	vadd.f32 v39, v0  }
0x2aa: {  	v6 =	vadd.f32 v58, v6;
	v7 =	vadd.f32 v38, v7;
	v38 =	vld [tilespmem:s25+$0xFFFFFD40]  }
0x2ab: {  	v57 =	vld [tilespmem:s25+$0x260];
	v2 =	vadd.f32 v41, v2;
	v0 =	vadd.f32 v47, v0  }
0x2ac: {  	v51 =	vld [tilespmem:s25+$0x4C0];
	v6 =	vadd.f32 v34, v6;
	v4 =	vadd.f32 v30, v4  }
0x2ad: {  	v2 =	vadd.f32 v54, v2;
	v54 =	vld [tilespmem:s25+$0xFFFFFD70];
	v0 =	vadd.f32 v60, v0  }
0x2ae: {  	v52 =	vld [tilespmem:s25+$0x4D0];
	v7 =	vadd.f32 v46, v7;
	v4 =	vadd.f32 v49, v4  }
0x2af: {  	v58 =	vld [tilespmem:s25+$0x270];
	v2 =	vadd.f32 v62, v2;
	v0 =	vadd.f32 v38, v0  }
0x2b0: {  	s26 =	sshra.s32 s24, $0x2;
	v7 =	vadd.f32 v59, v7;
	v59 =	vld [tilespmem:s25+$0x4E0];
	v4 =	vadd.f32 v57, v4  }
0x2b1: {  	v60 =	vld [tilespmem:s25+$0x4F0];
	[tilespmem:s26+$0x15C30] =	vst v3;
	v2 =	vadd.f32 v42, v2;
	v0 =	vadd.f32 v53, v0  }
0x2b2: {  	v7 =	vadd.f32 v36, v7;
	[tilespmem:s26+$0x15C40] =	vst v4;
	v1 =	vadd.f32 v54, v1  }
0x2b3: {  	p0 =	sne.s32 s24, $0x1E00;
	v62 =	vadd.f32 v51, v6;
	v2 =	vadd.f32 v55, v2;
	[tilespmem:s26+$0x15C00] =	vst v0  }
.Ltmp2:
0x2b4: {  	v63 =	vadd.f32 v52, v7;
	[tilespmem:s26+$0x15C10] =	vst v1;
	v0 =	vadd.f32 v58, v61;
	(pc) =	sbr.rel @p0 .LBB2_7-.Ltmp2, $4  }
0x2b5: {  	v1 =	vadd.f32 v59, v62;
	[tilespmem:s26+$0x15C20] =	vst v2  }
0x2b6: {  	v2 =	vadd.f32 v60, v63;
	[tilespmem:s26+$0x15C50] =	vst v0  }
0x2b7: {  	[tilespmem:s26+$0x15C60] =	vst v1  }
0x2b8: {  	s24 =	sadd.s32 $0x200, s24;
	s25 =	sadd.s32 $0xA00, s25;
	[tilespmem:s26+$0x15C70] =	vst v2  }
0x2b9: {  	s23 =	sshll.u32 s23, $0x2;
	s22 =	sadd.s32 $0x1, s22  }
0x2ba: {  	s23 =	sand.u32 $0x1FFFFF00, s23;
	p0 =	sne.s32 s22, $0x1A  }
.Ltmp3:
0x2bb: {  	s23 =	sadd.s32 s3, s23;
	(pc) =	sbr.rel @p0 .LBB2_2-.Ltmp3, $4  }
0x2bc: {  	[hbm4b:s23+s4] =	stream.linear.scatter [tilespmem:s20], [sflag:$0x3], $0x800, $0x38;
	[tilespmem:$0x16400] =	vst v63  }
0x2bd: {  	_ =	swait.ge [sflag:s11], $0x800  }
0x2be: {  	[sflag:s11] =	ssyncset.done $0x0  }
0x2bf: {  	[sflag:s11] =	ssyncadd.s32 $0xFFFFF800  }
0x2c0: {  	s21 =	sadd.s32 $0x1, s21  }
0x2c1: {  	p0 =	sne.s32 s21, s10  }
.Ltmp4:
0x2c2: {  	_ = 	snop;
	(pc) =	sbr.rel @p0 .LBB2_1-.Ltmp4, $1  }
0x2c3: {  	_ =	sdelay $0x3  }
0x2c4: {  	_ =	sfence.sel $0x180000  }
0x2c5: {  	[bflag:$0x0] =	sbarrier.arrive $0xFFFF  }
0x2c6: {  	p0 =	sne.s32 s0, $0x0;
	_ =	strace $0x90000047  }
0x2c7: {  	s0 =	sadd.s32 @!p0 $0x100000, s1;
	[bflag:$0x2] =	sbarrier.arrive $0xFFFF  }
0x2c8: {  	[sflag:s0] =	ssyncadd.tile.s32 @!p0 $0x1;
	_ =	shalt  }
.Lfunc_end2:
_tile_overlayer_lowered:
.L_overlay_start_2:
0x2c9: {  	(tag) =	ssettag $0x2  }
0x2ca: {  	s0 =	rddreg [dreg:$0x0];
	s2 =	stileid.u32  }
0x2cb: {  	s1 =	rddreg [dreg:$0x1];
	p0 =	sne.s32 s2, $0x0  }
0x2cc: {  	s3 =	rddreg [dreg:$0x2];
	[bflag:$0x3] =	sbarrier.arrive $0xFFFF;
	s2 =	simm.s32 @!p0 $0x1C03  }
0x2cd: {  	[timem:s3], [sflag:s2] =	dma.local @!p0 [hbm:s0], s1  }
0x2ce: {  	s0 =	simm.s32 @!p0 $0x3  }
0x2cf: {  	_ =	swait.ge @!p0 [sflag:s0], s1  }
0x2d0: {  	s1 =	ssub.s32 @!p0 $0x0, s1;
	[sflag:s0] =	ssyncset.done @!p0 $0x0  }
0x2d1: {  	[sflag:s0] =	ssyncadd.s32 @!p0 s1  }
0x2d2: {  	[bflag:$0x3] =	sbarrier.arrive $0xFFFF  }
0x2d3: {  	_ =	shalt  }

</sc_bundles>
